<compile_context>
chip_gen: v7x
topology: tpu7x:2x2x1
jax: 0.10.2.dev20260603
libtpu: 0.0.44.dev20260713+nightly
codegen_flags: <defaults>
</compile_context>

<pallas_src>
import functools

import jax
import jax.numpy as jnp
from jax import lax
from jax.experimental import pallas as pl
from jax.experimental.pallas import tpu as pltpu
from jax.experimental.pallas import tpu_sc as plsc

N = 10000
E = 320000
VOCAB = 64
EMBED = 128
HIDDEN = 256
NCLS = 10
NGRAPH = 128

NC = 2
NS = 16
L = 16
CH = 128

NCHUNKS = E // CH
ROWS_PER_TILE = N // NS
K = 2
OHW = 128


def _zero_vmem_2d(buf, rows, width):
  zeros = jnp.zeros((L,), jnp.float32)

  def body(r, carry):
    for j in range(width // L):
      buf[r, pl.ds(j * L, L)] = zeros
    return carry

  lax.fori_loop(0, rows, body, 0)


def _zero_acc_slice(rowbuf, acc, row0):
  _zero_vmem_2d(rowbuf.at[0], CH, rowbuf.shape[2])
  nfull = ROWS_PER_TILE // CH
  for j in range(nfull):
    pltpu.sync_copy(rowbuf.at[0], acc.at[pl.ds(row0 + j * CH, CH)])
  rem = ROWS_PER_TILE - nfull * CH
  pltpu.sync_copy(rowbuf.at[0, pl.ds(0, rem)],
                  acc.at[pl.ds(row0 + nfull * CH, rem)])


def _load_batch(src_hbm, dst_hbm, idxb, isem, p, chunk0, src_off, g):
  for b in range(K):
    eb = (chunk0 + g * K + b) * CH
    pltpu.async_copy(src_hbm.at[pl.ds(src_off + eb, CH)], idxb.at[p * K + b],
                     isem)
    pltpu.async_copy(dst_hbm.at[pl.ds(eb, CH)], idxb.at[2 * K + p * K + b],
                     isem)


def _wait_batch_loads(src_hbm, dst_hbm, idxb, isem, p):
  for b in range(K):
    pltpu.make_async_copy(src_hbm.at[pl.ds(0, CH)], idxb.at[p * K + b],
                          isem).wait()
    pltpu.make_async_copy(dst_hbm.at[pl.ds(0, CH)],
                          idxb.at[2 * K + p * K + b], isem).wait()


def _gs_batch(table_hbm, idxb, rowbuf, acc, gsem, ssem, p):
  gds = [pltpu.async_copy(table_hbm.at[idxb.at[p * K + b]], rowbuf.at[b],
                          gsem)
         for b in range(K)]
  for d in gds:
    d.wait()
  sds = [pltpu.async_copy(rowbuf.at[b], acc.at[idxb.at[2 * K + p * K + b]],
                          ssem, add=True)
         for b in range(K)]
  for d in sds:
    d.wait()


def _tail_chunk(table_hbm, src_hbm, dst_hbm, idxb, rowbuf, acc,
                isem, gsem, ssem, ck, src_off):
  eb = ck * CH
  d1 = pltpu.async_copy(src_hbm.at[pl.ds(src_off + eb, CH)], idxb.at[0], isem)
  d2 = pltpu.async_copy(dst_hbm.at[pl.ds(eb, CH)], idxb.at[2 * K], isem)
  d1.wait()
  d2.wait()
  g = pltpu.async_copy(table_hbm.at[idxb.at[0]], rowbuf.at[0], gsem)
  g.wait()
  sd = pltpu.async_copy(rowbuf.at[0], acc.at[idxb.at[2 * K]], ssem, add=True)
  sd.wait()


def _sc_body(per_core_split, width, table_hbm, src_hbm, dst_hbm, out_hbm,
             idxb, rowbuf, acc, isemA, isemB, gsem, ssem):
  c = lax.axis_index("c")
  s = lax.axis_index("s")
  isems = (isemA, isemB)

  row0 = s * ROWS_PER_TILE
  _zero_acc_slice(rowbuf, acc, row0)

  plsc.subcore_barrier()

  if per_core_split:
    chunk0 = c * (NCHUNKS // NC) + s * 78 + jnp.minimum(s, 2)
    src_off = 0
    nbatches = 78 // K
    tail_cond = s < 2
    tail_ck = chunk0 + 78
  else:
    chunk0 = s * 156 + jnp.minimum(s, 4)
    src_off = c * E
    nbatches = 156 // K
    tail_cond = s < 4
    tail_ck = chunk0 + 156

  load = functools.partial(_load_batch, src_hbm, dst_hbm, idxb)
  wait_loads = functools.partial(_wait_batch_loads, src_hbm, dst_hbm, idxb)
  gs = functools.partial(_gs_batch, table_hbm, idxb, rowbuf, acc, gsem, ssem)

  load(isems[0], 0, chunk0, src_off, 0)

  def pair(q, carry):
    g0 = 2 * q
    load(isems[1], 1, chunk0, src_off, g0 + 1)
    wait_loads(isems[0], 0)
    gs(0)
    load(isems[0], 0, chunk0, src_off, g0 + 2)
    wait_loads(isems[1], 1)
    gs(1)
    return carry

  if nbatches % 2 == 0:
    lax.fori_loop(0, nbatches // 2 - 1, pair, 0)
    load(isems[1], 1, chunk0, src_off, nbatches - 1)
    wait_loads(isems[0], 0)
    gs(0)
    wait_loads(isems[1], 1)
    gs(1)
  else:
    lax.fori_loop(0, nbatches // 2, pair, 0)
    wait_loads(isems[0], 0)
    gs(0)

  @pl.when(tail_cond)
  def _tail():
    _tail_chunk(table_hbm, src_hbm, dst_hbm, idxb, rowbuf, acc,
                isemA, gsem, ssem, tail_ck, src_off)

  plsc.subcore_barrier()

  pltpu.sync_copy(acc.at[pl.ds(row0, ROWS_PER_TILE)], out_hbm.at[c * NS + s])


def _make_sc_pipe(width, per_core_split):
  mesh = plsc.VectorSubcoreMesh(core_axis_name="c", subcore_axis_name="s")
  body = functools.partial(_sc_body, per_core_split, width)
  return pl.kernel(
      body,
      out_type=jax.ShapeDtypeStruct((NC * NS, ROWS_PER_TILE, width),
                                    jnp.float32),
      mesh=mesh,
      compiler_params=pltpu.CompilerParams(needs_layout_passes=False),
      scratch_types=[
          pltpu.VMEM((4 * K, CH), jnp.int32),
          pltpu.VMEM((K, CH, width), jnp.float32),
          pltpu.VMEM_SHARED((N, width), jnp.float32),
          pltpu.SemaphoreType.DMA,
          pltpu.SemaphoreType.DMA,
          pltpu.SemaphoreType.DMA,
          pltpu.SemaphoreType.DMA,
      ],
  )


def _tc_oh_body(xi_ref, oh_ref):
  oh_ref[...] = (xi_ref[...] ==
                 lax.broadcasted_iota(jnp.int32, (ROWB_OH, OHW), 1)
                 ).astype(jnp.float32)


ROWB_OH = 2000


def _tc_onehot(xi2d):
  return pl.pallas_call(
      _tc_oh_body,
      grid=(N // ROWB_OH,),
      in_specs=[pl.BlockSpec((ROWB_OH, 1), lambda i: (i, 0))],
      out_specs=pl.BlockSpec((ROWB_OH, OHW), lambda i: (i, 0)),
      out_shape=jax.ShapeDtypeStruct((N, OHW), jnp.float32),
  )(xi2d)


ROWB = 400
NROWB = N // ROWB


def _dotT(a, b):
  return lax.dot_general(a, b, (((1,), (1,)), ((), ())),
                         preferred_element_type=jnp.float32)


def _tc1_body(c2_ref, xi_ref, emb_ref, wl1_ref, bl1_ref, wr1_ref,
              wl2_ref, wr2_ref, bl2_ref, m2_ref, r2_ref, deg_ref):
  cb = (c2_ref[0] + c2_ref[1])[:, :VOCAB]
  deg = jnp.sum(cb, axis=1, keepdims=True)
  degc = jnp.maximum(deg, 1.0)
  cn = cb / degc

  b1 = _dotT(emb_ref[...], wl1_ref[...])
  b1r = _dotT(emb_ref[...], wr1_ref[...])

  onehot = (xi_ref[...] ==
            lax.broadcasted_iota(jnp.int32, (ROWB, VOCAB), 1)
            ).astype(jnp.float32)

  h1 = jnp.maximum(
      jnp.dot(cn, b1, preferred_element_type=jnp.float32)
      + jnp.dot(onehot, b1r, preferred_element_type=jnp.float32)
      + bl1_ref[...], 0.0)

  m2 = _dotT(h1, wl2_ref[...])
  r2 = _dotT(h1, wr2_ref[...]) + bl2_ref[...]

  m2_ref[0] = m2[:, :EMBED]
  m2_ref[1] = m2[:, EMBED:]
  r2_ref[...] = r2
  deg_ref[...] = deg


def _tc_layer1(c2, xi2d, emb, wl1, bl1, wr1, wl2, wr2, bl2):
  full = lambda shape: pl.BlockSpec(shape, lambda i: (0,) * len(shape))
  return pl.pallas_call(
      _tc1_body,
      grid=(NROWB,),
      in_specs=[
          pl.BlockSpec((NC, ROWB, OHW), lambda i: (0, i, 0)),
          pl.BlockSpec((ROWB, 1), lambda i: (i, 0)),
          full((VOCAB, EMBED)),
          full((HIDDEN, EMBED)),
          full((1, HIDDEN)),
          full((HIDDEN, EMBED)),
          full((HIDDEN, HIDDEN)),
          full((HIDDEN, HIDDEN)),
          full((1, HIDDEN)),
      ],
      out_specs=[
          pl.BlockSpec((NC, ROWB, EMBED), lambda i: (0, i, 0)),
          pl.BlockSpec((ROWB, HIDDEN), lambda i: (i, 0)),
          pl.BlockSpec((ROWB, 1), lambda i: (i, 0)),
      ],
      out_shape=[
          jax.ShapeDtypeStruct((NC, N, EMBED), jnp.float32),
          jax.ShapeDtypeStruct((N, HIDDEN), jnp.float32),
          jax.ShapeDtypeStruct((N, 1), jnp.float32),
      ],
  )(c2, xi2d, emb, wl1, bl1, wr1, wl2, wr2, bl2)


def _tc2_body(s2_ref, r2_ref, deg_ref, batch_ref, wlin_ref, blin_ref,
              out_ref, acc, cnt):
  i = pl.program_id(0)

  @pl.when(i == 0)
  def _init():
    acc[...] = jnp.zeros_like(acc)
    cnt[...] = jnp.zeros_like(cnt)

  s2 = jnp.concatenate([s2_ref[0], s2_ref[1]], axis=1)
  degc = jnp.maximum(deg_ref[...], 1.0)
  h2 = jnp.maximum(s2 / degc + r2_ref[...], 0.0)

  onehot_t = (jnp.reshape(batch_ref[...], (1, ROWB)) ==
              lax.broadcasted_iota(jnp.int32, (NGRAPH, ROWB), 0)
              ).astype(jnp.float32)

  acc[...] += jnp.dot(onehot_t, h2, preferred_element_type=jnp.float32)
  cnt[...] += jnp.sum(onehot_t, axis=1, keepdims=True)

  @pl.when(i == NROWB - 1)
  def _finish():
    pooled = acc[...] / jnp.maximum(cnt[...], 1.0)
    out_ref[...] = _dotT(pooled, wlin_ref[...]) + blin_ref[...]


def _tc_layer2(s2, r2, deg, batch2d, wlin, blin):
  full = lambda shape: pl.BlockSpec(shape, lambda i: (0,) * len(shape))
  return pl.pallas_call(
      _tc2_body,
      grid=(NROWB,),
      in_specs=[
          pl.BlockSpec((NC, ROWB, EMBED), lambda i: (0, i, 0)),
          pl.BlockSpec((ROWB, HIDDEN), lambda i: (i, 0)),
          pl.BlockSpec((ROWB, 1), lambda i: (i, 0)),
          pl.BlockSpec((ROWB, 1), lambda i: (i, 0)),
          full((NCLS, HIDDEN)),
          full((1, NCLS)),
      ],
      out_specs=pl.BlockSpec((NGRAPH, NCLS), lambda i: (0, 0)),
      out_shape=jax.ShapeDtypeStruct((NGRAPH, NCLS), jnp.float32),
      scratch_shapes=[
          pltpu.VMEM((NGRAPH, HIDDEN), jnp.float32),
          pltpu.VMEM((NGRAPH, 1), jnp.float32),
      ],
  )(s2, r2, deg, batch2d, wlin, blin)


@jax.jit
def kernel(x, edge_index, batch, embed_table, Wl1, bl1, Wr1, Wl2, bl2, Wr2,
           Wlin, blin):
  src = edge_index[0]
  dst = edge_index[1]
  srcs = jnp.concatenate([src, src + N])

  c2 = _make_sc_pipe(OHW, True)(_tc_onehot(x), src, dst)

  m2, r2, deg = _tc_layer1(
      jnp.reshape(c2, (NC, N, OHW)),
      jnp.reshape(x, (N, 1)),
      embed_table, Wl1, jnp.reshape(bl1, (1, HIDDEN)), Wr1,
      Wl2, Wr2, jnp.reshape(bl2, (1, HIDDEN)))

  s2 = _make_sc_pipe(EMBED, False)(
      jnp.reshape(m2, (NC * N, EMBED)), srcs, dst)

  return _tc_layer2(
      jnp.reshape(s2, (NC, N, EMBED)), r2, deg,
      jnp.reshape(batch, (N, 1)), Wlin, jnp.reshape(blin, (1, NCLS)))

# --- scband reference (transcript-rebuilt; emitter-appended) ---
"""Pipeline reference for scband-gnnclassifier-88648124990471 (READ-ONLY COPY).

The authoritative reference and input builder live on the scoring server;
editing this copy changes nothing except your own understanding.
"""

import jax, jax.numpy as jnp
import numpy as np

N = 10000
E = 320000
VOCAB = 64
EMBED = 128
HIDDEN = 256
NCLS = 10
NGRAPH = 128


def setup_inputs(seed: int = 0) -> dict:
    key = jax.random.key(seed)
    ks = jax.random.split(key, 12)
    x = jax.random.randint(ks[0], (N, 1), 0, VOCAB, dtype=jnp.int32)
    edge_index = jax.random.randint(ks[1], (2, E), 0, N, dtype=jnp.int32)
    batch = jnp.sort(jax.random.randint(ks[2], (N,), 0, NGRAPH, dtype=jnp.int32))
    embed_table = jax.random.normal(ks[3], (VOCAB, EMBED), dtype=jnp.float32)
    Wl1 = jax.random.normal(ks[4], (HIDDEN, EMBED), dtype=jnp.float32) * (1.0 / np.sqrt(EMBED))
    bl1 = jnp.zeros((HIDDEN,), dtype=jnp.float32)
    Wr1 = jax.random.normal(ks[5], (HIDDEN, EMBED), dtype=jnp.float32) * (1.0 / np.sqrt(EMBED))
    Wl2 = jax.random.normal(ks[6], (HIDDEN, HIDDEN), dtype=jnp.float32) * (1.0 / np.sqrt(HIDDEN))
    bl2 = jnp.zeros((HIDDEN,), dtype=jnp.float32)
    Wr2 = jax.random.normal(ks[7], (HIDDEN, HIDDEN), dtype=jnp.float32) * (1.0 / np.sqrt(HIDDEN))
    Wlin = jax.random.normal(ks[8], (NCLS, HIDDEN), dtype=jnp.float32) * (1.0 / np.sqrt(HIDDEN))
    blin = jnp.zeros((NCLS,), dtype=jnp.float32)
    return {"x": x, "edge_index": edge_index, "batch": batch,
            "embed_table": embed_table,
            "Wl1": Wl1, "bl1": bl1, "Wr1": Wr1,
            "Wl2": Wl2, "bl2": bl2, "Wr2": Wr2,
            "Wlin": Wlin, "blin": blin}


def _sage_conv(h, edge_index, Wl, bl, Wr):
    # PyG SAGEConv with mean aggregation:
    # out = lin_l(mean_{j in N(i)} h_j) + lin_r(h_i)
    src = edge_index[0]
    dst = edge_index[1]
    msgs = h[src]
    agg_sum = jax.ops.segment_sum(msgs, dst, num_segments=N)
    deg = jax.ops.segment_sum(jnp.ones((E,), dtype=h.dtype), dst, num_segments=N)
    agg = agg_sum / jnp.clip(deg, 1.0)[:, None]
    return agg @ Wl.T + bl + h @ Wr.T


def _global_mean_pool(h, batch):
    summed = jax.ops.segment_sum(h, batch, num_segments=NGRAPH)
    counts = jax.ops.segment_sum(jnp.ones((h.shape[0],), dtype=h.dtype), batch, num_segments=NGRAPH)
    return summed / jnp.clip(counts, 1.0)[:, None]


def reference(x, edge_index, batch, embed_table, Wl1, bl1, Wr1, Wl2, bl2, Wr2, Wlin, blin):
    xi = jnp.squeeze(x)
    h = embed_table[xi]
    h = jax.nn.relu(_sage_conv(h, edge_index, Wl1, bl1, Wr1))
    h = jax.nn.relu(_sage_conv(h, edge_index, Wl2, bl2, Wr2))
    pooled = _global_mean_pool(h, batch)
    return pooled @ Wlin.T + blin

if __name__ == "__main__":
    import jax
    _d = setup_inputs()
    print(jax.jit(kernel)(*tuple(_d.values())))

</pallas_src>

<mosaic_0001>
#map = affine_map<(d0, d1) -> (0, 0)>
#map1 = affine_map<(d0, d1) -> (0)>
#map2 = affine_map<(d0, d1) -> (0, 0, 0)>
module attributes {stable_mosaic.version = 14 : i64} {
  func.func @_sc_body(%arg0: i32, %arg1: i32, %arg2: memref<10000x128xf32, #tpu.memory_space<hbm>>, %arg3: memref<320000xi32, #tpu.memory_space<hbm>>, %arg4: memref<320000xi32, #tpu.memory_space<hbm>>, %arg5: memref<32x625x128xf32, #tpu.memory_space<hbm>>, %arg6: memref<8x128xi32, #tpu.memory_space<vmem>>, %arg7: memref<2x128x128xf32, #tpu.memory_space<vmem>>, %arg8: memref<10000x128xf32, #tpu.memory_space<vmem_shared>>, %arg9: memref<!tpu.dma_semaphore, #tpu.memory_space<semaphore_mem>>, %arg10: memref<!tpu.dma_semaphore, #tpu.memory_space<semaphore_mem>>, %arg11: memref<!tpu.dma_semaphore, #tpu.memory_space<semaphore_mem>>, %arg12: memref<!tpu.dma_semaphore, #tpu.memory_space<semaphore_mem>>) attributes {dimension_semantics = [#tpu.dimension_semantics<core_parallel>, #tpu.dimension_semantics<subcore_parallel>], iteration_bounds = array<i64: 2, 16>, scalar_prefetch = 0 : i64, scratch_operands = 7 : i64, tpu.core_type = #tpu.core_type<sc_vector_subcore>, window_params = [{transform_indices = #map}, {transform_indices = #map1}, {transform_indices = #map1}, {transform_indices = #map2}]} {
    %mul3A = arith.constant 625 : i32
    %mul3A_0 = arith.muli %arg1, %mul3A : i32
    %broadcast_in_dim3A = arith.constant 0.000000e+00 : f32
    %broadcast_in_dim3A_1 = vector.broadcast %broadcast_in_dim3A : f32 to vector<16xf32>
    %scan3A = arith.constant 0 : i32
    %scan3A_2 = arith.constant 0 : i32
    %scan3A_3 = arith.constant 0 : i32
    %scan3A_4 = arith.constant 128 : i32
    %scan3A_5 = arith.addi %scan3A_3, %scan3A_4 : i32
    %scan3A_6 = arith.constant 1 : i32
    scf.for %scan3A_232 = %scan3A_3 to %scan3A_5 step %scan3A_6  : i32 {
      %swap3A = arith.constant 0 : i32
      %swap3A_233 = arith.constant 0 : i32
      %swap3A_234 = tpu.memref_slice %arg7[%scan3A_2, %swap3A, %swap3A_233] : memref<2x128x128xf32, #tpu.memory_space<vmem>> -> memref<1x128x128xf32, #tpu.memory_space<vmem>>
      %swap3A_235 = tpu.memref_squeeze %swap3A_234 : memref<1x128x128xf32, #tpu.memory_space<vmem>> -> memref<128x128xf32, #tpu.memory_space<vmem>>
      %swap3A_236 = arith.index_cast %scan3A_232 : i32 to index
      %swap3A_237 = arith.constant 0 : index
      %swap3A_238 = tpu.vector_load %swap3A_235[%swap3A_236, %swap3A_237] {strides = array<i32>} : memref<128x128xf32, #tpu.memory_space<vmem>>, vector<16xf32>,
      tpu.vector_store %swap3A_235[%swap3A_236, %swap3A_237], %broadcast_in_dim3A_1 {strides = array<i32>} : memref<128x128xf32, #tpu.memory_space<vmem>>, vector<16xf32>,
      %swap3A_239 = arith.constant 0 : i32
      %swap3A_240 = arith.constant 0 : i32
      %swap3A_241 = tpu.memref_slice %arg7[%scan3A_2, %swap3A_239, %swap3A_240] : memref<2x128x128xf32, #tpu.memory_space<vmem>> -> memref<1x128x128xf32, #tpu.memory_space<vmem>>
      %swap3A_242 = tpu.memref_squeeze %swap3A_241 : memref<1x128x128xf32, #tpu.memory_space<vmem>> -> memref<128x128xf32, #tpu.memory_space<vmem>>
      %swap3A_243 = arith.index_cast %scan3A_232 : i32 to index
      %swap3A_244 = arith.constant 16 : index
      %swap3A_245 = tpu.vector_load %swap3A_242[%swap3A_243, %swap3A_244] {strides = array<i32>} : memref<128x128xf32, #tpu.memory_space<vmem>>, vector<16xf32>,
      tpu.vector_store %swap3A_242[%swap3A_243, %swap3A_244], %broadcast_in_dim3A_1 {strides = array<i32>} : memref<128x128xf32, #tpu.memory_space<vmem>>, vector<16xf32>,
      %swap3A_246 = arith.constant 0 : i32
      %swap3A_247 = arith.constant 0 : i32
      %swap3A_248 = tpu.memref_slice %arg7[%scan3A_2, %swap3A_246, %swap3A_247] : memref<2x128x128xf32, #tpu.memory_space<vmem>> -> memref<1x128x128xf32, #tpu.memory_space<vmem>>
      %swap3A_249 = tpu.memref_squeeze %swap3A_248 : memref<1x128x128xf32, #tpu.memory_space<vmem>> -> memref<128x128xf32, #tpu.memory_space<vmem>>
      %swap3A_250 = arith.index_cast %scan3A_232 : i32 to index
      %swap3A_251 = arith.constant 32 : index
      %swap3A_252 = tpu.vector_load %swap3A_249[%swap3A_250, %swap3A_251] {strides = array<i32>} : memref<128x128xf32, #tpu.memory_space<vmem>>, vector<16xf32>,
      tpu.vector_store %swap3A_249[%swap3A_250, %swap3A_251], %broadcast_in_dim3A_1 {strides = array<i32>} : memref<128x128xf32, #tpu.memory_space<vmem>>, vector<16xf32>,
      %swap3A_253 = arith.constant 0 : i32
      %swap3A_254 = arith.constant 0 : i32
      %swap3A_255 = tpu.memref_slice %arg7[%scan3A_2, %swap3A_253, %swap3A_254] : memref<2x128x128xf32, #tpu.memory_space<vmem>> -> memref<1x128x128xf32, #tpu.memory_space<vmem>>
      %swap3A_256 = tpu.memref_squeeze %swap3A_255 : memref<1x128x128xf32, #tpu.memory_space<vmem>> -> memref<128x128xf32, #tpu.memory_space<vmem>>
      %swap3A_257 = arith.index_cast %scan3A_232 : i32 to index
      %swap3A_258 = arith.constant 48 : index
      %swap3A_259 = tpu.vector_load %swap3A_256[%swap3A_257, %swap3A_258] {strides = array<i32>} : memref<128x128xf32, #tpu.memory_space<vmem>>, vector<16xf32>,
      tpu.vector_store %swap3A_256[%swap3A_257, %swap3A_258], %broadcast_in_dim3A_1 {strides = array<i32>} : memref<128x128xf32, #tpu.memory_space<vmem>>, vector<16xf32>,
      %swap3A_260 = arith.constant 0 : i32
      %swap3A_261 = arith.constant 0 : i32
      %swap3A_262 = tpu.memref_slice %arg7[%scan3A_2, %swap3A_260, %swap3A_261] : memref<2x128x128xf32, #tpu.memory_space<vmem>> -> memref<1x128x128xf32, #tpu.memory_space<vmem>>
      %swap3A_263 = tpu.memref_squeeze %swap3A_262 : memref<1x128x128xf32, #tpu.memory_space<vmem>> -> memref<128x128xf32, #tpu.memory_space<vmem>>
      %swap3A_264 = arith.index_cast %scan3A_232 : i32 to index
      %swap3A_265 = arith.constant 64 : index
      %swap3A_266 = tpu.vector_load %swap3A_263[%swap3A_264, %swap3A_265] {strides = array<i32>} : memref<128x128xf32, #tpu.memory_space<vmem>>, vector<16xf32>,
      tpu.vector_store %swap3A_263[%swap3A_264, %swap3A_265], %broadcast_in_dim3A_1 {strides = array<i32>} : memref<128x128xf32, #tpu.memory_space<vmem>>, vector<16xf32>,
      %swap3A_267 = arith.constant 0 : i32
      %swap3A_268 = arith.constant 0 : i32
      %swap3A_269 = tpu.memref_slice %arg7[%scan3A_2, %swap3A_267, %swap3A_268] : memref<2x128x128xf32, #tpu.memory_space<vmem>> -> memref<1x128x128xf32, #tpu.memory_space<vmem>>
      %swap3A_270 = tpu.memref_squeeze %swap3A_269 : memref<1x128x128xf32, #tpu.memory_space<vmem>> -> memref<128x128xf32, #tpu.memory_space<vmem>>
      %swap3A_271 = arith.index_cast %scan3A_232 : i32 to index
      %swap3A_272 = arith.constant 80 : index
      %swap3A_273 = tpu.vector_load %swap3A_270[%swap3A_271, %swap3A_272] {strides = array<i32>} : memref<128x128xf32, #tpu.memory_space<vmem>>, vector<16xf32>,
      tpu.vector_store %swap3A_270[%swap3A_271, %swap3A_272], %broadcast_in_dim3A_1 {strides = array<i32>} : memref<128x128xf32, #tpu.memory_space<vmem>>, vector<16xf32>,
      %swap3A_274 = arith.constant 0 : i32
      %swap3A_275 = arith.constant 0 : i32
      %swap3A_276 = tpu.memref_slice %arg7[%scan3A_2, %swap3A_274, %swap3A_275] : memref<2x128x128xf32, #tpu.memory_space<vmem>> -> memref<1x128x128xf32, #tpu.memory_space<vmem>>
      %swap3A_277 = tpu.memref_squeeze %swap3A_276 : memref<1x128x128xf32, #tpu.memory_space<vmem>> -> memref<128x128xf32, #tpu.memory_space<vmem>>
      %swap3A_278 = arith.index_cast %scan3A_232 : i32 to index
      %swap3A_279 = arith.constant 96 : index
      %swap3A_280 = tpu.vector_load %swap3A_277[%swap3A_278, %swap3A_279] {strides = array<i32>} : memref<128x128xf32, #tpu.memory_space<vmem>>, vector<16xf32>,
      tpu.vector_store %swap3A_277[%swap3A_278, %swap3A_279], %broadcast_in_dim3A_1 {strides = array<i32>} : memref<128x128xf32, #tpu.memory_space<vmem>>, vector<16xf32>,
      %swap3A_281 = arith.constant 0 : i32
      %swap3A_282 = arith.constant 0 : i32
      %swap3A_283 = tpu.memref_slice %arg7[%scan3A_2, %swap3A_281, %swap3A_282] : memref<2x128x128xf32, #tpu.memory_space<vmem>> -> memref<1x128x128xf32, #tpu.memory_space<vmem>>
      %swap3A_284 = tpu.memref_squeeze %swap3A_283 : memref<1x128x128xf32, #tpu.memory_space<vmem>> -> memref<128x128xf32, #tpu.memory_space<vmem>>
      %swap3A_285 = arith.index_cast %scan3A_232 : i32 to index
      %swap3A_286 = arith.constant 112 : index
      %swap3A_287 = tpu.vector_load %swap3A_284[%swap3A_285, %swap3A_286] {strides = array<i32>} : memref<128x128xf32, #tpu.memory_space<vmem>>, vector<16xf32>,
      tpu.vector_store %swap3A_284[%swap3A_285, %swap3A_286], %broadcast_in_dim3A_1 {strides = array<i32>} : memref<128x128xf32, #tpu.memory_space<vmem>>, vector<16xf32>,
    }
    %scan3A_7 = arith.constant 128 : i32
    %add3A = arith.constant 0 : i32
    %add3A_8 = arith.addi %mul3A_0, %add3A : i32
    %run_scoped3A = arith.constant 0 : i32
    "tpu.region"() ({
      %run_scoped3A_232 = tpu.sem_alloc : memref<!tpu.dma_semaphore, #tpu.memory_space<semaphore_mem>>
      %dma_start3A_233 = arith.constant 0 : i32
      %dma_start3A_234 = arith.constant 0 : i32
      %dma_start3A_235 = tpu.memref_slice %arg7[%run_scoped3A, %dma_start3A_233, %dma_start3A_234] : memref<2x128x128xf32, #tpu.memory_space<vmem>> -> memref<1x128x128xf32, #tpu.memory_space<vmem>>
      %dma_start3A_236 = tpu.memref_squeeze %dma_start3A_235 : memref<1x128x128xf32, #tpu.memory_space<vmem>> -> memref<128x128xf32, #tpu.memory_space<vmem>>
      %dma_start3A_237 = arith.constant 0 : i32
      %dma_start3A_238 = tpu.memref_slice %arg8[%add3A_8, %dma_start3A_237] : memref<10000x128xf32, #tpu.memory_space<vmem_shared>> -> memref<128x128xf32, #tpu.memory_space<vmem_shared>>
      %dma_start3A_239 = arith.constant 0 : i32
      %dma_start3A_240 = tpu.memref_slice %arg8[%add3A_8, %dma_start3A_239] : memref<10000x128xf32, #tpu.memory_space<vmem_shared>> -> memref<128x128xf32, #tpu.memory_space<vmem_shared>>
      %dma_start3A_241 = arith.constant 0 : i32
      %dma_start3A_242 = arith.constant 0 : i32
      %dma_start3A_243 = tpu.memref_slice %arg7[%run_scoped3A, %dma_start3A_241, %dma_start3A_242] : memref<2x128x128xf32, #tpu.memory_space<vmem>> -> memref<1x128x128xf32, #tpu.memory_space<vmem>>
      %dma_start3A_244 = tpu.memref_squeeze %dma_start3A_243 : memref<1x128x128xf32, #tpu.memory_space<vmem>> -> memref<128x128xf32, #tpu.memory_space<vmem>>
      tpu.enqueue_dma source(%dma_start3A_244 : memref<128x128xf32, #tpu.memory_space<vmem>>) target(%dma_start3A_240 : memref<128x128xf32, #tpu.memory_space<vmem_shared>>) target_semaphore(%run_scoped3A_232 : memref<!tpu.dma_semaphore, #tpu.memory_space<semaphore_mem>>)
      %dma_wait3A_245 = arith.constant 0 : i32
      %dma_wait3A_246 = arith.constant 0 : i32
      %dma_wait3A_247 = tpu.memref_slice %arg7[%run_scoped3A, %dma_wait3A_245, %dma_wait3A_246] : memref<2x128x128xf32, #tpu.memory_space<vmem>> -> memref<1x128x128xf32, #tpu.memory_space<vmem>>
      %dma_wait3A_248 = tpu.memref_squeeze %dma_wait3A_247 : memref<1x128x128xf32, #tpu.memory_space<vmem>> -> memref<128x128xf32, #tpu.memory_space<vmem>>
      %dma_wait3A_249 = arith.constant 0 : i32
      %dma_wait3A_250 = tpu.memref_slice %arg8[%add3A_8, %dma_wait3A_249] : memref<10000x128xf32, #tpu.memory_space<vmem_shared>> -> memref<128x128xf32, #tpu.memory_space<vmem_shared>>
      %dma_wait3A_251 = arith.constant 0 : i32
      %dma_wait3A_252 = tpu.memref_slice %arg8[%add3A_8, %dma_wait3A_251] : memref<10000x128xf32, #tpu.memory_space<vmem_shared>> -> memref<128x128xf32, #tpu.memory_space<vmem_shared>>
      %dma_wait3A_253 = arith.constant 0 : i32
      %dma_wait3A_254 = arith.constant 0 : i32
      %dma_wait3A_255 = tpu.memref_slice %arg7[%run_scoped3A, %dma_wait3A_253, %dma_wait3A_254] : memref<2x128x128xf32, #tpu.memory_space<vmem>> -> memref<1x128x128xf32, #tpu.memory_space<vmem>>
      %dma_wait3A_256 = tpu.memref_squeeze %dma_wait3A_255 : memref<1x128x128xf32, #tpu.memory_space<vmem>> -> memref<128x128xf32, #tpu.memory_space<vmem>>
      tpu.wait_dma2 semaphore(%run_scoped3A_232 : memref<!tpu.dma_semaphore, #tpu.memory_space<semaphore_mem>>) src(%dma_wait3A_256 : memref<128x128xf32, #tpu.memory_space<vmem>>) dst(%dma_wait3A_252 : memref<128x128xf32, #tpu.memory_space<vmem_shared>>)
      tpu.yield
    }) : () -> ()
    %add3A_9 = arith.constant 128 : i32
    %add3A_10 = arith.addi %mul3A_0, %add3A_9 : i32
    %run_scoped3A_11 = arith.constant 0 : i32
    "tpu.region"() ({
      %run_scoped3A_232 = tpu.sem_alloc : memref<!tpu.dma_semaphore, #tpu.memory_space<semaphore_mem>>
      %dma_start3A_233 = arith.constant 0 : i32
      %dma_start3A_234 = arith.constant 0 : i32
      %dma_start3A_235 = tpu.memref_slice %arg7[%run_scoped3A_11, %dma_start3A_233, %dma_start3A_234] : memref<2x128x128xf32, #tpu.memory_space<vmem>> -> memref<1x128x128xf32, #tpu.memory_space<vmem>>
      %dma_start3A_236 = tpu.memref_squeeze %dma_start3A_235 : memref<1x128x128xf32, #tpu.memory_space<vmem>> -> memref<128x128xf32, #tpu.memory_space<vmem>>
      %dma_start3A_237 = arith.constant 0 : i32
      %dma_start3A_238 = tpu.memref_slice %arg8[%add3A_10, %dma_start3A_237] : memref<10000x128xf32, #tpu.memory_space<vmem_shared>> -> memref<128x128xf32, #tpu.memory_space<vmem_shared>>
      %dma_start3A_239 = arith.constant 0 : i32
      %dma_start3A_240 = tpu.memref_slice %arg8[%add3A_10, %dma_start3A_239] : memref<10000x128xf32, #tpu.memory_space<vmem_shared>> -> memref<128x128xf32, #tpu.memory_space<vmem_shared>>
      %dma_start3A_241 = arith.constant 0 : i32
      %dma_start3A_242 = arith.constant 0 : i32
      %dma_start3A_243 = tpu.memref_slice %arg7[%run_scoped3A_11, %dma_start3A_241, %dma_start3A_242] : memref<2x128x128xf32, #tpu.memory_space<vmem>> -> memref<1x128x128xf32, #tpu.memory_space<vmem>>
      %dma_start3A_244 = tpu.memref_squeeze %dma_start3A_243 : memref<1x128x128xf32, #tpu.memory_space<vmem>> -> memref<128x128xf32, #tpu.memory_space<vmem>>
      tpu.enqueue_dma source(%dma_start3A_244 : memref<128x128xf32, #tpu.memory_space<vmem>>) target(%dma_start3A_240 : memref<128x128xf32, #tpu.memory_space<vmem_shared>>) target_semaphore(%run_scoped3A_232 : memref<!tpu.dma_semaphore, #tpu.memory_space<semaphore_mem>>)
      %dma_wait3A_245 = arith.constant 0 : i32
      %dma_wait3A_246 = arith.constant 0 : i32
      %dma_wait3A_247 = tpu.memref_slice %arg7[%run_scoped3A_11, %dma_wait3A_245, %dma_wait3A_246] : memref<2x128x128xf32, #tpu.memory_space<vmem>> -> memref<1x128x128xf32, #tpu.memory_space<vmem>>
      %dma_wait3A_248 = tpu.memref_squeeze %dma_wait3A_247 : memref<1x128x128xf32, #tpu.memory_space<vmem>> -> memref<128x128xf32, #tpu.memory_space<vmem>>
      %dma_wait3A_249 = arith.constant 0 : i32
      %dma_wait3A_250 = tpu.memref_slice %arg8[%add3A_10, %dma_wait3A_249] : memref<10000x128xf32, #tpu.memory_space<vmem_shared>> -> memref<128x128xf32, #tpu.memory_space<vmem_shared>>
      %dma_wait3A_251 = arith.constant 0 : i32
      %dma_wait3A_252 = tpu.memref_slice %arg8[%add3A_10, %dma_wait3A_251] : memref<10000x128xf32, #tpu.memory_space<vmem_shared>> -> memref<128x128xf32, #tpu.memory_space<vmem_shared>>
      %dma_wait3A_253 = arith.constant 0 : i32
      %dma_wait3A_254 = arith.constant 0 : i32
      %dma_wait3A_255 = tpu.memref_slice %arg7[%run_scoped3A_11, %dma_wait3A_253, %dma_wait3A_254] : memref<2x128x128xf32, #tpu.memory_space<vmem>> -> memref<1x128x128xf32, #tpu.memory_space<vmem>>
      %dma_wait3A_256 = tpu.memref_squeeze %dma_wait3A_255 : memref<1x128x128xf32, #tpu.memory_space<vmem>> -> memref<128x128xf32, #tpu.memory_space<vmem>>
      tpu.wait_dma2 semaphore(%run_scoped3A_232 : memref<!tpu.dma_semaphore, #tpu.memory_space<semaphore_mem>>) src(%dma_wait3A_256 : memref<128x128xf32, #tpu.memory_space<vmem>>) dst(%dma_wait3A_252 : memref<128x128xf32, #tpu.memory_space<vmem_shared>>)
      tpu.yield
    }) : () -> ()
    %add3A_12 = arith.constant 256 : i32
    %add3A_13 = arith.addi %mul3A_0, %add3A_12 : i32
    %run_scoped3A_14 = arith.constant 0 : i32
    "tpu.region"() ({
      %run_scoped3A_232 = tpu.sem_alloc : memref<!tpu.dma_semaphore, #tpu.memory_space<semaphore_mem>>
      %dma_start3A_233 = arith.constant 0 : i32
      %dma_start3A_234 = arith.constant 0 : i32
      %dma_start3A_235 = tpu.memref_slice %arg7[%run_scoped3A_14, %dma_start3A_233, %dma_start3A_234] : memref<2x128x128xf32, #tpu.memory_space<vmem>> -> memref<1x128x128xf32, #tpu.memory_space<vmem>>
      %dma_start3A_236 = tpu.memref_squeeze %dma_start3A_235 : memref<1x128x128xf32, #tpu.memory_space<vmem>> -> memref<128x128xf32, #tpu.memory_space<vmem>>
      %dma_start3A_237 = arith.constant 0 : i32
      %dma_start3A_238 = tpu.memref_slice %arg8[%add3A_13, %dma_start3A_237] : memref<10000x128xf32, #tpu.memory_space<vmem_shared>> -> memref<128x128xf32, #tpu.memory_space<vmem_shared>>
      %dma_start3A_239 = arith.constant 0 : i32
      %dma_start3A_240 = tpu.memref_slice %arg8[%add3A_13, %dma_start3A_239] : memref<10000x128xf32, #tpu.memory_space<vmem_shared>> -> memref<128x128xf32, #tpu.memory_space<vmem_shared>>
      %dma_start3A_241 = arith.constant 0 : i32
      %dma_start3A_242 = arith.constant 0 : i32
      %dma_start3A_243 = tpu.memref_slice %arg7[%run_scoped3A_14, %dma_start3A_241, %dma_start3A_242] : memref<2x128x128xf32, #tpu.memory_space<vmem>> -> memref<1x128x128xf32, #tpu.memory_space<vmem>>
      %dma_start3A_244 = tpu.memref_squeeze %dma_start3A_243 : memref<1x128x128xf32, #tpu.memory_space<vmem>> -> memref<128x128xf32, #tpu.memory_space<vmem>>
      tpu.enqueue_dma source(%dma_start3A_244 : memref<128x128xf32, #tpu.memory_space<vmem>>) target(%dma_start3A_240 : memref<128x128xf32, #tpu.memory_space<vmem_shared>>) target_semaphore(%run_scoped3A_232 : memref<!tpu.dma_semaphore, #tpu.memory_space<semaphore_mem>>)
      %dma_wait3A_245 = arith.constant 0 : i32
      %dma_wait3A_246 = arith.constant 0 : i32
      %dma_wait3A_247 = tpu.memref_slice %arg7[%run_scoped3A_14, %dma_wait3A_245, %dma_wait3A_246] : memref<2x128x128xf32, #tpu.memory_space<vmem>> -> memref<1x128x128xf32, #tpu.memory_space<vmem>>
      %dma_wait3A_248 = tpu.memref_squeeze %dma_wait3A_247 : memref<1x128x128xf32, #tpu.memory_space<vmem>> -> memref<128x128xf32, #tpu.memory_space<vmem>>
      %dma_wait3A_249 = arith.constant 0 : i32
      %dma_wait3A_250 = tpu.memref_slice %arg8[%add3A_13, %dma_wait3A_249] : memref<10000x128xf32, #tpu.memory_space<vmem_shared>> -> memref<128x128xf32, #tpu.memory_space<vmem_shared>>
      %dma_wait3A_251 = arith.constant 0 : i32
      %dma_wait3A_252 = tpu.memref_slice %arg8[%add3A_13, %dma_wait3A_251] : memref<10000x128xf32, #tpu.memory_space<vmem_shared>> -> memref<128x128xf32, #tpu.memory_space<vmem_shared>>
      %dma_wait3A_253 = arith.constant 0 : i32
      %dma_wait3A_254 = arith.constant 0 : i32
      %dma_wait3A_255 = tpu.memref_slice %arg7[%run_scoped3A_14, %dma_wait3A_253, %dma_wait3A_254] : memref<2x128x128xf32, #tpu.memory_space<vmem>> -> memref<1x128x128xf32, #tpu.memory_space<vmem>>
      %dma_wait3A_256 = tpu.memref_squeeze %dma_wait3A_255 : memref<1x128x128xf32, #tpu.memory_space<vmem>> -> memref<128x128xf32, #tpu.memory_space<vmem>>
      tpu.wait_dma2 semaphore(%run_scoped3A_232 : memref<!tpu.dma_semaphore, #tpu.memory_space<semaphore_mem>>) src(%dma_wait3A_256 : memref<128x128xf32, #tpu.memory_space<vmem>>) dst(%dma_wait3A_252 : memref<128x128xf32, #tpu.memory_space<vmem_shared>>)
      tpu.yield
    }) : () -> ()
    %add3A_15 = arith.constant 384 : i32
    %add3A_16 = arith.addi %mul3A_0, %add3A_15 : i32
    %run_scoped3A_17 = arith.constant 0 : i32
    "tpu.region"() ({
      %run_scoped3A_232 = tpu.sem_alloc : memref<!tpu.dma_semaphore, #tpu.memory_space<semaphore_mem>>
      %dma_start3A_233 = arith.constant 0 : i32
      %dma_start3A_234 = arith.constant 0 : i32
      %dma_start3A_235 = tpu.memref_slice %arg7[%run_scoped3A_17, %dma_start3A_233, %dma_start3A_234] : memref<2x128x128xf32, #tpu.memory_space<vmem>> -> memref<1x128x128xf32, #tpu.memory_space<vmem>>
      %dma_start3A_236 = tpu.memref_squeeze %dma_start3A_235 : memref<1x128x128xf32, #tpu.memory_space<vmem>> -> memref<128x128xf32, #tpu.memory_space<vmem>>
      %dma_start3A_237 = arith.constant 0 : i32
      %dma_start3A_238 = tpu.memref_slice %arg8[%add3A_16, %dma_start3A_237] : memref<10000x128xf32, #tpu.memory_space<vmem_shared>> -> memref<128x128xf32, #tpu.memory_space<vmem_shared>>
      %dma_start3A_239 = arith.constant 0 : i32
      %dma_start3A_240 = tpu.memref_slice %arg8[%add3A_16, %dma_start3A_239] : memref<10000x128xf32, #tpu.memory_space<vmem_shared>> -> memref<128x128xf32, #tpu.memory_space<vmem_shared>>
      %dma_start3A_241 = arith.constant 0 : i32
      %dma_start3A_242 = arith.constant 0 : i32
      %dma_start3A_243 = tpu.memref_slice %arg7[%run_scoped3A_17, %dma_start3A_241, %dma_start3A_242] : memref<2x128x128xf32, #tpu.memory_space<vmem>> -> memref<1x128x128xf32, #tpu.memory_space<vmem>>
      %dma_start3A_244 = tpu.memref_squeeze %dma_start3A_243 : memref<1x128x128xf32, #tpu.memory_space<vmem>> -> memref<128x128xf32, #tpu.memory_space<vmem>>
      tpu.enqueue_dma source(%dma_start3A_244 : memref<128x128xf32, #tpu.memory_space<vmem>>) target(%dma_start3A_240 : memref<128x128xf32, #tpu.memory_space<vmem_shared>>) target_semaphore(%run_scoped3A_232 : memref<!tpu.dma_semaphore, #tpu.memory_space<semaphore_mem>>)
      %dma_wait3A_245 = arith.constant 0 : i32
      %dma_wait3A_246 = arith.constant 0 : i32
      %dma_wait3A_247 = tpu.memref_slice %arg7[%run_scoped3A_17, %dma_wait3A_245, %dma_wait3A_246] : memref<2x128x128xf32, #tpu.memory_space<vmem>> -> memref<1x128x128xf32, #tpu.memory_space<vmem>>
      %dma_wait3A_248 = tpu.memref_squeeze %dma_wait3A_247 : memref<1x128x128xf32, #tpu.memory_space<vmem>> -> memref<128x128xf32, #tpu.memory_space<vmem>>
      %dma_wait3A_249 = arith.constant 0 : i32
      %dma_wait3A_250 = tpu.memref_slice %arg8[%add3A_16, %dma_wait3A_249] : memref<10000x128xf32, #tpu.memory_space<vmem_shared>> -> memref<128x128xf32, #tpu.memory_space<vmem_shared>>
      %dma_wait3A_251 = arith.constant 0 : i32
      %dma_wait3A_252 = tpu.memref_slice %arg8[%add3A_16, %dma_wait3A_251] : memref<10000x128xf32, #tpu.memory_space<vmem_shared>> -> memref<128x128xf32, #tpu.memory_space<vmem_shared>>
      %dma_wait3A_253 = arith.constant 0 : i32
      %dma_wait3A_254 = arith.constant 0 : i32
      %dma_wait3A_255 = tpu.memref_slice %arg7[%run_scoped3A_17, %dma_wait3A_253, %dma_wait3A_254] : memref<2x128x128xf32, #tpu.memory_space<vmem>> -> memref<1x128x128xf32, #tpu.memory_space<vmem>>
      %dma_wait3A_256 = tpu.memref_squeeze %dma_wait3A_255 : memref<1x128x128xf32, #tpu.memory_space<vmem>> -> memref<128x128xf32, #tpu.memory_space<vmem>>
      tpu.wait_dma2 semaphore(%run_scoped3A_232 : memref<!tpu.dma_semaphore, #tpu.memory_space<semaphore_mem>>) src(%dma_wait3A_256 : memref<128x128xf32, #tpu.memory_space<vmem>>) dst(%dma_wait3A_252 : memref<128x128xf32, #tpu.memory_space<vmem_shared>>)
      tpu.yield
    }) : () -> ()
    %add3A_18 = arith.constant 512 : i32
    %add3A_19 = arith.addi %mul3A_0, %add3A_18 : i32
    %run_scoped3A_20 = arith.constant 0 : i32
    "tpu.region"() ({
      %run_scoped3A_232 = tpu.sem_alloc : memref<!tpu.dma_semaphore, #tpu.memory_space<semaphore_mem>>
      %dma_start3A_233 = arith.constant 0 : i32
      %dma_start3A_234 = arith.constant 0 : i32
      %dma_start3A_235 = tpu.memref_slice %arg7[%run_scoped3A_20, %dma_start3A_233, %dma_start3A_234] : memref<2x128x128xf32, #tpu.memory_space<vmem>> -> memref<1x113x128xf32, #tpu.memory_space<vmem>>
      %dma_start3A_236 = tpu.memref_squeeze %dma_start3A_235 : memref<1x113x128xf32, #tpu.memory_space<vmem>> -> memref<113x128xf32, #tpu.memory_space<vmem>>
      %dma_start3A_237 = arith.constant 0 : i32
      %dma_start3A_238 = tpu.memref_slice %arg8[%add3A_19, %dma_start3A_237] : memref<10000x128xf32, #tpu.memory_space<vmem_shared>> -> memref<113x128xf32, #tpu.memory_space<vmem_shared>>
      %dma_start3A_239 = arith.constant 0 : i32
      %dma_start3A_240 = tpu.memref_slice %arg8[%add3A_19, %dma_start3A_239] : memref<10000x128xf32, #tpu.memory_space<vmem_shared>> -> memref<113x128xf32, #tpu.memory_space<vmem_shared>>
      %dma_start3A_241 = arith.constant 0 : i32
      %dma_start3A_242 = arith.constant 0 : i32
      %dma_start3A_243 = tpu.memref_slice %arg7[%run_scoped3A_20, %dma_start3A_241, %dma_start3A_242] : memref<2x128x128xf32, #tpu.memory_space<vmem>> -> memref<1x113x128xf32, #tpu.memory_space<vmem>>
      %dma_start3A_244 = tpu.memref_squeeze %dma_start3A_243 : memref<1x113x128xf32, #tpu.memory_space<vmem>> -> memref<113x128xf32, #tpu.memory_space<vmem>>
      tpu.enqueue_dma source(%dma_start3A_244 : memref<113x128xf32, #tpu.memory_space<vmem>>) target(%dma_start3A_240 : memref<113x128xf32, #tpu.memory_space<vmem_shared>>) target_semaphore(%run_scoped3A_232 : memref<!tpu.dma_semaphore, #tpu.memory_space<semaphore_mem>>)
      %dma_wait3A_245 = arith.constant 0 : i32
      %dma_wait3A_246 = arith.constant 0 : i32
      %dma_wait3A_247 = tpu.memref_slice %arg7[%run_scoped3A_20, %dma_wait3A_245, %dma_wait3A_246] : memref<2x128x128xf32, #tpu.memory_space<vmem>> -> memref<1x113x128xf32, #tpu.memory_space<vmem>>
      %dma_wait3A_248 = tpu.memref_squeeze %dma_wait3A_247 : memref<1x113x128xf32, #tpu.memory_space<vmem>> -> memref<113x128xf32, #tpu.memory_space<vmem>>
      %dma_wait3A_249 = arith.constant 0 : i32
      %dma_wait3A_250 = tpu.memref_slice %arg8[%add3A_19, %dma_wait3A_249] : memref<10000x128xf32, #tpu.memory_space<vmem_shared>> -> memref<113x128xf32, #tpu.memory_space<vmem_shared>>
      %dma_wait3A_251 = arith.constant 0 : i32
      %dma_wait3A_252 = tpu.memref_slice %arg8[%add3A_19, %dma_wait3A_251] : memref<10000x128xf32, #tpu.memory_space<vmem_shared>> -> memref<113x128xf32, #tpu.memory_space<vmem_shared>>
      %dma_wait3A_253 = arith.constant 0 : i32
      %dma_wait3A_254 = arith.constant 0 : i32
      %dma_wait3A_255 = tpu.memref_slice %arg7[%run_scoped3A_20, %dma_wait3A_253, %dma_wait3A_254] : memref<2x128x128xf32, #tpu.memory_space<vmem>> -> memref<1x113x128xf32, #tpu.memory_space<vmem>>
      %dma_wait3A_256 = tpu.memref_squeeze %dma_wait3A_255 : memref<1x113x128xf32, #tpu.memory_space<vmem>> -> memref<113x128xf32, #tpu.memory_space<vmem>>
      tpu.wait_dma2 semaphore(%run_scoped3A_232 : memref<!tpu.dma_semaphore, #tpu.memory_space<semaphore_mem>>) src(%dma_wait3A_256 : memref<113x128xf32, #tpu.memory_space<vmem>>) dst(%dma_wait3A_252 : memref<113x128xf32, #tpu.memory_space<vmem_shared>>)
      tpu.yield
    }) : () -> ()
    %barrier3A = arith.constant 0 : index
    tpu.barrier barrier_id(%barrier3A)
    %mul3A_21 = arith.constant 1250 : i32
    %mul3A_22 = arith.muli %arg0, %mul3A_21 : i32
    %mul3A_23 = arith.constant 78 : i32
    %mul3A_24 = arith.muli %arg1, %mul3A_23 : i32
    %add3A_25 = arith.addi %mul3A_22, %mul3A_24 : i32
    %min3A = arith.constant 2 : i32
    %min3A_26 = arith.minsi %arg1, %min3A : i32
    %add3A_27 = arith.addi %add3A_25, %min3A_26 : i32
    %lt3A = arith.constant 2 : i32
    %lt3A_28 = arith.cmpi slt, %arg1, %lt3A : i32
    %add3A_29 = arith.constant 78 : i32
    %add3A_30 = arith.addi %add3A_27, %add3A_29 : i32
    %add3A_31 = arith.constant 0 : i32
    %add3A_32 = arith.addi %add3A_27, %add3A_31 : i32
    %add3A_33 = arith.constant 0 : i32
    %add3A_34 = arith.addi %add3A_32, %add3A_33 : i32
    %mul3A_35 = arith.constant 128 : i32
    %mul3A_36 = arith.muli %add3A_34, %mul3A_35 : i32
    %add3A_37 = arith.constant 0 : i32
    %add3A_38 = arith.addi %add3A_37, %mul3A_36 : i32
    %dma_start3A = arith.constant 0 : i32
    %dma_start3A_39 = arith.constant 0 : i32
    %dma_start3A_40 = tpu.memref_slice %arg6[%dma_start3A, %dma_start3A_39] : memref<8x128xi32, #tpu.memory_space<vmem>> -> memref<1x128xi32, #tpu.memory_space<vmem>>
    %dma_start3A_41 = tpu.memref_squeeze %dma_start3A_40 : memref<1x128xi32, #tpu.memory_space<vmem>> -> memref<128xi32, #tpu.memory_space<vmem>>
    %dma_start3A_42 = tpu.memref_slice %arg3[%add3A_38] : memref<320000xi32, #tpu.memory_space<hbm>> -> memref<128xi32, #tpu.memory_space<hbm>>
    %dma_start3A_43 = arith.constant 0 : i32
    %dma_start3A_44 = tpu.memref_slice %arg6[%dma_start3A, %dma_start3A_43] : memref<8x128xi32, #tpu.memory_space<vmem>> -> memref<1x128xi32, #tpu.memory_space<vmem>>
    %dma_start3A_45 = tpu.memref_squeeze %dma_start3A_44 : memref<1x128xi32, #tpu.memory_space<vmem>> -> memref<128xi32, #tpu.memory_space<vmem>>
    %dma_start3A_46 = tpu.memref_slice %arg3[%add3A_38] : memref<320000xi32, #tpu.memory_space<hbm>> -> memref<128xi32, #tpu.memory_space<hbm>>
    tpu.enqueue_dma source(%dma_start3A_46 : memref<128xi32, #tpu.memory_space<hbm>>) target(%dma_start3A_45 : memref<128xi32, #tpu.memory_space<vmem>>) target_semaphore(%arg9 : memref<!tpu.dma_semaphore, #tpu.memory_space<semaphore_mem>>)
    %dma_start3A_47 = arith.constant 4 : i32
    %dma_start3A_48 = arith.constant 0 : i32
    %dma_start3A_49 = tpu.memref_slice %arg6[%dma_start3A_47, %dma_start3A_48] : memref<8x128xi32, #tpu.memory_space<vmem>> -> memref<1x128xi32, #tpu.memory_space<vmem>>
    %dma_start3A_50 = tpu.memref_squeeze %dma_start3A_49 : memref<1x128xi32, #tpu.memory_space<vmem>> -> memref<128xi32, #tpu.memory_space<vmem>>
    %dma_start3A_51 = tpu.memref_slice %arg4[%mul3A_36] : memref<320000xi32, #tpu.memory_space<hbm>> -> memref<128xi32, #tpu.memory_space<hbm>>
    %dma_start3A_52 = arith.constant 0 : i32
    %dma_start3A_53 = tpu.memref_slice %arg6[%dma_start3A_47, %dma_start3A_52] : memref<8x128xi32, #tpu.memory_space<vmem>> -> memref<1x128xi32, #tpu.memory_space<vmem>>
    %dma_start3A_54 = tpu.memref_squeeze %dma_start3A_53 : memref<1x128xi32, #tpu.memory_space<vmem>> -> memref<128xi32, #tpu.memory_space<vmem>>
    %dma_start3A_55 = tpu.memref_slice %arg4[%mul3A_36] : memref<320000xi32, #tpu.memory_space<hbm>> -> memref<128xi32, #tpu.memory_space<hbm>>
    tpu.enqueue_dma source(%dma_start3A_55 : memref<128xi32, #tpu.memory_space<hbm>>) target(%dma_start3A_54 : memref<128xi32, #tpu.memory_space<vmem>>) target_semaphore(%arg9 : memref<!tpu.dma_semaphore, #tpu.memory_space<semaphore_mem>>)
    %add3A_56 = arith.constant 0 : i32
    %add3A_57 = arith.addi %add3A_27, %add3A_56 : i32
    %add3A_58 = arith.constant 1 : i32
    %add3A_59 = arith.addi %add3A_57, %add3A_58 : i32
    %mul3A_60 = arith.constant 128 : i32
    %mul3A_61 = arith.muli %add3A_59, %mul3A_60 : i32
    %add3A_62 = arith.constant 0 : i32
    %add3A_63 = arith.addi %add3A_62, %mul3A_61 : i32
    %dma_start3A_64 = arith.constant 1 : i32
    %dma_start3A_65 = arith.constant 0 : i32
    %dma_start3A_66 = tpu.memref_slice %arg6[%dma_start3A_64, %dma_start3A_65] : memref<8x128xi32, #tpu.memory_space<vmem>> -> memref<1x128xi32, #tpu.memory_space<vmem>>
    %dma_start3A_67 = tpu.memref_squeeze %dma_start3A_66 : memref<1x128xi32, #tpu.memory_space<vmem>> -> memref<128xi32, #tpu.memory_space<vmem>>
    %dma_start3A_68 = tpu.memref_slice %arg3[%add3A_63] : memref<320000xi32, #tpu.memory_space<hbm>> -> memref<128xi32, #tpu.memory_space<hbm>>
    %dma_start3A_69 = arith.constant 0 : i32
    %dma_start3A_70 = tpu.memref_slice %arg6[%dma_start3A_64, %dma_start3A_69] : memref<8x128xi32, #tpu.memory_space<vmem>> -> memref<1x128xi32, #tpu.memory_space<vmem>>
    %dma_start3A_71 = tpu.memref_squeeze %dma_start3A_70 : memref<1x128xi32, #tpu.memory_space<vmem>> -> memref<128xi32, #tpu.memory_space<vmem>>
    %dma_start3A_72 = tpu.memref_slice %arg3[%add3A_63] : memref<320000xi32, #tpu.memory_space<hbm>> -> memref<128xi32, #tpu.memory_space<hbm>>
    tpu.enqueue_dma source(%dma_start3A_72 : memref<128xi32, #tpu.memory_space<hbm>>) target(%dma_start3A_71 : memref<128xi32, #tpu.memory_space<vmem>>) target_semaphore(%arg9 : memref<!tpu.dma_semaphore, #tpu.memory_space<semaphore_mem>>)
    %dma_start3A_73 = arith.constant 5 : i32
    %dma_start3A_74 = arith.constant 0 : i32
    %dma_start3A_75 = tpu.memref_slice %arg6[%dma_start3A_73, %dma_start3A_74] : memref<8x128xi32, #tpu.memory_space<vmem>> -> memref<1x128xi32, #tpu.memory_space<vmem>>
    %dma_start3A_76 = tpu.memref_squeeze %dma_start3A_75 : memref<1x128xi32, #tpu.memory_space<vmem>> -> memref<128xi32, #tpu.memory_space<vmem>>
    %dma_start3A_77 = tpu.memref_slice %arg4[%mul3A_61] : memref<320000xi32, #tpu.memory_space<hbm>> -> memref<128xi32, #tpu.memory_space<hbm>>
    %dma_start3A_78 = arith.constant 0 : i32
    %dma_start3A_79 = tpu.memref_slice %arg6[%dma_start3A_73, %dma_start3A_78] : memref<8x128xi32, #tpu.memory_space<vmem>> -> memref<1x128xi32, #tpu.memory_space<vmem>>
    %dma_start3A_80 = tpu.memref_squeeze %dma_start3A_79 : memref<1x128xi32, #tpu.memory_space<vmem>> -> memref<128xi32, #tpu.memory_space<vmem>>
    %dma_start3A_81 = tpu.memref_slice %arg4[%mul3A_61] : memref<320000xi32, #tpu.memory_space<hbm>> -> memref<128xi32, #tpu.memory_space<hbm>>
    tpu.enqueue_dma source(%dma_start3A_81 : memref<128xi32, #tpu.memory_space<hbm>>) target(%dma_start3A_80 : memref<128xi32, #tpu.memory_space<vmem>>) target_semaphore(%arg9 : memref<!tpu.dma_semaphore, #tpu.memory_space<semaphore_mem>>)
    %scan3A_82 = arith.constant 0 : i32
    %scan3A_83 = arith.constant 0 : i32
    %scan3A_84 = arith.constant 19 : i32
    %scan3A_85 = arith.addi %scan3A_83, %scan3A_84 : i32
    %scan3A_86 = arith.constant 1 : i32
    scf.for %scan3A_232 = %scan3A_83 to %scan3A_85 step %scan3A_86  : i32 {
      %mul3A_233 = arith.constant 2 : i32
      %mul3A_234 = arith.muli %mul3A_233, %scan3A_232 : i32
      %add3A_235 = arith.constant 1 : i32
      %add3A_236 = arith.addi %mul3A_234, %add3A_235 : i32
      %mul3A_237 = arith.constant 2 : i32
      %mul3A_238 = arith.muli %add3A_236, %mul3A_237 : i32
      %add3A_239 = arith.addi %add3A_27, %mul3A_238 : i32
      %add3A_240 = arith.constant 0 : i32
      %add3A_241 = arith.addi %add3A_239, %add3A_240 : i32
      %mul3A_242 = arith.constant 128 : i32
      %mul3A_243 = arith.muli %add3A_241, %mul3A_242 : i32
      %add3A_244 = arith.constant 0 : i32
      %add3A_245 = arith.addi %add3A_244, %mul3A_243 : i32
      %dma_start3A_246 = arith.constant 2 : i32
      %dma_start3A_247 = arith.constant 0 : i32
      %dma_start3A_248 = tpu.memref_slice %arg6[%dma_start3A_246, %dma_start3A_247] : memref<8x128xi32, #tpu.memory_space<vmem>> -> memref<1x128xi32, #tpu.memory_space<vmem>>
      %dma_start3A_249 = tpu.memref_squeeze %dma_start3A_248 : memref<1x128xi32, #tpu.memory_space<vmem>> -> memref<128xi32, #tpu.memory_space<vmem>>
      %dma_start3A_250 = tpu.memref_slice %arg3[%add3A_245] : memref<320000xi32, #tpu.memory_space<hbm>> -> memref<128xi32, #tpu.memory_space<hbm>>
      %dma_start3A_251 = arith.constant 0 : i32
      %dma_start3A_252 = tpu.memref_slice %arg6[%dma_start3A_246, %dma_start3A_251] : memref<8x128xi32, #tpu.memory_space<vmem>> -> memref<1x128xi32, #tpu.memory_space<vmem>>
      %dma_start3A_253 = tpu.memref_squeeze %dma_start3A_252 : memref<1x128xi32, #tpu.memory_space<vmem>> -> memref<128xi32, #tpu.memory_space<vmem>>
      %dma_start3A_254 = tpu.memref_slice %arg3[%add3A_245] : memref<320000xi32, #tpu.memory_space<hbm>> -> memref<128xi32, #tpu.memory_space<hbm>>
      tpu.enqueue_dma source(%dma_start3A_254 : memref<128xi32, #tpu.memory_space<hbm>>) target(%dma_start3A_253 : memref<128xi32, #tpu.memory_space<vmem>>) target_semaphore(%arg10 : memref<!tpu.dma_semaphore, #tpu.memory_space<semaphore_mem>>)
      %dma_start3A_255 = arith.constant 6 : i32
      %dma_start3A_256 = arith.constant 0 : i32
      %dma_start3A_257 = tpu.memref_slice %arg6[%dma_start3A_255, %dma_start3A_256] : memref<8x128xi32, #tpu.memory_space<vmem>> -> memref<1x128xi32, #tpu.memory_space<vmem>>
      %dma_start3A_258 = tpu.memref_squeeze %dma_start3A_257 : memref<1x128xi32, #tpu.memory_space<vmem>> -> memref<128xi32, #tpu.memory_space<vmem>>
      %dma_start3A_259 = tpu.memref_slice %arg4[%mul3A_243] : memref<320000xi32, #tpu.memory_space<hbm>> -> memref<128xi32, #tpu.memory_space<hbm>>
      %dma_start3A_260 = arith.constant 0 : i32
      %dma_start3A_261 = tpu.memref_slice %arg6[%dma_start3A_255, %dma_start3A_260] : memref<8x128xi32, #tpu.memory_space<vmem>> -> memref<1x128xi32, #tpu.memory_space<vmem>>
      %dma_start3A_262 = tpu.memref_squeeze %dma_start3A_261 : memref<1x128xi32, #tpu.memory_space<vmem>> -> memref<128xi32, #tpu.memory_space<vmem>>
      %dma_start3A_263 = tpu.memref_slice %arg4[%mul3A_243] : memref<320000xi32, #tpu.memory_space<hbm>> -> memref<128xi32, #tpu.memory_space<hbm>>
      tpu.enqueue_dma source(%dma_start3A_263 : memref<128xi32, #tpu.memory_space<hbm>>) target(%dma_start3A_262 : memref<128xi32, #tpu.memory_space<vmem>>) target_semaphore(%arg10 : memref<!tpu.dma_semaphore, #tpu.memory_space<semaphore_mem>>)
      %mul3A_264 = arith.constant 2 : i32
      %mul3A_265 = arith.muli %add3A_236, %mul3A_264 : i32
      %add3A_266 = arith.addi %add3A_27, %mul3A_265 : i32
      %add3A_267 = arith.constant 1 : i32
      %add3A_268 = arith.addi %add3A_266, %add3A_267 : i32
      %mul3A_269 = arith.constant 128 : i32
      %mul3A_270 = arith.muli %add3A_268, %mul3A_269 : i32
      %add3A_271 = arith.constant 0 : i32
      %add3A_272 = arith.addi %add3A_271, %mul3A_270 : i32
      %dma_start3A_273 = arith.constant 3 : i32
      %dma_start3A_274 = arith.constant 0 : i32
      %dma_start3A_275 = tpu.memref_slice %arg6[%dma_start3A_273, %dma_start3A_274] : memref<8x128xi32, #tpu.memory_space<vmem>> -> memref<1x128xi32, #tpu.memory_space<vmem>>
      %dma_start3A_276 = tpu.memref_squeeze %dma_start3A_275 : memref<1x128xi32, #tpu.memory_space<vmem>> -> memref<128xi32, #tpu.memory_space<vmem>>
      %dma_start3A_277 = tpu.memref_slice %arg3[%add3A_272] : memref<320000xi32, #tpu.memory_space<hbm>> -> memref<128xi32, #tpu.memory_space<hbm>>
      %dma_start3A_278 = arith.constant 0 : i32
      %dma_start3A_279 = tpu.memref_slice %arg6[%dma_start3A_273, %dma_start3A_278] : memref<8x128xi32, #tpu.memory_space<vmem>> -> memref<1x128xi32, #tpu.memory_space<vmem>>
      %dma_start3A_280 = tpu.memref_squeeze %dma_start3A_279 : memref<1x128xi32, #tpu.memory_space<vmem>> -> memref<128xi32, #tpu.memory_space<vmem>>
      %dma_start3A_281 = tpu.memref_slice %arg3[%add3A_272] : memref<320000xi32, #tpu.memory_space<hbm>> -> memref<128xi32, #tpu.memory_space<hbm>>
      tpu.enqueue_dma source(%dma_start3A_281 : memref<128xi32, #tpu.memory_space<hbm>>) target(%dma_start3A_280 : memref<128xi32, #tpu.memory_space<vmem>>) target_semaphore(%arg10 : memref<!tpu.dma_semaphore, #tpu.memory_space<semaphore_mem>>)
      %dma_start3A_282 = arith.constant 7 : i32
      %dma_start3A_283 = arith.constant 0 : i32
      %dma_start3A_284 = tpu.memref_slice %arg6[%dma_start3A_282, %dma_start3A_283] : memref<8x128xi32, #tpu.memory_space<vmem>> -> memref<1x128xi32, #tpu.memory_space<vmem>>
      %dma_start3A_285 = tpu.memref_squeeze %dma_start3A_284 : memref<1x128xi32, #tpu.memory_space<vmem>> -> memref<128xi32, #tpu.memory_space<vmem>>
      %dma_start3A_286 = tpu.memref_slice %arg4[%mul3A_270] : memref<320000xi32, #tpu.memory_space<hbm>> -> memref<128xi32, #tpu.memory_space<hbm>>
      %dma_start3A_287 = arith.constant 0 : i32
      %dma_start3A_288 = tpu.memref_slice %arg6[%dma_start3A_282, %dma_start3A_287] : memref<8x128xi32, #tpu.memory_space<vmem>> -> memref<1x128xi32, #tpu.memory_space<vmem>>
      %dma_start3A_289 = tpu.memref_squeeze %dma_start3A_288 : memref<1x128xi32, #tpu.memory_space<vmem>> -> memref<128xi32, #tpu.memory_space<vmem>>
      %dma_start3A_290 = tpu.memref_slice %arg4[%mul3A_270] : memref<320000xi32, #tpu.memory_space<hbm>> -> memref<128xi32, #tpu.memory_space<hbm>>
      tpu.enqueue_dma source(%dma_start3A_290 : memref<128xi32, #tpu.memory_space<hbm>>) target(%dma_start3A_289 : memref<128xi32, #tpu.memory_space<vmem>>) target_semaphore(%arg10 : memref<!tpu.dma_semaphore, #tpu.memory_space<semaphore_mem>>)
      %dma_wait3A_291 = arith.constant 0 : i32
      %dma_wait3A_292 = arith.constant 0 : i32
      %dma_wait3A_293 = tpu.memref_slice %arg6[%dma_wait3A_291, %dma_wait3A_292] : memref<8x128xi32, #tpu.memory_space<vmem>> -> memref<1x128xi32, #tpu.memory_space<vmem>>
      %dma_wait3A_294 = tpu.memref_squeeze %dma_wait3A_293 : memref<1x128xi32, #tpu.memory_space<vmem>> -> memref<128xi32, #tpu.memory_space<vmem>>
      %dma_wait3A_295 = arith.constant 0 : i32
      %dma_wait3A_296 = tpu.memref_slice %arg3[%dma_wait3A_295] : memref<320000xi32, #tpu.memory_space<hbm>> -> memref<128xi32, #tpu.memory_space<hbm>>
      %dma_wait3A_297 = arith.constant 0 : i32
      %dma_wait3A_298 = tpu.memref_slice %arg6[%dma_wait3A_291, %dma_wait3A_297] : memref<8x128xi32, #tpu.memory_space<vmem>> -> memref<1x128xi32, #tpu.memory_space<vmem>>
      %dma_wait3A_299 = tpu.memref_squeeze %dma_wait3A_298 : memref<1x128xi32, #tpu.memory_space<vmem>> -> memref<128xi32, #tpu.memory_space<vmem>>
      %dma_wait3A_300 = arith.constant 0 : i32
      %dma_wait3A_301 = tpu.memref_slice %arg3[%dma_wait3A_300] : memref<320000xi32, #tpu.memory_space<hbm>> -> memref<128xi32, #tpu.memory_space<hbm>>
      tpu.wait_dma2 semaphore(%arg9 : memref<!tpu.dma_semaphore, #tpu.memory_space<semaphore_mem>>) src(%dma_wait3A_301 : memref<128xi32, #tpu.memory_space<hbm>>) dst(%dma_wait3A_299 : memref<128xi32, #tpu.memory_space<vmem>>)
      %dma_wait3A_302 = arith.constant 4 : i32
      %dma_wait3A_303 = arith.constant 0 : i32
      %dma_wait3A_304 = tpu.memref_slice %arg6[%dma_wait3A_302, %dma_wait3A_303] : memref<8x128xi32, #tpu.memory_space<vmem>> -> memref<1x128xi32, #tpu.memory_space<vmem>>
      %dma_wait3A_305 = tpu.memref_squeeze %dma_wait3A_304 : memref<1x128xi32, #tpu.memory_space<vmem>> -> memref<128xi32, #tpu.memory_space<vmem>>
      %dma_wait3A_306 = arith.constant 0 : i32
      %dma_wait3A_307 = tpu.memref_slice %arg4[%dma_wait3A_306] : memref<320000xi32, #tpu.memory_space<hbm>> -> memref<128xi32, #tpu.memory_space<hbm>>
      %dma_wait3A_308 = arith.constant 0 : i32
      %dma_wait3A_309 = tpu.memref_slice %arg6[%dma_wait3A_302, %dma_wait3A_308] : memref<8x128xi32, #tpu.memory_space<vmem>> -> memref<1x128xi32, #tpu.memory_space<vmem>>
      %dma_wait3A_310 = tpu.memref_squeeze %dma_wait3A_309 : memref<1x128xi32, #tpu.memory_space<vmem>> -> memref<128xi32, #tpu.memory_space<vmem>>
      %dma_wait3A_311 = arith.constant 0 : i32
      %dma_wait3A_312 = tpu.memref_slice %arg4[%dma_wait3A_311] : memref<320000xi32, #tpu.memory_space<hbm>> -> memref<128xi32, #tpu.memory_space<hbm>>
      tpu.wait_dma2 semaphore(%arg9 : memref<!tpu.dma_semaphore, #tpu.memory_space<semaphore_mem>>) src(%dma_wait3A_312 : memref<128xi32, #tpu.memory_space<hbm>>) dst(%dma_wait3A_310 : memref<128xi32, #tpu.memory_space<vmem>>)
      %dma_wait3A_313 = arith.constant 1 : i32
      %dma_wait3A_314 = arith.constant 0 : i32
      %dma_wait3A_315 = tpu.memref_slice %arg6[%dma_wait3A_313, %dma_wait3A_314] : memref<8x128xi32, #tpu.memory_space<vmem>> -> memref<1x128xi32, #tpu.memory_space<vmem>>
      %dma_wait3A_316 = tpu.memref_squeeze %dma_wait3A_315 : memref<1x128xi32, #tpu.memory_space<vmem>> -> memref<128xi32, #tpu.memory_space<vmem>>
      %dma_wait3A_317 = arith.constant 0 : i32
      %dma_wait3A_318 = tpu.memref_slice %arg3[%dma_wait3A_317] : memref<320000xi32, #tpu.memory_space<hbm>> -> memref<128xi32, #tpu.memory_space<hbm>>
      %dma_wait3A_319 = arith.constant 0 : i32
      %dma_wait3A_320 = tpu.memref_slice %arg6[%dma_wait3A_313, %dma_wait3A_319] : memref<8x128xi32, #tpu.memory_space<vmem>> -> memref<1x128xi32, #tpu.memory_space<vmem>>
      %dma_wait3A_321 = tpu.memref_squeeze %dma_wait3A_320 : memref<1x128xi32, #tpu.memory_space<vmem>> -> memref<128xi32, #tpu.memory_space<vmem>>
      %dma_wait3A_322 = arith.constant 0 : i32
      %dma_wait3A_323 = tpu.memref_slice %arg3[%dma_wait3A_322] : memref<320000xi32, #tpu.memory_space<hbm>> -> memref<128xi32, #tpu.memory_space<hbm>>
      tpu.wait_dma2 semaphore(%arg9 : memref<!tpu.dma_semaphore, #tpu.memory_space<semaphore_mem>>) src(%dma_wait3A_323 : memref<128xi32, #tpu.memory_space<hbm>>) dst(%dma_wait3A_321 : memref<128xi32, #tpu.memory_space<vmem>>)
      %dma_wait3A_324 = arith.constant 5 : i32
      %dma_wait3A_325 = arith.constant 0 : i32
      %dma_wait3A_326 = tpu.memref_slice %arg6[%dma_wait3A_324, %dma_wait3A_325] : memref<8x128xi32, #tpu.memory_space<vmem>> -> memref<1x128xi32, #tpu.memory_space<vmem>>
      %dma_wait3A_327 = tpu.memref_squeeze %dma_wait3A_326 : memref<1x128xi32, #tpu.memory_space<vmem>> -> memref<128xi32, #tpu.memory_space<vmem>>
      %dma_wait3A_328 = arith.constant 0 : i32
      %dma_wait3A_329 = tpu.memref_slice %arg4[%dma_wait3A_328] : memref<320000xi32, #tpu.memory_space<hbm>> -> memref<128xi32, #tpu.memory_space<hbm>>
      %dma_wait3A_330 = arith.constant 0 : i32
      %dma_wait3A_331 = tpu.memref_slice %arg6[%dma_wait3A_324, %dma_wait3A_330] : memref<8x128xi32, #tpu.memory_space<vmem>> -> memref<1x128xi32, #tpu.memory_space<vmem>>
      %dma_wait3A_332 = tpu.memref_squeeze %dma_wait3A_331 : memref<1x128xi32, #tpu.memory_space<vmem>> -> memref<128xi32, #tpu.memory_space<vmem>>
      %dma_wait3A_333 = arith.constant 0 : i32
      %dma_wait3A_334 = tpu.memref_slice %arg4[%dma_wait3A_333] : memref<320000xi32, #tpu.memory_space<hbm>> -> memref<128xi32, #tpu.memory_space<hbm>>
      tpu.wait_dma2 semaphore(%arg9 : memref<!tpu.dma_semaphore, #tpu.memory_space<semaphore_mem>>) src(%dma_wait3A_334 : memref<128xi32, #tpu.memory_space<hbm>>) dst(%dma_wait3A_332 : memref<128xi32, #tpu.memory_space<vmem>>)
      %dma_start3A_335 = arith.constant 0 : i32
      %dma_start3A_336 = arith.constant 0 : i32
      %dma_start3A_337 = arith.constant 0 : i32
      %dma_start3A_338 = arith.constant 0 : i32
      %dma_start3A_339 = tpu.memref_slice %arg7[%dma_start3A_336, %dma_start3A_337, %dma_start3A_338] : memref<2x128x128xf32, #tpu.memory_space<vmem>> -> memref<1x128x128xf32, #tpu.memory_space<vmem>>
      %dma_start3A_340 = tpu.memref_squeeze %dma_start3A_339 : memref<1x128x128xf32, #tpu.memory_space<vmem>> -> memref<128x128xf32, #tpu.memory_space<vmem>>
      %dma_start3A_341 = arith.constant 0 : i32
      %dma_start3A_342 = tpu.memref_slice %arg6[%dma_start3A_335, %dma_start3A_341] : memref<8x128xi32, #tpu.memory_space<vmem>> -> memref<1x128xi32, #tpu.memory_space<vmem>>
      %dma_start3A_343 = tpu.memref_squeeze %dma_start3A_342 : memref<1x128xi32, #tpu.memory_space<vmem>> -> memref<128xi32, #tpu.memory_space<vmem>>
      %dma_start3A_344 = arith.constant 0 : i32
      %dma_start3A_345 = arith.constant 0 : i32
      %dma_start3A_346 = tpu.memref_slice %arg2[%dma_start3A_344, %dma_start3A_345] : memref<10000x128xf32, #tpu.memory_space<hbm>> -> memref<10000x128xf32, #tpu.memory_space<hbm>>
      tpu.enqueue_indirect_dma source(%dma_start3A_346 : memref<10000x128xf32, #tpu.memory_space<hbm>>) target(%dma_start3A_340 : memref<128x128xf32, #tpu.memory_space<vmem>>) offsets(%dma_start3A_343 : memref<128xi32, #tpu.memory_space<vmem>>) semaphore(%arg11 : memref<!tpu.dma_semaphore, #tpu.memory_space<semaphore_mem>>)
      %dma_start3A_347 = arith.constant 1 : i32
      %dma_start3A_348 = arith.constant 1 : i32
      %dma_start3A_349 = arith.constant 0 : i32
      %dma_start3A_350 = arith.constant 0 : i32
      %dma_start3A_351 = tpu.memref_slice %arg7[%dma_start3A_348, %dma_start3A_349, %dma_start3A_350] : memref<2x128x128xf32, #tpu.memory_space<vmem>> -> memref<1x128x128xf32, #tpu.memory_space<vmem>>
      %dma_start3A_352 = tpu.memref_squeeze %dma_start3A_351 : memref<1x128x128xf32, #tpu.memory_space<vmem>> -> memref<128x128xf32, #tpu.memory_space<vmem>>
      %dma_start3A_353 = arith.constant 0 : i32
      %dma_start3A_354 = tpu.memref_slice %arg6[%dma_start3A_347, %dma_start3A_353] : memref<8x128xi32, #tpu.memory_space<vmem>> -> memref<1x128xi32, #tpu.memory_space<vmem>>
      %dma_start3A_355 = tpu.memref_squeeze %dma_start3A_354 : memref<1x128xi32, #tpu.memory_space<vmem>> -> memref<128xi32, #tpu.memory_space<vmem>>
      %dma_start3A_356 = arith.constant 0 : i32
      %dma_start3A_357 = arith.constant 0 : i32
      %dma_start3A_358 = tpu.memref_slice %arg2[%dma_start3A_356, %dma_start3A_357] : memref<10000x128xf32, #tpu.memory_space<hbm>> -> memref<10000x128xf32, #tpu.memory_space<hbm>>
      tpu.enqueue_indirect_dma source(%dma_start3A_358 : memref<10000x128xf32, #tpu.memory_space<hbm>>) target(%dma_start3A_352 : memref<128x128xf32, #tpu.memory_space<vmem>>) offsets(%dma_start3A_355 : memref<128xi32, #tpu.memory_space<vmem>>) semaphore(%arg11 : memref<!tpu.dma_semaphore, #tpu.memory_space<semaphore_mem>>)
      %dma_wait3A_359 = arith.constant 0 : i32
      %dma_wait3A_360 = arith.constant 0 : i32
      %dma_wait3A_361 = arith.constant 0 : i32
      %dma_wait3A_362 = arith.constant 0 : i32
      %dma_wait3A_363 = tpu.memref_slice %arg7[%dma_wait3A_360, %dma_wait3A_361, %dma_wait3A_362] : memref<2x128x128xf32, #tpu.memory_space<vmem>> -> memref<1x128x128xf32, #tpu.memory_space<vmem>>
      %dma_wait3A_364 = tpu.memref_squeeze %dma_wait3A_363 : memref<1x128x128xf32, #tpu.memory_space<vmem>> -> memref<128x128xf32, #tpu.memory_space<vmem>>
      %dma_wait3A_365 = arith.constant 0 : i32
      %dma_wait3A_366 = tpu.memref_slice %arg6[%dma_wait3A_359, %dma_wait3A_365] : memref<8x128xi32, #tpu.memory_space<vmem>> -> memref<1x128xi32, #tpu.memory_space<vmem>>
      %dma_wait3A_367 = tpu.memref_squeeze %dma_wait3A_366 : memref<1x128xi32, #tpu.memory_space<vmem>> -> memref<128xi32, #tpu.memory_space<vmem>>
      %dma_wait3A_368 = arith.constant 0 : i32
      %dma_wait3A_369 = arith.constant 0 : i32
      %dma_wait3A_370 = tpu.memref_slice %arg2[%dma_wait3A_368, %dma_wait3A_369] : memref<10000x128xf32, #tpu.memory_space<hbm>> -> memref<10000x128xf32, #tpu.memory_space<hbm>>
      tpu.wait_indirect_dma semaphore(%arg11 : memref<!tpu.dma_semaphore, #tpu.memory_space<semaphore_mem>>) src(%dma_wait3A_370 : memref<10000x128xf32, #tpu.memory_space<hbm>>) dst(%dma_wait3A_364 : memref<128x128xf32, #tpu.memory_space<vmem>>)
      %dma_wait3A_371 = arith.constant 1 : i32
      %dma_wait3A_372 = arith.constant 1 : i32
      %dma_wait3A_373 = arith.constant 0 : i32
      %dma_wait3A_374 = arith.constant 0 : i32
      %dma_wait3A_375 = tpu.memref_slice %arg7[%dma_wait3A_372, %dma_wait3A_373, %dma_wait3A_374] : memref<2x128x128xf32, #tpu.memory_space<vmem>> -> memref<1x128x128xf32, #tpu.memory_space<vmem>>
      %dma_wait3A_376 = tpu.memref_squeeze %dma_wait3A_375 : memref<1x128x128xf32, #tpu.memory_space<vmem>> -> memref<128x128xf32, #tpu.memory_space<vmem>>
      %dma_wait3A_377 = arith.constant 0 : i32
      %dma_wait3A_378 = tpu.memref_slice %arg6[%dma_wait3A_371, %dma_wait3A_377] : memref<8x128xi32, #tpu.memory_space<vmem>> -> memref<1x128xi32, #tpu.memory_space<vmem>>
      %dma_wait3A_379 = tpu.memref_squeeze %dma_wait3A_378 : memref<1x128xi32, #tpu.memory_space<vmem>> -> memref<128xi32, #tpu.memory_space<vmem>>
      %dma_wait3A_380 = arith.constant 0 : i32
      %dma_wait3A_381 = arith.constant 0 : i32
      %dma_wait3A_382 = tpu.memref_slice %arg2[%dma_wait3A_380, %dma_wait3A_381] : memref<10000x128xf32, #tpu.memory_space<hbm>> -> memref<10000x128xf32, #tpu.memory_space<hbm>>
      tpu.wait_indirect_dma semaphore(%arg11 : memref<!tpu.dma_semaphore, #tpu.memory_space<semaphore_mem>>) src(%dma_wait3A_382 : memref<10000x128xf32, #tpu.memory_space<hbm>>) dst(%dma_wait3A_376 : memref<128x128xf32, #tpu.memory_space<vmem>>)
      %dma_start3A_383 = arith.constant 0 : i32
      %dma_start3A_384 = arith.constant 4 : i32
      %dma_start3A_385 = arith.constant 0 : i32
      %dma_start3A_386 = arith.constant 0 : i32
      %dma_start3A_387 = tpu.memref_slice %arg7[%dma_start3A_383, %dma_start3A_385, %dma_start3A_386] : memref<2x128x128xf32, #tpu.memory_space<vmem>> -> memref<1x128x128xf32, #tpu.memory_space<vmem>>
      %dma_start3A_388 = tpu.memref_squeeze %dma_start3A_387 : memref<1x128x128xf32, #tpu.memory_space<vmem>> -> memref<128x128xf32, #tpu.memory_space<vmem>>
      %dma_start3A_389 = arith.constant 0 : i32
      %dma_start3A_390 = tpu.memref_slice %arg6[%dma_start3A_384, %dma_start3A_389] : memref<8x128xi32, #tpu.memory_space<vmem>> -> memref<1x128xi32, #tpu.memory_space<vmem>>
      %dma_start3A_391 = tpu.memref_squeeze %dma_start3A_390 : memref<1x128xi32, #tpu.memory_space<vmem>> -> memref<128xi32, #tpu.memory_space<vmem>>
      %dma_start3A_392 = arith.constant 0 : i32
      %dma_start3A_393 = arith.constant 0 : i32
      %dma_start3A_394 = tpu.memref_slice %arg8[%dma_start3A_392, %dma_start3A_393] : memref<10000x128xf32, #tpu.memory_space<vmem_shared>> -> memref<10000x128xf32, #tpu.memory_space<vmem_shared>>
      tpu.enqueue_indirect_dma source(%dma_start3A_388 : memref<128x128xf32, #tpu.memory_space<vmem>>) target(%dma_start3A_394 : memref<10000x128xf32, #tpu.memory_space<vmem_shared>>) offsets(%dma_start3A_391 : memref<128xi32, #tpu.memory_space<vmem>>) semaphore(%arg12 : memref<!tpu.dma_semaphore, #tpu.memory_space<semaphore_mem>>) {add = true}
      %dma_start3A_395 = arith.constant 1 : i32
      %dma_start3A_396 = arith.constant 5 : i32
      %dma_start3A_397 = arith.constant 0 : i32
      %dma_start3A_398 = arith.constant 0 : i32
      %dma_start3A_399 = tpu.memref_slice %arg7[%dma_start3A_395, %dma_start3A_397, %dma_start3A_398] : memref<2x128x128xf32, #tpu.memory_space<vmem>> -> memref<1x128x128xf32, #tpu.memory_space<vmem>>
      %dma_start3A_400 = tpu.memref_squeeze %dma_start3A_399 : memref<1x128x128xf32, #tpu.memory_space<vmem>> -> memref<128x128xf32, #tpu.memory_space<vmem>>
      %dma_start3A_401 = arith.constant 0 : i32
      %dma_start3A_402 = tpu.memref_slice %arg6[%dma_start3A_396, %dma_start3A_401] : memref<8x128xi32, #tpu.memory_space<vmem>> -> memref<1x128xi32, #tpu.memory_space<vmem>>
      %dma_start3A_403 = tpu.memref_squeeze %dma_start3A_402 : memref<1x128xi32, #tpu.memory_space<vmem>> -> memref<128xi32, #tpu.memory_space<vmem>>
      %dma_start3A_404 = arith.constant 0 : i32
      %dma_start3A_405 = arith.constant 0 : i32
      %dma_start3A_406 = tpu.memref_slice %arg8[%dma_start3A_404, %dma_start3A_405] : memref<10000x128xf32, #tpu.memory_space<vmem_shared>> -> memref<10000x128xf32, #tpu.memory_space<vmem_shared>>
      tpu.enqueue_indirect_dma source(%dma_start3A_400 : memref<128x128xf32, #tpu.memory_space<vmem>>) target(%dma_start3A_406 : memref<10000x128xf32, #tpu.memory_space<vmem_shared>>) offsets(%dma_start3A_403 : memref<128xi32, #tpu.memory_space<vmem>>) semaphore(%arg12 : memref<!tpu.dma_semaphore, #tpu.memory_space<semaphore_mem>>) {add = true}
      %dma_wait3A_407 = arith.constant 0 : i32
      %dma_wait3A_408 = arith.constant 4 : i32
      %dma_wait3A_409 = arith.constant 0 : i32
      %dma_wait3A_410 = arith.constant 0 : i32
      %dma_wait3A_411 = tpu.memref_slice %arg7[%dma_wait3A_407, %dma_wait3A_409, %dma_wait3A_410] : memref<2x128x128xf32, #tpu.memory_space<vmem>> -> memref<1x128x128xf32, #tpu.memory_space<vmem>>
      %dma_wait3A_412 = tpu.memref_squeeze %dma_wait3A_411 : memref<1x128x128xf32, #tpu.memory_space<vmem>> -> memref<128x128xf32, #tpu.memory_space<vmem>>
      %dma_wait3A_413 = arith.constant 0 : i32
      %dma_wait3A_414 = tpu.memref_slice %arg6[%dma_wait3A_408, %dma_wait3A_413] : memref<8x128xi32, #tpu.memory_space<vmem>> -> memref<1x128xi32, #tpu.memory_space<vmem>>
      %dma_wait3A_415 = tpu.memref_squeeze %dma_wait3A_414 : memref<1x128xi32, #tpu.memory_space<vmem>> -> memref<128xi32, #tpu.memory_space<vmem>>
      %dma_wait3A_416 = arith.constant 0 : i32
      %dma_wait3A_417 = arith.constant 0 : i32
      %dma_wait3A_418 = tpu.memref_slice %arg8[%dma_wait3A_416, %dma_wait3A_417] : memref<10000x128xf32, #tpu.memory_space<vmem_shared>> -> memref<10000x128xf32, #tpu.memory_space<vmem_shared>>
      tpu.wait_indirect_dma semaphore(%arg12 : memref<!tpu.dma_semaphore, #tpu.memory_space<semaphore_mem>>) src(%dma_wait3A_412 : memref<128x128xf32, #tpu.memory_space<vmem>>) dst(%dma_wait3A_418 : memref<10000x128xf32, #tpu.memory_space<vmem_shared>>)
      %dma_wait3A_419 = arith.constant 1 : i32
      %dma_wait3A_420 = arith.constant 5 : i32
      %dma_wait3A_421 = arith.constant 0 : i32
      %dma_wait3A_422 = arith.constant 0 : i32
      %dma_wait3A_423 = tpu.memref_slice %arg7[%dma_wait3A_419, %dma_wait3A_421, %dma_wait3A_422] : memref<2x128x128xf32, #tpu.memory_space<vmem>> -> memref<1x128x128xf32, #tpu.memory_space<vmem>>
      %dma_wait3A_424 = tpu.memref_squeeze %dma_wait3A_423 : memref<1x128x128xf32, #tpu.memory_space<vmem>> -> memref<128x128xf32, #tpu.memory_space<vmem>>
      %dma_wait3A_425 = arith.constant 0 : i32
      %dma_wait3A_426 = tpu.memref_slice %arg6[%dma_wait3A_420, %dma_wait3A_425] : memref<8x128xi32, #tpu.memory_space<vmem>> -> memref<1x128xi32, #tpu.memory_space<vmem>>
      %dma_wait3A_427 = tpu.memref_squeeze %dma_wait3A_426 : memref<1x128xi32, #tpu.memory_space<vmem>> -> memref<128xi32, #tpu.memory_space<vmem>>
      %dma_wait3A_428 = arith.constant 0 : i32
      %dma_wait3A_429 = arith.constant 0 : i32
      %dma_wait3A_430 = tpu.memref_slice %arg8[%dma_wait3A_428, %dma_wait3A_429] : memref<10000x128xf32, #tpu.memory_space<vmem_shared>> -> memref<10000x128xf32, #tpu.memory_space<vmem_shared>>
      tpu.wait_indirect_dma semaphore(%arg12 : memref<!tpu.dma_semaphore, #tpu.memory_space<semaphore_mem>>) src(%dma_wait3A_424 : memref<128x128xf32, #tpu.memory_space<vmem>>) dst(%dma_wait3A_430 : memref<10000x128xf32, #tpu.memory_space<vmem_shared>>)
      %add3A_431 = arith.constant 2 : i32
      %add3A_432 = arith.addi %mul3A_234, %add3A_431 : i32
      %mul3A_433 = arith.constant 2 : i32
      %mul3A_434 = arith.muli %add3A_432, %mul3A_433 : i32
      %add3A_435 = arith.addi %add3A_27, %mul3A_434 : i32
      %add3A_436 = arith.constant 0 : i32
      %add3A_437 = arith.addi %add3A_435, %add3A_436 : i32
      %mul3A_438 = arith.constant 128 : i32
      %mul3A_439 = arith.muli %add3A_437, %mul3A_438 : i32
      %add3A_440 = arith.constant 0 : i32
      %add3A_441 = arith.addi %add3A_440, %mul3A_439 : i32
      %dma_start3A_442 = arith.constant 0 : i32
      %dma_start3A_443 = arith.constant 0 : i32
      %dma_start3A_444 = tpu.memref_slice %arg6[%dma_start3A_442, %dma_start3A_443] : memref<8x128xi32, #tpu.memory_space<vmem>> -> memref<1x128xi32, #tpu.memory_space<vmem>>
      %dma_start3A_445 = tpu.memref_squeeze %dma_start3A_444 : memref<1x128xi32, #tpu.memory_space<vmem>> -> memref<128xi32, #tpu.memory_space<vmem>>
      %dma_start3A_446 = tpu.memref_slice %arg3[%add3A_441] : memref<320000xi32, #tpu.memory_space<hbm>> -> memref<128xi32, #tpu.memory_space<hbm>>
      %dma_start3A_447 = arith.constant 0 : i32
      %dma_start3A_448 = tpu.memref_slice %arg6[%dma_start3A_442, %dma_start3A_447] : memref<8x128xi32, #tpu.memory_space<vmem>> -> memref<1x128xi32, #tpu.memory_space<vmem>>
      %dma_start3A_449 = tpu.memref_squeeze %dma_start3A_448 : memref<1x128xi32, #tpu.memory_space<vmem>> -> memref<128xi32, #tpu.memory_space<vmem>>
      %dma_start3A_450 = tpu.memref_slice %arg3[%add3A_441] : memref<320000xi32, #tpu.memory_space<hbm>> -> memref<128xi32, #tpu.memory_space<hbm>>
      tpu.enqueue_dma source(%dma_start3A_450 : memref<128xi32, #tpu.memory_space<hbm>>) target(%dma_start3A_449 : memref<128xi32, #tpu.memory_space<vmem>>) target_semaphore(%arg9 : memref<!tpu.dma_semaphore, #tpu.memory_space<semaphore_mem>>)
      %dma_start3A_451 = arith.constant 4 : i32
      %dma_start3A_452 = arith.constant 0 : i32
      %dma_start3A_453 = tpu.memref_slice %arg6[%dma_start3A_451, %dma_start3A_452] : memref<8x128xi32, #tpu.memory_space<vmem>> -> memref<1x128xi32, #tpu.memory_space<vmem>>
      %dma_start3A_454 = tpu.memref_squeeze %dma_start3A_453 : memref<1x128xi32, #tpu.memory_space<vmem>> -> memref<128xi32, #tpu.memory_space<vmem>>
      %dma_start3A_455 = tpu.memref_slice %arg4[%mul3A_439] : memref<320000xi32, #tpu.memory_space<hbm>> -> memref<128xi32, #tpu.memory_space<hbm>>
      %dma_start3A_456 = arith.constant 0 : i32
      %dma_start3A_457 = tpu.memref_slice %arg6[%dma_start3A_451, %dma_start3A_456] : memref<8x128xi32, #tpu.memory_space<vmem>> -> memref<1x128xi32, #tpu.memory_space<vmem>>
      %dma_start3A_458 = tpu.memref_squeeze %dma_start3A_457 : memref<1x128xi32, #tpu.memory_space<vmem>> -> memref<128xi32, #tpu.memory_space<vmem>>
      %dma_start3A_459 = tpu.memref_slice %arg4[%mul3A_439] : memref<320000xi32, #tpu.memory_space<hbm>> -> memref<128xi32, #tpu.memory_space<hbm>>
      tpu.enqueue_dma source(%dma_start3A_459 : memref<128xi32, #tpu.memory_space<hbm>>) target(%dma_start3A_458 : memref<128xi32, #tpu.memory_space<vmem>>) target_semaphore(%arg9 : memref<!tpu.dma_semaphore, #tpu.memory_space<semaphore_mem>>)
      %mul3A_460 = arith.constant 2 : i32
      %mul3A_461 = arith.muli %add3A_432, %mul3A_460 : i32
      %add3A_462 = arith.addi %add3A_27, %mul3A_461 : i32
      %add3A_463 = arith.constant 1 : i32
      %add3A_464 = arith.addi %add3A_462, %add3A_463 : i32
      %mul3A_465 = arith.constant 128 : i32
      %mul3A_466 = arith.muli %add3A_464, %mul3A_465 : i32
      %add3A_467 = arith.constant 0 : i32
      %add3A_468 = arith.addi %add3A_467, %mul3A_466 : i32
      %dma_start3A_469 = arith.constant 1 : i32
      %dma_start3A_470 = arith.constant 0 : i32
      %dma_start3A_471 = tpu.memref_slice %arg6[%dma_start3A_469, %dma_start3A_470] : memref<8x128xi32, #tpu.memory_space<vmem>> -> memref<1x128xi32, #tpu.memory_space<vmem>>
      %dma_start3A_472 = tpu.memref_squeeze %dma_start3A_471 : memref<1x128xi32, #tpu.memory_space<vmem>> -> memref<128xi32, #tpu.memory_space<vmem>>
      %dma_start3A_473 = tpu.memref_slice %arg3[%add3A_468] : memref<320000xi32, #tpu.memory_space<hbm>> -> memref<128xi32, #tpu.memory_space<hbm>>
      %dma_start3A_474 = arith.constant 0 : i32
      %dma_start3A_475 = tpu.memref_slice %arg6[%dma_start3A_469, %dma_start3A_474] : memref<8x128xi32, #tpu.memory_space<vmem>> -> memref<1x128xi32, #tpu.memory_space<vmem>>
      %dma_start3A_476 = tpu.memref_squeeze %dma_start3A_475 : memref<1x128xi32, #tpu.memory_space<vmem>> -> memref<128xi32, #tpu.memory_space<vmem>>
      %dma_start3A_477 = tpu.memref_slice %arg3[%add3A_468] : memref<320000xi32, #tpu.memory_space<hbm>> -> memref<128xi32, #tpu.memory_space<hbm>>
      tpu.enqueue_dma source(%dma_start3A_477 : memref<128xi32, #tpu.memory_space<hbm>>) target(%dma_start3A_476 : memref<128xi32, #tpu.memory_space<vmem>>) target_semaphore(%arg9 : memref<!tpu.dma_semaphore, #tpu.memory_space<semaphore_mem>>)
      %dma_start3A_478 = arith.constant 5 : i32
      %dma_start3A_479 = arith.constant 0 : i32
      %dma_start3A_480 = tpu.memref_slice %arg6[%dma_start3A_478, %dma_start3A_479] : memref<8x128xi32, #tpu.memory_space<vmem>> -> memref<1x128xi32, #tpu.memory_space<vmem>>
      %dma_start3A_481 = tpu.memref_squeeze %dma_start3A_480 : memref<1x128xi32, #tpu.memory_space<vmem>> -> memref<128xi32, #tpu.memory_space<vmem>>
      %dma_start3A_482 = tpu.memref_slice %arg4[%mul3A_466] : memref<320000xi32, #tpu.memory_space<hbm>> -> memref<128xi32, #tpu.memory_space<hbm>>
      %dma_start3A_483 = arith.constant 0 : i32
      %dma_start3A_484 = tpu.memref_slice %arg6[%dma_start3A_478, %dma_start3A_483] : memref<8x128xi32, #tpu.memory_space<vmem>> -> memref<1x128xi32, #tpu.memory_space<vmem>>
      %dma_start3A_485 = tpu.memref_squeeze %dma_start3A_484 : memref<1x128xi32, #tpu.memory_space<vmem>> -> memref<128xi32, #tpu.memory_space<vmem>>
      %dma_start3A_486 = tpu.memref_slice %arg4[%mul3A_466] : memref<320000xi32, #tpu.memory_space<hbm>> -> memref<128xi32, #tpu.memory_space<hbm>>
      tpu.enqueue_dma source(%dma_start3A_486 : memref<128xi32, #tpu.memory_space<hbm>>) target(%dma_start3A_485 : memref<128xi32, #tpu.memory_space<vmem>>) target_semaphore(%arg9 : memref<!tpu.dma_semaphore, #tpu.memory_space<semaphore_mem>>)
      %dma_wait3A_487 = arith.constant 2 : i32
      %dma_wait3A_488 = arith.constant 0 : i32
      %dma_wait3A_489 = tpu.memref_slice %arg6[%dma_wait3A_487, %dma_wait3A_488] : memref<8x128xi32, #tpu.memory_space<vmem>> -> memref<1x128xi32, #tpu.memory_space<vmem>>
      %dma_wait3A_490 = tpu.memref_squeeze %dma_wait3A_489 : memref<1x128xi32, #tpu.memory_space<vmem>> -> memref<128xi32, #tpu.memory_space<vmem>>
      %dma_wait3A_491 = arith.constant 0 : i32
      %dma_wait3A_492 = tpu.memref_slice %arg3[%dma_wait3A_491] : memref<320000xi32, #tpu.memory_space<hbm>> -> memref<128xi32, #tpu.memory_space<hbm>>
      %dma_wait3A_493 = arith.constant 0 : i32
      %dma_wait3A_494 = tpu.memref_slice %arg6[%dma_wait3A_487, %dma_wait3A_493] : memref<8x128xi32, #tpu.memory_space<vmem>> -> memref<1x128xi32, #tpu.memory_space<vmem>>
      %dma_wait3A_495 = tpu.memref_squeeze %dma_wait3A_494 : memref<1x128xi32, #tpu.memory_space<vmem>> -> memref<128xi32, #tpu.memory_space<vmem>>
      %dma_wait3A_496 = arith.constant 0 : i32
      %dma_wait3A_497 = tpu.memref_slice %arg3[%dma_wait3A_496] : memref<320000xi32, #tpu.memory_space<hbm>> -> memref<128xi32, #tpu.memory_space<hbm>>
      tpu.wait_dma2 semaphore(%arg10 : memref<!tpu.dma_semaphore, #tpu.memory_space<semaphore_mem>>) src(%dma_wait3A_497 : memref<128xi32, #tpu.memory_space<hbm>>) dst(%dma_wait3A_495 : memref<128xi32, #tpu.memory_space<vmem>>)
      %dma_wait3A_498 = arith.constant 6 : i32
      %dma_wait3A_499 = arith.constant 0 : i32
      %dma_wait3A_500 = tpu.memref_slice %arg6[%dma_wait3A_498, %dma_wait3A_499] : memref<8x128xi32, #tpu.memory_space<vmem>> -> memref<1x128xi32, #tpu.memory_space<vmem>>
      %dma_wait3A_501 = tpu.memref_squeeze %dma_wait3A_500 : memref<1x128xi32, #tpu.memory_space<vmem>> -> memref<128xi32, #tpu.memory_space<vmem>>
      %dma_wait3A_502 = arith.constant 0 : i32
      %dma_wait3A_503 = tpu.memref_slice %arg4[%dma_wait3A_502] : memref<320000xi32, #tpu.memory_space<hbm>> -> memref<128xi32, #tpu.memory_space<hbm>>
      %dma_wait3A_504 = arith.constant 0 : i32
      %dma_wait3A_505 = tpu.memref_slice %arg6[%dma_wait3A_498, %dma_wait3A_504] : memref<8x128xi32, #tpu.memory_space<vmem>> -> memref<1x128xi32, #tpu.memory_space<vmem>>
      %dma_wait3A_506 = tpu.memref_squeeze %dma_wait3A_505 : memref<1x128xi32, #tpu.memory_space<vmem>> -> memref<128xi32, #tpu.memory_space<vmem>>
      %dma_wait3A_507 = arith.constant 0 : i32
      %dma_wait3A_508 = tpu.memref_slice %arg4[%dma_wait3A_507] : memref<320000xi32, #tpu.memory_space<hbm>> -> memref<128xi32, #tpu.memory_space<hbm>>
      tpu.wait_dma2 semaphore(%arg10 : memref<!tpu.dma_semaphore, #tpu.memory_space<semaphore_mem>>) src(%dma_wait3A_508 : memref<128xi32, #tpu.memory_space<hbm>>) dst(%dma_wait3A_506 : memref<128xi32, #tpu.memory_space<vmem>>)
      %dma_wait3A_509 = arith.constant 3 : i32
      %dma_wait3A_510 = arith.constant 0 : i32
      %dma_wait3A_511 = tpu.memref_slice %arg6[%dma_wait3A_509, %dma_wait3A_510] : memref<8x128xi32, #tpu.memory_space<vmem>> -> memref<1x128xi32, #tpu.memory_space<vmem>>
      %dma_wait3A_512 = tpu.memref_squeeze %dma_wait3A_511 : memref<1x128xi32, #tpu.memory_space<vmem>> -> memref<128xi32, #tpu.memory_space<vmem>>
      %dma_wait3A_513 = arith.constant 0 : i32
      %dma_wait3A_514 = tpu.memref_slice %arg3[%dma_wait3A_513] : memref<320000xi32, #tpu.memory_space<hbm>> -> memref<128xi32, #tpu.memory_space<hbm>>
      %dma_wait3A_515 = arith.constant 0 : i32
      %dma_wait3A_516 = tpu.memref_slice %arg6[%dma_wait3A_509, %dma_wait3A_515] : memref<8x128xi32, #tpu.memory_space<vmem>> -> memref<1x128xi32, #tpu.memory_space<vmem>>
      %dma_wait3A_517 = tpu.memref_squeeze %dma_wait3A_516 : memref<1x128xi32, #tpu.memory_space<vmem>> -> memref<128xi32, #tpu.memory_space<vmem>>
      %dma_wait3A_518 = arith.constant 0 : i32
      %dma_wait3A_519 = tpu.memref_slice %arg3[%dma_wait3A_518] : memref<320000xi32, #tpu.memory_space<hbm>> -> memref<128xi32, #tpu.memory_space<hbm>>
      tpu.wait_dma2 semaphore(%arg10 : memref<!tpu.dma_semaphore, #tpu.memory_space<semaphore_mem>>) src(%dma_wait3A_519 : memref<128xi32, #tpu.memory_space<hbm>>) dst(%dma_wait3A_517 : memref<128xi32, #tpu.memory_space<vmem>>)
      %dma_wait3A_520 = arith.constant 7 : i32
      %dma_wait3A_521 = arith.constant 0 : i32
      %dma_wait3A_522 = tpu.memref_slice %arg6[%dma_wait3A_520, %dma_wait3A_521] : memref<8x128xi32, #tpu.memory_space<vmem>> -> memref<1x128xi32, #tpu.memory_space<vmem>>
      %dma_wait3A_523 = tpu.memref_squeeze %dma_wait3A_522 : memref<1x128xi32, #tpu.memory_space<vmem>> -> memref<128xi32, #tpu.memory_space<vmem>>
      %dma_wait3A_524 = arith.constant 0 : i32
      %dma_wait3A_525 = tpu.memref_slice %arg4[%dma_wait3A_524] : memref<320000xi32, #tpu.memory_space<hbm>> -> memref<128xi32, #tpu.memory_space<hbm>>
      %dma_wait3A_526 = arith.constant 0 : i32
      %dma_wait3A_527 = tpu.memref_slice %arg6[%dma_wait3A_520, %dma_wait3A_526] : memref<8x128xi32, #tpu.memory_space<vmem>> -> memref<1x128xi32, #tpu.memory_space<vmem>>
      %dma_wait3A_528 = tpu.memref_squeeze %dma_wait3A_527 : memref<1x128xi32, #tpu.memory_space<vmem>> -> memref<128xi32, #tpu.memory_space<vmem>>
      %dma_wait3A_529 = arith.constant 0 : i32
      %dma_wait3A_530 = tpu.memref_slice %arg4[%dma_wait3A_529] : memref<320000xi32, #tpu.memory_space<hbm>> -> memref<128xi32, #tpu.memory_space<hbm>>
      tpu.wait_dma2 semaphore(%arg10 : memref<!tpu.dma_semaphore, #tpu.memory_space<semaphore_mem>>) src(%dma_wait3A_530 : memref<128xi32, #tpu.memory_space<hbm>>) dst(%dma_wait3A_528 : memref<128xi32, #tpu.memory_space<vmem>>)
      %dma_start3A_531 = arith.constant 2 : i32
      %dma_start3A_532 = arith.constant 0 : i32
      %dma_start3A_533 = arith.constant 0 : i32
      %dma_start3A_534 = arith.constant 0 : i32
      %dma_start3A_535 = tpu.memref_slice %arg7[%dma_start3A_532, %dma_start3A_533, %dma_start3A_534] : memref<2x128x128xf32, #tpu.memory_space<vmem>> -> memref<1x128x128xf32, #tpu.memory_space<vmem>>
      %dma_start3A_536 = tpu.memref_squeeze %dma_start3A_535 : memref<1x128x128xf32, #tpu.memory_space<vmem>> -> memref<128x128xf32, #tpu.memory_space<vmem>>
      %dma_start3A_537 = arith.constant 0 : i32
      %dma_start3A_538 = tpu.memref_slice %arg6[%dma_start3A_531, %dma_start3A_537] : memref<8x128xi32, #tpu.memory_space<vmem>> -> memref<1x128xi32, #tpu.memory_space<vmem>>
      %dma_start3A_539 = tpu.memref_squeeze %dma_start3A_538 : memref<1x128xi32, #tpu.memory_space<vmem>> -> memref<128xi32, #tpu.memory_space<vmem>>
      %dma_start3A_540 = arith.constant 0 : i32
      %dma_start3A_541 = arith.constant 0 : i32
      %dma_start3A_542 = tpu.memref_slice %arg2[%dma_start3A_540, %dma_start3A_541] : memref<10000x128xf32, #tpu.memory_space<hbm>> -> memref<10000x128xf32, #tpu.memory_space<hbm>>
      tpu.enqueue_indirect_dma source(%dma_start3A_542 : memref<10000x128xf32, #tpu.memory_space<hbm>>) target(%dma_start3A_536 : memref<128x128xf32, #tpu.memory_space<vmem>>) offsets(%dma_start3A_539 : memref<128xi32, #tpu.memory_space<vmem>>) semaphore(%arg11 : memref<!tpu.dma_semaphore, #tpu.memory_space<semaphore_mem>>)
      %dma_start3A_543 = arith.constant 3 : i32
      %dma_start3A_544 = arith.constant 1 : i32
      %dma_start3A_545 = arith.constant 0 : i32
      %dma_start3A_546 = arith.constant 0 : i32
      %dma_start3A_547 = tpu.memref_slice %arg7[%dma_start3A_544, %dma_start3A_545, %dma_start3A_546] : memref<2x128x128xf32, #tpu.memory_space<vmem>> -> memref<1x128x128xf32, #tpu.memory_space<vmem>>
      %dma_start3A_548 = tpu.memref_squeeze %dma_start3A_547 : memref<1x128x128xf32, #tpu.memory_space<vmem>> -> memref<128x128xf32, #tpu.memory_space<vmem>>
      %dma_start3A_549 = arith.constant 0 : i32
      %dma_start3A_550 = tpu.memref_slice %arg6[%dma_start3A_543, %dma_start3A_549] : memref<8x128xi32, #tpu.memory_space<vmem>> -> memref<1x128xi32, #tpu.memory_space<vmem>>
      %dma_start3A_551 = tpu.memref_squeeze %dma_start3A_550 : memref<1x128xi32, #tpu.memory_space<vmem>> -> memref<128xi32, #tpu.memory_space<vmem>>
      %dma_start3A_552 = arith.constant 0 : i32
      %dma_start3A_553 = arith.constant 0 : i32
      %dma_start3A_554 = tpu.memref_slice %arg2[%dma_start3A_552, %dma_start3A_553] : memref<10000x128xf32, #tpu.memory_space<hbm>> -> memref<10000x128xf32, #tpu.memory_space<hbm>>
      tpu.enqueue_indirect_dma source(%dma_start3A_554 : memref<10000x128xf32, #tpu.memory_space<hbm>>) target(%dma_start3A_548 : memref<128x128xf32, #tpu.memory_space<vmem>>) offsets(%dma_start3A_551 : memref<128xi32, #tpu.memory_space<vmem>>) semaphore(%arg11 : memref<!tpu.dma_semaphore, #tpu.memory_space<semaphore_mem>>)
      %dma_wait3A_555 = arith.constant 2 : i32
      %dma_wait3A_556 = arith.constant 0 : i32
      %dma_wait3A_557 = arith.constant 0 : i32
      %dma_wait3A_558 = arith.constant 0 : i32
      %dma_wait3A_559 = tpu.memref_slice %arg7[%dma_wait3A_556, %dma_wait3A_557, %dma_wait3A_558] : memref<2x128x128xf32, #tpu.memory_space<vmem>> -> memref<1x128x128xf32, #tpu.memory_space<vmem>>
      %dma_wait3A_560 = tpu.memref_squeeze %dma_wait3A_559 : memref<1x128x128xf32, #tpu.memory_space<vmem>> -> memref<128x128xf32, #tpu.memory_space<vmem>>
      %dma_wait3A_561 = arith.constant 0 : i32
      %dma_wait3A_562 = tpu.memref_slice %arg6[%dma_wait3A_555, %dma_wait3A_561] : memref<8x128xi32, #tpu.memory_space<vmem>> -> memref<1x128xi32, #tpu.memory_space<vmem>>
      %dma_wait3A_563 = tpu.memref_squeeze %dma_wait3A_562 : memref<1x128xi32, #tpu.memory_space<vmem>> -> memref<128xi32, #tpu.memory_space<vmem>>
      %dma_wait3A_564 = arith.constant 0 : i32
      %dma_wait3A_565 = arith.constant 0 : i32
      %dma_wait3A_566 = tpu.memref_slice %arg2[%dma_wait3A_564, %dma_wait3A_565] : memref<10000x128xf32, #tpu.memory_space<hbm>> -> memref<10000x128xf32, #tpu.memory_space<hbm>>
      tpu.wait_indirect_dma semaphore(%arg11 : memref<!tpu.dma_semaphore, #tpu.memory_space<semaphore_mem>>) src(%dma_wait3A_566 : memref<10000x128xf32, #tpu.memory_space<hbm>>) dst(%dma_wait3A_560 : memref<128x128xf32, #tpu.memory_space<vmem>>)
      %dma_wait3A_567 = arith.constant 3 : i32
      %dma_wait3A_568 = arith.constant 1 : i32
      %dma_wait3A_569 = arith.constant 0 : i32
      %dma_wait3A_570 = arith.constant 0 : i32
      %dma_wait3A_571 = tpu.memref_slice %arg7[%dma_wait3A_568, %dma_wait3A_569, %dma_wait3A_570] : memref<2x128x128xf32, #tpu.memory_space<vmem>> -> memref<1x128x128xf32, #tpu.memory_space<vmem>>
      %dma_wait3A_572 = tpu.memref_squeeze %dma_wait3A_571 : memref<1x128x128xf32, #tpu.memory_space<vmem>> -> memref<128x128xf32, #tpu.memory_space<vmem>>
      %dma_wait3A_573 = arith.constant 0 : i32
      %dma_wait3A_574 = tpu.memref_slice %arg6[%dma_wait3A_567, %dma_wait3A_573] : memref<8x128xi32, #tpu.memory_space<vmem>> -> memref<1x128xi32, #tpu.memory_space<vmem>>
      %dma_wait3A_575 = tpu.memref_squeeze %dma_wait3A_574 : memref<1x128xi32, #tpu.memory_space<vmem>> -> memref<128xi32, #tpu.memory_space<vmem>>
      %dma_wait3A_576 = arith.constant 0 : i32
      %dma_wait3A_577 = arith.constant 0 : i32
      %dma_wait3A_578 = tpu.memref_slice %arg2[%dma_wait3A_576, %dma_wait3A_577] : memref<10000x128xf32, #tpu.memory_space<hbm>> -> memref<10000x128xf32, #tpu.memory_space<hbm>>
      tpu.wait_indirect_dma semaphore(%arg11 : memref<!tpu.dma_semaphore, #tpu.memory_space<semaphore_mem>>) src(%dma_wait3A_578 : memref<10000x128xf32, #tpu.memory_space<hbm>>) dst(%dma_wait3A_572 : memref<128x128xf32, #tpu.memory_space<vmem>>)
      %dma_start3A_579 = arith.constant 0 : i32
      %dma_start3A_580 = arith.constant 6 : i32
      %dma_start3A_581 = arith.constant 0 : i32
      %dma_start3A_582 = arith.constant 0 : i32
      %dma_start3A_583 = tpu.memref_slice %arg7[%dma_start3A_579, %dma_start3A_581, %dma_start3A_582] : memref<2x128x128xf32, #tpu.memory_space<vmem>> -> memref<1x128x128xf32, #tpu.memory_space<vmem>>
      %dma_start3A_584 = tpu.memref_squeeze %dma_start3A_583 : memref<1x128x128xf32, #tpu.memory_space<vmem>> -> memref<128x128xf32, #tpu.memory_space<vmem>>
      %dma_start3A_585 = arith.constant 0 : i32
      %dma_start3A_586 = tpu.memref_slice %arg6[%dma_start3A_580, %dma_start3A_585] : memref<8x128xi32, #tpu.memory_space<vmem>> -> memref<1x128xi32, #tpu.memory_space<vmem>>
      %dma_start3A_587 = tpu.memref_squeeze %dma_start3A_586 : memref<1x128xi32, #tpu.memory_space<vmem>> -> memref<128xi32, #tpu.memory_space<vmem>>
      %dma_start3A_588 = arith.constant 0 : i32
      %dma_start3A_589 = arith.constant 0 : i32
      %dma_start3A_590 = tpu.memref_slice %arg8[%dma_start3A_588, %dma_start3A_589] : memref<10000x128xf32, #tpu.memory_space<vmem_shared>> -> memref<10000x128xf32, #tpu.memory_space<vmem_shared>>
      tpu.enqueue_indirect_dma source(%dma_start3A_584 : memref<128x128xf32, #tpu.memory_space<vmem>>) target(%dma_start3A_590 : memref<10000x128xf32, #tpu.memory_space<vmem_shared>>) offsets(%dma_start3A_587 : memref<128xi32, #tpu.memory_space<vmem>>) semaphore(%arg12 : memref<!tpu.dma_semaphore, #tpu.memory_space<semaphore_mem>>) {add = true}
      %dma_start3A_591 = arith.constant 1 : i32
      %dma_start3A_592 = arith.constant 7 : i32
      %dma_start3A_593 = arith.constant 0 : i32
      %dma_start3A_594 = arith.constant 0 : i32
      %dma_start3A_595 = tpu.memref_slice %arg7[%dma_start3A_591, %dma_start3A_593, %dma_start3A_594] : memref<2x128x128xf32, #tpu.memory_space<vmem>> -> memref<1x128x128xf32, #tpu.memory_space<vmem>>
      %dma_start3A_596 = tpu.memref_squeeze %dma_start3A_595 : memref<1x128x128xf32, #tpu.memory_space<vmem>> -> memref<128x128xf32, #tpu.memory_space<vmem>>
      %dma_start3A_597 = arith.constant 0 : i32
      %dma_start3A_598 = tpu.memref_slice %arg6[%dma_start3A_592, %dma_start3A_597] : memref<8x128xi32, #tpu.memory_space<vmem>> -> memref<1x128xi32, #tpu.memory_space<vmem>>
      %dma_start3A_599 = tpu.memref_squeeze %dma_start3A_598 : memref<1x128xi32, #tpu.memory_space<vmem>> -> memref<128xi32, #tpu.memory_space<vmem>>
      %dma_start3A_600 = arith.constant 0 : i32
      %dma_start3A_601 = arith.constant 0 : i32
      %dma_start3A_602 = tpu.memref_slice %arg8[%dma_start3A_600, %dma_start3A_601] : memref<10000x128xf32, #tpu.memory_space<vmem_shared>> -> memref<10000x128xf32, #tpu.memory_space<vmem_shared>>
      tpu.enqueue_indirect_dma source(%dma_start3A_596 : memref<128x128xf32, #tpu.memory_space<vmem>>) target(%dma_start3A_602 : memref<10000x128xf32, #tpu.memory_space<vmem_shared>>) offsets(%dma_start3A_599 : memref<128xi32, #tpu.memory_space<vmem>>) semaphore(%arg12 : memref<!tpu.dma_semaphore, #tpu.memory_space<semaphore_mem>>) {add = true}
      %dma_wait3A_603 = arith.constant 0 : i32
      %dma_wait3A_604 = arith.constant 6 : i32
      %dma_wait3A_605 = arith.constant 0 : i32
      %dma_wait3A_606 = arith.constant 0 : i32
      %dma_wait3A_607 = tpu.memref_slice %arg7[%dma_wait3A_603, %dma_wait3A_605, %dma_wait3A_606] : memref<2x128x128xf32, #tpu.memory_space<vmem>> -> memref<1x128x128xf32, #tpu.memory_space<vmem>>
      %dma_wait3A_608 = tpu.memref_squeeze %dma_wait3A_607 : memref<1x128x128xf32, #tpu.memory_space<vmem>> -> memref<128x128xf32, #tpu.memory_space<vmem>>
      %dma_wait3A_609 = arith.constant 0 : i32
      %dma_wait3A_610 = tpu.memref_slice %arg6[%dma_wait3A_604, %dma_wait3A_609] : memref<8x128xi32, #tpu.memory_space<vmem>> -> memref<1x128xi32, #tpu.memory_space<vmem>>
      %dma_wait3A_611 = tpu.memref_squeeze %dma_wait3A_610 : memref<1x128xi32, #tpu.memory_space<vmem>> -> memref<128xi32, #tpu.memory_space<vmem>>
      %dma_wait3A_612 = arith.constant 0 : i32
      %dma_wait3A_613 = arith.constant 0 : i32
      %dma_wait3A_614 = tpu.memref_slice %arg8[%dma_wait3A_612, %dma_wait3A_613] : memref<10000x128xf32, #tpu.memory_space<vmem_shared>> -> memref<10000x128xf32, #tpu.memory_space<vmem_shared>>
      tpu.wait_indirect_dma semaphore(%arg12 : memref<!tpu.dma_semaphore, #tpu.memory_space<semaphore_mem>>) src(%dma_wait3A_608 : memref<128x128xf32, #tpu.memory_space<vmem>>) dst(%dma_wait3A_614 : memref<10000x128xf32, #tpu.memory_space<vmem_shared>>)
      %dma_wait3A_615 = arith.constant 1 : i32
      %dma_wait3A_616 = arith.constant 7 : i32
      %dma_wait3A_617 = arith.constant 0 : i32
      %dma_wait3A_618 = arith.constant 0 : i32
      %dma_wait3A_619 = tpu.memref_slice %arg7[%dma_wait3A_615, %dma_wait3A_617, %dma_wait3A_618] : memref<2x128x128xf32, #tpu.memory_space<vmem>> -> memref<1x128x128xf32, #tpu.memory_space<vmem>>
      %dma_wait3A_620 = tpu.memref_squeeze %dma_wait3A_619 : memref<1x128x128xf32, #tpu.memory_space<vmem>> -> memref<128x128xf32, #tpu.memory_space<vmem>>
      %dma_wait3A_621 = arith.constant 0 : i32
      %dma_wait3A_622 = tpu.memref_slice %arg6[%dma_wait3A_616, %dma_wait3A_621] : memref<8x128xi32, #tpu.memory_space<vmem>> -> memref<1x128xi32, #tpu.memory_space<vmem>>
      %dma_wait3A_623 = tpu.memref_squeeze %dma_wait3A_622 : memref<1x128xi32, #tpu.memory_space<vmem>> -> memref<128xi32, #tpu.memory_space<vmem>>
      %dma_wait3A_624 = arith.constant 0 : i32
      %dma_wait3A_625 = arith.constant 0 : i32
      %dma_wait3A_626 = tpu.memref_slice %arg8[%dma_wait3A_624, %dma_wait3A_625] : memref<10000x128xf32, #tpu.memory_space<vmem_shared>> -> memref<10000x128xf32, #tpu.memory_space<vmem_shared>>
      tpu.wait_indirect_dma semaphore(%arg12 : memref<!tpu.dma_semaphore, #tpu.memory_space<semaphore_mem>>) src(%dma_wait3A_620 : memref<128x128xf32, #tpu.memory_space<vmem>>) dst(%dma_wait3A_626 : memref<10000x128xf32, #tpu.memory_space<vmem_shared>>)
    }
    %scan3A_87 = arith.constant 19 : i32
    %dma_wait3A = arith.constant 0 : i32
    %dma_wait3A_88 = arith.constant 0 : i32
    %dma_wait3A_89 = tpu.memref_slice %arg6[%dma_wait3A, %dma_wait3A_88] : memref<8x128xi32, #tpu.memory_space<vmem>> -> memref<1x128xi32, #tpu.memory_space<vmem>>
    %dma_wait3A_90 = tpu.memref_squeeze %dma_wait3A_89 : memref<1x128xi32, #tpu.memory_space<vmem>> -> memref<128xi32, #tpu.memory_space<vmem>>
    %dma_wait3A_91 = arith.constant 0 : i32
    %dma_wait3A_92 = tpu.memref_slice %arg3[%dma_wait3A_91] : memref<320000xi32, #tpu.memory_space<hbm>> -> memref<128xi32, #tpu.memory_space<hbm>>
    %dma_wait3A_93 = arith.constant 0 : i32
    %dma_wait3A_94 = tpu.memref_slice %arg6[%dma_wait3A, %dma_wait3A_93] : memref<8x128xi32, #tpu.memory_space<vmem>> -> memref<1x128xi32, #tpu.memory_space<vmem>>
    %dma_wait3A_95 = tpu.memref_squeeze %dma_wait3A_94 : memref<1x128xi32, #tpu.memory_space<vmem>> -> memref<128xi32, #tpu.memory_space<vmem>>
    %dma_wait3A_96 = arith.constant 0 : i32
    %dma_wait3A_97 = tpu.memref_slice %arg3[%dma_wait3A_96] : memref<320000xi32, #tpu.memory_space<hbm>> -> memref<128xi32, #tpu.memory_space<hbm>>
    tpu.wait_dma2 semaphore(%arg9 : memref<!tpu.dma_semaphore, #tpu.memory_space<semaphore_mem>>) src(%dma_wait3A_97 : memref<128xi32, #tpu.memory_space<hbm>>) dst(%dma_wait3A_95 : memref<128xi32, #tpu.memory_space<vmem>>)
    %dma_wait3A_98 = arith.constant 4 : i32
    %dma_wait3A_99 = arith.constant 0 : i32
    %dma_wait3A_100 = tpu.memref_slice %arg6[%dma_wait3A_98, %dma_wait3A_99] : memref<8x128xi32, #tpu.memory_space<vmem>> -> memref<1x128xi32, #tpu.memory_space<vmem>>
    %dma_wait3A_101 = tpu.memref_squeeze %dma_wait3A_100 : memref<1x128xi32, #tpu.memory_space<vmem>> -> memref<128xi32, #tpu.memory_space<vmem>>
    %dma_wait3A_102 = arith.constant 0 : i32
    %dma_wait3A_103 = tpu.memref_slice %arg4[%dma_wait3A_102] : memref<320000xi32, #tpu.memory_space<hbm>> -> memref<128xi32, #tpu.memory_space<hbm>>
    %dma_wait3A_104 = arith.constant 0 : i32
    %dma_wait3A_105 = tpu.memref_slice %arg6[%dma_wait3A_98, %dma_wait3A_104] : memref<8x128xi32, #tpu.memory_space<vmem>> -> memref<1x128xi32, #tpu.memory_space<vmem>>
    %dma_wait3A_106 = tpu.memref_squeeze %dma_wait3A_105 : memref<1x128xi32, #tpu.memory_space<vmem>> -> memref<128xi32, #tpu.memory_space<vmem>>
    %dma_wait3A_107 = arith.constant 0 : i32
    %dma_wait3A_108 = tpu.memref_slice %arg4[%dma_wait3A_107] : memref<320000xi32, #tpu.memory_space<hbm>> -> memref<128xi32, #tpu.memory_space<hbm>>
    tpu.wait_dma2 semaphore(%arg9 : memref<!tpu.dma_semaphore, #tpu.memory_space<semaphore_mem>>) src(%dma_wait3A_108 : memref<128xi32, #tpu.memory_space<hbm>>) dst(%dma_wait3A_106 : memref<128xi32, #tpu.memory_space<vmem>>)
    %dma_wait3A_109 = arith.constant 1 : i32
    %dma_wait3A_110 = arith.constant 0 : i32
    %dma_wait3A_111 = tpu.memref_slice %arg6[%dma_wait3A_109, %dma_wait3A_110] : memref<8x128xi32, #tpu.memory_space<vmem>> -> memref<1x128xi32, #tpu.memory_space<vmem>>
    %dma_wait3A_112 = tpu.memref_squeeze %dma_wait3A_111 : memref<1x128xi32, #tpu.memory_space<vmem>> -> memref<128xi32, #tpu.memory_space<vmem>>
    %dma_wait3A_113 = arith.constant 0 : i32
    %dma_wait3A_114 = tpu.memref_slice %arg3[%dma_wait3A_113] : memref<320000xi32, #tpu.memory_space<hbm>> -> memref<128xi32, #tpu.memory_space<hbm>>
    %dma_wait3A_115 = arith.constant 0 : i32
    %dma_wait3A_116 = tpu.memref_slice %arg6[%dma_wait3A_109, %dma_wait3A_115] : memref<8x128xi32, #tpu.memory_space<vmem>> -> memref<1x128xi32, #tpu.memory_space<vmem>>
    %dma_wait3A_117 = tpu.memref_squeeze %dma_wait3A_116 : memref<1x128xi32, #tpu.memory_space<vmem>> -> memref<128xi32, #tpu.memory_space<vmem>>
    %dma_wait3A_118 = arith.constant 0 : i32
    %dma_wait3A_119 = tpu.memref_slice %arg3[%dma_wait3A_118] : memref<320000xi32, #tpu.memory_space<hbm>> -> memref<128xi32, #tpu.memory_space<hbm>>
    tpu.wait_dma2 semaphore(%arg9 : memref<!tpu.dma_semaphore, #tpu.memory_space<semaphore_mem>>) src(%dma_wait3A_119 : memref<128xi32, #tpu.memory_space<hbm>>) dst(%dma_wait3A_117 : memref<128xi32, #tpu.memory_space<vmem>>)
    %dma_wait3A_120 = arith.constant 5 : i32
    %dma_wait3A_121 = arith.constant 0 : i32
    %dma_wait3A_122 = tpu.memref_slice %arg6[%dma_wait3A_120, %dma_wait3A_121] : memref<8x128xi32, #tpu.memory_space<vmem>> -> memref<1x128xi32, #tpu.memory_space<vmem>>
    %dma_wait3A_123 = tpu.memref_squeeze %dma_wait3A_122 : memref<1x128xi32, #tpu.memory_space<vmem>> -> memref<128xi32, #tpu.memory_space<vmem>>
    %dma_wait3A_124 = arith.constant 0 : i32
    %dma_wait3A_125 = tpu.memref_slice %arg4[%dma_wait3A_124] : memref<320000xi32, #tpu.memory_space<hbm>> -> memref<128xi32, #tpu.memory_space<hbm>>
    %dma_wait3A_126 = arith.constant 0 : i32
    %dma_wait3A_127 = tpu.memref_slice %arg6[%dma_wait3A_120, %dma_wait3A_126] : memref<8x128xi32, #tpu.memory_space<vmem>> -> memref<1x128xi32, #tpu.memory_space<vmem>>
    %dma_wait3A_128 = tpu.memref_squeeze %dma_wait3A_127 : memref<1x128xi32, #tpu.memory_space<vmem>> -> memref<128xi32, #tpu.memory_space<vmem>>
    %dma_wait3A_129 = arith.constant 0 : i32
    %dma_wait3A_130 = tpu.memref_slice %arg4[%dma_wait3A_129] : memref<320000xi32, #tpu.memory_space<hbm>> -> memref<128xi32, #tpu.memory_space<hbm>>
    tpu.wait_dma2 semaphore(%arg9 : memref<!tpu.dma_semaphore, #tpu.memory_space<semaphore_mem>>) src(%dma_wait3A_130 : memref<128xi32, #tpu.memory_space<hbm>>) dst(%dma_wait3A_128 : memref<128xi32, #tpu.memory_space<vmem>>)
    %dma_start3A_131 = arith.constant 0 : i32
    %dma_start3A_132 = arith.constant 0 : i32
    %dma_start3A_133 = arith.constant 0 : i32
    %dma_start3A_134 = arith.constant 0 : i32
    %dma_start3A_135 = tpu.memref_slice %arg7[%dma_start3A_132, %dma_start3A_133, %dma_start3A_134] : memref<2x128x128xf32, #tpu.memory_space<vmem>> -> memref<1x128x128xf32, #tpu.memory_space<vmem>>
    %dma_start3A_136 = tpu.memref_squeeze %dma_start3A_135 : memref<1x128x128xf32, #tpu.memory_space<vmem>> -> memref<128x128xf32, #tpu.memory_space<vmem>>
    %dma_start3A_137 = arith.constant 0 : i32
    %dma_start3A_138 = tpu.memref_slice %arg6[%dma_start3A_131, %dma_start3A_137] : memref<8x128xi32, #tpu.memory_space<vmem>> -> memref<1x128xi32, #tpu.memory_space<vmem>>
    %dma_start3A_139 = tpu.memref_squeeze %dma_start3A_138 : memref<1x128xi32, #tpu.memory_space<vmem>> -> memref<128xi32, #tpu.memory_space<vmem>>
    %dma_start3A_140 = arith.constant 0 : i32
    %dma_start3A_141 = arith.constant 0 : i32
    %dma_start3A_142 = tpu.memref_slice %arg2[%dma_start3A_140, %dma_start3A_141] : memref<10000x128xf32, #tpu.memory_space<hbm>> -> memref<10000x128xf32, #tpu.memory_space<hbm>>
    tpu.enqueue_indirect_dma source(%dma_start3A_142 : memref<10000x128xf32, #tpu.memory_space<hbm>>) target(%dma_start3A_136 : memref<128x128xf32, #tpu.memory_space<vmem>>) offsets(%dma_start3A_139 : memref<128xi32, #tpu.memory_space<vmem>>) semaphore(%arg11 : memref<!tpu.dma_semaphore, #tpu.memory_space<semaphore_mem>>)
    %dma_start3A_143 = arith.constant 1 : i32
    %dma_start3A_144 = arith.constant 1 : i32
    %dma_start3A_145 = arith.constant 0 : i32
    %dma_start3A_146 = arith.constant 0 : i32
    %dma_start3A_147 = tpu.memref_slice %arg7[%dma_start3A_144, %dma_start3A_145, %dma_start3A_146] : memref<2x128x128xf32, #tpu.memory_space<vmem>> -> memref<1x128x128xf32, #tpu.memory_space<vmem>>
    %dma_start3A_148 = tpu.memref_squeeze %dma_start3A_147 : memref<1x128x128xf32, #tpu.memory_space<vmem>> -> memref<128x128xf32, #tpu.memory_space<vmem>>
    %dma_start3A_149 = arith.constant 0 : i32
    %dma_start3A_150 = tpu.memref_slice %arg6[%dma_start3A_143, %dma_start3A_149] : memref<8x128xi32, #tpu.memory_space<vmem>> -> memref<1x128xi32, #tpu.memory_space<vmem>>
    %dma_start3A_151 = tpu.memref_squeeze %dma_start3A_150 : memref<1x128xi32, #tpu.memory_space<vmem>> -> memref<128xi32, #tpu.memory_space<vmem>>
    %dma_start3A_152 = arith.constant 0 : i32
    %dma_start3A_153 = arith.constant 0 : i32
    %dma_start3A_154 = tpu.memref_slice %arg2[%dma_start3A_152, %dma_start3A_153] : memref<10000x128xf32, #tpu.memory_space<hbm>> -> memref<10000x128xf32, #tpu.memory_space<hbm>>
    tpu.enqueue_indirect_dma source(%dma_start3A_154 : memref<10000x128xf32, #tpu.memory_space<hbm>>) target(%dma_start3A_148 : memref<128x128xf32, #tpu.memory_space<vmem>>) offsets(%dma_start3A_151 : memref<128xi32, #tpu.memory_space<vmem>>) semaphore(%arg11 : memref<!tpu.dma_semaphore, #tpu.memory_space<semaphore_mem>>)
    %dma_wait3A_155 = arith.constant 0 : i32
    %dma_wait3A_156 = arith.constant 0 : i32
    %dma_wait3A_157 = arith.constant 0 : i32
    %dma_wait3A_158 = arith.constant 0 : i32
    %dma_wait3A_159 = tpu.memref_slice %arg7[%dma_wait3A_156, %dma_wait3A_157, %dma_wait3A_158] : memref<2x128x128xf32, #tpu.memory_space<vmem>> -> memref<1x128x128xf32, #tpu.memory_space<vmem>>
    %dma_wait3A_160 = tpu.memref_squeeze %dma_wait3A_159 : memref<1x128x128xf32, #tpu.memory_space<vmem>> -> memref<128x128xf32, #tpu.memory_space<vmem>>
    %dma_wait3A_161 = arith.constant 0 : i32
    %dma_wait3A_162 = tpu.memref_slice %arg6[%dma_wait3A_155, %dma_wait3A_161] : memref<8x128xi32, #tpu.memory_space<vmem>> -> memref<1x128xi32, #tpu.memory_space<vmem>>
    %dma_wait3A_163 = tpu.memref_squeeze %dma_wait3A_162 : memref<1x128xi32, #tpu.memory_space<vmem>> -> memref<128xi32, #tpu.memory_space<vmem>>
    %dma_wait3A_164 = arith.constant 0 : i32
    %dma_wait3A_165 = arith.constant 0 : i32
    %dma_wait3A_166 = tpu.memref_slice %arg2[%dma_wait3A_164, %dma_wait3A_165] : memref<10000x128xf32, #tpu.memory_space<hbm>> -> memref<10000x128xf32, #tpu.memory_space<hbm>>
    tpu.wait_indirect_dma semaphore(%arg11 : memref<!tpu.dma_semaphore, #tpu.memory_space<semaphore_mem>>) src(%dma_wait3A_166 : memref<10000x128xf32, #tpu.memory_space<hbm>>) dst(%dma_wait3A_160 : memref<128x128xf32, #tpu.memory_space<vmem>>)
    %dma_wait3A_167 = arith.constant 1 : i32
    %dma_wait3A_168 = arith.constant 1 : i32
    %dma_wait3A_169 = arith.constant 0 : i32
    %dma_wait3A_170 = arith.constant 0 : i32
    %dma_wait3A_171 = tpu.memref_slice %arg7[%dma_wait3A_168, %dma_wait3A_169, %dma_wait3A_170] : memref<2x128x128xf32, #tpu.memory_space<vmem>> -> memref<1x128x128xf32, #tpu.memory_space<vmem>>
    %dma_wait3A_172 = tpu.memref_squeeze %dma_wait3A_171 : memref<1x128x128xf32, #tpu.memory_space<vmem>> -> memref<128x128xf32, #tpu.memory_space<vmem>>
    %dma_wait3A_173 = arith.constant 0 : i32
    %dma_wait3A_174 = tpu.memref_slice %arg6[%dma_wait3A_167, %dma_wait3A_173] : memref<8x128xi32, #tpu.memory_space<vmem>> -> memref<1x128xi32, #tpu.memory_space<vmem>>
    %dma_wait3A_175 = tpu.memref_squeeze %dma_wait3A_174 : memref<1x128xi32, #tpu.memory_space<vmem>> -> memref<128xi32, #tpu.memory_space<vmem>>
    %dma_wait3A_176 = arith.constant 0 : i32
    %dma_wait3A_177 = arith.constant 0 : i32
    %dma_wait3A_178 = tpu.memref_slice %arg2[%dma_wait3A_176, %dma_wait3A_177] : memref<10000x128xf32, #tpu.memory_space<hbm>> -> memref<10000x128xf32, #tpu.memory_space<hbm>>
    tpu.wait_indirect_dma semaphore(%arg11 : memref<!tpu.dma_semaphore, #tpu.memory_space<semaphore_mem>>) src(%dma_wait3A_178 : memref<10000x128xf32, #tpu.memory_space<hbm>>) dst(%dma_wait3A_172 : memref<128x128xf32, #tpu.memory_space<vmem>>)
    %dma_start3A_179 = arith.constant 0 : i32
    %dma_start3A_180 = arith.constant 4 : i32
    %dma_start3A_181 = arith.constant 0 : i32
    %dma_start3A_182 = arith.constant 0 : i32
    %dma_start3A_183 = tpu.memref_slice %arg7[%dma_start3A_179, %dma_start3A_181, %dma_start3A_182] : memref<2x128x128xf32, #tpu.memory_space<vmem>> -> memref<1x128x128xf32, #tpu.memory_space<vmem>>
    %dma_start3A_184 = tpu.memref_squeeze %dma_start3A_183 : memref<1x128x128xf32, #tpu.memory_space<vmem>> -> memref<128x128xf32, #tpu.memory_space<vmem>>
    %dma_start3A_185 = arith.constant 0 : i32
    %dma_start3A_186 = tpu.memref_slice %arg6[%dma_start3A_180, %dma_start3A_185] : memref<8x128xi32, #tpu.memory_space<vmem>> -> memref<1x128xi32, #tpu.memory_space<vmem>>
    %dma_start3A_187 = tpu.memref_squeeze %dma_start3A_186 : memref<1x128xi32, #tpu.memory_space<vmem>> -> memref<128xi32, #tpu.memory_space<vmem>>
    %dma_start3A_188 = arith.constant 0 : i32
    %dma_start3A_189 = arith.constant 0 : i32
    %dma_start3A_190 = tpu.memref_slice %arg8[%dma_start3A_188, %dma_start3A_189] : memref<10000x128xf32, #tpu.memory_space<vmem_shared>> -> memref<10000x128xf32, #tpu.memory_space<vmem_shared>>
    tpu.enqueue_indirect_dma source(%dma_start3A_184 : memref<128x128xf32, #tpu.memory_space<vmem>>) target(%dma_start3A_190 : memref<10000x128xf32, #tpu.memory_space<vmem_shared>>) offsets(%dma_start3A_187 : memref<128xi32, #tpu.memory_space<vmem>>) semaphore(%arg12 : memref<!tpu.dma_semaphore, #tpu.memory_space<semaphore_mem>>) {add = true}
    %dma_start3A_191 = arith.constant 1 : i32
    %dma_start3A_192 = arith.constant 5 : i32
    %dma_start3A_193 = arith.constant 0 : i32
    %dma_start3A_194 = arith.constant 0 : i32
    %dma_start3A_195 = tpu.memref_slice %arg7[%dma_start3A_191, %dma_start3A_193, %dma_start3A_194] : memref<2x128x128xf32, #tpu.memory_space<vmem>> -> memref<1x128x128xf32, #tpu.memory_space<vmem>>
    %dma_start3A_196 = tpu.memref_squeeze %dma_start3A_195 : memref<1x128x128xf32, #tpu.memory_space<vmem>> -> memref<128x128xf32, #tpu.memory_space<vmem>>
    %dma_start3A_197 = arith.constant 0 : i32
    %dma_start3A_198 = tpu.memref_slice %arg6[%dma_start3A_192, %dma_start3A_197] : memref<8x128xi32, #tpu.memory_space<vmem>> -> memref<1x128xi32, #tpu.memory_space<vmem>>
    %dma_start3A_199 = tpu.memref_squeeze %dma_start3A_198 : memref<1x128xi32, #tpu.memory_space<vmem>> -> memref<128xi32, #tpu.memory_space<vmem>>
    %dma_start3A_200 = arith.constant 0 : i32
    %dma_start3A_201 = arith.constant 0 : i32
    %dma_start3A_202 = tpu.memref_slice %arg8[%dma_start3A_200, %dma_start3A_201] : memref<10000x128xf32, #tpu.memory_space<vmem_shared>> -> memref<10000x128xf32, #tpu.memory_space<vmem_shared>>
    tpu.enqueue_indirect_dma source(%dma_start3A_196 : memref<128x128xf32, #tpu.memory_space<vmem>>) target(%dma_start3A_202 : memref<10000x128xf32, #tpu.memory_space<vmem_shared>>) offsets(%dma_start3A_199 : memref<128xi32, #tpu.memory_space<vmem>>) semaphore(%arg12 : memref<!tpu.dma_semaphore, #tpu.memory_space<semaphore_mem>>) {add = true}
    %dma_wait3A_203 = arith.constant 0 : i32
    %dma_wait3A_204 = arith.constant 4 : i32
    %dma_wait3A_205 = arith.constant 0 : i32
    %dma_wait3A_206 = arith.constant 0 : i32
    %dma_wait3A_207 = tpu.memref_slice %arg7[%dma_wait3A_203, %dma_wait3A_205, %dma_wait3A_206] : memref<2x128x128xf32, #tpu.memory_space<vmem>> -> memref<1x128x128xf32, #tpu.memory_space<vmem>>
    %dma_wait3A_208 = tpu.memref_squeeze %dma_wait3A_207 : memref<1x128x128xf32, #tpu.memory_space<vmem>> -> memref<128x128xf32, #tpu.memory_space<vmem>>
    %dma_wait3A_209 = arith.constant 0 : i32
    %dma_wait3A_210 = tpu.memref_slice %arg6[%dma_wait3A_204, %dma_wait3A_209] : memref<8x128xi32, #tpu.memory_space<vmem>> -> memref<1x128xi32, #tpu.memory_space<vmem>>
    %dma_wait3A_211 = tpu.memref_squeeze %dma_wait3A_210 : memref<1x128xi32, #tpu.memory_space<vmem>> -> memref<128xi32, #tpu.memory_space<vmem>>
    %dma_wait3A_212 = arith.constant 0 : i32
    %dma_wait3A_213 = arith.constant 0 : i32
    %dma_wait3A_214 = tpu.memref_slice %arg8[%dma_wait3A_212, %dma_wait3A_213] : memref<10000x128xf32, #tpu.memory_space<vmem_shared>> -> memref<10000x128xf32, #tpu.memory_space<vmem_shared>>
    tpu.wait_indirect_dma semaphore(%arg12 : memref<!tpu.dma_semaphore, #tpu.memory_space<semaphore_mem>>) src(%dma_wait3A_208 : memref<128x128xf32, #tpu.memory_space<vmem>>) dst(%dma_wait3A_214 : memref<10000x128xf32, #tpu.memory_space<vmem_shared>>)
    %dma_wait3A_215 = arith.constant 1 : i32
    %dma_wait3A_216 = arith.constant 5 : i32
    %dma_wait3A_217 = arith.constant 0 : i32
    %dma_wait3A_218 = arith.constant 0 : i32
    %dma_wait3A_219 = tpu.memref_slice %arg7[%dma_wait3A_215, %dma_wait3A_217, %dma_wait3A_218] : memref<2x128x128xf32, #tpu.memory_space<vmem>> -> memref<1x128x128xf32, #tpu.memory_space<vmem>>
    %dma_wait3A_220 = tpu.memref_squeeze %dma_wait3A_219 : memref<1x128x128xf32, #tpu.memory_space<vmem>> -> memref<128x128xf32, #tpu.memory_space<vmem>>
    %dma_wait3A_221 = arith.constant 0 : i32
    %dma_wait3A_222 = tpu.memref_slice %arg6[%dma_wait3A_216, %dma_wait3A_221] : memref<8x128xi32, #tpu.memory_space<vmem>> -> memref<1x128xi32, #tpu.memory_space<vmem>>
    %dma_wait3A_223 = tpu.memref_squeeze %dma_wait3A_222 : memref<1x128xi32, #tpu.memory_space<vmem>> -> memref<128xi32, #tpu.memory_space<vmem>>
    %dma_wait3A_224 = arith.constant 0 : i32
    %dma_wait3A_225 = arith.constant 0 : i32
    %dma_wait3A_226 = tpu.memref_slice %arg8[%dma_wait3A_224, %dma_wait3A_225] : memref<10000x128xf32, #tpu.memory_space<vmem_shared>> -> memref<10000x128xf32, #tpu.memory_space<vmem_shared>>
    tpu.wait_indirect_dma semaphore(%arg12 : memref<!tpu.dma_semaphore, #tpu.memory_space<semaphore_mem>>) src(%dma_wait3A_220 : memref<128x128xf32, #tpu.memory_space<vmem>>) dst(%dma_wait3A_226 : memref<10000x128xf32, #tpu.memory_space<vmem_shared>>)
    %convert_element_type3A = arith.extui %lt3A_28 : i1 to i32
    %cond3A = arith.constant 0 : i32
    %cond3A_227 = arith.cmpi ne, %convert_element_type3A, %cond3A : i32
    scf.if %cond3A_227 {
      %mul3A_232 = arith.constant 128 : i32
      %mul3A_233 = arith.muli %add3A_30, %mul3A_232 : i32
      %add3A_234 = arith.constant 0 : i32
      %add3A_235 = arith.addi %add3A_234, %mul3A_233 : i32
      %dma_start3A_236 = arith.constant 0 : i32
      %dma_start3A_237 = arith.constant 0 : i32
      %dma_start3A_238 = tpu.memref_slice %arg6[%dma_start3A_236, %dma_start3A_237] : memref<8x128xi32, #tpu.memory_space<vmem>> -> memref<1x128xi32, #tpu.memory_space<vmem>>
      %dma_start3A_239 = tpu.memref_squeeze %dma_start3A_238 : memref<1x128xi32, #tpu.memory_space<vmem>> -> memref<128xi32, #tpu.memory_space<vmem>>
      %dma_start3A_240 = tpu.memref_slice %arg3[%add3A_235] : memref<320000xi32, #tpu.memory_space<hbm>> -> memref<128xi32, #tpu.memory_space<hbm>>
      %dma_start3A_241 = arith.constant 0 : i32
      %dma_start3A_242 = tpu.memref_slice %arg6[%dma_start3A_236, %dma_start3A_241] : memref<8x128xi32, #tpu.memory_space<vmem>> -> memref<1x128xi32, #tpu.memory_space<vmem>>
      %dma_start3A_243 = tpu.memref_squeeze %dma_start3A_242 : memref<1x128xi32, #tpu.memory_space<vmem>> -> memref<128xi32, #tpu.memory_space<vmem>>
      %dma_start3A_244 = tpu.memref_slice %arg3[%add3A_235] : memref<320000xi32, #tpu.memory_space<hbm>> -> memref<128xi32, #tpu.memory_space<hbm>>
      tpu.enqueue_dma source(%dma_start3A_244 : memref<128xi32, #tpu.memory_space<hbm>>) target(%dma_start3A_243 : memref<128xi32, #tpu.memory_space<vmem>>) target_semaphore(%arg9 : memref<!tpu.dma_semaphore, #tpu.memory_space<semaphore_mem>>)
      %dma_start3A_245 = arith.constant 4 : i32
      %dma_start3A_246 = arith.constant 0 : i32
      %dma_start3A_247 = tpu.memref_slice %arg6[%dma_start3A_245, %dma_start3A_246] : memref<8x128xi32, #tpu.memory_space<vmem>> -> memref<1x128xi32, #tpu.memory_space<vmem>>
      %dma_start3A_248 = tpu.memref_squeeze %dma_start3A_247 : memref<1x128xi32, #tpu.memory_space<vmem>> -> memref<128xi32, #tpu.memory_space<vmem>>
      %dma_start3A_249 = tpu.memref_slice %arg4[%mul3A_233] : memref<320000xi32, #tpu.memory_space<hbm>> -> memref<128xi32, #tpu.memory_space<hbm>>
      %dma_start3A_250 = arith.constant 0 : i32
      %dma_start3A_251 = tpu.memref_slice %arg6[%dma_start3A_245, %dma_start3A_250] : memref<8x128xi32, #tpu.memory_space<vmem>> -> memref<1x128xi32, #tpu.memory_space<vmem>>
      %dma_start3A_252 = tpu.memref_squeeze %dma_start3A_251 : memref<1x128xi32, #tpu.memory_space<vmem>> -> memref<128xi32, #tpu.memory_space<vmem>>
      %dma_start3A_253 = tpu.memref_slice %arg4[%mul3A_233] : memref<320000xi32, #tpu.memory_space<hbm>> -> memref<128xi32, #tpu.memory_space<hbm>>
      tpu.enqueue_dma source(%dma_start3A_253 : memref<128xi32, #tpu.memory_space<hbm>>) target(%dma_start3A_252 : memref<128xi32, #tpu.memory_space<vmem>>) target_semaphore(%arg9 : memref<!tpu.dma_semaphore, #tpu.memory_space<semaphore_mem>>)
      %dma_wait3A_254 = arith.constant 0 : i32
      %dma_wait3A_255 = arith.constant 0 : i32
      %dma_wait3A_256 = tpu.memref_slice %arg6[%dma_wait3A_254, %dma_wait3A_255] : memref<8x128xi32, #tpu.memory_space<vmem>> -> memref<1x128xi32, #tpu.memory_space<vmem>>
      %dma_wait3A_257 = tpu.memref_squeeze %dma_wait3A_256 : memref<1x128xi32, #tpu.memory_space<vmem>> -> memref<128xi32, #tpu.memory_space<vmem>>
      %dma_wait3A_258 = tpu.memref_slice %arg3[%add3A_235] : memref<320000xi32, #tpu.memory_space<hbm>> -> memref<128xi32, #tpu.memory_space<hbm>>
      %dma_wait3A_259 = arith.constant 0 : i32
      %dma_wait3A_260 = tpu.memref_slice %arg6[%dma_wait3A_254, %dma_wait3A_259] : memref<8x128xi32, #tpu.memory_space<vmem>> -> memref<1x128xi32, #tpu.memory_space<vmem>>
      %dma_wait3A_261 = tpu.memref_squeeze %dma_wait3A_260 : memref<1x128xi32, #tpu.memory_space<vmem>> -> memref<128xi32, #tpu.memory_space<vmem>>
      %dma_wait3A_262 = tpu.memref_slice %arg3[%add3A_235] : memref<320000xi32, #tpu.memory_space<hbm>> -> memref<128xi32, #tpu.memory_space<hbm>>
      tpu.wait_dma2 semaphore(%arg9 : memref<!tpu.dma_semaphore, #tpu.memory_space<semaphore_mem>>) src(%dma_wait3A_262 : memref<128xi32, #tpu.memory_space<hbm>>) dst(%dma_wait3A_261 : memref<128xi32, #tpu.memory_space<vmem>>)
      %dma_wait3A_263 = arith.constant 4 : i32
      %dma_wait3A_264 = arith.constant 0 : i32
      %dma_wait3A_265 = tpu.memref_slice %arg6[%dma_wait3A_263, %dma_wait3A_264] : memref<8x128xi32, #tpu.memory_space<vmem>> -> memref<1x128xi32, #tpu.memory_space<vmem>>
      %dma_wait3A_266 = tpu.memref_squeeze %dma_wait3A_265 : memref<1x128xi32, #tpu.memory_space<vmem>> -> memref<128xi32, #tpu.memory_space<vmem>>
      %dma_wait3A_267 = tpu.memref_slice %arg4[%mul3A_233] : memref<320000xi32, #tpu.memory_space<hbm>> -> memref<128xi32, #tpu.memory_space<hbm>>
      %dma_wait3A_268 = arith.constant 0 : i32
      %dma_wait3A_269 = tpu.memref_slice %arg6[%dma_wait3A_263, %dma_wait3A_268] : memref<8x128xi32, #tpu.memory_space<vmem>> -> memref<1x128xi32, #tpu.memory_space<vmem>>
      %dma_wait3A_270 = tpu.memref_squeeze %dma_wait3A_269 : memref<1x128xi32, #tpu.memory_space<vmem>> -> memref<128xi32, #tpu.memory_space<vmem>>
      %dma_wait3A_271 = tpu.memref_slice %arg4[%mul3A_233] : memref<320000xi32, #tpu.memory_space<hbm>> -> memref<128xi32, #tpu.memory_space<hbm>>
      tpu.wait_dma2 semaphore(%arg9 : memref<!tpu.dma_semaphore, #tpu.memory_space<semaphore_mem>>) src(%dma_wait3A_271 : memref<128xi32, #tpu.memory_space<hbm>>) dst(%dma_wait3A_270 : memref<128xi32, #tpu.memory_space<vmem>>)
      %dma_start3A_272 = arith.constant 0 : i32
      %dma_start3A_273 = arith.constant 0 : i32
      %dma_start3A_274 = arith.constant 0 : i32
      %dma_start3A_275 = arith.constant 0 : i32
      %dma_start3A_276 = tpu.memref_slice %arg7[%dma_start3A_273, %dma_start3A_274, %dma_start3A_275] : memref<2x128x128xf32, #tpu.memory_space<vmem>> -> memref<1x128x128xf32, #tpu.memory_space<vmem>>
      %dma_start3A_277 = tpu.memref_squeeze %dma_start3A_276 : memref<1x128x128xf32, #tpu.memory_space<vmem>> -> memref<128x128xf32, #tpu.memory_space<vmem>>
      %dma_start3A_278 = arith.constant 0 : i32
      %dma_start3A_279 = tpu.memref_slice %arg6[%dma_start3A_272, %dma_start3A_278] : memref<8x128xi32, #tpu.memory_space<vmem>> -> memref<1x128xi32, #tpu.memory_space<vmem>>
      %dma_start3A_280 = tpu.memref_squeeze %dma_start3A_279 : memref<1x128xi32, #tpu.memory_space<vmem>> -> memref<128xi32, #tpu.memory_space<vmem>>
      %dma_start3A_281 = arith.constant 0 : i32
      %dma_start3A_282 = arith.constant 0 : i32
      %dma_start3A_283 = tpu.memref_slice %arg2[%dma_start3A_281, %dma_start3A_282] : memref<10000x128xf32, #tpu.memory_space<hbm>> -> memref<10000x128xf32, #tpu.memory_space<hbm>>
      tpu.enqueue_indirect_dma source(%dma_start3A_283 : memref<10000x128xf32, #tpu.memory_space<hbm>>) target(%dma_start3A_277 : memref<128x128xf32, #tpu.memory_space<vmem>>) offsets(%dma_start3A_280 : memref<128xi32, #tpu.memory_space<vmem>>) semaphore(%arg11 : memref<!tpu.dma_semaphore, #tpu.memory_space<semaphore_mem>>)
      %dma_wait3A_284 = arith.constant 0 : i32
      %dma_wait3A_285 = arith.constant 0 : i32
      %dma_wait3A_286 = arith.constant 0 : i32
      %dma_wait3A_287 = arith.constant 0 : i32
      %dma_wait3A_288 = tpu.memref_slice %arg7[%dma_wait3A_285, %dma_wait3A_286, %dma_wait3A_287] : memref<2x128x128xf32, #tpu.memory_space<vmem>> -> memref<1x128x128xf32, #tpu.memory_space<vmem>>
      %dma_wait3A_289 = tpu.memref_squeeze %dma_wait3A_288 : memref<1x128x128xf32, #tpu.memory_space<vmem>> -> memref<128x128xf32, #tpu.memory_space<vmem>>
      %dma_wait3A_290 = arith.constant 0 : i32
      %dma_wait3A_291 = tpu.memref_slice %arg6[%dma_wait3A_284, %dma_wait3A_290] : memref<8x128xi32, #tpu.memory_space<vmem>> -> memref<1x128xi32, #tpu.memory_space<vmem>>
      %dma_wait3A_292 = tpu.memref_squeeze %dma_wait3A_291 : memref<1x128xi32, #tpu.memory_space<vmem>> -> memref<128xi32, #tpu.memory_space<vmem>>
      %dma_wait3A_293 = arith.constant 0 : i32
      %dma_wait3A_294 = arith.constant 0 : i32
      %dma_wait3A_295 = tpu.memref_slice %arg2[%dma_wait3A_293, %dma_wait3A_294] : memref<10000x128xf32, #tpu.memory_space<hbm>> -> memref<10000x128xf32, #tpu.memory_space<hbm>>
      tpu.wait_indirect_dma semaphore(%arg11 : memref<!tpu.dma_semaphore, #tpu.memory_space<semaphore_mem>>) src(%dma_wait3A_295 : memref<10000x128xf32, #tpu.memory_space<hbm>>) dst(%dma_wait3A_289 : memref<128x128xf32, #tpu.memory_space<vmem>>)
      %dma_start3A_296 = arith.constant 0 : i32
      %dma_start3A_297 = arith.constant 4 : i32
      %dma_start3A_298 = arith.constant 0 : i32
      %dma_start3A_299 = arith.constant 0 : i32
      %dma_start3A_300 = tpu.memref_slice %arg7[%dma_start3A_296, %dma_start3A_298, %dma_start3A_299] : memref<2x128x128xf32, #tpu.memory_space<vmem>> -> memref<1x128x128xf32, #tpu.memory_space<vmem>>
      %dma_start3A_301 = tpu.memref_squeeze %dma_start3A_300 : memref<1x128x128xf32, #tpu.memory_space<vmem>> -> memref<128x128xf32, #tpu.memory_space<vmem>>
      %dma_start3A_302 = arith.constant 0 : i32
      %dma_start3A_303 = tpu.memref_slice %arg6[%dma_start3A_297, %dma_start3A_302] : memref<8x128xi32, #tpu.memory_space<vmem>> -> memref<1x128xi32, #tpu.memory_space<vmem>>
      %dma_start3A_304 = tpu.memref_squeeze %dma_start3A_303 : memref<1x128xi32, #tpu.memory_space<vmem>> -> memref<128xi32, #tpu.memory_space<vmem>>
      %dma_start3A_305 = arith.constant 0 : i32
      %dma_start3A_306 = arith.constant 0 : i32
      %dma_start3A_307 = tpu.memref_slice %arg8[%dma_start3A_305, %dma_start3A_306] : memref<10000x128xf32, #tpu.memory_space<vmem_shared>> -> memref<10000x128xf32, #tpu.memory_space<vmem_shared>>
      tpu.enqueue_indirect_dma source(%dma_start3A_301 : memref<128x128xf32, #tpu.memory_space<vmem>>) target(%dma_start3A_307 : memref<10000x128xf32, #tpu.memory_space<vmem_shared>>) offsets(%dma_start3A_304 : memref<128xi32, #tpu.memory_space<vmem>>) semaphore(%arg12 : memref<!tpu.dma_semaphore, #tpu.memory_space<semaphore_mem>>) {add = true}
      %dma_wait3A_308 = arith.constant 0 : i32
      %dma_wait3A_309 = arith.constant 4 : i32
      %dma_wait3A_310 = arith.constant 0 : i32
      %dma_wait3A_311 = arith.constant 0 : i32
      %dma_wait3A_312 = tpu.memref_slice %arg7[%dma_wait3A_308, %dma_wait3A_310, %dma_wait3A_311] : memref<2x128x128xf32, #tpu.memory_space<vmem>> -> memref<1x128x128xf32, #tpu.memory_space<vmem>>
      %dma_wait3A_313 = tpu.memref_squeeze %dma_wait3A_312 : memref<1x128x128xf32, #tpu.memory_space<vmem>> -> memref<128x128xf32, #tpu.memory_space<vmem>>
      %dma_wait3A_314 = arith.constant 0 : i32
      %dma_wait3A_315 = tpu.memref_slice %arg6[%dma_wait3A_309, %dma_wait3A_314] : memref<8x128xi32, #tpu.memory_space<vmem>> -> memref<1x128xi32, #tpu.memory_space<vmem>>
      %dma_wait3A_316 = tpu.memref_squeeze %dma_wait3A_315 : memref<1x128xi32, #tpu.memory_space<vmem>> -> memref<128xi32, #tpu.memory_space<vmem>>
      %dma_wait3A_317 = arith.constant 0 : i32
      %dma_wait3A_318 = arith.constant 0 : i32
      %dma_wait3A_319 = tpu.memref_slice %arg8[%dma_wait3A_317, %dma_wait3A_318] : memref<10000x128xf32, #tpu.memory_space<vmem_shared>> -> memref<10000x128xf32, #tpu.memory_space<vmem_shared>>
      tpu.wait_indirect_dma semaphore(%arg12 : memref<!tpu.dma_semaphore, #tpu.memory_space<semaphore_mem>>) src(%dma_wait3A_313 : memref<128x128xf32, #tpu.memory_space<vmem>>) dst(%dma_wait3A_319 : memref<10000x128xf32, #tpu.memory_space<vmem_shared>>)
    } else {
    }
    %barrier3A_228 = arith.constant 0 : index
    tpu.barrier barrier_id(%barrier3A_228)
    %mul3A_229 = arith.constant 16 : i32
    %mul3A_230 = arith.muli %arg0, %mul3A_229 : i32
    %add3A_231 = arith.addi %mul3A_230, %arg1 : i32
    "tpu.region"() ({
      %run_scoped3A_232 = tpu.sem_alloc : memref<!tpu.dma_semaphore, #tpu.memory_space<semaphore_mem>>
      %dma_start3A_233 = arith.constant 0 : i32
      %dma_start3A_234 = arith.constant 0 : i32
      %dma_start3A_235 = tpu.memref_slice %arg5[%add3A_231, %dma_start3A_233, %dma_start3A_234] : memref<32x625x128xf32, #tpu.memory_space<hbm>> -> memref<1x625x128xf32, #tpu.memory_space<hbm>>
      %dma_start3A_236 = tpu.memref_squeeze %dma_start3A_235 : memref<1x625x128xf32, #tpu.memory_space<hbm>> -> memref<625x128xf32, #tpu.memory_space<hbm>>
      %dma_start3A_237 = arith.constant 0 : i32
      %dma_start3A_238 = tpu.memref_slice %arg8[%mul3A_0, %dma_start3A_237] : memref<10000x128xf32, #tpu.memory_space<vmem_shared>> -> memref<625x128xf32, #tpu.memory_space<vmem_shared>>
      tpu.enqueue_dma source(%dma_start3A_238 : memref<625x128xf32, #tpu.memory_space<vmem_shared>>) target(%dma_start3A_236 : memref<625x128xf32, #tpu.memory_space<hbm>>) target_semaphore(%run_scoped3A_232 : memref<!tpu.dma_semaphore, #tpu.memory_space<semaphore_mem>>)
      %dma_wait3A_239 = arith.constant 0 : i32
      %dma_wait3A_240 = arith.constant 0 : i32
      %dma_wait3A_241 = tpu.memref_slice %arg5[%add3A_231, %dma_wait3A_239, %dma_wait3A_240] : memref<32x625x128xf32, #tpu.memory_space<hbm>> -> memref<1x625x128xf32, #tpu.memory_space<hbm>>
      %dma_wait3A_242 = tpu.memref_squeeze %dma_wait3A_241 : memref<1x625x128xf32, #tpu.memory_space<hbm>> -> memref<625x128xf32, #tpu.memory_space<hbm>>
      %dma_wait3A_243 = arith.constant 0 : i32
      %dma_wait3A_244 = tpu.memref_slice %arg8[%mul3A_0, %dma_wait3A_243] : memref<10000x128xf32, #tpu.memory_space<vmem_shared>> -> memref<625x128xf32, #tpu.memory_space<vmem_shared>>
      tpu.wait_dma2 semaphore(%run_scoped3A_232 : memref<!tpu.dma_semaphore, #tpu.memory_space<semaphore_mem>>) src(%dma_wait3A_244 : memref<625x128xf32, #tpu.memory_space<vmem_shared>>) dst(%dma_wait3A_242 : memref<625x128xf32, #tpu.memory_space<hbm>>)
      tpu.yield
    }) : () -> ()
    return
  }
}

#map = affine_map<(d0, d1) -> (0, 0)>
#map1 = affine_map<(d0, d1) -> (0)>
#map2 = affine_map<(d0, d1) -> (0, 0, 0)>
module attributes {stable_mosaic.version = 14 : i64} {
  func.func @_sc_body(%arg0: i32, %arg1: i32, %arg2: memref<20000x128xf32, #tpu.memory_space<hbm>>, %arg3: memref<640000xi32, #tpu.memory_space<hbm>>, %arg4: memref<320000xi32, #tpu.memory_space<hbm>>, %arg5: memref<32x625x128xf32, #tpu.memory_space<hbm>>, %arg6: memref<8x128xi32, #tpu.memory_space<vmem>>, %arg7: memref<2x128x128xf32, #tpu.memory_space<vmem>>, %arg8: memref<10000x128xf32, #tpu.memory_space<vmem_shared>>, %arg9: memref<!tpu.dma_semaphore, #tpu.memory_space<semaphore_mem>>, %arg10: memref<!tpu.dma_semaphore, #tpu.memory_space<semaphore_mem>>, %arg11: memref<!tpu.dma_semaphore, #tpu.memory_space<semaphore_mem>>, %arg12: memref<!tpu.dma_semaphore, #tpu.memory_space<semaphore_mem>>) attributes {dimension_semantics = [#tpu.dimension_semantics<core_parallel>, #tpu.dimension_semantics<subcore_parallel>], iteration_bounds = array<i64: 2, 16>, scalar_prefetch = 0 : i64, scratch_operands = 7 : i64, tpu.core_type = #tpu.core_type<sc_vector_subcore>, window_params = [{transform_indices = #map}, {transform_indices = #map1}, {transform_indices = #map1}, {transform_indices = #map2}]} {
    %mul3A = arith.constant 625 : i32
    %mul3A_0 = arith.muli %arg1, %mul3A : i32
    %broadcast_in_dim3A = arith.constant 0.000000e+00 : f32
    %broadcast_in_dim3A_1 = vector.broadcast %broadcast_in_dim3A : f32 to vector<16xf32>
    %scan3A = arith.constant 0 : i32
    %scan3A_2 = arith.constant 0 : i32
    %scan3A_3 = arith.constant 0 : i32
    %scan3A_4 = arith.constant 128 : i32
    %scan3A_5 = arith.addi %scan3A_3, %scan3A_4 : i32
    %scan3A_6 = arith.constant 1 : i32
    scf.for %scan3A_419 = %scan3A_3 to %scan3A_5 step %scan3A_6  : i32 {
      %swap3A = arith.constant 0 : i32
      %swap3A_420 = arith.constant 0 : i32
      %swap3A_421 = tpu.memref_slice %arg7[%scan3A_2, %swap3A, %swap3A_420] : memref<2x128x128xf32, #tpu.memory_space<vmem>> -> memref<1x128x128xf32, #tpu.memory_space<vmem>>
      %swap3A_422 = tpu.memref_squeeze %swap3A_421 : memref<1x128x128xf32, #tpu.memory_space<vmem>> -> memref<128x128xf32, #tpu.memory_space<vmem>>
      %swap3A_423 = arith.index_cast %scan3A_419 : i32 to index
      %swap3A_424 = arith.constant 0 : index
      %swap3A_425 = tpu.vector_load %swap3A_422[%swap3A_423, %swap3A_424] {strides = array<i32>} : memref<128x128xf32, #tpu.memory_space<vmem>>, vector<16xf32>,
      tpu.vector_store %swap3A_422[%swap3A_423, %swap3A_424], %broadcast_in_dim3A_1 {strides = array<i32>} : memref<128x128xf32, #tpu.memory_space<vmem>>, vector<16xf32>,
      %swap3A_426 = arith.constant 0 : i32
      %swap3A_427 = arith.constant 0 : i32
      %swap3A_428 = tpu.memref_slice %arg7[%scan3A_2, %swap3A_426, %swap3A_427] : memref<2x128x128xf32, #tpu.memory_space<vmem>> -> memref<1x128x128xf32, #tpu.memory_space<vmem>>
      %swap3A_429 = tpu.memref_squeeze %swap3A_428 : memref<1x128x128xf32, #tpu.memory_space<vmem>> -> memref<128x128xf32, #tpu.memory_space<vmem>>
      %swap3A_430 = arith.index_cast %scan3A_419 : i32 to index
      %swap3A_431 = arith.constant 16 : index
      %swap3A_432 = tpu.vector_load %swap3A_429[%swap3A_430, %swap3A_431] {strides = array<i32>} : memref<128x128xf32, #tpu.memory_space<vmem>>, vector<16xf32>,
      tpu.vector_store %swap3A_429[%swap3A_430, %swap3A_431], %broadcast_in_dim3A_1 {strides = array<i32>} : memref<128x128xf32, #tpu.memory_space<vmem>>, vector<16xf32>,
      %swap3A_433 = arith.constant 0 : i32
      %swap3A_434 = arith.constant 0 : i32
      %swap3A_435 = tpu.memref_slice %arg7[%scan3A_2, %swap3A_433, %swap3A_434] : memref<2x128x128xf32, #tpu.memory_space<vmem>> -> memref<1x128x128xf32, #tpu.memory_space<vmem>>
      %swap3A_436 = tpu.memref_squeeze %swap3A_435 : memref<1x128x128xf32, #tpu.memory_space<vmem>> -> memref<128x128xf32, #tpu.memory_space<vmem>>
      %swap3A_437 = arith.index_cast %scan3A_419 : i32 to index
      %swap3A_438 = arith.constant 32 : index
      %swap3A_439 = tpu.vector_load %swap3A_436[%swap3A_437, %swap3A_438] {strides = array<i32>} : memref<128x128xf32, #tpu.memory_space<vmem>>, vector<16xf32>,
      tpu.vector_store %swap3A_436[%swap3A_437, %swap3A_438], %broadcast_in_dim3A_1 {strides = array<i32>} : memref<128x128xf32, #tpu.memory_space<vmem>>, vector<16xf32>,
      %swap3A_440 = arith.constant 0 : i32
      %swap3A_441 = arith.constant 0 : i32
      %swap3A_442 = tpu.memref_slice %arg7[%scan3A_2, %swap3A_440, %swap3A_441] : memref<2x128x128xf32, #tpu.memory_space<vmem>> -> memref<1x128x128xf32, #tpu.memory_space<vmem>>
      %swap3A_443 = tpu.memref_squeeze %swap3A_442 : memref<1x128x128xf32, #tpu.memory_space<vmem>> -> memref<128x128xf32, #tpu.memory_space<vmem>>
      %swap3A_444 = arith.index_cast %scan3A_419 : i32 to index
      %swap3A_445 = arith.constant 48 : index
      %swap3A_446 = tpu.vector_load %swap3A_443[%swap3A_444, %swap3A_445] {strides = array<i32>} : memref<128x128xf32, #tpu.memory_space<vmem>>, vector<16xf32>,
      tpu.vector_store %swap3A_443[%swap3A_444, %swap3A_445], %broadcast_in_dim3A_1 {strides = array<i32>} : memref<128x128xf32, #tpu.memory_space<vmem>>, vector<16xf32>,
      %swap3A_447 = arith.constant 0 : i32
      %swap3A_448 = arith.constant 0 : i32
      %swap3A_449 = tpu.memref_slice %arg7[%scan3A_2, %swap3A_447, %swap3A_448] : memref<2x128x128xf32, #tpu.memory_space<vmem>> -> memref<1x128x128xf32, #tpu.memory_space<vmem>>
      %swap3A_450 = tpu.memref_squeeze %swap3A_449 : memref<1x128x128xf32, #tpu.memory_space<vmem>> -> memref<128x128xf32, #tpu.memory_space<vmem>>
      %swap3A_451 = arith.index_cast %scan3A_419 : i32 to index
      %swap3A_452 = arith.constant 64 : index
      %swap3A_453 = tpu.vector_load %swap3A_450[%swap3A_451, %swap3A_452] {strides = array<i32>} : memref<128x128xf32, #tpu.memory_space<vmem>>, vector<16xf32>,
      tpu.vector_store %swap3A_450[%swap3A_451, %swap3A_452], %broadcast_in_dim3A_1 {strides = array<i32>} : memref<128x128xf32, #tpu.memory_space<vmem>>, vector<16xf32>,
      %swap3A_454 = arith.constant 0 : i32
      %swap3A_455 = arith.constant 0 : i32
      %swap3A_456 = tpu.memref_slice %arg7[%scan3A_2, %swap3A_454, %swap3A_455] : memref<2x128x128xf32, #tpu.memory_space<vmem>> -> memref<1x128x128xf32, #tpu.memory_space<vmem>>
      %swap3A_457 = tpu.memref_squeeze %swap3A_456 : memref<1x128x128xf32, #tpu.memory_space<vmem>> -> memref<128x128xf32, #tpu.memory_space<vmem>>
      %swap3A_458 = arith.index_cast %scan3A_419 : i32 to index
      %swap3A_459 = arith.constant 80 : index
      %swap3A_460 = tpu.vector_load %swap3A_457[%swap3A_458, %swap3A_459] {strides = array<i32>} : memref<128x128xf32, #tpu.memory_space<vmem>>, vector<16xf32>,
      tpu.vector_store %swap3A_457[%swap3A_458, %swap3A_459], %broadcast_in_dim3A_1 {strides = array<i32>} : memref<128x128xf32, #tpu.memory_space<vmem>>, vector<16xf32>,
      %swap3A_461 = arith.constant 0 : i32
      %swap3A_462 = arith.constant 0 : i32
      %swap3A_463 = tpu.memref_slice %arg7[%scan3A_2, %swap3A_461, %swap3A_462] : memref<2x128x128xf32, #tpu.memory_space<vmem>> -> memref<1x128x128xf32, #tpu.memory_space<vmem>>
      %swap3A_464 = tpu.memref_squeeze %swap3A_463 : memref<1x128x128xf32, #tpu.memory_space<vmem>> -> memref<128x128xf32, #tpu.memory_space<vmem>>
      %swap3A_465 = arith.index_cast %scan3A_419 : i32 to index
      %swap3A_466 = arith.constant 96 : index
      %swap3A_467 = tpu.vector_load %swap3A_464[%swap3A_465, %swap3A_466] {strides = array<i32>} : memref<128x128xf32, #tpu.memory_space<vmem>>, vector<16xf32>,
      tpu.vector_store %swap3A_464[%swap3A_465, %swap3A_466], %broadcast_in_dim3A_1 {strides = array<i32>} : memref<128x128xf32, #tpu.memory_space<vmem>>, vector<16xf32>,
      %swap3A_468 = arith.constant 0 : i32
      %swap3A_469 = arith.constant 0 : i32
      %swap3A_470 = tpu.memref_slice %arg7[%scan3A_2, %swap3A_468, %swap3A_469] : memref<2x128x128xf32, #tpu.memory_space<vmem>> -> memref<1x128x128xf32, #tpu.memory_space<vmem>>
      %swap3A_471 = tpu.memref_squeeze %swap3A_470 : memref<1x128x128xf32, #tpu.memory_space<vmem>> -> memref<128x128xf32, #tpu.memory_space<vmem>>
      %swap3A_472 = arith.index_cast %scan3A_419 : i32 to index
      %swap3A_473 = arith.constant 112 : index
      %swap3A_474 = tpu.vector_load %swap3A_471[%swap3A_472, %swap3A_473] {strides = array<i32>} : memref<128x128xf32, #tpu.memory_space<vmem>>, vector<16xf32>,
      tpu.vector_store %swap3A_471[%swap3A_472, %swap3A_473], %broadcast_in_dim3A_1 {strides = array<i32>} : memref<128x128xf32, #tpu.memory_space<vmem>>, vector<16xf32>,
    }
    %scan3A_7 = arith.constant 128 : i32
    %add3A = arith.constant 0 : i32
    %add3A_8 = arith.addi %mul3A_0, %add3A : i32
    %run_scoped3A = arith.constant 0 : i32
    "tpu.region"() ({
      %run_scoped3A_419 = tpu.sem_alloc : memref<!tpu.dma_semaphore, #tpu.memory_space<semaphore_mem>>
      %dma_start3A_420 = arith.constant 0 : i32
      %dma_start3A_421 = arith.constant 0 : i32
      %dma_start3A_422 = tpu.memref_slice %arg7[%run_scoped3A, %dma_start3A_420, %dma_start3A_421] : memref<2x128x128xf32, #tpu.memory_space<vmem>> -> memref<1x128x128xf32, #tpu.memory_space<vmem>>
      %dma_start3A_423 = tpu.memref_squeeze %dma_start3A_422 : memref<1x128x128xf32, #tpu.memory_space<vmem>> -> memref<128x128xf32, #tpu.memory_space<vmem>>
      %dma_start3A_424 = arith.constant 0 : i32
      %dma_start3A_425 = tpu.memref_slice %arg8[%add3A_8, %dma_start3A_424] : memref<10000x128xf32, #tpu.memory_space<vmem_shared>> -> memref<128x128xf32, #tpu.memory_space<vmem_shared>>
      %dma_start3A_426 = arith.constant 0 : i32
      %dma_start3A_427 = tpu.memref_slice %arg8[%add3A_8, %dma_start3A_426] : memref<10000x128xf32, #tpu.memory_space<vmem_shared>> -> memref<128x128xf32, #tpu.memory_space<vmem_shared>>
      %dma_start3A_428 = arith.constant 0 : i32
      %dma_start3A_429 = arith.constant 0 : i32
      %dma_start3A_430 = tpu.memref_slice %arg7[%run_scoped3A, %dma_start3A_428, %dma_start3A_429] : memref<2x128x128xf32, #tpu.memory_space<vmem>> -> memref<1x128x128xf32, #tpu.memory_space<vmem>>
      %dma_start3A_431 = tpu.memref_squeeze %dma_start3A_430 : memref<1x128x128xf32, #tpu.memory_space<vmem>> -> memref<128x128xf32, #tpu.memory_space<vmem>>
      tpu.enqueue_dma source(%dma_start3A_431 : memref<128x128xf32, #tpu.memory_space<vmem>>) target(%dma_start3A_427 : memref<128x128xf32, #tpu.memory_space<vmem_shared>>) target_semaphore(%run_scoped3A_419 : memref<!tpu.dma_semaphore, #tpu.memory_space<semaphore_mem>>)
      %dma_wait3A_432 = arith.constant 0 : i32
      %dma_wait3A_433 = arith.constant 0 : i32
      %dma_wait3A_434 = tpu.memref_slice %arg7[%run_scoped3A, %dma_wait3A_432, %dma_wait3A_433] : memref<2x128x128xf32, #tpu.memory_space<vmem>> -> memref<1x128x128xf32, #tpu.memory_space<vmem>>
      %dma_wait3A_435 = tpu.memref_squeeze %dma_wait3A_434 : memref<1x128x128xf32, #tpu.memory_space<vmem>> -> memref<128x128xf32, #tpu.memory_space<vmem>>
      %dma_wait3A_436 = arith.constant 0 : i32
      %dma_wait3A_437 = tpu.memref_slice %arg8[%add3A_8, %dma_wait3A_436] : memref<10000x128xf32, #tpu.memory_space<vmem_shared>> -> memref<128x128xf32, #tpu.memory_space<vmem_shared>>
      %dma_wait3A_438 = arith.constant 0 : i32
      %dma_wait3A_439 = tpu.memref_slice %arg8[%add3A_8, %dma_wait3A_438] : memref<10000x128xf32, #tpu.memory_space<vmem_shared>> -> memref<128x128xf32, #tpu.memory_space<vmem_shared>>
      %dma_wait3A_440 = arith.constant 0 : i32
      %dma_wait3A_441 = arith.constant 0 : i32
      %dma_wait3A_442 = tpu.memref_slice %arg7[%run_scoped3A, %dma_wait3A_440, %dma_wait3A_441] : memref<2x128x128xf32, #tpu.memory_space<vmem>> -> memref<1x128x128xf32, #tpu.memory_space<vmem>>
      %dma_wait3A_443 = tpu.memref_squeeze %dma_wait3A_442 : memref<1x128x128xf32, #tpu.memory_space<vmem>> -> memref<128x128xf32, #tpu.memory_space<vmem>>
      tpu.wait_dma2 semaphore(%run_scoped3A_419 : memref<!tpu.dma_semaphore, #tpu.memory_space<semaphore_mem>>) src(%dma_wait3A_443 : memref<128x128xf32, #tpu.memory_space<vmem>>) dst(%dma_wait3A_439 : memref<128x128xf32, #tpu.memory_space<vmem_shared>>)
      tpu.yield
    }) : () -> ()
    %add3A_9 = arith.constant 128 : i32
    %add3A_10 = arith.addi %mul3A_0, %add3A_9 : i32
    %run_scoped3A_11 = arith.constant 0 : i32
    "tpu.region"() ({
      %run_scoped3A_419 = tpu.sem_alloc : memref<!tpu.dma_semaphore, #tpu.memory_space<semaphore_mem>>
      %dma_start3A_420 = arith.constant 0 : i32
      %dma_start3A_421 = arith.constant 0 : i32
      %dma_start3A_422 = tpu.memref_slice %arg7[%run_scoped3A_11, %dma_start3A_420, %dma_start3A_421] : memref<2x128x128xf32, #tpu.memory_space<vmem>> -> memref<1x128x128xf32, #tpu.memory_space<vmem>>
      %dma_start3A_423 = tpu.memref_squeeze %dma_start3A_422 : memref<1x128x128xf32, #tpu.memory_space<vmem>> -> memref<128x128xf32, #tpu.memory_space<vmem>>
      %dma_start3A_424 = arith.constant 0 : i32
      %dma_start3A_425 = tpu.memref_slice %arg8[%add3A_10, %dma_start3A_424] : memref<10000x128xf32, #tpu.memory_space<vmem_shared>> -> memref<128x128xf32, #tpu.memory_space<vmem_shared>>
      %dma_start3A_426 = arith.constant 0 : i32
      %dma_start3A_427 = tpu.memref_slice %arg8[%add3A_10, %dma_start3A_426] : memref<10000x128xf32, #tpu.memory_space<vmem_shared>> -> memref<128x128xf32, #tpu.memory_space<vmem_shared>>
      %dma_start3A_428 = arith.constant 0 : i32
      %dma_start3A_429 = arith.constant 0 : i32
      %dma_start3A_430 = tpu.memref_slice %arg7[%run_scoped3A_11, %dma_start3A_428, %dma_start3A_429] : memref<2x128x128xf32, #tpu.memory_space<vmem>> -> memref<1x128x128xf32, #tpu.memory_space<vmem>>
      %dma_start3A_431 = tpu.memref_squeeze %dma_start3A_430 : memref<1x128x128xf32, #tpu.memory_space<vmem>> -> memref<128x128xf32, #tpu.memory_space<vmem>>
      tpu.enqueue_dma source(%dma_start3A_431 : memref<128x128xf32, #tpu.memory_space<vmem>>) target(%dma_start3A_427 : memref<128x128xf32, #tpu.memory_space<vmem_shared>>) target_semaphore(%run_scoped3A_419 : memref<!tpu.dma_semaphore, #tpu.memory_space<semaphore_mem>>)
      %dma_wait3A_432 = arith.constant 0 : i32
      %dma_wait3A_433 = arith.constant 0 : i32
      %dma_wait3A_434 = tpu.memref_slice %arg7[%run_scoped3A_11, %dma_wait3A_432, %dma_wait3A_433] : memref<2x128x128xf32, #tpu.memory_space<vmem>> -> memref<1x128x128xf32, #tpu.memory_space<vmem>>
      %dma_wait3A_435 = tpu.memref_squeeze %dma_wait3A_434 : memref<1x128x128xf32, #tpu.memory_space<vmem>> -> memref<128x128xf32, #tpu.memory_space<vmem>>
      %dma_wait3A_436 = arith.constant 0 : i32
      %dma_wait3A_437 = tpu.memref_slice %arg8[%add3A_10, %dma_wait3A_436] : memref<10000x128xf32, #tpu.memory_space<vmem_shared>> -> memref<128x128xf32, #tpu.memory_space<vmem_shared>>
      %dma_wait3A_438 = arith.constant 0 : i32
      %dma_wait3A_439 = tpu.memref_slice %arg8[%add3A_10, %dma_wait3A_438] : memref<10000x128xf32, #tpu.memory_space<vmem_shared>> -> memref<128x128xf32, #tpu.memory_space<vmem_shared>>
      %dma_wait3A_440 = arith.constant 0 : i32
      %dma_wait3A_441 = arith.constant 0 : i32
      %dma_wait3A_442 = tpu.memref_slice %arg7[%run_scoped3A_11, %dma_wait3A_440, %dma_wait3A_441] : memref<2x128x128xf32, #tpu.memory_space<vmem>> -> memref<1x128x128xf32, #tpu.memory_space<vmem>>
      %dma_wait3A_443 = tpu.memref_squeeze %dma_wait3A_442 : memref<1x128x128xf32, #tpu.memory_space<vmem>> -> memref<128x128xf32, #tpu.memory_space<vmem>>
      tpu.wait_dma2 semaphore(%run_scoped3A_419 : memref<!tpu.dma_semaphore, #tpu.memory_space<semaphore_mem>>) src(%dma_wait3A_443 : memref<128x128xf32, #tpu.memory_space<vmem>>) dst(%dma_wait3A_439 : memref<128x128xf32, #tpu.memory_space<vmem_shared>>)
      tpu.yield
    }) : () -> ()
    %add3A_12 = arith.constant 256 : i32
    %add3A_13 = arith.addi %mul3A_0, %add3A_12 : i32
    %run_scoped3A_14 = arith.constant 0 : i32
    "tpu.region"() ({
      %run_scoped3A_419 = tpu.sem_alloc : memref<!tpu.dma_semaphore, #tpu.memory_space<semaphore_mem>>
      %dma_start3A_420 = arith.constant 0 : i32
      %dma_start3A_421 = arith.constant 0 : i32
      %dma_start3A_422 = tpu.memref_slice %arg7[%run_scoped3A_14, %dma_start3A_420, %dma_start3A_421] : memref<2x128x128xf32, #tpu.memory_space<vmem>> -> memref<1x128x128xf32, #tpu.memory_space<vmem>>
      %dma_start3A_423 = tpu.memref_squeeze %dma_start3A_422 : memref<1x128x128xf32, #tpu.memory_space<vmem>> -> memref<128x128xf32, #tpu.memory_space<vmem>>
      %dma_start3A_424 = arith.constant 0 : i32
      %dma_start3A_425 = tpu.memref_slice %arg8[%add3A_13, %dma_start3A_424] : memref<10000x128xf32, #tpu.memory_space<vmem_shared>> -> memref<128x128xf32, #tpu.memory_space<vmem_shared>>
      %dma_start3A_426 = arith.constant 0 : i32
      %dma_start3A_427 = tpu.memref_slice %arg8[%add3A_13, %dma_start3A_426] : memref<10000x128xf32, #tpu.memory_space<vmem_shared>> -> memref<128x128xf32, #tpu.memory_space<vmem_shared>>
      %dma_start3A_428 = arith.constant 0 : i32
      %dma_start3A_429 = arith.constant 0 : i32
      %dma_start3A_430 = tpu.memref_slice %arg7[%run_scoped3A_14, %dma_start3A_428, %dma_start3A_429] : memref<2x128x128xf32, #tpu.memory_space<vmem>> -> memref<1x128x128xf32, #tpu.memory_space<vmem>>
      %dma_start3A_431 = tpu.memref_squeeze %dma_start3A_430 : memref<1x128x128xf32, #tpu.memory_space<vmem>> -> memref<128x128xf32, #tpu.memory_space<vmem>>
      tpu.enqueue_dma source(%dma_start3A_431 : memref<128x128xf32, #tpu.memory_space<vmem>>) target(%dma_start3A_427 : memref<128x128xf32, #tpu.memory_space<vmem_shared>>) target_semaphore(%run_scoped3A_419 : memref<!tpu.dma_semaphore, #tpu.memory_space<semaphore_mem>>)
      %dma_wait3A_432 = arith.constant 0 : i32
      %dma_wait3A_433 = arith.constant 0 : i32
      %dma_wait3A_434 = tpu.memref_slice %arg7[%run_scoped3A_14, %dma_wait3A_432, %dma_wait3A_433] : memref<2x128x128xf32, #tpu.memory_space<vmem>> -> memref<1x128x128xf32, #tpu.memory_space<vmem>>
      %dma_wait3A_435 = tpu.memref_squeeze %dma_wait3A_434 : memref<1x128x128xf32, #tpu.memory_space<vmem>> -> memref<128x128xf32, #tpu.memory_space<vmem>>
      %dma_wait3A_436 = arith.constant 0 : i32
      %dma_wait3A_437 = tpu.memref_slice %arg8[%add3A_13, %dma_wait3A_436] : memref<10000x128xf32, #tpu.memory_space<vmem_shared>> -> memref<128x128xf32, #tpu.memory_space<vmem_shared>>
      %dma_wait3A_438 = arith.constant 0 : i32
      %dma_wait3A_439 = tpu.memref_slice %arg8[%add3A_13, %dma_wait3A_438] : memref<10000x128xf32, #tpu.memory_space<vmem_shared>> -> memref<128x128xf32, #tpu.memory_space<vmem_shared>>
      %dma_wait3A_440 = arith.constant 0 : i32
      %dma_wait3A_441 = arith.constant 0 : i32
      %dma_wait3A_442 = tpu.memref_slice %arg7[%run_scoped3A_14, %dma_wait3A_440, %dma_wait3A_441] : memref<2x128x128xf32, #tpu.memory_space<vmem>> -> memref<1x128x128xf32, #tpu.memory_space<vmem>>
      %dma_wait3A_443 = tpu.memref_squeeze %dma_wait3A_442 : memref<1x128x128xf32, #tpu.memory_space<vmem>> -> memref<128x128xf32, #tpu.memory_space<vmem>>
      tpu.wait_dma2 semaphore(%run_scoped3A_419 : memref<!tpu.dma_semaphore, #tpu.memory_space<semaphore_mem>>) src(%dma_wait3A_443 : memref<128x128xf32, #tpu.memory_space<vmem>>) dst(%dma_wait3A_439 : memref<128x128xf32, #tpu.memory_space<vmem_shared>>)
      tpu.yield
    }) : () -> ()
    %add3A_15 = arith.constant 384 : i32
    %add3A_16 = arith.addi %mul3A_0, %add3A_15 : i32
    %run_scoped3A_17 = arith.constant 0 : i32
    "tpu.region"() ({
      %run_scoped3A_419 = tpu.sem_alloc : memref<!tpu.dma_semaphore, #tpu.memory_space<semaphore_mem>>
      %dma_start3A_420 = arith.constant 0 : i32
      %dma_start3A_421 = arith.constant 0 : i32
      %dma_start3A_422 = tpu.memref_slice %arg7[%run_scoped3A_17, %dma_start3A_420, %dma_start3A_421] : memref<2x128x128xf32, #tpu.memory_space<vmem>> -> memref<1x128x128xf32, #tpu.memory_space<vmem>>
      %dma_start3A_423 = tpu.memref_squeeze %dma_start3A_422 : memref<1x128x128xf32, #tpu.memory_space<vmem>> -> memref<128x128xf32, #tpu.memory_space<vmem>>
      %dma_start3A_424 = arith.constant 0 : i32
      %dma_start3A_425 = tpu.memref_slice %arg8[%add3A_16, %dma_start3A_424] : memref<10000x128xf32, #tpu.memory_space<vmem_shared>> -> memref<128x128xf32, #tpu.memory_space<vmem_shared>>
      %dma_start3A_426 = arith.constant 0 : i32
      %dma_start3A_427 = tpu.memref_slice %arg8[%add3A_16, %dma_start3A_426] : memref<10000x128xf32, #tpu.memory_space<vmem_shared>> -> memref<128x128xf32, #tpu.memory_space<vmem_shared>>
      %dma_start3A_428 = arith.constant 0 : i32
      %dma_start3A_429 = arith.constant 0 : i32
      %dma_start3A_430 = tpu.memref_slice %arg7[%run_scoped3A_17, %dma_start3A_428, %dma_start3A_429] : memref<2x128x128xf32, #tpu.memory_space<vmem>> -> memref<1x128x128xf32, #tpu.memory_space<vmem>>
      %dma_start3A_431 = tpu.memref_squeeze %dma_start3A_430 : memref<1x128x128xf32, #tpu.memory_space<vmem>> -> memref<128x128xf32, #tpu.memory_space<vmem>>
      tpu.enqueue_dma source(%dma_start3A_431 : memref<128x128xf32, #tpu.memory_space<vmem>>) target(%dma_start3A_427 : memref<128x128xf32, #tpu.memory_space<vmem_shared>>) target_semaphore(%run_scoped3A_419 : memref<!tpu.dma_semaphore, #tpu.memory_space<semaphore_mem>>)
      %dma_wait3A_432 = arith.constant 0 : i32
      %dma_wait3A_433 = arith.constant 0 : i32
      %dma_wait3A_434 = tpu.memref_slice %arg7[%run_scoped3A_17, %dma_wait3A_432, %dma_wait3A_433] : memref<2x128x128xf32, #tpu.memory_space<vmem>> -> memref<1x128x128xf32, #tpu.memory_space<vmem>>
      %dma_wait3A_435 = tpu.memref_squeeze %dma_wait3A_434 : memref<1x128x128xf32, #tpu.memory_space<vmem>> -> memref<128x128xf32, #tpu.memory_space<vmem>>
      %dma_wait3A_436 = arith.constant 0 : i32
      %dma_wait3A_437 = tpu.memref_slice %arg8[%add3A_16, %dma_wait3A_436] : memref<10000x128xf32, #tpu.memory_space<vmem_shared>> -> memref<128x128xf32, #tpu.memory_space<vmem_shared>>
      %dma_wait3A_438 = arith.constant 0 : i32
      %dma_wait3A_439 = tpu.memref_slice %arg8[%add3A_16, %dma_wait3A_438] : memref<10000x128xf32, #tpu.memory_space<vmem_shared>> -> memref<128x128xf32, #tpu.memory_space<vmem_shared>>
      %dma_wait3A_440 = arith.constant 0 : i32
      %dma_wait3A_441 = arith.constant 0 : i32
      %dma_wait3A_442 = tpu.memref_slice %arg7[%run_scoped3A_17, %dma_wait3A_440, %dma_wait3A_441] : memref<2x128x128xf32, #tpu.memory_space<vmem>> -> memref<1x128x128xf32, #tpu.memory_space<vmem>>
      %dma_wait3A_443 = tpu.memref_squeeze %dma_wait3A_442 : memref<1x128x128xf32, #tpu.memory_space<vmem>> -> memref<128x128xf32, #tpu.memory_space<vmem>>
      tpu.wait_dma2 semaphore(%run_scoped3A_419 : memref<!tpu.dma_semaphore, #tpu.memory_space<semaphore_mem>>) src(%dma_wait3A_443 : memref<128x128xf32, #tpu.memory_space<vmem>>) dst(%dma_wait3A_439 : memref<128x128xf32, #tpu.memory_space<vmem_shared>>)
      tpu.yield
    }) : () -> ()
    %add3A_18 = arith.constant 512 : i32
    %add3A_19 = arith.addi %mul3A_0, %add3A_18 : i32
    %run_scoped3A_20 = arith.constant 0 : i32
    "tpu.region"() ({
      %run_scoped3A_419 = tpu.sem_alloc : memref<!tpu.dma_semaphore, #tpu.memory_space<semaphore_mem>>
      %dma_start3A_420 = arith.constant 0 : i32
      %dma_start3A_421 = arith.constant 0 : i32
      %dma_start3A_422 = tpu.memref_slice %arg7[%run_scoped3A_20, %dma_start3A_420, %dma_start3A_421] : memref<2x128x128xf32, #tpu.memory_space<vmem>> -> memref<1x113x128xf32, #tpu.memory_space<vmem>>
      %dma_start3A_423 = tpu.memref_squeeze %dma_start3A_422 : memref<1x113x128xf32, #tpu.memory_space<vmem>> -> memref<113x128xf32, #tpu.memory_space<vmem>>
      %dma_start3A_424 = arith.constant 0 : i32
      %dma_start3A_425 = tpu.memref_slice %arg8[%add3A_19, %dma_start3A_424] : memref<10000x128xf32, #tpu.memory_space<vmem_shared>> -> memref<113x128xf32, #tpu.memory_space<vmem_shared>>
      %dma_start3A_426 = arith.constant 0 : i32
      %dma_start3A_427 = tpu.memref_slice %arg8[%add3A_19, %dma_start3A_426] : memref<10000x128xf32, #tpu.memory_space<vmem_shared>> -> memref<113x128xf32, #tpu.memory_space<vmem_shared>>
      %dma_start3A_428 = arith.constant 0 : i32
      %dma_start3A_429 = arith.constant 0 : i32
      %dma_start3A_430 = tpu.memref_slice %arg7[%run_scoped3A_20, %dma_start3A_428, %dma_start3A_429] : memref<2x128x128xf32, #tpu.memory_space<vmem>> -> memref<1x113x128xf32, #tpu.memory_space<vmem>>
      %dma_start3A_431 = tpu.memref_squeeze %dma_start3A_430 : memref<1x113x128xf32, #tpu.memory_space<vmem>> -> memref<113x128xf32, #tpu.memory_space<vmem>>
      tpu.enqueue_dma source(%dma_start3A_431 : memref<113x128xf32, #tpu.memory_space<vmem>>) target(%dma_start3A_427 : memref<113x128xf32, #tpu.memory_space<vmem_shared>>) target_semaphore(%run_scoped3A_419 : memref<!tpu.dma_semaphore, #tpu.memory_space<semaphore_mem>>)
      %dma_wait3A_432 = arith.constant 0 : i32
      %dma_wait3A_433 = arith.constant 0 : i32
      %dma_wait3A_434 = tpu.memref_slice %arg7[%run_scoped3A_20, %dma_wait3A_432, %dma_wait3A_433] : memref<2x128x128xf32, #tpu.memory_space<vmem>> -> memref<1x113x128xf32, #tpu.memory_space<vmem>>
      %dma_wait3A_435 = tpu.memref_squeeze %dma_wait3A_434 : memref<1x113x128xf32, #tpu.memory_space<vmem>> -> memref<113x128xf32, #tpu.memory_space<vmem>>
      %dma_wait3A_436 = arith.constant 0 : i32
      %dma_wait3A_437 = tpu.memref_slice %arg8[%add3A_19, %dma_wait3A_436] : memref<10000x128xf32, #tpu.memory_space<vmem_shared>> -> memref<113x128xf32, #tpu.memory_space<vmem_shared>>
      %dma_wait3A_438 = arith.constant 0 : i32
      %dma_wait3A_439 = tpu.memref_slice %arg8[%add3A_19, %dma_wait3A_438] : memref<10000x128xf32, #tpu.memory_space<vmem_shared>> -> memref<113x128xf32, #tpu.memory_space<vmem_shared>>
      %dma_wait3A_440 = arith.constant 0 : i32
      %dma_wait3A_441 = arith.constant 0 : i32
      %dma_wait3A_442 = tpu.memref_slice %arg7[%run_scoped3A_20, %dma_wait3A_440, %dma_wait3A_441] : memref<2x128x128xf32, #tpu.memory_space<vmem>> -> memref<1x113x128xf32, #tpu.memory_space<vmem>>
      %dma_wait3A_443 = tpu.memref_squeeze %dma_wait3A_442 : memref<1x113x128xf32, #tpu.memory_space<vmem>> -> memref<113x128xf32, #tpu.memory_space<vmem>>
      tpu.wait_dma2 semaphore(%run_scoped3A_419 : memref<!tpu.dma_semaphore, #tpu.memory_space<semaphore_mem>>) src(%dma_wait3A_443 : memref<113x128xf32, #tpu.memory_space<vmem>>) dst(%dma_wait3A_439 : memref<113x128xf32, #tpu.memory_space<vmem_shared>>)
      tpu.yield
    }) : () -> ()
    %barrier3A = arith.constant 0 : index
    tpu.barrier barrier_id(%barrier3A)
    %mul3A_21 = arith.constant 156 : i32
    %mul3A_22 = arith.muli %arg1, %mul3A_21 : i32
    %min3A = arith.constant 4 : i32
    %min3A_23 = arith.minsi %arg1, %min3A : i32
    %add3A_24 = arith.addi %mul3A_22, %min3A_23 : i32
    %mul3A_25 = arith.constant 320000 : i32
    %mul3A_26 = arith.muli %arg0, %mul3A_25 : i32
    %lt3A = arith.constant 4 : i32
    %lt3A_27 = arith.cmpi slt, %arg1, %lt3A : i32
    %add3A_28 = arith.constant 156 : i32
    %add3A_29 = arith.addi %add3A_24, %add3A_28 : i32
    %add3A_30 = arith.constant 0 : i32
    %add3A_31 = arith.addi %add3A_24, %add3A_30 : i32
    %add3A_32 = arith.constant 0 : i32
    %add3A_33 = arith.addi %add3A_31, %add3A_32 : i32
    %mul3A_34 = arith.constant 128 : i32
    %mul3A_35 = arith.muli %add3A_33, %mul3A_34 : i32
    %add3A_36 = arith.addi %mul3A_26, %mul3A_35 : i32
    %dma_start3A = arith.constant 0 : i32
    %dma_start3A_37 = arith.constant 0 : i32
    %dma_start3A_38 = tpu.memref_slice %arg6[%dma_start3A, %dma_start3A_37] : memref<8x128xi32, #tpu.memory_space<vmem>> -> memref<1x128xi32, #tpu.memory_space<vmem>>
    %dma_start3A_39 = tpu.memref_squeeze %dma_start3A_38 : memref<1x128xi32, #tpu.memory_space<vmem>> -> memref<128xi32, #tpu.memory_space<vmem>>
    %dma_start3A_40 = tpu.memref_slice %arg3[%add3A_36] : memref<640000xi32, #tpu.memory_space<hbm>> -> memref<128xi32, #tpu.memory_space<hbm>>
    %dma_start3A_41 = arith.constant 0 : i32
    %dma_start3A_42 = tpu.memref_slice %arg6[%dma_start3A, %dma_start3A_41] : memref<8x128xi32, #tpu.memory_space<vmem>> -> memref<1x128xi32, #tpu.memory_space<vmem>>
    %dma_start3A_43 = tpu.memref_squeeze %dma_start3A_42 : memref<1x128xi32, #tpu.memory_space<vmem>> -> memref<128xi32, #tpu.memory_space<vmem>>
    %dma_start3A_44 = tpu.memref_slice %arg3[%add3A_36] : memref<640000xi32, #tpu.memory_space<hbm>> -> memref<128xi32, #tpu.memory_space<hbm>>
    tpu.enqueue_dma source(%dma_start3A_44 : memref<128xi32, #tpu.memory_space<hbm>>) target(%dma_start3A_43 : memref<128xi32, #tpu.memory_space<vmem>>) target_semaphore(%arg9 : memref<!tpu.dma_semaphore, #tpu.memory_space<semaphore_mem>>)
    %dma_start3A_45 = arith.constant 4 : i32
    %dma_start3A_46 = arith.constant 0 : i32
    %dma_start3A_47 = tpu.memref_slice %arg6[%dma_start3A_45, %dma_start3A_46] : memref<8x128xi32, #tpu.memory_space<vmem>> -> memref<1x128xi32, #tpu.memory_space<vmem>>
    %dma_start3A_48 = tpu.memref_squeeze %dma_start3A_47 : memref<1x128xi32, #tpu.memory_space<vmem>> -> memref<128xi32, #tpu.memory_space<vmem>>
    %dma_start3A_49 = tpu.memref_slice %arg4[%mul3A_35] : memref<320000xi32, #tpu.memory_space<hbm>> -> memref<128xi32, #tpu.memory_space<hbm>>
    %dma_start3A_50 = arith.constant 0 : i32
    %dma_start3A_51 = tpu.memref_slice %arg6[%dma_start3A_45, %dma_start3A_50] : memref<8x128xi32, #tpu.memory_space<vmem>> -> memref<1x128xi32, #tpu.memory_space<vmem>>
    %dma_start3A_52 = tpu.memref_squeeze %dma_start3A_51 : memref<1x128xi32, #tpu.memory_space<vmem>> -> memref<128xi32, #tpu.memory_space<vmem>>
    %dma_start3A_53 = tpu.memref_slice %arg4[%mul3A_35] : memref<320000xi32, #tpu.memory_space<hbm>> -> memref<128xi32, #tpu.memory_space<hbm>>
    tpu.enqueue_dma source(%dma_start3A_53 : memref<128xi32, #tpu.memory_space<hbm>>) target(%dma_start3A_52 : memref<128xi32, #tpu.memory_space<vmem>>) target_semaphore(%arg9 : memref<!tpu.dma_semaphore, #tpu.memory_space<semaphore_mem>>)
    %add3A_54 = arith.constant 0 : i32
    %add3A_55 = arith.addi %add3A_24, %add3A_54 : i32
    %add3A_56 = arith.constant 1 : i32
    %add3A_57 = arith.addi %add3A_55, %add3A_56 : i32
    %mul3A_58 = arith.constant 128 : i32
    %mul3A_59 = arith.muli %add3A_57, %mul3A_58 : i32
    %add3A_60 = arith.addi %mul3A_26, %mul3A_59 : i32
    %dma_start3A_61 = arith.constant 1 : i32
    %dma_start3A_62 = arith.constant 0 : i32
    %dma_start3A_63 = tpu.memref_slice %arg6[%dma_start3A_61, %dma_start3A_62] : memref<8x128xi32, #tpu.memory_space<vmem>> -> memref<1x128xi32, #tpu.memory_space<vmem>>
    %dma_start3A_64 = tpu.memref_squeeze %dma_start3A_63 : memref<1x128xi32, #tpu.memory_space<vmem>> -> memref<128xi32, #tpu.memory_space<vmem>>
    %dma_start3A_65 = tpu.memref_slice %arg3[%add3A_60] : memref<640000xi32, #tpu.memory_space<hbm>> -> memref<128xi32, #tpu.memory_space<hbm>>
    %dma_start3A_66 = arith.constant 0 : i32
    %dma_start3A_67 = tpu.memref_slice %arg6[%dma_start3A_61, %dma_start3A_66] : memref<8x128xi32, #tpu.memory_space<vmem>> -> memref<1x128xi32, #tpu.memory_space<vmem>>
    %dma_start3A_68 = tpu.memref_squeeze %dma_start3A_67 : memref<1x128xi32, #tpu.memory_space<vmem>> -> memref<128xi32, #tpu.memory_space<vmem>>
    %dma_start3A_69 = tpu.memref_slice %arg3[%add3A_60] : memref<640000xi32, #tpu.memory_space<hbm>> -> memref<128xi32, #tpu.memory_space<hbm>>
    tpu.enqueue_dma source(%dma_start3A_69 : memref<128xi32, #tpu.memory_space<hbm>>) target(%dma_start3A_68 : memref<128xi32, #tpu.memory_space<vmem>>) target_semaphore(%arg9 : memref<!tpu.dma_semaphore, #tpu.memory_space<semaphore_mem>>)
    %dma_start3A_70 = arith.constant 5 : i32
    %dma_start3A_71 = arith.constant 0 : i32
    %dma_start3A_72 = tpu.memref_slice %arg6[%dma_start3A_70, %dma_start3A_71] : memref<8x128xi32, #tpu.memory_space<vmem>> -> memref<1x128xi32, #tpu.memory_space<vmem>>
    %dma_start3A_73 = tpu.memref_squeeze %dma_start3A_72 : memref<1x128xi32, #tpu.memory_space<vmem>> -> memref<128xi32, #tpu.memory_space<vmem>>
    %dma_start3A_74 = tpu.memref_slice %arg4[%mul3A_59] : memref<320000xi32, #tpu.memory_space<hbm>> -> memref<128xi32, #tpu.memory_space<hbm>>
    %dma_start3A_75 = arith.constant 0 : i32
    %dma_start3A_76 = tpu.memref_slice %arg6[%dma_start3A_70, %dma_start3A_75] : memref<8x128xi32, #tpu.memory_space<vmem>> -> memref<1x128xi32, #tpu.memory_space<vmem>>
    %dma_start3A_77 = tpu.memref_squeeze %dma_start3A_76 : memref<1x128xi32, #tpu.memory_space<vmem>> -> memref<128xi32, #tpu.memory_space<vmem>>
    %dma_start3A_78 = tpu.memref_slice %arg4[%mul3A_59] : memref<320000xi32, #tpu.memory_space<hbm>> -> memref<128xi32, #tpu.memory_space<hbm>>
    tpu.enqueue_dma source(%dma_start3A_78 : memref<128xi32, #tpu.memory_space<hbm>>) target(%dma_start3A_77 : memref<128xi32, #tpu.memory_space<vmem>>) target_semaphore(%arg9 : memref<!tpu.dma_semaphore, #tpu.memory_space<semaphore_mem>>)
    %scan3A_79 = arith.constant 0 : i32
    %scan3A_80 = arith.constant 0 : i32
    %scan3A_81 = arith.constant 38 : i32
    %scan3A_82 = arith.addi %scan3A_80, %scan3A_81 : i32
    %scan3A_83 = arith.constant 1 : i32
    scf.for %scan3A_419 = %scan3A_80 to %scan3A_82 step %scan3A_83  : i32 {
      %mul3A_420 = arith.constant 2 : i32
      %mul3A_421 = arith.muli %mul3A_420, %scan3A_419 : i32
      %add3A_422 = arith.constant 1 : i32
      %add3A_423 = arith.addi %mul3A_421, %add3A_422 : i32
      %mul3A_424 = arith.constant 2 : i32
      %mul3A_425 = arith.muli %add3A_423, %mul3A_424 : i32
      %add3A_426 = arith.addi %add3A_24, %mul3A_425 : i32
      %add3A_427 = arith.constant 0 : i32
      %add3A_428 = arith.addi %add3A_426, %add3A_427 : i32
      %mul3A_429 = arith.constant 128 : i32
      %mul3A_430 = arith.muli %add3A_428, %mul3A_429 : i32
      %add3A_431 = arith.addi %mul3A_26, %mul3A_430 : i32
      %dma_start3A_432 = arith.constant 2 : i32
      %dma_start3A_433 = arith.constant 0 : i32
      %dma_start3A_434 = tpu.memref_slice %arg6[%dma_start3A_432, %dma_start3A_433] : memref<8x128xi32, #tpu.memory_space<vmem>> -> memref<1x128xi32, #tpu.memory_space<vmem>>
      %dma_start3A_435 = tpu.memref_squeeze %dma_start3A_434 : memref<1x128xi32, #tpu.memory_space<vmem>> -> memref<128xi32, #tpu.memory_space<vmem>>
      %dma_start3A_436 = tpu.memref_slice %arg3[%add3A_431] : memref<640000xi32, #tpu.memory_space<hbm>> -> memref<128xi32, #tpu.memory_space<hbm>>
      %dma_start3A_437 = arith.constant 0 : i32
      %dma_start3A_438 = tpu.memref_slice %arg6[%dma_start3A_432, %dma_start3A_437] : memref<8x128xi32, #tpu.memory_space<vmem>> -> memref<1x128xi32, #tpu.memory_space<vmem>>
      %dma_start3A_439 = tpu.memref_squeeze %dma_start3A_438 : memref<1x128xi32, #tpu.memory_space<vmem>> -> memref<128xi32, #tpu.memory_space<vmem>>
      %dma_start3A_440 = tpu.memref_slice %arg3[%add3A_431] : memref<640000xi32, #tpu.memory_space<hbm>> -> memref<128xi32, #tpu.memory_space<hbm>>
      tpu.enqueue_dma source(%dma_start3A_440 : memref<128xi32, #tpu.memory_space<hbm>>) target(%dma_start3A_439 : memref<128xi32, #tpu.memory_space<vmem>>) target_semaphore(%arg10 : memref<!tpu.dma_semaphore, #tpu.memory_space<semaphore_mem>>)
      %dma_start3A_441 = arith.constant 6 : i32
      %dma_start3A_442 = arith.constant 0 : i32
      %dma_start3A_443 = tpu.memref_slice %arg6[%dma_start3A_441, %dma_start3A_442] : memref<8x128xi32, #tpu.memory_space<vmem>> -> memref<1x128xi32, #tpu.memory_space<vmem>>
      %dma_start3A_444 = tpu.memref_squeeze %dma_start3A_443 : memref<1x128xi32, #tpu.memory_space<vmem>> -> memref<128xi32, #tpu.memory_space<vmem>>
      %dma_start3A_445 = tpu.memref_slice %arg4[%mul3A_430] : memref<320000xi32, #tpu.memory_space<hbm>> -> memref<128xi32, #tpu.memory_space<hbm>>
      %dma_start3A_446 = arith.constant 0 : i32
      %dma_start3A_447 = tpu.memref_slice %arg6[%dma_start3A_441, %dma_start3A_446] : memref<8x128xi32, #tpu.memory_space<vmem>> -> memref<1x128xi32, #tpu.memory_space<vmem>>
      %dma_start3A_448 = tpu.memref_squeeze %dma_start3A_447 : memref<1x128xi32, #tpu.memory_space<vmem>> -> memref<128xi32, #tpu.memory_space<vmem>>
      %dma_start3A_449 = tpu.memref_slice %arg4[%mul3A_430] : memref<320000xi32, #tpu.memory_space<hbm>> -> memref<128xi32, #tpu.memory_space<hbm>>
      tpu.enqueue_dma source(%dma_start3A_449 : memref<128xi32, #tpu.memory_space<hbm>>) target(%dma_start3A_448 : memref<128xi32, #tpu.memory_space<vmem>>) target_semaphore(%arg10 : memref<!tpu.dma_semaphore, #tpu.memory_space<semaphore_mem>>)
      %mul3A_450 = arith.constant 2 : i32
      %mul3A_451 = arith.muli %add3A_423, %mul3A_450 : i32
      %add3A_452 = arith.addi %add3A_24, %mul3A_451 : i32
      %add3A_453 = arith.constant 1 : i32
      %add3A_454 = arith.addi %add3A_452, %add3A_453 : i32
      %mul3A_455 = arith.constant 128 : i32
      %mul3A_456 = arith.muli %add3A_454, %mul3A_455 : i32
      %add3A_457 = arith.addi %mul3A_26, %mul3A_456 : i32
      %dma_start3A_458 = arith.constant 3 : i32
      %dma_start3A_459 = arith.constant 0 : i32
      %dma_start3A_460 = tpu.memref_slice %arg6[%dma_start3A_458, %dma_start3A_459] : memref<8x128xi32, #tpu.memory_space<vmem>> -> memref<1x128xi32, #tpu.memory_space<vmem>>
      %dma_start3A_461 = tpu.memref_squeeze %dma_start3A_460 : memref<1x128xi32, #tpu.memory_space<vmem>> -> memref<128xi32, #tpu.memory_space<vmem>>
      %dma_start3A_462 = tpu.memref_slice %arg3[%add3A_457] : memref<640000xi32, #tpu.memory_space<hbm>> -> memref<128xi32, #tpu.memory_space<hbm>>
      %dma_start3A_463 = arith.constant 0 : i32
      %dma_start3A_464 = tpu.memref_slice %arg6[%dma_start3A_458, %dma_start3A_463] : memref<8x128xi32, #tpu.memory_space<vmem>> -> memref<1x128xi32, #tpu.memory_space<vmem>>
      %dma_start3A_465 = tpu.memref_squeeze %dma_start3A_464 : memref<1x128xi32, #tpu.memory_space<vmem>> -> memref<128xi32, #tpu.memory_space<vmem>>
      %dma_start3A_466 = tpu.memref_slice %arg3[%add3A_457] : memref<640000xi32, #tpu.memory_space<hbm>> -> memref<128xi32, #tpu.memory_space<hbm>>
      tpu.enqueue_dma source(%dma_start3A_466 : memref<128xi32, #tpu.memory_space<hbm>>) target(%dma_start3A_465 : memref<128xi32, #tpu.memory_space<vmem>>) target_semaphore(%arg10 : memref<!tpu.dma_semaphore, #tpu.memory_space<semaphore_mem>>)
      %dma_start3A_467 = arith.constant 7 : i32
      %dma_start3A_468 = arith.constant 0 : i32
      %dma_start3A_469 = tpu.memref_slice %arg6[%dma_start3A_467, %dma_start3A_468] : memref<8x128xi32, #tpu.memory_space<vmem>> -> memref<1x128xi32, #tpu.memory_space<vmem>>
      %dma_start3A_470 = tpu.memref_squeeze %dma_start3A_469 : memref<1x128xi32, #tpu.memory_space<vmem>> -> memref<128xi32, #tpu.memory_space<vmem>>
      %dma_start3A_471 = tpu.memref_slice %arg4[%mul3A_456] : memref<320000xi32, #tpu.memory_space<hbm>> -> memref<128xi32, #tpu.memory_space<hbm>>
      %dma_start3A_472 = arith.constant 0 : i32
      %dma_start3A_473 = tpu.memref_slice %arg6[%dma_start3A_467, %dma_start3A_472] : memref<8x128xi32, #tpu.memory_space<vmem>> -> memref<1x128xi32, #tpu.memory_space<vmem>>
      %dma_start3A_474 = tpu.memref_squeeze %dma_start3A_473 : memref<1x128xi32, #tpu.memory_space<vmem>> -> memref<128xi32, #tpu.memory_space<vmem>>
      %dma_start3A_475 = tpu.memref_slice %arg4[%mul3A_456] : memref<320000xi32, #tpu.memory_space<hbm>> -> memref<128xi32, #tpu.memory_space<hbm>>
      tpu.enqueue_dma source(%dma_start3A_475 : memref<128xi32, #tpu.memory_space<hbm>>) target(%dma_start3A_474 : memref<128xi32, #tpu.memory_space<vmem>>) target_semaphore(%arg10 : memref<!tpu.dma_semaphore, #tpu.memory_space<semaphore_mem>>)
      %dma_wait3A_476 = arith.constant 0 : i32
      %dma_wait3A_477 = arith.constant 0 : i32
      %dma_wait3A_478 = tpu.memref_slice %arg6[%dma_wait3A_476, %dma_wait3A_477] : memref<8x128xi32, #tpu.memory_space<vmem>> -> memref<1x128xi32, #tpu.memory_space<vmem>>
      %dma_wait3A_479 = tpu.memref_squeeze %dma_wait3A_478 : memref<1x128xi32, #tpu.memory_space<vmem>> -> memref<128xi32, #tpu.memory_space<vmem>>
      %dma_wait3A_480 = arith.constant 0 : i32
      %dma_wait3A_481 = tpu.memref_slice %arg3[%dma_wait3A_480] : memref<640000xi32, #tpu.memory_space<hbm>> -> memref<128xi32, #tpu.memory_space<hbm>>
      %dma_wait3A_482 = arith.constant 0 : i32
      %dma_wait3A_483 = tpu.memref_slice %arg6[%dma_wait3A_476, %dma_wait3A_482] : memref<8x128xi32, #tpu.memory_space<vmem>> -> memref<1x128xi32, #tpu.memory_space<vmem>>
      %dma_wait3A_484 = tpu.memref_squeeze %dma_wait3A_483 : memref<1x128xi32, #tpu.memory_space<vmem>> -> memref<128xi32, #tpu.memory_space<vmem>>
      %dma_wait3A_485 = arith.constant 0 : i32
      %dma_wait3A_486 = tpu.memref_slice %arg3[%dma_wait3A_485] : memref<640000xi32, #tpu.memory_space<hbm>> -> memref<128xi32, #tpu.memory_space<hbm>>
      tpu.wait_dma2 semaphore(%arg9 : memref<!tpu.dma_semaphore, #tpu.memory_space<semaphore_mem>>) src(%dma_wait3A_486 : memref<128xi32, #tpu.memory_space<hbm>>) dst(%dma_wait3A_484 : memref<128xi32, #tpu.memory_space<vmem>>)
      %dma_wait3A_487 = arith.constant 4 : i32
      %dma_wait3A_488 = arith.constant 0 : i32
      %dma_wait3A_489 = tpu.memref_slice %arg6[%dma_wait3A_487, %dma_wait3A_488] : memref<8x128xi32, #tpu.memory_space<vmem>> -> memref<1x128xi32, #tpu.memory_space<vmem>>
      %dma_wait3A_490 = tpu.memref_squeeze %dma_wait3A_489 : memref<1x128xi32, #tpu.memory_space<vmem>> -> memref<128xi32, #tpu.memory_space<vmem>>
      %dma_wait3A_491 = arith.constant 0 : i32
      %dma_wait3A_492 = tpu.memref_slice %arg4[%dma_wait3A_491] : memref<320000xi32, #tpu.memory_space<hbm>> -> memref<128xi32, #tpu.memory_space<hbm>>
      %dma_wait3A_493 = arith.constant 0 : i32
      %dma_wait3A_494 = tpu.memref_slice %arg6[%dma_wait3A_487, %dma_wait3A_493] : memref<8x128xi32, #tpu.memory_space<vmem>> -> memref<1x128xi32, #tpu.memory_space<vmem>>
      %dma_wait3A_495 = tpu.memref_squeeze %dma_wait3A_494 : memref<1x128xi32, #tpu.memory_space<vmem>> -> memref<128xi32, #tpu.memory_space<vmem>>
      %dma_wait3A_496 = arith.constant 0 : i32
      %dma_wait3A_497 = tpu.memref_slice %arg4[%dma_wait3A_496] : memref<320000xi32, #tpu.memory_space<hbm>> -> memref<128xi32, #tpu.memory_space<hbm>>
      tpu.wait_dma2 semaphore(%arg9 : memref<!tpu.dma_semaphore, #tpu.memory_space<semaphore_mem>>) src(%dma_wait3A_497 : memref<128xi32, #tpu.memory_space<hbm>>) dst(%dma_wait3A_495 : memref<128xi32, #tpu.memory_space<vmem>>)
      %dma_wait3A_498 = arith.constant 1 : i32
      %dma_wait3A_499 = arith.constant 0 : i32
      %dma_wait3A_500 = tpu.memref_slice %arg6[%dma_wait3A_498, %dma_wait3A_499] : memref<8x128xi32, #tpu.memory_space<vmem>> -> memref<1x128xi32, #tpu.memory_space<vmem>>
      %dma_wait3A_501 = tpu.memref_squeeze %dma_wait3A_500 : memref<1x128xi32, #tpu.memory_space<vmem>> -> memref<128xi32, #tpu.memory_space<vmem>>
      %dma_wait3A_502 = arith.constant 0 : i32
      %dma_wait3A_503 = tpu.memref_slice %arg3[%dma_wait3A_502] : memref<640000xi32, #tpu.memory_space<hbm>> -> memref<128xi32, #tpu.memory_space<hbm>>
      %dma_wait3A_504 = arith.constant 0 : i32
      %dma_wait3A_505 = tpu.memref_slice %arg6[%dma_wait3A_498, %dma_wait3A_504] : memref<8x128xi32, #tpu.memory_space<vmem>> -> memref<1x128xi32, #tpu.memory_space<vmem>>
      %dma_wait3A_506 = tpu.memref_squeeze %dma_wait3A_505 : memref<1x128xi32, #tpu.memory_space<vmem>> -> memref<128xi32, #tpu.memory_space<vmem>>
      %dma_wait3A_507 = arith.constant 0 : i32
      %dma_wait3A_508 = tpu.memref_slice %arg3[%dma_wait3A_507] : memref<640000xi32, #tpu.memory_space<hbm>> -> memref<128xi32, #tpu.memory_space<hbm>>
      tpu.wait_dma2 semaphore(%arg9 : memref<!tpu.dma_semaphore, #tpu.memory_space<semaphore_mem>>) src(%dma_wait3A_508 : memref<128xi32, #tpu.memory_space<hbm>>) dst(%dma_wait3A_506 : memref<128xi32, #tpu.memory_space<vmem>>)
      %dma_wait3A_509 = arith.constant 5 : i32
      %dma_wait3A_510 = arith.constant 0 : i32
      %dma_wait3A_511 = tpu.memref_slice %arg6[%dma_wait3A_509, %dma_wait3A_510] : memref<8x128xi32, #tpu.memory_space<vmem>> -> memref<1x128xi32, #tpu.memory_space<vmem>>
      %dma_wait3A_512 = tpu.memref_squeeze %dma_wait3A_511 : memref<1x128xi32, #tpu.memory_space<vmem>> -> memref<128xi32, #tpu.memory_space<vmem>>
      %dma_wait3A_513 = arith.constant 0 : i32
      %dma_wait3A_514 = tpu.memref_slice %arg4[%dma_wait3A_513] : memref<320000xi32, #tpu.memory_space<hbm>> -> memref<128xi32, #tpu.memory_space<hbm>>
      %dma_wait3A_515 = arith.constant 0 : i32
      %dma_wait3A_516 = tpu.memref_slice %arg6[%dma_wait3A_509, %dma_wait3A_515] : memref<8x128xi32, #tpu.memory_space<vmem>> -> memref<1x128xi32, #tpu.memory_space<vmem>>
      %dma_wait3A_517 = tpu.memref_squeeze %dma_wait3A_516 : memref<1x128xi32, #tpu.memory_space<vmem>> -> memref<128xi32, #tpu.memory_space<vmem>>
      %dma_wait3A_518 = arith.constant 0 : i32
      %dma_wait3A_519 = tpu.memref_slice %arg4[%dma_wait3A_518] : memref<320000xi32, #tpu.memory_space<hbm>> -> memref<128xi32, #tpu.memory_space<hbm>>
      tpu.wait_dma2 semaphore(%arg9 : memref<!tpu.dma_semaphore, #tpu.memory_space<semaphore_mem>>) src(%dma_wait3A_519 : memref<128xi32, #tpu.memory_space<hbm>>) dst(%dma_wait3A_517 : memref<128xi32, #tpu.memory_space<vmem>>)
      %dma_start3A_520 = arith.constant 0 : i32
      %dma_start3A_521 = arith.constant 0 : i32
      %dma_start3A_522 = arith.constant 0 : i32
      %dma_start3A_523 = arith.constant 0 : i32
      %dma_start3A_524 = tpu.memref_slice %arg7[%dma_start3A_521, %dma_start3A_522, %dma_start3A_523] : memref<2x128x128xf32, #tpu.memory_space<vmem>> -> memref<1x128x128xf32, #tpu.memory_space<vmem>>
      %dma_start3A_525 = tpu.memref_squeeze %dma_start3A_524 : memref<1x128x128xf32, #tpu.memory_space<vmem>> -> memref<128x128xf32, #tpu.memory_space<vmem>>
      %dma_start3A_526 = arith.constant 0 : i32
      %dma_start3A_527 = tpu.memref_slice %arg6[%dma_start3A_520, %dma_start3A_526] : memref<8x128xi32, #tpu.memory_space<vmem>> -> memref<1x128xi32, #tpu.memory_space<vmem>>
      %dma_start3A_528 = tpu.memref_squeeze %dma_start3A_527 : memref<1x128xi32, #tpu.memory_space<vmem>> -> memref<128xi32, #tpu.memory_space<vmem>>
      %dma_start3A_529 = arith.constant 0 : i32
      %dma_start3A_530 = arith.constant 0 : i32
      %dma_start3A_531 = tpu.memref_slice %arg2[%dma_start3A_529, %dma_start3A_530] : memref<20000x128xf32, #tpu.memory_space<hbm>> -> memref<20000x128xf32, #tpu.memory_space<hbm>>
      tpu.enqueue_indirect_dma source(%dma_start3A_531 : memref<20000x128xf32, #tpu.memory_space<hbm>>) target(%dma_start3A_525 : memref<128x128xf32, #tpu.memory_space<vmem>>) offsets(%dma_start3A_528 : memref<128xi32, #tpu.memory_space<vmem>>) semaphore(%arg11 : memref<!tpu.dma_semaphore, #tpu.memory_space<semaphore_mem>>)
      %dma_start3A_532 = arith.constant 1 : i32
      %dma_start3A_533 = arith.constant 1 : i32
      %dma_start3A_534 = arith.constant 0 : i32
      %dma_start3A_535 = arith.constant 0 : i32
      %dma_start3A_536 = tpu.memref_slice %arg7[%dma_start3A_533, %dma_start3A_534, %dma_start3A_535] : memref<2x128x128xf32, #tpu.memory_space<vmem>> -> memref<1x128x128xf32, #tpu.memory_space<vmem>>
      %dma_start3A_537 = tpu.memref_squeeze %dma_start3A_536 : memref<1x128x128xf32, #tpu.memory_space<vmem>> -> memref<128x128xf32, #tpu.memory_space<vmem>>
      %dma_start3A_538 = arith.constant 0 : i32
      %dma_start3A_539 = tpu.memref_slice %arg6[%dma_start3A_532, %dma_start3A_538] : memref<8x128xi32, #tpu.memory_space<vmem>> -> memref<1x128xi32, #tpu.memory_space<vmem>>
      %dma_start3A_540 = tpu.memref_squeeze %dma_start3A_539 : memref<1x128xi32, #tpu.memory_space<vmem>> -> memref<128xi32, #tpu.memory_space<vmem>>
      %dma_start3A_541 = arith.constant 0 : i32
      %dma_start3A_542 = arith.constant 0 : i32
      %dma_start3A_543 = tpu.memref_slice %arg2[%dma_start3A_541, %dma_start3A_542] : memref<20000x128xf32, #tpu.memory_space<hbm>> -> memref<20000x128xf32, #tpu.memory_space<hbm>>
      tpu.enqueue_indirect_dma source(%dma_start3A_543 : memref<20000x128xf32, #tpu.memory_space<hbm>>) target(%dma_start3A_537 : memref<128x128xf32, #tpu.memory_space<vmem>>) offsets(%dma_start3A_540 : memref<128xi32, #tpu.memory_space<vmem>>) semaphore(%arg11 : memref<!tpu.dma_semaphore, #tpu.memory_space<semaphore_mem>>)
      %dma_wait3A_544 = arith.constant 0 : i32
      %dma_wait3A_545 = arith.constant 0 : i32
      %dma_wait3A_546 = arith.constant 0 : i32
      %dma_wait3A_547 = arith.constant 0 : i32
      %dma_wait3A_548 = tpu.memref_slice %arg7[%dma_wait3A_545, %dma_wait3A_546, %dma_wait3A_547] : memref<2x128x128xf32, #tpu.memory_space<vmem>> -> memref<1x128x128xf32, #tpu.memory_space<vmem>>
      %dma_wait3A_549 = tpu.memref_squeeze %dma_wait3A_548 : memref<1x128x128xf32, #tpu.memory_space<vmem>> -> memref<128x128xf32, #tpu.memory_space<vmem>>
      %dma_wait3A_550 = arith.constant 0 : i32
      %dma_wait3A_551 = tpu.memref_slice %arg6[%dma_wait3A_544, %dma_wait3A_550] : memref<8x128xi32, #tpu.memory_space<vmem>> -> memref<1x128xi32, #tpu.memory_space<vmem>>
      %dma_wait3A_552 = tpu.memref_squeeze %dma_wait3A_551 : memref<1x128xi32, #tpu.memory_space<vmem>> -> memref<128xi32, #tpu.memory_space<vmem>>
      %dma_wait3A_553 = arith.constant 0 : i32
      %dma_wait3A_554 = arith.constant 0 : i32
      %dma_wait3A_555 = tpu.memref_slice %arg2[%dma_wait3A_553, %dma_wait3A_554] : memref<20000x128xf32, #tpu.memory_space<hbm>> -> memref<20000x128xf32, #tpu.memory_space<hbm>>
      tpu.wait_indirect_dma semaphore(%arg11 : memref<!tpu.dma_semaphore, #tpu.memory_space<semaphore_mem>>) src(%dma_wait3A_555 : memref<20000x128xf32, #tpu.memory_space<hbm>>) dst(%dma_wait3A_549 : memref<128x128xf32, #tpu.memory_space<vmem>>)
      %dma_wait3A_556 = arith.constant 1 : i32
      %dma_wait3A_557 = arith.constant 1 : i32
      %dma_wait3A_558 = arith.constant 0 : i32
      %dma_wait3A_559 = arith.constant 0 : i32
      %dma_wait3A_560 = tpu.memref_slice %arg7[%dma_wait3A_557, %dma_wait3A_558, %dma_wait3A_559] : memref<2x128x128xf32, #tpu.memory_space<vmem>> -> memref<1x128x128xf32, #tpu.memory_space<vmem>>
      %dma_wait3A_561 = tpu.memref_squeeze %dma_wait3A_560 : memref<1x128x128xf32, #tpu.memory_space<vmem>> -> memref<128x128xf32, #tpu.memory_space<vmem>>
      %dma_wait3A_562 = arith.constant 0 : i32
      %dma_wait3A_563 = tpu.memref_slice %arg6[%dma_wait3A_556, %dma_wait3A_562] : memref<8x128xi32, #tpu.memory_space<vmem>> -> memref<1x128xi32, #tpu.memory_space<vmem>>
      %dma_wait3A_564 = tpu.memref_squeeze %dma_wait3A_563 : memref<1x128xi32, #tpu.memory_space<vmem>> -> memref<128xi32, #tpu.memory_space<vmem>>
      %dma_wait3A_565 = arith.constant 0 : i32
      %dma_wait3A_566 = arith.constant 0 : i32
      %dma_wait3A_567 = tpu.memref_slice %arg2[%dma_wait3A_565, %dma_wait3A_566] : memref<20000x128xf32, #tpu.memory_space<hbm>> -> memref<20000x128xf32, #tpu.memory_space<hbm>>
      tpu.wait_indirect_dma semaphore(%arg11 : memref<!tpu.dma_semaphore, #tpu.memory_space<semaphore_mem>>) src(%dma_wait3A_567 : memref<20000x128xf32, #tpu.memory_space<hbm>>) dst(%dma_wait3A_561 : memref<128x128xf32, #tpu.memory_space<vmem>>)
      %dma_start3A_568 = arith.constant 0 : i32
      %dma_start3A_569 = arith.constant 4 : i32
      %dma_start3A_570 = arith.constant 0 : i32
      %dma_start3A_571 = arith.constant 0 : i32
      %dma_start3A_572 = tpu.memref_slice %arg7[%dma_start3A_568, %dma_start3A_570, %dma_start3A_571] : memref<2x128x128xf32, #tpu.memory_space<vmem>> -> memref<1x128x128xf32, #tpu.memory_space<vmem>>
      %dma_start3A_573 = tpu.memref_squeeze %dma_start3A_572 : memref<1x128x128xf32, #tpu.memory_space<vmem>> -> memref<128x128xf32, #tpu.memory_space<vmem>>
      %dma_start3A_574 = arith.constant 0 : i32
      %dma_start3A_575 = tpu.memref_slice %arg6[%dma_start3A_569, %dma_start3A_574] : memref<8x128xi32, #tpu.memory_space<vmem>> -> memref<1x128xi32, #tpu.memory_space<vmem>>
      %dma_start3A_576 = tpu.memref_squeeze %dma_start3A_575 : memref<1x128xi32, #tpu.memory_space<vmem>> -> memref<128xi32, #tpu.memory_space<vmem>>
      %dma_start3A_577 = arith.constant 0 : i32
      %dma_start3A_578 = arith.constant 0 : i32
      %dma_start3A_579 = tpu.memref_slice %arg8[%dma_start3A_577, %dma_start3A_578] : memref<10000x128xf32, #tpu.memory_space<vmem_shared>> -> memref<10000x128xf32, #tpu.memory_space<vmem_shared>>
      tpu.enqueue_indirect_dma source(%dma_start3A_573 : memref<128x128xf32, #tpu.memory_space<vmem>>) target(%dma_start3A_579 : memref<10000x128xf32, #tpu.memory_space<vmem_shared>>) offsets(%dma_start3A_576 : memref<128xi32, #tpu.memory_space<vmem>>) semaphore(%arg12 : memref<!tpu.dma_semaphore, #tpu.memory_space<semaphore_mem>>) {add = true}
      %dma_start3A_580 = arith.constant 1 : i32
      %dma_start3A_581 = arith.constant 5 : i32
      %dma_start3A_582 = arith.constant 0 : i32
      %dma_start3A_583 = arith.constant 0 : i32
      %dma_start3A_584 = tpu.memref_slice %arg7[%dma_start3A_580, %dma_start3A_582, %dma_start3A_583] : memref<2x128x128xf32, #tpu.memory_space<vmem>> -> memref<1x128x128xf32, #tpu.memory_space<vmem>>
      %dma_start3A_585 = tpu.memref_squeeze %dma_start3A_584 : memref<1x128x128xf32, #tpu.memory_space<vmem>> -> memref<128x128xf32, #tpu.memory_space<vmem>>
      %dma_start3A_586 = arith.constant 0 : i32
      %dma_start3A_587 = tpu.memref_slice %arg6[%dma_start3A_581, %dma_start3A_586] : memref<8x128xi32, #tpu.memory_space<vmem>> -> memref<1x128xi32, #tpu.memory_space<vmem>>
      %dma_start3A_588 = tpu.memref_squeeze %dma_start3A_587 : memref<1x128xi32, #tpu.memory_space<vmem>> -> memref<128xi32, #tpu.memory_space<vmem>>
      %dma_start3A_589 = arith.constant 0 : i32
      %dma_start3A_590 = arith.constant 0 : i32
      %dma_start3A_591 = tpu.memref_slice %arg8[%dma_start3A_589, %dma_start3A_590] : memref<10000x128xf32, #tpu.memory_space<vmem_shared>> -> memref<10000x128xf32, #tpu.memory_space<vmem_shared>>
      tpu.enqueue_indirect_dma source(%dma_start3A_585 : memref<128x128xf32, #tpu.memory_space<vmem>>) target(%dma_start3A_591 : memref<10000x128xf32, #tpu.memory_space<vmem_shared>>) offsets(%dma_start3A_588 : memref<128xi32, #tpu.memory_space<vmem>>) semaphore(%arg12 : memref<!tpu.dma_semaphore, #tpu.memory_space<semaphore_mem>>) {add = true}
      %dma_wait3A_592 = arith.constant 0 : i32
      %dma_wait3A_593 = arith.constant 4 : i32
      %dma_wait3A_594 = arith.constant 0 : i32
      %dma_wait3A_595 = arith.constant 0 : i32
      %dma_wait3A_596 = tpu.memref_slice %arg7[%dma_wait3A_592, %dma_wait3A_594, %dma_wait3A_595] : memref<2x128x128xf32, #tpu.memory_space<vmem>> -> memref<1x128x128xf32, #tpu.memory_space<vmem>>
      %dma_wait3A_597 = tpu.memref_squeeze %dma_wait3A_596 : memref<1x128x128xf32, #tpu.memory_space<vmem>> -> memref<128x128xf32, #tpu.memory_space<vmem>>
      %dma_wait3A_598 = arith.constant 0 : i32
      %dma_wait3A_599 = tpu.memref_slice %arg6[%dma_wait3A_593, %dma_wait3A_598] : memref<8x128xi32, #tpu.memory_space<vmem>> -> memref<1x128xi32, #tpu.memory_space<vmem>>
      %dma_wait3A_600 = tpu.memref_squeeze %dma_wait3A_599 : memref<1x128xi32, #tpu.memory_space<vmem>> -> memref<128xi32, #tpu.memory_space<vmem>>
      %dma_wait3A_601 = arith.constant 0 : i32
      %dma_wait3A_602 = arith.constant 0 : i32
      %dma_wait3A_603 = tpu.memref_slice %arg8[%dma_wait3A_601, %dma_wait3A_602] : memref<10000x128xf32, #tpu.memory_space<vmem_shared>> -> memref<10000x128xf32, #tpu.memory_space<vmem_shared>>
      tpu.wait_indirect_dma semaphore(%arg12 : memref<!tpu.dma_semaphore, #tpu.memory_space<semaphore_mem>>) src(%dma_wait3A_597 : memref<128x128xf32, #tpu.memory_space<vmem>>) dst(%dma_wait3A_603 : memref<10000x128xf32, #tpu.memory_space<vmem_shared>>)
      %dma_wait3A_604 = arith.constant 1 : i32
      %dma_wait3A_605 = arith.constant 5 : i32
      %dma_wait3A_606 = arith.constant 0 : i32
      %dma_wait3A_607 = arith.constant 0 : i32
      %dma_wait3A_608 = tpu.memref_slice %arg7[%dma_wait3A_604, %dma_wait3A_606, %dma_wait3A_607] : memref<2x128x128xf32, #tpu.memory_space<vmem>> -> memref<1x128x128xf32, #tpu.memory_space<vmem>>
      %dma_wait3A_609 = tpu.memref_squeeze %dma_wait3A_608 : memref<1x128x128xf32, #tpu.memory_space<vmem>> -> memref<128x128xf32, #tpu.memory_space<vmem>>
      %dma_wait3A_610 = arith.constant 0 : i32
      %dma_wait3A_611 = tpu.memref_slice %arg6[%dma_wait3A_605, %dma_wait3A_610] : memref<8x128xi32, #tpu.memory_space<vmem>> -> memref<1x128xi32, #tpu.memory_space<vmem>>
      %dma_wait3A_612 = tpu.memref_squeeze %dma_wait3A_611 : memref<1x128xi32, #tpu.memory_space<vmem>> -> memref<128xi32, #tpu.memory_space<vmem>>
      %dma_wait3A_613 = arith.constant 0 : i32
      %dma_wait3A_614 = arith.constant 0 : i32
      %dma_wait3A_615 = tpu.memref_slice %arg8[%dma_wait3A_613, %dma_wait3A_614] : memref<10000x128xf32, #tpu.memory_space<vmem_shared>> -> memref<10000x128xf32, #tpu.memory_space<vmem_shared>>
      tpu.wait_indirect_dma semaphore(%arg12 : memref<!tpu.dma_semaphore, #tpu.memory_space<semaphore_mem>>) src(%dma_wait3A_609 : memref<128x128xf32, #tpu.memory_space<vmem>>) dst(%dma_wait3A_615 : memref<10000x128xf32, #tpu.memory_space<vmem_shared>>)
      %add3A_616 = arith.constant 2 : i32
      %add3A_617 = arith.addi %mul3A_421, %add3A_616 : i32
      %mul3A_618 = arith.constant 2 : i32
      %mul3A_619 = arith.muli %add3A_617, %mul3A_618 : i32
      %add3A_620 = arith.addi %add3A_24, %mul3A_619 : i32
      %add3A_621 = arith.constant 0 : i32
      %add3A_622 = arith.addi %add3A_620, %add3A_621 : i32
      %mul3A_623 = arith.constant 128 : i32
      %mul3A_624 = arith.muli %add3A_622, %mul3A_623 : i32
      %add3A_625 = arith.addi %mul3A_26, %mul3A_624 : i32
      %dma_start3A_626 = arith.constant 0 : i32
      %dma_start3A_627 = arith.constant 0 : i32
      %dma_start3A_628 = tpu.memref_slice %arg6[%dma_start3A_626, %dma_start3A_627] : memref<8x128xi32, #tpu.memory_space<vmem>> -> memref<1x128xi32, #tpu.memory_space<vmem>>
      %dma_start3A_629 = tpu.memref_squeeze %dma_start3A_628 : memref<1x128xi32, #tpu.memory_space<vmem>> -> memref<128xi32, #tpu.memory_space<vmem>>
      %dma_start3A_630 = tpu.memref_slice %arg3[%add3A_625] : memref<640000xi32, #tpu.memory_space<hbm>> -> memref<128xi32, #tpu.memory_space<hbm>>
      %dma_start3A_631 = arith.constant 0 : i32
      %dma_start3A_632 = tpu.memref_slice %arg6[%dma_start3A_626, %dma_start3A_631] : memref<8x128xi32, #tpu.memory_space<vmem>> -> memref<1x128xi32, #tpu.memory_space<vmem>>
      %dma_start3A_633 = tpu.memref_squeeze %dma_start3A_632 : memref<1x128xi32, #tpu.memory_space<vmem>> -> memref<128xi32, #tpu.memory_space<vmem>>
      %dma_start3A_634 = tpu.memref_slice %arg3[%add3A_625] : memref<640000xi32, #tpu.memory_space<hbm>> -> memref<128xi32, #tpu.memory_space<hbm>>
      tpu.enqueue_dma source(%dma_start3A_634 : memref<128xi32, #tpu.memory_space<hbm>>) target(%dma_start3A_633 : memref<128xi32, #tpu.memory_space<vmem>>) target_semaphore(%arg9 : memref<!tpu.dma_semaphore, #tpu.memory_space<semaphore_mem>>)
      %dma_start3A_635 = arith.constant 4 : i32
      %dma_start3A_636 = arith.constant 0 : i32
      %dma_start3A_637 = tpu.memref_slice %arg6[%dma_start3A_635, %dma_start3A_636] : memref<8x128xi32, #tpu.memory_space<vmem>> -> memref<1x128xi32, #tpu.memory_space<vmem>>
      %dma_start3A_638 = tpu.memref_squeeze %dma_start3A_637 : memref<1x128xi32, #tpu.memory_space<vmem>> -> memref<128xi32, #tpu.memory_space<vmem>>
      %dma_start3A_639 = tpu.memref_slice %arg4[%mul3A_624] : memref<320000xi32, #tpu.memory_space<hbm>> -> memref<128xi32, #tpu.memory_space<hbm>>
      %dma_start3A_640 = arith.constant 0 : i32
      %dma_start3A_641 = tpu.memref_slice %arg6[%dma_start3A_635, %dma_start3A_640] : memref<8x128xi32, #tpu.memory_space<vmem>> -> memref<1x128xi32, #tpu.memory_space<vmem>>
      %dma_start3A_642 = tpu.memref_squeeze %dma_start3A_641 : memref<1x128xi32, #tpu.memory_space<vmem>> -> memref<128xi32, #tpu.memory_space<vmem>>
      %dma_start3A_643 = tpu.memref_slice %arg4[%mul3A_624] : memref<320000xi32, #tpu.memory_space<hbm>> -> memref<128xi32, #tpu.memory_space<hbm>>
      tpu.enqueue_dma source(%dma_start3A_643 : memref<128xi32, #tpu.memory_space<hbm>>) target(%dma_start3A_642 : memref<128xi32, #tpu.memory_space<vmem>>) target_semaphore(%arg9 : memref<!tpu.dma_semaphore, #tpu.memory_space<semaphore_mem>>)
      %mul3A_644 = arith.constant 2 : i32
      %mul3A_645 = arith.muli %add3A_617, %mul3A_644 : i32
      %add3A_646 = arith.addi %add3A_24, %mul3A_645 : i32
      %add3A_647 = arith.constant 1 : i32
      %add3A_648 = arith.addi %add3A_646, %add3A_647 : i32
      %mul3A_649 = arith.constant 128 : i32
      %mul3A_650 = arith.muli %add3A_648, %mul3A_649 : i32
      %add3A_651 = arith.addi %mul3A_26, %mul3A_650 : i32
      %dma_start3A_652 = arith.constant 1 : i32
      %dma_start3A_653 = arith.constant 0 : i32
      %dma_start3A_654 = tpu.memref_slice %arg6[%dma_start3A_652, %dma_start3A_653] : memref<8x128xi32, #tpu.memory_space<vmem>> -> memref<1x128xi32, #tpu.memory_space<vmem>>
      %dma_start3A_655 = tpu.memref_squeeze %dma_start3A_654 : memref<1x128xi32, #tpu.memory_space<vmem>> -> memref<128xi32, #tpu.memory_space<vmem>>
      %dma_start3A_656 = tpu.memref_slice %arg3[%add3A_651] : memref<640000xi32, #tpu.memory_space<hbm>> -> memref<128xi32, #tpu.memory_space<hbm>>
      %dma_start3A_657 = arith.constant 0 : i32
      %dma_start3A_658 = tpu.memref_slice %arg6[%dma_start3A_652, %dma_start3A_657] : memref<8x128xi32, #tpu.memory_space<vmem>> -> memref<1x128xi32, #tpu.memory_space<vmem>>
      %dma_start3A_659 = tpu.memref_squeeze %dma_start3A_658 : memref<1x128xi32, #tpu.memory_space<vmem>> -> memref<128xi32, #tpu.memory_space<vmem>>
      %dma_start3A_660 = tpu.memref_slice %arg3[%add3A_651] : memref<640000xi32, #tpu.memory_space<hbm>> -> memref<128xi32, #tpu.memory_space<hbm>>
      tpu.enqueue_dma source(%dma_start3A_660 : memref<128xi32, #tpu.memory_space<hbm>>) target(%dma_start3A_659 : memref<128xi32, #tpu.memory_space<vmem>>) target_semaphore(%arg9 : memref<!tpu.dma_semaphore, #tpu.memory_space<semaphore_mem>>)
      %dma_start3A_661 = arith.constant 5 : i32
      %dma_start3A_662 = arith.constant 0 : i32
      %dma_start3A_663 = tpu.memref_slice %arg6[%dma_start3A_661, %dma_start3A_662] : memref<8x128xi32, #tpu.memory_space<vmem>> -> memref<1x128xi32, #tpu.memory_space<vmem>>
      %dma_start3A_664 = tpu.memref_squeeze %dma_start3A_663 : memref<1x128xi32, #tpu.memory_space<vmem>> -> memref<128xi32, #tpu.memory_space<vmem>>
      %dma_start3A_665 = tpu.memref_slice %arg4[%mul3A_650] : memref<320000xi32, #tpu.memory_space<hbm>> -> memref<128xi32, #tpu.memory_space<hbm>>
      %dma_start3A_666 = arith.constant 0 : i32
      %dma_start3A_667 = tpu.memref_slice %arg6[%dma_start3A_661, %dma_start3A_666] : memref<8x128xi32, #tpu.memory_space<vmem>> -> memref<1x128xi32, #tpu.memory_space<vmem>>
      %dma_start3A_668 = tpu.memref_squeeze %dma_start3A_667 : memref<1x128xi32, #tpu.memory_space<vmem>> -> memref<128xi32, #tpu.memory_space<vmem>>
      %dma_start3A_669 = tpu.memref_slice %arg4[%mul3A_650] : memref<320000xi32, #tpu.memory_space<hbm>> -> memref<128xi32, #tpu.memory_space<hbm>>
      tpu.enqueue_dma source(%dma_start3A_669 : memref<128xi32, #tpu.memory_space<hbm>>) target(%dma_start3A_668 : memref<128xi32, #tpu.memory_space<vmem>>) target_semaphore(%arg9 : memref<!tpu.dma_semaphore, #tpu.memory_space<semaphore_mem>>)
      %dma_wait3A_670 = arith.constant 2 : i32
      %dma_wait3A_671 = arith.constant 0 : i32
      %dma_wait3A_672 = tpu.memref_slice %arg6[%dma_wait3A_670, %dma_wait3A_671] : memref<8x128xi32, #tpu.memory_space<vmem>> -> memref<1x128xi32, #tpu.memory_space<vmem>>
      %dma_wait3A_673 = tpu.memref_squeeze %dma_wait3A_672 : memref<1x128xi32, #tpu.memory_space<vmem>> -> memref<128xi32, #tpu.memory_space<vmem>>
      %dma_wait3A_674 = arith.constant 0 : i32
      %dma_wait3A_675 = tpu.memref_slice %arg3[%dma_wait3A_674] : memref<640000xi32, #tpu.memory_space<hbm>> -> memref<128xi32, #tpu.memory_space<hbm>>
      %dma_wait3A_676 = arith.constant 0 : i32
      %dma_wait3A_677 = tpu.memref_slice %arg6[%dma_wait3A_670, %dma_wait3A_676] : memref<8x128xi32, #tpu.memory_space<vmem>> -> memref<1x128xi32, #tpu.memory_space<vmem>>
      %dma_wait3A_678 = tpu.memref_squeeze %dma_wait3A_677 : memref<1x128xi32, #tpu.memory_space<vmem>> -> memref<128xi32, #tpu.memory_space<vmem>>
      %dma_wait3A_679 = arith.constant 0 : i32
      %dma_wait3A_680 = tpu.memref_slice %arg3[%dma_wait3A_679] : memref<640000xi32, #tpu.memory_space<hbm>> -> memref<128xi32, #tpu.memory_space<hbm>>
      tpu.wait_dma2 semaphore(%arg10 : memref<!tpu.dma_semaphore, #tpu.memory_space<semaphore_mem>>) src(%dma_wait3A_680 : memref<128xi32, #tpu.memory_space<hbm>>) dst(%dma_wait3A_678 : memref<128xi32, #tpu.memory_space<vmem>>)
      %dma_wait3A_681 = arith.constant 6 : i32
      %dma_wait3A_682 = arith.constant 0 : i32
      %dma_wait3A_683 = tpu.memref_slice %arg6[%dma_wait3A_681, %dma_wait3A_682] : memref<8x128xi32, #tpu.memory_space<vmem>> -> memref<1x128xi32, #tpu.memory_space<vmem>>
      %dma_wait3A_684 = tpu.memref_squeeze %dma_wait3A_683 : memref<1x128xi32, #tpu.memory_space<vmem>> -> memref<128xi32, #tpu.memory_space<vmem>>
      %dma_wait3A_685 = arith.constant 0 : i32
      %dma_wait3A_686 = tpu.memref_slice %arg4[%dma_wait3A_685] : memref<320000xi32, #tpu.memory_space<hbm>> -> memref<128xi32, #tpu.memory_space<hbm>>
      %dma_wait3A_687 = arith.constant 0 : i32
      %dma_wait3A_688 = tpu.memref_slice %arg6[%dma_wait3A_681, %dma_wait3A_687] : memref<8x128xi32, #tpu.memory_space<vmem>> -> memref<1x128xi32, #tpu.memory_space<vmem>>
      %dma_wait3A_689 = tpu.memref_squeeze %dma_wait3A_688 : memref<1x128xi32, #tpu.memory_space<vmem>> -> memref<128xi32, #tpu.memory_space<vmem>>
      %dma_wait3A_690 = arith.constant 0 : i32
      %dma_wait3A_691 = tpu.memref_slice %arg4[%dma_wait3A_690] : memref<320000xi32, #tpu.memory_space<hbm>> -> memref<128xi32, #tpu.memory_space<hbm>>
      tpu.wait_dma2 semaphore(%arg10 : memref<!tpu.dma_semaphore, #tpu.memory_space<semaphore_mem>>) src(%dma_wait3A_691 : memref<128xi32, #tpu.memory_space<hbm>>) dst(%dma_wait3A_689 : memref<128xi32, #tpu.memory_space<vmem>>)
      %dma_wait3A_692 = arith.constant 3 : i32
      %dma_wait3A_693 = arith.constant 0 : i32
      %dma_wait3A_694 = tpu.memref_slice %arg6[%dma_wait3A_692, %dma_wait3A_693] : memref<8x128xi32, #tpu.memory_space<vmem>> -> memref<1x128xi32, #tpu.memory_space<vmem>>
      %dma_wait3A_695 = tpu.memref_squeeze %dma_wait3A_694 : memref<1x128xi32, #tpu.memory_space<vmem>> -> memref<128xi32, #tpu.memory_space<vmem>>
      %dma_wait3A_696 = arith.constant 0 : i32
      %dma_wait3A_697 = tpu.memref_slice %arg3[%dma_wait3A_696] : memref<640000xi32, #tpu.memory_space<hbm>> -> memref<128xi32, #tpu.memory_space<hbm>>
      %dma_wait3A_698 = arith.constant 0 : i32
      %dma_wait3A_699 = tpu.memref_slice %arg6[%dma_wait3A_692, %dma_wait3A_698] : memref<8x128xi32, #tpu.memory_space<vmem>> -> memref<1x128xi32, #tpu.memory_space<vmem>>
      %dma_wait3A_700 = tpu.memref_squeeze %dma_wait3A_699 : memref<1x128xi32, #tpu.memory_space<vmem>> -> memref<128xi32, #tpu.memory_space<vmem>>
      %dma_wait3A_701 = arith.constant 0 : i32
      %dma_wait3A_702 = tpu.memref_slice %arg3[%dma_wait3A_701] : memref<640000xi32, #tpu.memory_space<hbm>> -> memref<128xi32, #tpu.memory_space<hbm>>
      tpu.wait_dma2 semaphore(%arg10 : memref<!tpu.dma_semaphore, #tpu.memory_space<semaphore_mem>>) src(%dma_wait3A_702 : memref<128xi32, #tpu.memory_space<hbm>>) dst(%dma_wait3A_700 : memref<128xi32, #tpu.memory_space<vmem>>)
      %dma_wait3A_703 = arith.constant 7 : i32
      %dma_wait3A_704 = arith.constant 0 : i32
      %dma_wait3A_705 = tpu.memref_slice %arg6[%dma_wait3A_703, %dma_wait3A_704] : memref<8x128xi32, #tpu.memory_space<vmem>> -> memref<1x128xi32, #tpu.memory_space<vmem>>
      %dma_wait3A_706 = tpu.memref_squeeze %dma_wait3A_705 : memref<1x128xi32, #tpu.memory_space<vmem>> -> memref<128xi32, #tpu.memory_space<vmem>>
      %dma_wait3A_707 = arith.constant 0 : i32
      %dma_wait3A_708 = tpu.memref_slice %arg4[%dma_wait3A_707] : memref<320000xi32, #tpu.memory_space<hbm>> -> memref<128xi32, #tpu.memory_space<hbm>>
      %dma_wait3A_709 = arith.constant 0 : i32
      %dma_wait3A_710 = tpu.memref_slice %arg6[%dma_wait3A_703, %dma_wait3A_709] : memref<8x128xi32, #tpu.memory_space<vmem>> -> memref<1x128xi32, #tpu.memory_space<vmem>>
      %dma_wait3A_711 = tpu.memref_squeeze %dma_wait3A_710 : memref<1x128xi32, #tpu.memory_space<vmem>> -> memref<128xi32, #tpu.memory_space<vmem>>
      %dma_wait3A_712 = arith.constant 0 : i32
      %dma_wait3A_713 = tpu.memref_slice %arg4[%dma_wait3A_712] : memref<320000xi32, #tpu.memory_space<hbm>> -> memref<128xi32, #tpu.memory_space<hbm>>
      tpu.wait_dma2 semaphore(%arg10 : memref<!tpu.dma_semaphore, #tpu.memory_space<semaphore_mem>>) src(%dma_wait3A_713 : memref<128xi32, #tpu.memory_space<hbm>>) dst(%dma_wait3A_711 : memref<128xi32, #tpu.memory_space<vmem>>)
      %dma_start3A_714 = arith.constant 2 : i32
      %dma_start3A_715 = arith.constant 0 : i32
      %dma_start3A_716 = arith.constant 0 : i32
      %dma_start3A_717 = arith.constant 0 : i32
      %dma_start3A_718 = tpu.memref_slice %arg7[%dma_start3A_715, %dma_start3A_716, %dma_start3A_717] : memref<2x128x128xf32, #tpu.memory_space<vmem>> -> memref<1x128x128xf32, #tpu.memory_space<vmem>>
      %dma_start3A_719 = tpu.memref_squeeze %dma_start3A_718 : memref<1x128x128xf32, #tpu.memory_space<vmem>> -> memref<128x128xf32, #tpu.memory_space<vmem>>
      %dma_start3A_720 = arith.constant 0 : i32
      %dma_start3A_721 = tpu.memref_slice %arg6[%dma_start3A_714, %dma_start3A_720] : memref<8x128xi32, #tpu.memory_space<vmem>> -> memref<1x128xi32, #tpu.memory_space<vmem>>
      %dma_start3A_722 = tpu.memref_squeeze %dma_start3A_721 : memref<1x128xi32, #tpu.memory_space<vmem>> -> memref<128xi32, #tpu.memory_space<vmem>>
      %dma_start3A_723 = arith.constant 0 : i32
      %dma_start3A_724 = arith.constant 0 : i32
      %dma_start3A_725 = tpu.memref_slice %arg2[%dma_start3A_723, %dma_start3A_724] : memref<20000x128xf32, #tpu.memory_space<hbm>> -> memref<20000x128xf32, #tpu.memory_space<hbm>>
      tpu.enqueue_indirect_dma source(%dma_start3A_725 : memref<20000x128xf32, #tpu.memory_space<hbm>>) target(%dma_start3A_719 : memref<128x128xf32, #tpu.memory_space<vmem>>) offsets(%dma_start3A_722 : memref<128xi32, #tpu.memory_space<vmem>>) semaphore(%arg11 : memref<!tpu.dma_semaphore, #tpu.memory_space<semaphore_mem>>)
      %dma_start3A_726 = arith.constant 3 : i32
      %dma_start3A_727 = arith.constant 1 : i32
      %dma_start3A_728 = arith.constant 0 : i32
      %dma_start3A_729 = arith.constant 0 : i32
      %dma_start3A_730 = tpu.memref_slice %arg7[%dma_start3A_727, %dma_start3A_728, %dma_start3A_729] : memref<2x128x128xf32, #tpu.memory_space<vmem>> -> memref<1x128x128xf32, #tpu.memory_space<vmem>>
      %dma_start3A_731 = tpu.memref_squeeze %dma_start3A_730 : memref<1x128x128xf32, #tpu.memory_space<vmem>> -> memref<128x128xf32, #tpu.memory_space<vmem>>
      %dma_start3A_732 = arith.constant 0 : i32
      %dma_start3A_733 = tpu.memref_slice %arg6[%dma_start3A_726, %dma_start3A_732] : memref<8x128xi32, #tpu.memory_space<vmem>> -> memref<1x128xi32, #tpu.memory_space<vmem>>
      %dma_start3A_734 = tpu.memref_squeeze %dma_start3A_733 : memref<1x128xi32, #tpu.memory_space<vmem>> -> memref<128xi32, #tpu.memory_space<vmem>>
      %dma_start3A_735 = arith.constant 0 : i32
      %dma_start3A_736 = arith.constant 0 : i32
      %dma_start3A_737 = tpu.memref_slice %arg2[%dma_start3A_735, %dma_start3A_736] : memref<20000x128xf32, #tpu.memory_space<hbm>> -> memref<20000x128xf32, #tpu.memory_space<hbm>>
      tpu.enqueue_indirect_dma source(%dma_start3A_737 : memref<20000x128xf32, #tpu.memory_space<hbm>>) target(%dma_start3A_731 : memref<128x128xf32, #tpu.memory_space<vmem>>) offsets(%dma_start3A_734 : memref<128xi32, #tpu.memory_space<vmem>>) semaphore(%arg11 : memref<!tpu.dma_semaphore, #tpu.memory_space<semaphore_mem>>)
      %dma_wait3A_738 = arith.constant 2 : i32
      %dma_wait3A_739 = arith.constant 0 : i32
      %dma_wait3A_740 = arith.constant 0 : i32
      %dma_wait3A_741 = arith.constant 0 : i32
      %dma_wait3A_742 = tpu.memref_slice %arg7[%dma_wait3A_739, %dma_wait3A_740, %dma_wait3A_741] : memref<2x128x128xf32, #tpu.memory_space<vmem>> -> memref<1x128x128xf32, #tpu.memory_space<vmem>>
      %dma_wait3A_743 = tpu.memref_squeeze %dma_wait3A_742 : memref<1x128x128xf32, #tpu.memory_space<vmem>> -> memref<128x128xf32, #tpu.memory_space<vmem>>
      %dma_wait3A_744 = arith.constant 0 : i32
      %dma_wait3A_745 = tpu.memref_slice %arg6[%dma_wait3A_738, %dma_wait3A_744] : memref<8x128xi32, #tpu.memory_space<vmem>> -> memref<1x128xi32, #tpu.memory_space<vmem>>
      %dma_wait3A_746 = tpu.memref_squeeze %dma_wait3A_745 : memref<1x128xi32, #tpu.memory_space<vmem>> -> memref<128xi32, #tpu.memory_space<vmem>>
      %dma_wait3A_747 = arith.constant 0 : i32
      %dma_wait3A_748 = arith.constant 0 : i32
      %dma_wait3A_749 = tpu.memref_slice %arg2[%dma_wait3A_747, %dma_wait3A_748] : memref<20000x128xf32, #tpu.memory_space<hbm>> -> memref<20000x128xf32, #tpu.memory_space<hbm>>
      tpu.wait_indirect_dma semaphore(%arg11 : memref<!tpu.dma_semaphore, #tpu.memory_space<semaphore_mem>>) src(%dma_wait3A_749 : memref<20000x128xf32, #tpu.memory_space<hbm>>) dst(%dma_wait3A_743 : memref<128x128xf32, #tpu.memory_space<vmem>>)
      %dma_wait3A_750 = arith.constant 3 : i32
      %dma_wait3A_751 = arith.constant 1 : i32
      %dma_wait3A_752 = arith.constant 0 : i32
      %dma_wait3A_753 = arith.constant 0 : i32
      %dma_wait3A_754 = tpu.memref_slice %arg7[%dma_wait3A_751, %dma_wait3A_752, %dma_wait3A_753] : memref<2x128x128xf32, #tpu.memory_space<vmem>> -> memref<1x128x128xf32, #tpu.memory_space<vmem>>
      %dma_wait3A_755 = tpu.memref_squeeze %dma_wait3A_754 : memref<1x128x128xf32, #tpu.memory_space<vmem>> -> memref<128x128xf32, #tpu.memory_space<vmem>>
      %dma_wait3A_756 = arith.constant 0 : i32
      %dma_wait3A_757 = tpu.memref_slice %arg6[%dma_wait3A_750, %dma_wait3A_756] : memref<8x128xi32, #tpu.memory_space<vmem>> -> memref<1x128xi32, #tpu.memory_space<vmem>>
      %dma_wait3A_758 = tpu.memref_squeeze %dma_wait3A_757 : memref<1x128xi32, #tpu.memory_space<vmem>> -> memref<128xi32, #tpu.memory_space<vmem>>
      %dma_wait3A_759 = arith.constant 0 : i32
      %dma_wait3A_760 = arith.constant 0 : i32
      %dma_wait3A_761 = tpu.memref_slice %arg2[%dma_wait3A_759, %dma_wait3A_760] : memref<20000x128xf32, #tpu.memory_space<hbm>> -> memref<20000x128xf32, #tpu.memory_space<hbm>>
      tpu.wait_indirect_dma semaphore(%arg11 : memref<!tpu.dma_semaphore, #tpu.memory_space<semaphore_mem>>) src(%dma_wait3A_761 : memref<20000x128xf32, #tpu.memory_space<hbm>>) dst(%dma_wait3A_755 : memref<128x128xf32, #tpu.memory_space<vmem>>)
      %dma_start3A_762 = arith.constant 0 : i32
      %dma_start3A_763 = arith.constant 6 : i32
      %dma_start3A_764 = arith.constant 0 : i32
      %dma_start3A_765 = arith.constant 0 : i32
      %dma_start3A_766 = tpu.memref_slice %arg7[%dma_start3A_762, %dma_start3A_764, %dma_start3A_765] : memref<2x128x128xf32, #tpu.memory_space<vmem>> -> memref<1x128x128xf32, #tpu.memory_space<vmem>>
      %dma_start3A_767 = tpu.memref_squeeze %dma_start3A_766 : memref<1x128x128xf32, #tpu.memory_space<vmem>> -> memref<128x128xf32, #tpu.memory_space<vmem>>
      %dma_start3A_768 = arith.constant 0 : i32
      %dma_start3A_769 = tpu.memref_slice %arg6[%dma_start3A_763, %dma_start3A_768] : memref<8x128xi32, #tpu.memory_space<vmem>> -> memref<1x128xi32, #tpu.memory_space<vmem>>
      %dma_start3A_770 = tpu.memref_squeeze %dma_start3A_769 : memref<1x128xi32, #tpu.memory_space<vmem>> -> memref<128xi32, #tpu.memory_space<vmem>>
      %dma_start3A_771 = arith.constant 0 : i32
      %dma_start3A_772 = arith.constant 0 : i32
      %dma_start3A_773 = tpu.memref_slice %arg8[%dma_start3A_771, %dma_start3A_772] : memref<10000x128xf32, #tpu.memory_space<vmem_shared>> -> memref<10000x128xf32, #tpu.memory_space<vmem_shared>>
      tpu.enqueue_indirect_dma source(%dma_start3A_767 : memref<128x128xf32, #tpu.memory_space<vmem>>) target(%dma_start3A_773 : memref<10000x128xf32, #tpu.memory_space<vmem_shared>>) offsets(%dma_start3A_770 : memref<128xi32, #tpu.memory_space<vmem>>) semaphore(%arg12 : memref<!tpu.dma_semaphore, #tpu.memory_space<semaphore_mem>>) {add = true}
      %dma_start3A_774 = arith.constant 1 : i32
      %dma_start3A_775 = arith.constant 7 : i32
      %dma_start3A_776 = arith.constant 0 : i32
      %dma_start3A_777 = arith.constant 0 : i32
      %dma_start3A_778 = tpu.memref_slice %arg7[%dma_start3A_774, %dma_start3A_776, %dma_start3A_777] : memref<2x128x128xf32, #tpu.memory_space<vmem>> -> memref<1x128x128xf32, #tpu.memory_space<vmem>>
      %dma_start3A_779 = tpu.memref_squeeze %dma_start3A_778 : memref<1x128x128xf32, #tpu.memory_space<vmem>> -> memref<128x128xf32, #tpu.memory_space<vmem>>
      %dma_start3A_780 = arith.constant 0 : i32
      %dma_start3A_781 = tpu.memref_slice %arg6[%dma_start3A_775, %dma_start3A_780] : memref<8x128xi32, #tpu.memory_space<vmem>> -> memref<1x128xi32, #tpu.memory_space<vmem>>
      %dma_start3A_782 = tpu.memref_squeeze %dma_start3A_781 : memref<1x128xi32, #tpu.memory_space<vmem>> -> memref<128xi32, #tpu.memory_space<vmem>>
      %dma_start3A_783 = arith.constant 0 : i32
      %dma_start3A_784 = arith.constant 0 : i32
      %dma_start3A_785 = tpu.memref_slice %arg8[%dma_start3A_783, %dma_start3A_784] : memref<10000x128xf32, #tpu.memory_space<vmem_shared>> -> memref<10000x128xf32, #tpu.memory_space<vmem_shared>>
      tpu.enqueue_indirect_dma source(%dma_start3A_779 : memref<128x128xf32, #tpu.memory_space<vmem>>) target(%dma_start3A_785 : memref<10000x128xf32, #tpu.memory_space<vmem_shared>>) offsets(%dma_start3A_782 : memref<128xi32, #tpu.memory_space<vmem>>) semaphore(%arg12 : memref<!tpu.dma_semaphore, #tpu.memory_space<semaphore_mem>>) {add = true}
      %dma_wait3A_786 = arith.constant 0 : i32
      %dma_wait3A_787 = arith.constant 6 : i32
      %dma_wait3A_788 = arith.constant 0 : i32
      %dma_wait3A_789 = arith.constant 0 : i32
      %dma_wait3A_790 = tpu.memref_slice %arg7[%dma_wait3A_786, %dma_wait3A_788, %dma_wait3A_789] : memref<2x128x128xf32, #tpu.memory_space<vmem>> -> memref<1x128x128xf32, #tpu.memory_space<vmem>>
      %dma_wait3A_791 = tpu.memref_squeeze %dma_wait3A_790 : memref<1x128x128xf32, #tpu.memory_space<vmem>> -> memref<128x128xf32, #tpu.memory_space<vmem>>
      %dma_wait3A_792 = arith.constant 0 : i32
      %dma_wait3A_793 = tpu.memref_slice %arg6[%dma_wait3A_787, %dma_wait3A_792] : memref<8x128xi32, #tpu.memory_space<vmem>> -> memref<1x128xi32, #tpu.memory_space<vmem>>
      %dma_wait3A_794 = tpu.memref_squeeze %dma_wait3A_793 : memref<1x128xi32, #tpu.memory_space<vmem>> -> memref<128xi32, #tpu.memory_space<vmem>>
      %dma_wait3A_795 = arith.constant 0 : i32
      %dma_wait3A_796 = arith.constant 0 : i32
      %dma_wait3A_797 = tpu.memref_slice %arg8[%dma_wait3A_795, %dma_wait3A_796] : memref<10000x128xf32, #tpu.memory_space<vmem_shared>> -> memref<10000x128xf32, #tpu.memory_space<vmem_shared>>
      tpu.wait_indirect_dma semaphore(%arg12 : memref<!tpu.dma_semaphore, #tpu.memory_space<semaphore_mem>>) src(%dma_wait3A_791 : memref<128x128xf32, #tpu.memory_space<vmem>>) dst(%dma_wait3A_797 : memref<10000x128xf32, #tpu.memory_space<vmem_shared>>)
      %dma_wait3A_798 = arith.constant 1 : i32
      %dma_wait3A_799 = arith.constant 7 : i32
      %dma_wait3A_800 = arith.constant 0 : i32
      %dma_wait3A_801 = arith.constant 0 : i32
      %dma_wait3A_802 = tpu.memref_slice %arg7[%dma_wait3A_798, %dma_wait3A_800, %dma_wait3A_801] : memref<2x128x128xf32, #tpu.memory_space<vmem>> -> memref<1x128x128xf32, #tpu.memory_space<vmem>>
      %dma_wait3A_803 = tpu.memref_squeeze %dma_wait3A_802 : memref<1x128x128xf32, #tpu.memory_space<vmem>> -> memref<128x128xf32, #tpu.memory_space<vmem>>
      %dma_wait3A_804 = arith.constant 0 : i32
      %dma_wait3A_805 = tpu.memref_slice %arg6[%dma_wait3A_799, %dma_wait3A_804] : memref<8x128xi32, #tpu.memory_space<vmem>> -> memref<1x128xi32, #tpu.memory_space<vmem>>
      %dma_wait3A_806 = tpu.memref_squeeze %dma_wait3A_805 : memref<1x128xi32, #tpu.memory_space<vmem>> -> memref<128xi32, #tpu.memory_space<vmem>>
      %dma_wait3A_807 = arith.constant 0 : i32
      %dma_wait3A_808 = arith.constant 0 : i32
      %dma_wait3A_809 = tpu.memref_slice %arg8[%dma_wait3A_807, %dma_wait3A_808] : memref<10000x128xf32, #tpu.memory_space<vmem_shared>> -> memref<10000x128xf32, #tpu.memory_space<vmem_shared>>
      tpu.wait_indirect_dma semaphore(%arg12 : memref<!tpu.dma_semaphore, #tpu.memory_space<semaphore_mem>>) src(%dma_wait3A_803 : memref<128x128xf32, #tpu.memory_space<vmem>>) dst(%dma_wait3A_809 : memref<10000x128xf32, #tpu.memory_space<vmem_shared>>)
    }
    %scan3A_84 = arith.constant 38 : i32
    %add3A_85 = arith.constant 154 : i32
    %add3A_86 = arith.addi %add3A_24, %add3A_85 : i32
    %add3A_87 = arith.constant 0 : i32
    %add3A_88 = arith.addi %add3A_86, %add3A_87 : i32
    %mul3A_89 = arith.constant 128 : i32
    %mul3A_90 = arith.muli %add3A_88, %mul3A_89 : i32
    %add3A_91 = arith.addi %mul3A_26, %mul3A_90 : i32
    %dma_start3A_92 = arith.constant 2 : i32
    %dma_start3A_93 = arith.constant 0 : i32
    %dma_start3A_94 = tpu.memref_slice %arg6[%dma_start3A_92, %dma_start3A_93] : memref<8x128xi32, #tpu.memory_space<vmem>> -> memref<1x128xi32, #tpu.memory_space<vmem>>
    %dma_start3A_95 = tpu.memref_squeeze %dma_start3A_94 : memref<1x128xi32, #tpu.memory_space<vmem>> -> memref<128xi32, #tpu.memory_space<vmem>>
    %dma_start3A_96 = tpu.memref_slice %arg3[%add3A_91] : memref<640000xi32, #tpu.memory_space<hbm>> -> memref<128xi32, #tpu.memory_space<hbm>>
    %dma_start3A_97 = arith.constant 0 : i32
    %dma_start3A_98 = tpu.memref_slice %arg6[%dma_start3A_92, %dma_start3A_97] : memref<8x128xi32, #tpu.memory_space<vmem>> -> memref<1x128xi32, #tpu.memory_space<vmem>>
    %dma_start3A_99 = tpu.memref_squeeze %dma_start3A_98 : memref<1x128xi32, #tpu.memory_space<vmem>> -> memref<128xi32, #tpu.memory_space<vmem>>
    %dma_start3A_100 = tpu.memref_slice %arg3[%add3A_91] : memref<640000xi32, #tpu.memory_space<hbm>> -> memref<128xi32, #tpu.memory_space<hbm>>
    tpu.enqueue_dma source(%dma_start3A_100 : memref<128xi32, #tpu.memory_space<hbm>>) target(%dma_start3A_99 : memref<128xi32, #tpu.memory_space<vmem>>) target_semaphore(%arg10 : memref<!tpu.dma_semaphore, #tpu.memory_space<semaphore_mem>>)
    %dma_start3A_101 = arith.constant 6 : i32
    %dma_start3A_102 = arith.constant 0 : i32
    %dma_start3A_103 = tpu.memref_slice %arg6[%dma_start3A_101, %dma_start3A_102] : memref<8x128xi32, #tpu.memory_space<vmem>> -> memref<1x128xi32, #tpu.memory_space<vmem>>
    %dma_start3A_104 = tpu.memref_squeeze %dma_start3A_103 : memref<1x128xi32, #tpu.memory_space<vmem>> -> memref<128xi32, #tpu.memory_space<vmem>>
    %dma_start3A_105 = tpu.memref_slice %arg4[%mul3A_90] : memref<320000xi32, #tpu.memory_space<hbm>> -> memref<128xi32, #tpu.memory_space<hbm>>
    %dma_start3A_106 = arith.constant 0 : i32
    %dma_start3A_107 = tpu.memref_slice %arg6[%dma_start3A_101, %dma_start3A_106] : memref<8x128xi32, #tpu.memory_space<vmem>> -> memref<1x128xi32, #tpu.memory_space<vmem>>
    %dma_start3A_108 = tpu.memref_squeeze %dma_start3A_107 : memref<1x128xi32, #tpu.memory_space<vmem>> -> memref<128xi32, #tpu.memory_space<vmem>>
    %dma_start3A_109 = tpu.memref_slice %arg4[%mul3A_90] : memref<320000xi32, #tpu.memory_space<hbm>> -> memref<128xi32, #tpu.memory_space<hbm>>
    tpu.enqueue_dma source(%dma_start3A_109 : memref<128xi32, #tpu.memory_space<hbm>>) target(%dma_start3A_108 : memref<128xi32, #tpu.memory_space<vmem>>) target_semaphore(%arg10 : memref<!tpu.dma_semaphore, #tpu.memory_space<semaphore_mem>>)
    %add3A_110 = arith.constant 154 : i32
    %add3A_111 = arith.addi %add3A_24, %add3A_110 : i32
    %add3A_112 = arith.constant 1 : i32
    %add3A_113 = arith.addi %add3A_111, %add3A_112 : i32
    %mul3A_114 = arith.constant 128 : i32
    %mul3A_115 = arith.muli %add3A_113, %mul3A_114 : i32
    %add3A_116 = arith.addi %mul3A_26, %mul3A_115 : i32
    %dma_start3A_117 = arith.constant 3 : i32
    %dma_start3A_118 = arith.constant 0 : i32
    %dma_start3A_119 = tpu.memref_slice %arg6[%dma_start3A_117, %dma_start3A_118] : memref<8x128xi32, #tpu.memory_space<vmem>> -> memref<1x128xi32, #tpu.memory_space<vmem>>
    %dma_start3A_120 = tpu.memref_squeeze %dma_start3A_119 : memref<1x128xi32, #tpu.memory_space<vmem>> -> memref<128xi32, #tpu.memory_space<vmem>>
    %dma_start3A_121 = tpu.memref_slice %arg3[%add3A_116] : memref<640000xi32, #tpu.memory_space<hbm>> -> memref<128xi32, #tpu.memory_space<hbm>>
    %dma_start3A_122 = arith.constant 0 : i32
    %dma_start3A_123 = tpu.memref_slice %arg6[%dma_start3A_117, %dma_start3A_122] : memref<8x128xi32, #tpu.memory_space<vmem>> -> memref<1x128xi32, #tpu.memory_space<vmem>>
    %dma_start3A_124 = tpu.memref_squeeze %dma_start3A_123 : memref<1x128xi32, #tpu.memory_space<vmem>> -> memref<128xi32, #tpu.memory_space<vmem>>
    %dma_start3A_125 = tpu.memref_slice %arg3[%add3A_116] : memref<640000xi32, #tpu.memory_space<hbm>> -> memref<128xi32, #tpu.memory_space<hbm>>
    tpu.enqueue_dma source(%dma_start3A_125 : memref<128xi32, #tpu.memory_space<hbm>>) target(%dma_start3A_124 : memref<128xi32, #tpu.memory_space<vmem>>) target_semaphore(%arg10 : memref<!tpu.dma_semaphore, #tpu.memory_space<semaphore_mem>>)
    %dma_start3A_126 = arith.constant 7 : i32
    %dma_start3A_127 = arith.constant 0 : i32
    %dma_start3A_128 = tpu.memref_slice %arg6[%dma_start3A_126, %dma_start3A_127] : memref<8x128xi32, #tpu.memory_space<vmem>> -> memref<1x128xi32, #tpu.memory_space<vmem>>
    %dma_start3A_129 = tpu.memref_squeeze %dma_start3A_128 : memref<1x128xi32, #tpu.memory_space<vmem>> -> memref<128xi32, #tpu.memory_space<vmem>>
    %dma_start3A_130 = tpu.memref_slice %arg4[%mul3A_115] : memref<320000xi32, #tpu.memory_space<hbm>> -> memref<128xi32, #tpu.memory_space<hbm>>
    %dma_start3A_131 = arith.constant 0 : i32
    %dma_start3A_132 = tpu.memref_slice %arg6[%dma_start3A_126, %dma_start3A_131] : memref<8x128xi32, #tpu.memory_space<vmem>> -> memref<1x128xi32, #tpu.memory_space<vmem>>
    %dma_start3A_133 = tpu.memref_squeeze %dma_start3A_132 : memref<1x128xi32, #tpu.memory_space<vmem>> -> memref<128xi32, #tpu.memory_space<vmem>>
    %dma_start3A_134 = tpu.memref_slice %arg4[%mul3A_115] : memref<320000xi32, #tpu.memory_space<hbm>> -> memref<128xi32, #tpu.memory_space<hbm>>
    tpu.enqueue_dma source(%dma_start3A_134 : memref<128xi32, #tpu.memory_space<hbm>>) target(%dma_start3A_133 : memref<128xi32, #tpu.memory_space<vmem>>) target_semaphore(%arg10 : memref<!tpu.dma_semaphore, #tpu.memory_space<semaphore_mem>>)
    %dma_wait3A = arith.constant 0 : i32
    %dma_wait3A_135 = arith.constant 0 : i32
    %dma_wait3A_136 = tpu.memref_slice %arg6[%dma_wait3A, %dma_wait3A_135] : memref<8x128xi32, #tpu.memory_space<vmem>> -> memref<1x128xi32, #tpu.memory_space<vmem>>
    %dma_wait3A_137 = tpu.memref_squeeze %dma_wait3A_136 : memref<1x128xi32, #tpu.memory_space<vmem>> -> memref<128xi32, #tpu.memory_space<vmem>>
    %dma_wait3A_138 = arith.constant 0 : i32
    %dma_wait3A_139 = tpu.memref_slice %arg3[%dma_wait3A_138] : memref<640000xi32, #tpu.memory_space<hbm>> -> memref<128xi32, #tpu.memory_space<hbm>>
    %dma_wait3A_140 = arith.constant 0 : i32
    %dma_wait3A_141 = tpu.memref_slice %arg6[%dma_wait3A, %dma_wait3A_140] : memref<8x128xi32, #tpu.memory_space<vmem>> -> memref<1x128xi32, #tpu.memory_space<vmem>>
    %dma_wait3A_142 = tpu.memref_squeeze %dma_wait3A_141 : memref<1x128xi32, #tpu.memory_space<vmem>> -> memref<128xi32, #tpu.memory_space<vmem>>
    %dma_wait3A_143 = arith.constant 0 : i32
    %dma_wait3A_144 = tpu.memref_slice %arg3[%dma_wait3A_143] : memref<640000xi32, #tpu.memory_space<hbm>> -> memref<128xi32, #tpu.memory_space<hbm>>
    tpu.wait_dma2 semaphore(%arg9 : memref<!tpu.dma_semaphore, #tpu.memory_space<semaphore_mem>>) src(%dma_wait3A_144 : memref<128xi32, #tpu.memory_space<hbm>>) dst(%dma_wait3A_142 : memref<128xi32, #tpu.memory_space<vmem>>)
    %dma_wait3A_145 = arith.constant 4 : i32
    %dma_wait3A_146 = arith.constant 0 : i32
    %dma_wait3A_147 = tpu.memref_slice %arg6[%dma_wait3A_145, %dma_wait3A_146] : memref<8x128xi32, #tpu.memory_space<vmem>> -> memref<1x128xi32, #tpu.memory_space<vmem>>
    %dma_wait3A_148 = tpu.memref_squeeze %dma_wait3A_147 : memref<1x128xi32, #tpu.memory_space<vmem>> -> memref<128xi32, #tpu.memory_space<vmem>>
    %dma_wait3A_149 = arith.constant 0 : i32
    %dma_wait3A_150 = tpu.memref_slice %arg4[%dma_wait3A_149] : memref<320000xi32, #tpu.memory_space<hbm>> -> memref<128xi32, #tpu.memory_space<hbm>>
    %dma_wait3A_151 = arith.constant 0 : i32
    %dma_wait3A_152 = tpu.memref_slice %arg6[%dma_wait3A_145, %dma_wait3A_151] : memref<8x128xi32, #tpu.memory_space<vmem>> -> memref<1x128xi32, #tpu.memory_space<vmem>>
    %dma_wait3A_153 = tpu.memref_squeeze %dma_wait3A_152 : memref<1x128xi32, #tpu.memory_space<vmem>> -> memref<128xi32, #tpu.memory_space<vmem>>
    %dma_wait3A_154 = arith.constant 0 : i32
    %dma_wait3A_155 = tpu.memref_slice %arg4[%dma_wait3A_154] : memref<320000xi32, #tpu.memory_space<hbm>> -> memref<128xi32, #tpu.memory_space<hbm>>
    tpu.wait_dma2 semaphore(%arg9 : memref<!tpu.dma_semaphore, #tpu.memory_space<semaphore_mem>>) src(%dma_wait3A_155 : memref<128xi32, #tpu.memory_space<hbm>>) dst(%dma_wait3A_153 : memref<128xi32, #tpu.memory_space<vmem>>)
    %dma_wait3A_156 = arith.constant 1 : i32
    %dma_wait3A_157 = arith.constant 0 : i32
    %dma_wait3A_158 = tpu.memref_slice %arg6[%dma_wait3A_156, %dma_wait3A_157] : memref<8x128xi32, #tpu.memory_space<vmem>> -> memref<1x128xi32, #tpu.memory_space<vmem>>
    %dma_wait3A_159 = tpu.memref_squeeze %dma_wait3A_158 : memref<1x128xi32, #tpu.memory_space<vmem>> -> memref<128xi32, #tpu.memory_space<vmem>>
    %dma_wait3A_160 = arith.constant 0 : i32
    %dma_wait3A_161 = tpu.memref_slice %arg3[%dma_wait3A_160] : memref<640000xi32, #tpu.memory_space<hbm>> -> memref<128xi32, #tpu.memory_space<hbm>>
    %dma_wait3A_162 = arith.constant 0 : i32
    %dma_wait3A_163 = tpu.memref_slice %arg6[%dma_wait3A_156, %dma_wait3A_162] : memref<8x128xi32, #tpu.memory_space<vmem>> -> memref<1x128xi32, #tpu.memory_space<vmem>>
    %dma_wait3A_164 = tpu.memref_squeeze %dma_wait3A_163 : memref<1x128xi32, #tpu.memory_space<vmem>> -> memref<128xi32, #tpu.memory_space<vmem>>
    %dma_wait3A_165 = arith.constant 0 : i32
    %dma_wait3A_166 = tpu.memref_slice %arg3[%dma_wait3A_165] : memref<640000xi32, #tpu.memory_space<hbm>> -> memref<128xi32, #tpu.memory_space<hbm>>
    tpu.wait_dma2 semaphore(%arg9 : memref<!tpu.dma_semaphore, #tpu.memory_space<semaphore_mem>>) src(%dma_wait3A_166 : memref<128xi32, #tpu.memory_space<hbm>>) dst(%dma_wait3A_164 : memref<128xi32, #tpu.memory_space<vmem>>)
    %dma_wait3A_167 = arith.constant 5 : i32
    %dma_wait3A_168 = arith.constant 0 : i32
    %dma_wait3A_169 = tpu.memref_slice %arg6[%dma_wait3A_167, %dma_wait3A_168] : memref<8x128xi32, #tpu.memory_space<vmem>> -> memref<1x128xi32, #tpu.memory_space<vmem>>
    %dma_wait3A_170 = tpu.memref_squeeze %dma_wait3A_169 : memref<1x128xi32, #tpu.memory_space<vmem>> -> memref<128xi32, #tpu.memory_space<vmem>>
    %dma_wait3A_171 = arith.constant 0 : i32
    %dma_wait3A_172 = tpu.memref_slice %arg4[%dma_wait3A_171] : memref<320000xi32, #tpu.memory_space<hbm>> -> memref<128xi32, #tpu.memory_space<hbm>>
    %dma_wait3A_173 = arith.constant 0 : i32
    %dma_wait3A_174 = tpu.memref_slice %arg6[%dma_wait3A_167, %dma_wait3A_173] : memref<8x128xi32, #tpu.memory_space<vmem>> -> memref<1x128xi32, #tpu.memory_space<vmem>>
    %dma_wait3A_175 = tpu.memref_squeeze %dma_wait3A_174 : memref<1x128xi32, #tpu.memory_space<vmem>> -> memref<128xi32, #tpu.memory_space<vmem>>
    %dma_wait3A_176 = arith.constant 0 : i32
    %dma_wait3A_177 = tpu.memref_slice %arg4[%dma_wait3A_176] : memref<320000xi32, #tpu.memory_space<hbm>> -> memref<128xi32, #tpu.memory_space<hbm>>
    tpu.wait_dma2 semaphore(%arg9 : memref<!tpu.dma_semaphore, #tpu.memory_space<semaphore_mem>>) src(%dma_wait3A_177 : memref<128xi32, #tpu.memory_space<hbm>>) dst(%dma_wait3A_175 : memref<128xi32, #tpu.memory_space<vmem>>)
    %dma_start3A_178 = arith.constant 0 : i32
    %dma_start3A_179 = arith.constant 0 : i32
    %dma_start3A_180 = arith.constant 0 : i32
    %dma_start3A_181 = arith.constant 0 : i32
    %dma_start3A_182 = tpu.memref_slice %arg7[%dma_start3A_179, %dma_start3A_180, %dma_start3A_181] : memref<2x128x128xf32, #tpu.memory_space<vmem>> -> memref<1x128x128xf32, #tpu.memory_space<vmem>>
    %dma_start3A_183 = tpu.memref_squeeze %dma_start3A_182 : memref<1x128x128xf32, #tpu.memory_space<vmem>> -> memref<128x128xf32, #tpu.memory_space<vmem>>
    %dma_start3A_184 = arith.constant 0 : i32
    %dma_start3A_185 = tpu.memref_slice %arg6[%dma_start3A_178, %dma_start3A_184] : memref<8x128xi32, #tpu.memory_space<vmem>> -> memref<1x128xi32, #tpu.memory_space<vmem>>
    %dma_start3A_186 = tpu.memref_squeeze %dma_start3A_185 : memref<1x128xi32, #tpu.memory_space<vmem>> -> memref<128xi32, #tpu.memory_space<vmem>>
    %dma_start3A_187 = arith.constant 0 : i32
    %dma_start3A_188 = arith.constant 0 : i32
    %dma_start3A_189 = tpu.memref_slice %arg2[%dma_start3A_187, %dma_start3A_188] : memref<20000x128xf32, #tpu.memory_space<hbm>> -> memref<20000x128xf32, #tpu.memory_space<hbm>>
    tpu.enqueue_indirect_dma source(%dma_start3A_189 : memref<20000x128xf32, #tpu.memory_space<hbm>>) target(%dma_start3A_183 : memref<128x128xf32, #tpu.memory_space<vmem>>) offsets(%dma_start3A_186 : memref<128xi32, #tpu.memory_space<vmem>>) semaphore(%arg11 : memref<!tpu.dma_semaphore, #tpu.memory_space<semaphore_mem>>)
    %dma_start3A_190 = arith.constant 1 : i32
    %dma_start3A_191 = arith.constant 1 : i32
    %dma_start3A_192 = arith.constant 0 : i32
    %dma_start3A_193 = arith.constant 0 : i32
    %dma_start3A_194 = tpu.memref_slice %arg7[%dma_start3A_191, %dma_start3A_192, %dma_start3A_193] : memref<2x128x128xf32, #tpu.memory_space<vmem>> -> memref<1x128x128xf32, #tpu.memory_space<vmem>>
    %dma_start3A_195 = tpu.memref_squeeze %dma_start3A_194 : memref<1x128x128xf32, #tpu.memory_space<vmem>> -> memref<128x128xf32, #tpu.memory_space<vmem>>
    %dma_start3A_196 = arith.constant 0 : i32
    %dma_start3A_197 = tpu.memref_slice %arg6[%dma_start3A_190, %dma_start3A_196] : memref<8x128xi32, #tpu.memory_space<vmem>> -> memref<1x128xi32, #tpu.memory_space<vmem>>
    %dma_start3A_198 = tpu.memref_squeeze %dma_start3A_197 : memref<1x128xi32, #tpu.memory_space<vmem>> -> memref<128xi32, #tpu.memory_space<vmem>>
    %dma_start3A_199 = arith.constant 0 : i32
    %dma_start3A_200 = arith.constant 0 : i32
    %dma_start3A_201 = tpu.memref_slice %arg2[%dma_start3A_199, %dma_start3A_200] : memref<20000x128xf32, #tpu.memory_space<hbm>> -> memref<20000x128xf32, #tpu.memory_space<hbm>>
    tpu.enqueue_indirect_dma source(%dma_start3A_201 : memref<20000x128xf32, #tpu.memory_space<hbm>>) target(%dma_start3A_195 : memref<128x128xf32, #tpu.memory_space<vmem>>) offsets(%dma_start3A_198 : memref<128xi32, #tpu.memory_space<vmem>>) semaphore(%arg11 : memref<!tpu.dma_semaphore, #tpu.memory_space<semaphore_mem>>)
    %dma_wait3A_202 = arith.constant 0 : i32
    %dma_wait3A_203 = arith.constant 0 : i32
    %dma_wait3A_204 = arith.constant 0 : i32
    %dma_wait3A_205 = arith.constant 0 : i32
    %dma_wait3A_206 = tpu.memref_slice %arg7[%dma_wait3A_203, %dma_wait3A_204, %dma_wait3A_205] : memref<2x128x128xf32, #tpu.memory_space<vmem>> -> memref<1x128x128xf32, #tpu.memory_space<vmem>>
    %dma_wait3A_207 = tpu.memref_squeeze %dma_wait3A_206 : memref<1x128x128xf32, #tpu.memory_space<vmem>> -> memref<128x128xf32, #tpu.memory_space<vmem>>
    %dma_wait3A_208 = arith.constant 0 : i32
    %dma_wait3A_209 = tpu.memref_slice %arg6[%dma_wait3A_202, %dma_wait3A_208] : memref<8x128xi32, #tpu.memory_space<vmem>> -> memref<1x128xi32, #tpu.memory_space<vmem>>
    %dma_wait3A_210 = tpu.memref_squeeze %dma_wait3A_209 : memref<1x128xi32, #tpu.memory_space<vmem>> -> memref<128xi32, #tpu.memory_space<vmem>>
    %dma_wait3A_211 = arith.constant 0 : i32
    %dma_wait3A_212 = arith.constant 0 : i32
    %dma_wait3A_213 = tpu.memref_slice %arg2[%dma_wait3A_211, %dma_wait3A_212] : memref<20000x128xf32, #tpu.memory_space<hbm>> -> memref<20000x128xf32, #tpu.memory_space<hbm>>
    tpu.wait_indirect_dma semaphore(%arg11 : memref<!tpu.dma_semaphore, #tpu.memory_space<semaphore_mem>>) src(%dma_wait3A_213 : memref<20000x128xf32, #tpu.memory_space<hbm>>) dst(%dma_wait3A_207 : memref<128x128xf32, #tpu.memory_space<vmem>>)
    %dma_wait3A_214 = arith.constant 1 : i32
    %dma_wait3A_215 = arith.constant 1 : i32
    %dma_wait3A_216 = arith.constant 0 : i32
    %dma_wait3A_217 = arith.constant 0 : i32
    %dma_wait3A_218 = tpu.memref_slice %arg7[%dma_wait3A_215, %dma_wait3A_216, %dma_wait3A_217] : memref<2x128x128xf32, #tpu.memory_space<vmem>> -> memref<1x128x128xf32, #tpu.memory_space<vmem>>
    %dma_wait3A_219 = tpu.memref_squeeze %dma_wait3A_218 : memref<1x128x128xf32, #tpu.memory_space<vmem>> -> memref<128x128xf32, #tpu.memory_space<vmem>>
    %dma_wait3A_220 = arith.constant 0 : i32
    %dma_wait3A_221 = tpu.memref_slice %arg6[%dma_wait3A_214, %dma_wait3A_220] : memref<8x128xi32, #tpu.memory_space<vmem>> -> memref<1x128xi32, #tpu.memory_space<vmem>>
    %dma_wait3A_222 = tpu.memref_squeeze %dma_wait3A_221 : memref<1x128xi32, #tpu.memory_space<vmem>> -> memref<128xi32, #tpu.memory_space<vmem>>
    %dma_wait3A_223 = arith.constant 0 : i32
    %dma_wait3A_224 = arith.constant 0 : i32
    %dma_wait3A_225 = tpu.memref_slice %arg2[%dma_wait3A_223, %dma_wait3A_224] : memref<20000x128xf32, #tpu.memory_space<hbm>> -> memref<20000x128xf32, #tpu.memory_space<hbm>>
    tpu.wait_indirect_dma semaphore(%arg11 : memref<!tpu.dma_semaphore, #tpu.memory_space<semaphore_mem>>) src(%dma_wait3A_225 : memref<20000x128xf32, #tpu.memory_space<hbm>>) dst(%dma_wait3A_219 : memref<128x128xf32, #tpu.memory_space<vmem>>)
    %dma_start3A_226 = arith.constant 0 : i32
    %dma_start3A_227 = arith.constant 4 : i32
    %dma_start3A_228 = arith.constant 0 : i32
    %dma_start3A_229 = arith.constant 0 : i32
    %dma_start3A_230 = tpu.memref_slice %arg7[%dma_start3A_226, %dma_start3A_228, %dma_start3A_229] : memref<2x128x128xf32, #tpu.memory_space<vmem>> -> memref<1x128x128xf32, #tpu.memory_space<vmem>>
    %dma_start3A_231 = tpu.memref_squeeze %dma_start3A_230 : memref<1x128x128xf32, #tpu.memory_space<vmem>> -> memref<128x128xf32, #tpu.memory_space<vmem>>
    %dma_start3A_232 = arith.constant 0 : i32
    %dma_start3A_233 = tpu.memref_slice %arg6[%dma_start3A_227, %dma_start3A_232] : memref<8x128xi32, #tpu.memory_space<vmem>> -> memref<1x128xi32, #tpu.memory_space<vmem>>
    %dma_start3A_234 = tpu.memref_squeeze %dma_start3A_233 : memref<1x128xi32, #tpu.memory_space<vmem>> -> memref<128xi32, #tpu.memory_space<vmem>>
    %dma_start3A_235 = arith.constant 0 : i32
    %dma_start3A_236 = arith.constant 0 : i32
    %dma_start3A_237 = tpu.memref_slice %arg8[%dma_start3A_235, %dma_start3A_236] : memref<10000x128xf32, #tpu.memory_space<vmem_shared>> -> memref<10000x128xf32, #tpu.memory_space<vmem_shared>>
    tpu.enqueue_indirect_dma source(%dma_start3A_231 : memref<128x128xf32, #tpu.memory_space<vmem>>) target(%dma_start3A_237 : memref<10000x128xf32, #tpu.memory_space<vmem_shared>>) offsets(%dma_start3A_234 : memref<128xi32, #tpu.memory_space<vmem>>) semaphore(%arg12 : memref<!tpu.dma_semaphore, #tpu.memory_space<semaphore_mem>>) {add = true}
    %dma_start3A_238 = arith.constant 1 : i32
    %dma_start3A_239 = arith.constant 5 : i32
    %dma_start3A_240 = arith.constant 0 : i32
    %dma_start3A_241 = arith.constant 0 : i32
    %dma_start3A_242 = tpu.memref_slice %arg7[%dma_start3A_238, %dma_start3A_240, %dma_start3A_241] : memref<2x128x128xf32, #tpu.memory_space<vmem>> -> memref<1x128x128xf32, #tpu.memory_space<vmem>>
    %dma_start3A_243 = tpu.memref_squeeze %dma_start3A_242 : memref<1x128x128xf32, #tpu.memory_space<vmem>> -> memref<128x128xf32, #tpu.memory_space<vmem>>
    %dma_start3A_244 = arith.constant 0 : i32
    %dma_start3A_245 = tpu.memref_slice %arg6[%dma_start3A_239, %dma_start3A_244] : memref<8x128xi32, #tpu.memory_space<vmem>> -> memref<1x128xi32, #tpu.memory_space<vmem>>
    %dma_start3A_246 = tpu.memref_squeeze %dma_start3A_245 : memref<1x128xi32, #tpu.memory_space<vmem>> -> memref<128xi32, #tpu.memory_space<vmem>>
    %dma_start3A_247 = arith.constant 0 : i32
    %dma_start3A_248 = arith.constant 0 : i32
    %dma_start3A_249 = tpu.memref_slice %arg8[%dma_start3A_247, %dma_start3A_248] : memref<10000x128xf32, #tpu.memory_space<vmem_shared>> -> memref<10000x128xf32, #tpu.memory_space<vmem_shared>>
    tpu.enqueue_indirect_dma source(%dma_start3A_243 : memref<128x128xf32, #tpu.memory_space<vmem>>) target(%dma_start3A_249 : memref<10000x128xf32, #tpu.memory_space<vmem_shared>>) offsets(%dma_start3A_246 : memref<128xi32, #tpu.memory_space<vmem>>) semaphore(%arg12 : memref<!tpu.dma_semaphore, #tpu.memory_space<semaphore_mem>>) {add = true}
    %dma_wait3A_250 = arith.constant 0 : i32
    %dma_wait3A_251 = arith.constant 4 : i32
    %dma_wait3A_252 = arith.constant 0 : i32
    %dma_wait3A_253 = arith.constant 0 : i32
    %dma_wait3A_254 = tpu.memref_slice %arg7[%dma_wait3A_250, %dma_wait3A_252, %dma_wait3A_253] : memref<2x128x128xf32, #tpu.memory_space<vmem>> -> memref<1x128x128xf32, #tpu.memory_space<vmem>>
    %dma_wait3A_255 = tpu.memref_squeeze %dma_wait3A_254 : memref<1x128x128xf32, #tpu.memory_space<vmem>> -> memref<128x128xf32, #tpu.memory_space<vmem>>
    %dma_wait3A_256 = arith.constant 0 : i32
    %dma_wait3A_257 = tpu.memref_slice %arg6[%dma_wait3A_251, %dma_wait3A_256] : memref<8x128xi32, #tpu.memory_space<vmem>> -> memref<1x128xi32, #tpu.memory_space<vmem>>
    %dma_wait3A_258 = tpu.memref_squeeze %dma_wait3A_257 : memref<1x128xi32, #tpu.memory_space<vmem>> -> memref<128xi32, #tpu.memory_space<vmem>>
    %dma_wait3A_259 = arith.constant 0 : i32
    %dma_wait3A_260 = arith.constant 0 : i32
    %dma_wait3A_261 = tpu.memref_slice %arg8[%dma_wait3A_259, %dma_wait3A_260] : memref<10000x128xf32, #tpu.memory_space<vmem_shared>> -> memref<10000x128xf32, #tpu.memory_space<vmem_shared>>
    tpu.wait_indirect_dma semaphore(%arg12 : memref<!tpu.dma_semaphore, #tpu.memory_space<semaphore_mem>>) src(%dma_wait3A_255 : memref<128x128xf32, #tpu.memory_space<vmem>>) dst(%dma_wait3A_261 : memref<10000x128xf32, #tpu.memory_space<vmem_shared>>)
    %dma_wait3A_262 = arith.constant 1 : i32
    %dma_wait3A_263 = arith.constant 5 : i32
    %dma_wait3A_264 = arith.constant 0 : i32
    %dma_wait3A_265 = arith.constant 0 : i32
    %dma_wait3A_266 = tpu.memref_slice %arg7[%dma_wait3A_262, %dma_wait3A_264, %dma_wait3A_265] : memref<2x128x128xf32, #tpu.memory_space<vmem>> -> memref<1x128x128xf32, #tpu.memory_space<vmem>>
    %dma_wait3A_267 = tpu.memref_squeeze %dma_wait3A_266 : memref<1x128x128xf32, #tpu.memory_space<vmem>> -> memref<128x128xf32, #tpu.memory_space<vmem>>
    %dma_wait3A_268 = arith.constant 0 : i32
    %dma_wait3A_269 = tpu.memref_slice %arg6[%dma_wait3A_263, %dma_wait3A_268] : memref<8x128xi32, #tpu.memory_space<vmem>> -> memref<1x128xi32, #tpu.memory_space<vmem>>
    %dma_wait3A_270 = tpu.memref_squeeze %dma_wait3A_269 : memref<1x128xi32, #tpu.memory_space<vmem>> -> memref<128xi32, #tpu.memory_space<vmem>>
    %dma_wait3A_271 = arith.constant 0 : i32
    %dma_wait3A_272 = arith.constant 0 : i32
    %dma_wait3A_273 = tpu.memref_slice %arg8[%dma_wait3A_271, %dma_wait3A_272] : memref<10000x128xf32, #tpu.memory_space<vmem_shared>> -> memref<10000x128xf32, #tpu.memory_space<vmem_shared>>
    tpu.wait_indirect_dma semaphore(%arg12 : memref<!tpu.dma_semaphore, #tpu.memory_space<semaphore_mem>>) src(%dma_wait3A_267 : memref<128x128xf32, #tpu.memory_space<vmem>>) dst(%dma_wait3A_273 : memref<10000x128xf32, #tpu.memory_space<vmem_shared>>)
    %dma_wait3A_274 = arith.constant 2 : i32
    %dma_wait3A_275 = arith.constant 0 : i32
    %dma_wait3A_276 = tpu.memref_slice %arg6[%dma_wait3A_274, %dma_wait3A_275] : memref<8x128xi32, #tpu.memory_space<vmem>> -> memref<1x128xi32, #tpu.memory_space<vmem>>
    %dma_wait3A_277 = tpu.memref_squeeze %dma_wait3A_276 : memref<1x128xi32, #tpu.memory_space<vmem>> -> memref<128xi32, #tpu.memory_space<vmem>>
    %dma_wait3A_278 = arith.constant 0 : i32
    %dma_wait3A_279 = tpu.memref_slice %arg3[%dma_wait3A_278] : memref<640000xi32, #tpu.memory_space<hbm>> -> memref<128xi32, #tpu.memory_space<hbm>>
    %dma_wait3A_280 = arith.constant 0 : i32
    %dma_wait3A_281 = tpu.memref_slice %arg6[%dma_wait3A_274, %dma_wait3A_280] : memref<8x128xi32, #tpu.memory_space<vmem>> -> memref<1x128xi32, #tpu.memory_space<vmem>>
    %dma_wait3A_282 = tpu.memref_squeeze %dma_wait3A_281 : memref<1x128xi32, #tpu.memory_space<vmem>> -> memref<128xi32, #tpu.memory_space<vmem>>
    %dma_wait3A_283 = arith.constant 0 : i32
    %dma_wait3A_284 = tpu.memref_slice %arg3[%dma_wait3A_283] : memref<640000xi32, #tpu.memory_space<hbm>> -> memref<128xi32, #tpu.memory_space<hbm>>
    tpu.wait_dma2 semaphore(%arg10 : memref<!tpu.dma_semaphore, #tpu.memory_space<semaphore_mem>>) src(%dma_wait3A_284 : memref<128xi32, #tpu.memory_space<hbm>>) dst(%dma_wait3A_282 : memref<128xi32, #tpu.memory_space<vmem>>)
    %dma_wait3A_285 = arith.constant 6 : i32
    %dma_wait3A_286 = arith.constant 0 : i32
    %dma_wait3A_287 = tpu.memref_slice %arg6[%dma_wait3A_285, %dma_wait3A_286] : memref<8x128xi32, #tpu.memory_space<vmem>> -> memref<1x128xi32, #tpu.memory_space<vmem>>
    %dma_wait3A_288 = tpu.memref_squeeze %dma_wait3A_287 : memref<1x128xi32, #tpu.memory_space<vmem>> -> memref<128xi32, #tpu.memory_space<vmem>>
    %dma_wait3A_289 = arith.constant 0 : i32
    %dma_wait3A_290 = tpu.memref_slice %arg4[%dma_wait3A_289] : memref<320000xi32, #tpu.memory_space<hbm>> -> memref<128xi32, #tpu.memory_space<hbm>>
    %dma_wait3A_291 = arith.constant 0 : i32
    %dma_wait3A_292 = tpu.memref_slice %arg6[%dma_wait3A_285, %dma_wait3A_291] : memref<8x128xi32, #tpu.memory_space<vmem>> -> memref<1x128xi32, #tpu.memory_space<vmem>>
    %dma_wait3A_293 = tpu.memref_squeeze %dma_wait3A_292 : memref<1x128xi32, #tpu.memory_space<vmem>> -> memref<128xi32, #tpu.memory_space<vmem>>
    %dma_wait3A_294 = arith.constant 0 : i32
    %dma_wait3A_295 = tpu.memref_slice %arg4[%dma_wait3A_294] : memref<320000xi32, #tpu.memory_space<hbm>> -> memref<128xi32, #tpu.memory_space<hbm>>
    tpu.wait_dma2 semaphore(%arg10 : memref<!tpu.dma_semaphore, #tpu.memory_space<semaphore_mem>>) src(%dma_wait3A_295 : memref<128xi32, #tpu.memory_space<hbm>>) dst(%dma_wait3A_293 : memref<128xi32, #tpu.memory_space<vmem>>)
    %dma_wait3A_296 = arith.constant 3 : i32
    %dma_wait3A_297 = arith.constant 0 : i32
    %dma_wait3A_298 = tpu.memref_slice %arg6[%dma_wait3A_296, %dma_wait3A_297] : memref<8x128xi32, #tpu.memory_space<vmem>> -> memref<1x128xi32, #tpu.memory_space<vmem>>
    %dma_wait3A_299 = tpu.memref_squeeze %dma_wait3A_298 : memref<1x128xi32, #tpu.memory_space<vmem>> -> memref<128xi32, #tpu.memory_space<vmem>>
    %dma_wait3A_300 = arith.constant 0 : i32
    %dma_wait3A_301 = tpu.memref_slice %arg3[%dma_wait3A_300] : memref<640000xi32, #tpu.memory_space<hbm>> -> memref<128xi32, #tpu.memory_space<hbm>>
    %dma_wait3A_302 = arith.constant 0 : i32
    %dma_wait3A_303 = tpu.memref_slice %arg6[%dma_wait3A_296, %dma_wait3A_302] : memref<8x128xi32, #tpu.memory_space<vmem>> -> memref<1x128xi32, #tpu.memory_space<vmem>>
    %dma_wait3A_304 = tpu.memref_squeeze %dma_wait3A_303 : memref<1x128xi32, #tpu.memory_space<vmem>> -> memref<128xi32, #tpu.memory_space<vmem>>
    %dma_wait3A_305 = arith.constant 0 : i32
    %dma_wait3A_306 = tpu.memref_slice %arg3[%dma_wait3A_305] : memref<640000xi32, #tpu.memory_space<hbm>> -> memref<128xi32, #tpu.memory_space<hbm>>
    tpu.wait_dma2 semaphore(%arg10 : memref<!tpu.dma_semaphore, #tpu.memory_space<semaphore_mem>>) src(%dma_wait3A_306 : memref<128xi32, #tpu.memory_space<hbm>>) dst(%dma_wait3A_304 : memref<128xi32, #tpu.memory_space<vmem>>)
    %dma_wait3A_307 = arith.constant 7 : i32
    %dma_wait3A_308 = arith.constant 0 : i32
    %dma_wait3A_309 = tpu.memref_slice %arg6[%dma_wait3A_307, %dma_wait3A_308] : memref<8x128xi32, #tpu.memory_space<vmem>> -> memref<1x128xi32, #tpu.memory_space<vmem>>
    %dma_wait3A_310 = tpu.memref_squeeze %dma_wait3A_309 : memref<1x128xi32, #tpu.memory_space<vmem>> -> memref<128xi32, #tpu.memory_space<vmem>>
    %dma_wait3A_311 = arith.constant 0 : i32
    %dma_wait3A_312 = tpu.memref_slice %arg4[%dma_wait3A_311] : memref<320000xi32, #tpu.memory_space<hbm>> -> memref<128xi32, #tpu.memory_space<hbm>>
    %dma_wait3A_313 = arith.constant 0 : i32
    %dma_wait3A_314 = tpu.memref_slice %arg6[%dma_wait3A_307, %dma_wait3A_313] : memref<8x128xi32, #tpu.memory_space<vmem>> -> memref<1x128xi32, #tpu.memory_space<vmem>>
    %dma_wait3A_315 = tpu.memref_squeeze %dma_wait3A_314 : memref<1x128xi32, #tpu.memory_space<vmem>> -> memref<128xi32, #tpu.memory_space<vmem>>
    %dma_wait3A_316 = arith.constant 0 : i32
    %dma_wait3A_317 = tpu.memref_slice %arg4[%dma_wait3A_316] : memref<320000xi32, #tpu.memory_space<hbm>> -> memref<128xi32, #tpu.memory_space<hbm>>
    tpu.wait_dma2 semaphore(%arg10 : memref<!tpu.dma_semaphore, #tpu.memory_space<semaphore_mem>>) src(%dma_wait3A_317 : memref<128xi32, #tpu.memory_space<hbm>>) dst(%dma_wait3A_315 : memref<128xi32, #tpu.memory_space<vmem>>)
    %dma_start3A_318 = arith.constant 2 : i32
    %dma_start3A_319 = arith.constant 0 : i32
    %dma_start3A_320 = arith.constant 0 : i32
    %dma_start3A_321 = arith.constant 0 : i32
    %dma_start3A_322 = tpu.memref_slice %arg7[%dma_start3A_319, %dma_start3A_320, %dma_start3A_321] : memref<2x128x128xf32, #tpu.memory_space<vmem>> -> memref<1x128x128xf32, #tpu.memory_space<vmem>>
    %dma_start3A_323 = tpu.memref_squeeze %dma_start3A_322 : memref<1x128x128xf32, #tpu.memory_space<vmem>> -> memref<128x128xf32, #tpu.memory_space<vmem>>
    %dma_start3A_324 = arith.constant 0 : i32
    %dma_start3A_325 = tpu.memref_slice %arg6[%dma_start3A_318, %dma_start3A_324] : memref<8x128xi32, #tpu.memory_space<vmem>> -> memref<1x128xi32, #tpu.memory_space<vmem>>
    %dma_start3A_326 = tpu.memref_squeeze %dma_start3A_325 : memref<1x128xi32, #tpu.memory_space<vmem>> -> memref<128xi32, #tpu.memory_space<vmem>>
    %dma_start3A_327 = arith.constant 0 : i32
    %dma_start3A_328 = arith.constant 0 : i32
    %dma_start3A_329 = tpu.memref_slice %arg2[%dma_start3A_327, %dma_start3A_328] : memref<20000x128xf32, #tpu.memory_space<hbm>> -> memref<20000x128xf32, #tpu.memory_space<hbm>>
    tpu.enqueue_indirect_dma source(%dma_start3A_329 : memref<20000x128xf32, #tpu.memory_space<hbm>>) target(%dma_start3A_323 : memref<128x128xf32, #tpu.memory_space<vmem>>) offsets(%dma_start3A_326 : memref<128xi32, #tpu.memory_space<vmem>>) semaphore(%arg11 : memref<!tpu.dma_semaphore, #tpu.memory_space<semaphore_mem>>)
    %dma_start3A_330 = arith.constant 3 : i32
    %dma_start3A_331 = arith.constant 1 : i32
    %dma_start3A_332 = arith.constant 0 : i32
    %dma_start3A_333 = arith.constant 0 : i32
    %dma_start3A_334 = tpu.memref_slice %arg7[%dma_start3A_331, %dma_start3A_332, %dma_start3A_333] : memref<2x128x128xf32, #tpu.memory_space<vmem>> -> memref<1x128x128xf32, #tpu.memory_space<vmem>>
    %dma_start3A_335 = tpu.memref_squeeze %dma_start3A_334 : memref<1x128x128xf32, #tpu.memory_space<vmem>> -> memref<128x128xf32, #tpu.memory_space<vmem>>
    %dma_start3A_336 = arith.constant 0 : i32
    %dma_start3A_337 = tpu.memref_slice %arg6[%dma_start3A_330, %dma_start3A_336] : memref<8x128xi32, #tpu.memory_space<vmem>> -> memref<1x128xi32, #tpu.memory_space<vmem>>
    %dma_start3A_338 = tpu.memref_squeeze %dma_start3A_337 : memref<1x128xi32, #tpu.memory_space<vmem>> -> memref<128xi32, #tpu.memory_space<vmem>>
    %dma_start3A_339 = arith.constant 0 : i32
    %dma_start3A_340 = arith.constant 0 : i32
    %dma_start3A_341 = tpu.memref_slice %arg2[%dma_start3A_339, %dma_start3A_340] : memref<20000x128xf32, #tpu.memory_space<hbm>> -> memref<20000x128xf32, #tpu.memory_space<hbm>>
    tpu.enqueue_indirect_dma source(%dma_start3A_341 : memref<20000x128xf32, #tpu.memory_space<hbm>>) target(%dma_start3A_335 : memref<128x128xf32, #tpu.memory_space<vmem>>) offsets(%dma_start3A_338 : memref<128xi32, #tpu.memory_space<vmem>>) semaphore(%arg11 : memref<!tpu.dma_semaphore, #tpu.memory_space<semaphore_mem>>)
    %dma_wait3A_342 = arith.constant 2 : i32
    %dma_wait3A_343 = arith.constant 0 : i32
    %dma_wait3A_344 = arith.constant 0 : i32
    %dma_wait3A_345 = arith.constant 0 : i32
    %dma_wait3A_346 = tpu.memref_slice %arg7[%dma_wait3A_343, %dma_wait3A_344, %dma_wait3A_345] : memref<2x128x128xf32, #tpu.memory_space<vmem>> -> memref<1x128x128xf32, #tpu.memory_space<vmem>>
    %dma_wait3A_347 = tpu.memref_squeeze %dma_wait3A_346 : memref<1x128x128xf32, #tpu.memory_space<vmem>> -> memref<128x128xf32, #tpu.memory_space<vmem>>
    %dma_wait3A_348 = arith.constant 0 : i32
    %dma_wait3A_349 = tpu.memref_slice %arg6[%dma_wait3A_342, %dma_wait3A_348] : memref<8x128xi32, #tpu.memory_space<vmem>> -> memref<1x128xi32, #tpu.memory_space<vmem>>
    %dma_wait3A_350 = tpu.memref_squeeze %dma_wait3A_349 : memref<1x128xi32, #tpu.memory_space<vmem>> -> memref<128xi32, #tpu.memory_space<vmem>>
    %dma_wait3A_351 = arith.constant 0 : i32
    %dma_wait3A_352 = arith.constant 0 : i32
    %dma_wait3A_353 = tpu.memref_slice %arg2[%dma_wait3A_351, %dma_wait3A_352] : memref<20000x128xf32, #tpu.memory_space<hbm>> -> memref<20000x128xf32, #tpu.memory_space<hbm>>
    tpu.wait_indirect_dma semaphore(%arg11 : memref<!tpu.dma_semaphore, #tpu.memory_space<semaphore_mem>>) src(%dma_wait3A_353 : memref<20000x128xf32, #tpu.memory_space<hbm>>) dst(%dma_wait3A_347 : memref<128x128xf32, #tpu.memory_space<vmem>>)
    %dma_wait3A_354 = arith.constant 3 : i32
    %dma_wait3A_355 = arith.constant 1 : i32
    %dma_wait3A_356 = arith.constant 0 : i32
    %dma_wait3A_357 = arith.constant 0 : i32
    %dma_wait3A_358 = tpu.memref_slice %arg7[%dma_wait3A_355, %dma_wait3A_356, %dma_wait3A_357] : memref<2x128x128xf32, #tpu.memory_space<vmem>> -> memref<1x128x128xf32, #tpu.memory_space<vmem>>
    %dma_wait3A_359 = tpu.memref_squeeze %dma_wait3A_358 : memref<1x128x128xf32, #tpu.memory_space<vmem>> -> memref<128x128xf32, #tpu.memory_space<vmem>>
    %dma_wait3A_360 = arith.constant 0 : i32
    %dma_wait3A_361 = tpu.memref_slice %arg6[%dma_wait3A_354, %dma_wait3A_360] : memref<8x128xi32, #tpu.memory_space<vmem>> -> memref<1x128xi32, #tpu.memory_space<vmem>>
    %dma_wait3A_362 = tpu.memref_squeeze %dma_wait3A_361 : memref<1x128xi32, #tpu.memory_space<vmem>> -> memref<128xi32, #tpu.memory_space<vmem>>
    %dma_wait3A_363 = arith.constant 0 : i32
    %dma_wait3A_364 = arith.constant 0 : i32
    %dma_wait3A_365 = tpu.memref_slice %arg2[%dma_wait3A_363, %dma_wait3A_364] : memref<20000x128xf32, #tpu.memory_space<hbm>> -> memref<20000x128xf32, #tpu.memory_space<hbm>>
    tpu.wait_indirect_dma semaphore(%arg11 : memref<!tpu.dma_semaphore, #tpu.memory_space<semaphore_mem>>) src(%dma_wait3A_365 : memref<20000x128xf32, #tpu.memory_space<hbm>>) dst(%dma_wait3A_359 : memref<128x128xf32, #tpu.memory_space<vmem>>)
    %dma_start3A_366 = arith.constant 0 : i32
    %dma_start3A_367 = arith.constant 6 : i32
    %dma_start3A_368 = arith.constant 0 : i32
    %dma_start3A_369 = arith.constant 0 : i32
    %dma_start3A_370 = tpu.memref_slice %arg7[%dma_start3A_366, %dma_start3A_368, %dma_start3A_369] : memref<2x128x128xf32, #tpu.memory_space<vmem>> -> memref<1x128x128xf32, #tpu.memory_space<vmem>>
    %dma_start3A_371 = tpu.memref_squeeze %dma_start3A_370 : memref<1x128x128xf32, #tpu.memory_space<vmem>> -> memref<128x128xf32, #tpu.memory_space<vmem>>
    %dma_start3A_372 = arith.constant 0 : i32
    %dma_start3A_373 = tpu.memref_slice %arg6[%dma_start3A_367, %dma_start3A_372] : memref<8x128xi32, #tpu.memory_space<vmem>> -> memref<1x128xi32, #tpu.memory_space<vmem>>
    %dma_start3A_374 = tpu.memref_squeeze %dma_start3A_373 : memref<1x128xi32, #tpu.memory_space<vmem>> -> memref<128xi32, #tpu.memory_space<vmem>>
    %dma_start3A_375 = arith.constant 0 : i32
    %dma_start3A_376 = arith.constant 0 : i32
    %dma_start3A_377 = tpu.memref_slice %arg8[%dma_start3A_375, %dma_start3A_376] : memref<10000x128xf32, #tpu.memory_space<vmem_shared>> -> memref<10000x128xf32, #tpu.memory_space<vmem_shared>>
    tpu.enqueue_indirect_dma source(%dma_start3A_371 : memref<128x128xf32, #tpu.memory_space<vmem>>) target(%dma_start3A_377 : memref<10000x128xf32, #tpu.memory_space<vmem_shared>>) offsets(%dma_start3A_374 : memref<128xi32, #tpu.memory_space<vmem>>) semaphore(%arg12 : memref<!tpu.dma_semaphore, #tpu.memory_space<semaphore_mem>>) {add = true}
    %dma_start3A_378 = arith.constant 1 : i32
    %dma_start3A_379 = arith.constant 7 : i32
    %dma_start3A_380 = arith.constant 0 : i32
    %dma_start3A_381 = arith.constant 0 : i32
    %dma_start3A_382 = tpu.memref_slice %arg7[%dma_start3A_378, %dma_start3A_380, %dma_start3A_381] : memref<2x128x128xf32, #tpu.memory_space<vmem>> -> memref<1x128x128xf32, #tpu.memory_space<vmem>>
    %dma_start3A_383 = tpu.memref_squeeze %dma_start3A_382 : memref<1x128x128xf32, #tpu.memory_space<vmem>> -> memref<128x128xf32, #tpu.memory_space<vmem>>
    %dma_start3A_384 = arith.constant 0 : i32
    %dma_start3A_385 = tpu.memref_slice %arg6[%dma_start3A_379, %dma_start3A_384] : memref<8x128xi32, #tpu.memory_space<vmem>> -> memref<1x128xi32, #tpu.memory_space<vmem>>
    %dma_start3A_386 = tpu.memref_squeeze %dma_start3A_385 : memref<1x128xi32, #tpu.memory_space<vmem>> -> memref<128xi32, #tpu.memory_space<vmem>>
    %dma_start3A_387 = arith.constant 0 : i32
    %dma_start3A_388 = arith.constant 0 : i32
    %dma_start3A_389 = tpu.memref_slice %arg8[%dma_start3A_387, %dma_start3A_388] : memref<10000x128xf32, #tpu.memory_space<vmem_shared>> -> memref<10000x128xf32, #tpu.memory_space<vmem_shared>>
    tpu.enqueue_indirect_dma source(%dma_start3A_383 : memref<128x128xf32, #tpu.memory_space<vmem>>) target(%dma_start3A_389 : memref<10000x128xf32, #tpu.memory_space<vmem_shared>>) offsets(%dma_start3A_386 : memref<128xi32, #tpu.memory_space<vmem>>) semaphore(%arg12 : memref<!tpu.dma_semaphore, #tpu.memory_space<semaphore_mem>>) {add = true}
    %dma_wait3A_390 = arith.constant 0 : i32
    %dma_wait3A_391 = arith.constant 6 : i32
    %dma_wait3A_392 = arith.constant 0 : i32
    %dma_wait3A_393 = arith.constant 0 : i32
    %dma_wait3A_394 = tpu.memref_slice %arg7[%dma_wait3A_390, %dma_wait3A_392, %dma_wait3A_393] : memref<2x128x128xf32, #tpu.memory_space<vmem>> -> memref<1x128x128xf32, #tpu.memory_space<vmem>>
    %dma_wait3A_395 = tpu.memref_squeeze %dma_wait3A_394 : memref<1x128x128xf32, #tpu.memory_space<vmem>> -> memref<128x128xf32, #tpu.memory_space<vmem>>
    %dma_wait3A_396 = arith.constant 0 : i32
    %dma_wait3A_397 = tpu.memref_slice %arg6[%dma_wait3A_391, %dma_wait3A_396] : memref<8x128xi32, #tpu.memory_space<vmem>> -> memref<1x128xi32, #tpu.memory_space<vmem>>
    %dma_wait3A_398 = tpu.memref_squeeze %dma_wait3A_397 : memref<1x128xi32, #tpu.memory_space<vmem>> -> memref<128xi32, #tpu.memory_space<vmem>>
    %dma_wait3A_399 = arith.constant 0 : i32
    %dma_wait3A_400 = arith.constant 0 : i32
    %dma_wait3A_401 = tpu.memref_slice %arg8[%dma_wait3A_399, %dma_wait3A_400] : memref<10000x128xf32, #tpu.memory_space<vmem_shared>> -> memref<10000x128xf32, #tpu.memory_space<vmem_shared>>
    tpu.wait_indirect_dma semaphore(%arg12 : memref<!tpu.dma_semaphore, #tpu.memory_space<semaphore_mem>>) src(%dma_wait3A_395 : memref<128x128xf32, #tpu.memory_space<vmem>>) dst(%dma_wait3A_401 : memref<10000x128xf32, #tpu.memory_space<vmem_shared>>)
    %dma_wait3A_402 = arith.constant 1 : i32
    %dma_wait3A_403 = arith.constant 7 : i32
    %dma_wait3A_404 = arith.constant 0 : i32
    %dma_wait3A_405 = arith.constant 0 : i32
    %dma_wait3A_406 = tpu.memref_slice %arg7[%dma_wait3A_402, %dma_wait3A_404, %dma_wait3A_405] : memref<2x128x128xf32, #tpu.memory_space<vmem>> -> memref<1x128x128xf32, #tpu.memory_space<vmem>>
    %dma_wait3A_407 = tpu.memref_squeeze %dma_wait3A_406 : memref<1x128x128xf32, #tpu.memory_space<vmem>> -> memref<128x128xf32, #tpu.memory_space<vmem>>
    %dma_wait3A_408 = arith.constant 0 : i32
    %dma_wait3A_409 = tpu.memref_slice %arg6[%dma_wait3A_403, %dma_wait3A_408] : memref<8x128xi32, #tpu.memory_space<vmem>> -> memref<1x128xi32, #tpu.memory_space<vmem>>
    %dma_wait3A_410 = tpu.memref_squeeze %dma_wait3A_409 : memref<1x128xi32, #tpu.memory_space<vmem>> -> memref<128xi32, #tpu.memory_space<vmem>>
    %dma_wait3A_411 = arith.constant 0 : i32
    %dma_wait3A_412 = arith.constant 0 : i32
    %dma_wait3A_413 = tpu.memref_slice %arg8[%dma_wait3A_411, %dma_wait3A_412] : memref<10000x128xf32, #tpu.memory_space<vmem_shared>> -> memref<10000x128xf32, #tpu.memory_space<vmem_shared>>
    tpu.wait_indirect_dma semaphore(%arg12 : memref<!tpu.dma_semaphore, #tpu.memory_space<semaphore_mem>>) src(%dma_wait3A_407 : memref<128x128xf32, #tpu.memory_space<vmem>>) dst(%dma_wait3A_413 : memref<10000x128xf32, #tpu.memory_space<vmem_shared>>)
    %convert_element_type3A = arith.extui %lt3A_27 : i1 to i32
    %cond3A = arith.constant 0 : i32
    %cond3A_414 = arith.cmpi ne, %convert_element_type3A, %cond3A : i32
    scf.if %cond3A_414 {
      %mul3A_419 = arith.constant 128 : i32
      %mul3A_420 = arith.muli %add3A_29, %mul3A_419 : i32
      %add3A_421 = arith.addi %mul3A_26, %mul3A_420 : i32
      %dma_start3A_422 = arith.constant 0 : i32
      %dma_start3A_423 = arith.constant 0 : i32
      %dma_start3A_424 = tpu.memref_slice %arg6[%dma_start3A_422, %dma_start3A_423] : memref<8x128xi32, #tpu.memory_space<vmem>> -> memref<1x128xi32, #tpu.memory_space<vmem>>
      %dma_start3A_425 = tpu.memref_squeeze %dma_start3A_424 : memref<1x128xi32, #tpu.memory_space<vmem>> -> memref<128xi32, #tpu.memory_space<vmem>>
      %dma_start3A_426 = tpu.memref_slice %arg3[%add3A_421] : memref<640000xi32, #tpu.memory_space<hbm>> -> memref<128xi32, #tpu.memory_space<hbm>>
      %dma_start3A_427 = arith.constant 0 : i32
      %dma_start3A_428 = tpu.memref_slice %arg6[%dma_start3A_422, %dma_start3A_427] : memref<8x128xi32, #tpu.memory_space<vmem>> -> memref<1x128xi32, #tpu.memory_space<vmem>>
      %dma_start3A_429 = tpu.memref_squeeze %dma_start3A_428 : memref<1x128xi32, #tpu.memory_space<vmem>> -> memref<128xi32, #tpu.memory_space<vmem>>
      %dma_start3A_430 = tpu.memref_slice %arg3[%add3A_421] : memref<640000xi32, #tpu.memory_space<hbm>> -> memref<128xi32, #tpu.memory_space<hbm>>
      tpu.enqueue_dma source(%dma_start3A_430 : memref<128xi32, #tpu.memory_space<hbm>>) target(%dma_start3A_429 : memref<128xi32, #tpu.memory_space<vmem>>) target_semaphore(%arg9 : memref<!tpu.dma_semaphore, #tpu.memory_space<semaphore_mem>>)
      %dma_start3A_431 = arith.constant 4 : i32
      %dma_start3A_432 = arith.constant 0 : i32
      %dma_start3A_433 = tpu.memref_slice %arg6[%dma_start3A_431, %dma_start3A_432] : memref<8x128xi32, #tpu.memory_space<vmem>> -> memref<1x128xi32, #tpu.memory_space<vmem>>
      %dma_start3A_434 = tpu.memref_squeeze %dma_start3A_433 : memref<1x128xi32, #tpu.memory_space<vmem>> -> memref<128xi32, #tpu.memory_space<vmem>>
      %dma_start3A_435 = tpu.memref_slice %arg4[%mul3A_420] : memref<320000xi32, #tpu.memory_space<hbm>> -> memref<128xi32, #tpu.memory_space<hbm>>
      %dma_start3A_436 = arith.constant 0 : i32
      %dma_start3A_437 = tpu.memref_slice %arg6[%dma_start3A_431, %dma_start3A_436] : memref<8x128xi32, #tpu.memory_space<vmem>> -> memref<1x128xi32, #tpu.memory_space<vmem>>
      %dma_start3A_438 = tpu.memref_squeeze %dma_start3A_437 : memref<1x128xi32, #tpu.memory_space<vmem>> -> memref<128xi32, #tpu.memory_space<vmem>>
      %dma_start3A_439 = tpu.memref_slice %arg4[%mul3A_420] : memref<320000xi32, #tpu.memory_space<hbm>> -> memref<128xi32, #tpu.memory_space<hbm>>
      tpu.enqueue_dma source(%dma_start3A_439 : memref<128xi32, #tpu.memory_space<hbm>>) target(%dma_start3A_438 : memref<128xi32, #tpu.memory_space<vmem>>) target_semaphore(%arg9 : memref<!tpu.dma_semaphore, #tpu.memory_space<semaphore_mem>>)
      %dma_wait3A_440 = arith.constant 0 : i32
      %dma_wait3A_441 = arith.constant 0 : i32
      %dma_wait3A_442 = tpu.memref_slice %arg6[%dma_wait3A_440, %dma_wait3A_441] : memref<8x128xi32, #tpu.memory_space<vmem>> -> memref<1x128xi32, #tpu.memory_space<vmem>>
      %dma_wait3A_443 = tpu.memref_squeeze %dma_wait3A_442 : memref<1x128xi32, #tpu.memory_space<vmem>> -> memref<128xi32, #tpu.memory_space<vmem>>
      %dma_wait3A_444 = tpu.memref_slice %arg3[%add3A_421] : memref<640000xi32, #tpu.memory_space<hbm>> -> memref<128xi32, #tpu.memory_space<hbm>>
      %dma_wait3A_445 = arith.constant 0 : i32
      %dma_wait3A_446 = tpu.memref_slice %arg6[%dma_wait3A_440, %dma_wait3A_445] : memref<8x128xi32, #tpu.memory_space<vmem>> -> memref<1x128xi32, #tpu.memory_space<vmem>>
      %dma_wait3A_447 = tpu.memref_squeeze %dma_wait3A_446 : memref<1x128xi32, #tpu.memory_space<vmem>> -> memref<128xi32, #tpu.memory_space<vmem>>
      %dma_wait3A_448 = tpu.memref_slice %arg3[%add3A_421] : memref<640000xi32, #tpu.memory_space<hbm>> -> memref<128xi32, #tpu.memory_space<hbm>>
      tpu.wait_dma2 semaphore(%arg9 : memref<!tpu.dma_semaphore, #tpu.memory_space<semaphore_mem>>) src(%dma_wait3A_448 : memref<128xi32, #tpu.memory_space<hbm>>) dst(%dma_wait3A_447 : memref<128xi32, #tpu.memory_space<vmem>>)
      %dma_wait3A_449 = arith.constant 4 : i32
      %dma_wait3A_450 = arith.constant 0 : i32
      %dma_wait3A_451 = tpu.memref_slice %arg6[%dma_wait3A_449, %dma_wait3A_450] : memref<8x128xi32, #tpu.memory_space<vmem>> -> memref<1x128xi32, #tpu.memory_space<vmem>>
      %dma_wait3A_452 = tpu.memref_squeeze %dma_wait3A_451 : memref<1x128xi32, #tpu.memory_space<vmem>> -> memref<128xi32, #tpu.memory_space<vmem>>
      %dma_wait3A_453 = tpu.memref_slice %arg4[%mul3A_420] : memref<320000xi32, #tpu.memory_space<hbm>> -> memref<128xi32, #tpu.memory_space<hbm>>
      %dma_wait3A_454 = arith.constant 0 : i32
      %dma_wait3A_455 = tpu.memref_slice %arg6[%dma_wait3A_449, %dma_wait3A_454] : memref<8x128xi32, #tpu.memory_space<vmem>> -> memref<1x128xi32, #tpu.memory_space<vmem>>
      %dma_wait3A_456 = tpu.memref_squeeze %dma_wait3A_455 : memref<1x128xi32, #tpu.memory_space<vmem>> -> memref<128xi32, #tpu.memory_space<vmem>>
      %dma_wait3A_457 = tpu.memref_slice %arg4[%mul3A_420] : memref<320000xi32, #tpu.memory_space<hbm>> -> memref<128xi32, #tpu.memory_space<hbm>>
      tpu.wait_dma2 semaphore(%arg9 : memref<!tpu.dma_semaphore, #tpu.memory_space<semaphore_mem>>) src(%dma_wait3A_457 : memref<128xi32, #tpu.memory_space<hbm>>) dst(%dma_wait3A_456 : memref<128xi32, #tpu.memory_space<vmem>>)
      %dma_start3A_458 = arith.constant 0 : i32
      %dma_start3A_459 = arith.constant 0 : i32
      %dma_start3A_460 = arith.constant 0 : i32
      %dma_start3A_461 = arith.constant 0 : i32
      %dma_start3A_462 = tpu.memref_slice %arg7[%dma_start3A_459, %dma_start3A_460, %dma_start3A_461] : memref<2x128x128xf32, #tpu.memory_space<vmem>> -> memref<1x128x128xf32, #tpu.memory_space<vmem>>
      %dma_start3A_463 = tpu.memref_squeeze %dma_start3A_462 : memref<1x128x128xf32, #tpu.memory_space<vmem>> -> memref<128x128xf32, #tpu.memory_space<vmem>>
      %dma_start3A_464 = arith.constant 0 : i32
      %dma_start3A_465 = tpu.memref_slice %arg6[%dma_start3A_458, %dma_start3A_464] : memref<8x128xi32, #tpu.memory_space<vmem>> -> memref<1x128xi32, #tpu.memory_space<vmem>>
      %dma_start3A_466 = tpu.memref_squeeze %dma_start3A_465 : memref<1x128xi32, #tpu.memory_space<vmem>> -> memref<128xi32, #tpu.memory_space<vmem>>
      %dma_start3A_467 = arith.constant 0 : i32
      %dma_start3A_468 = arith.constant 0 : i32
      %dma_start3A_469 = tpu.memref_slice %arg2[%dma_start3A_467, %dma_start3A_468] : memref<20000x128xf32, #tpu.memory_space<hbm>> -> memref<20000x128xf32, #tpu.memory_space<hbm>>
      tpu.enqueue_indirect_dma source(%dma_start3A_469 : memref<20000x128xf32, #tpu.memory_space<hbm>>) target(%dma_start3A_463 : memref<128x128xf32, #tpu.memory_space<vmem>>) offsets(%dma_start3A_466 : memref<128xi32, #tpu.memory_space<vmem>>) semaphore(%arg11 : memref<!tpu.dma_semaphore, #tpu.memory_space<semaphore_mem>>)
      %dma_wait3A_470 = arith.constant 0 : i32
      %dma_wait3A_471 = arith.constant 0 : i32
      %dma_wait3A_472 = arith.constant 0 : i32
      %dma_wait3A_473 = arith.constant 0 : i32
      %dma_wait3A_474 = tpu.memref_slice %arg7[%dma_wait3A_471, %dma_wait3A_472, %dma_wait3A_473] : memref<2x128x128xf32, #tpu.memory_space<vmem>> -> memref<1x128x128xf32, #tpu.memory_space<vmem>>
      %dma_wait3A_475 = tpu.memref_squeeze %dma_wait3A_474 : memref<1x128x128xf32, #tpu.memory_space<vmem>> -> memref<128x128xf32, #tpu.memory_space<vmem>>
      %dma_wait3A_476 = arith.constant 0 : i32
      %dma_wait3A_477 = tpu.memref_slice %arg6[%dma_wait3A_470, %dma_wait3A_476] : memref<8x128xi32, #tpu.memory_space<vmem>> -> memref<1x128xi32, #tpu.memory_space<vmem>>
      %dma_wait3A_478 = tpu.memref_squeeze %dma_wait3A_477 : memref<1x128xi32, #tpu.memory_space<vmem>> -> memref<128xi32, #tpu.memory_space<vmem>>
      %dma_wait3A_479 = arith.constant 0 : i32
      %dma_wait3A_480 = arith.constant 0 : i32
      %dma_wait3A_481 = tpu.memref_slice %arg2[%dma_wait3A_479, %dma_wait3A_480] : memref<20000x128xf32, #tpu.memory_space<hbm>> -> memref<20000x128xf32, #tpu.memory_space<hbm>>
      tpu.wait_indirect_dma semaphore(%arg11 : memref<!tpu.dma_semaphore, #tpu.memory_space<semaphore_mem>>) src(%dma_wait3A_481 : memref<20000x128xf32, #tpu.memory_space<hbm>>) dst(%dma_wait3A_475 : memref<128x128xf32, #tpu.memory_space<vmem>>)
      %dma_start3A_482 = arith.constant 0 : i32
      %dma_start3A_483 = arith.constant 4 : i32
      %dma_start3A_484 = arith.constant 0 : i32
      %dma_start3A_485 = arith.constant 0 : i32
      %dma_start3A_486 = tpu.memref_slice %arg7[%dma_start3A_482, %dma_start3A_484, %dma_start3A_485] : memref<2x128x128xf32, #tpu.memory_space<vmem>> -> memref<1x128x128xf32, #tpu.memory_space<vmem>>
      %dma_start3A_487 = tpu.memref_squeeze %dma_start3A_486 : memref<1x128x128xf32, #tpu.memory_space<vmem>> -> memref<128x128xf32, #tpu.memory_space<vmem>>
      %dma_start3A_488 = arith.constant 0 : i32
      %dma_start3A_489 = tpu.memref_slice %arg6[%dma_start3A_483, %dma_start3A_488] : memref<8x128xi32, #tpu.memory_space<vmem>> -> memref<1x128xi32, #tpu.memory_space<vmem>>
      %dma_start3A_490 = tpu.memref_squeeze %dma_start3A_489 : memref<1x128xi32, #tpu.memory_space<vmem>> -> memref<128xi32, #tpu.memory_space<vmem>>
      %dma_start3A_491 = arith.constant 0 : i32
      %dma_start3A_492 = arith.constant 0 : i32
      %dma_start3A_493 = tpu.memref_slice %arg8[%dma_start3A_491, %dma_start3A_492] : memref<10000x128xf32, #tpu.memory_space<vmem_shared>> -> memref<10000x128xf32, #tpu.memory_space<vmem_shared>>
      tpu.enqueue_indirect_dma source(%dma_start3A_487 : memref<128x128xf32, #tpu.memory_space<vmem>>) target(%dma_start3A_493 : memref<10000x128xf32, #tpu.memory_space<vmem_shared>>) offsets(%dma_start3A_490 : memref<128xi32, #tpu.memory_space<vmem>>) semaphore(%arg12 : memref<!tpu.dma_semaphore, #tpu.memory_space<semaphore_mem>>) {add = true}
      %dma_wait3A_494 = arith.constant 0 : i32
      %dma_wait3A_495 = arith.constant 4 : i32
      %dma_wait3A_496 = arith.constant 0 : i32
      %dma_wait3A_497 = arith.constant 0 : i32
      %dma_wait3A_498 = tpu.memref_slice %arg7[%dma_wait3A_494, %dma_wait3A_496, %dma_wait3A_497] : memref<2x128x128xf32, #tpu.memory_space<vmem>> -> memref<1x128x128xf32, #tpu.memory_space<vmem>>
      %dma_wait3A_499 = tpu.memref_squeeze %dma_wait3A_498 : memref<1x128x128xf32, #tpu.memory_space<vmem>> -> memref<128x128xf32, #tpu.memory_space<vmem>>
      %dma_wait3A_500 = arith.constant 0 : i32
      %dma_wait3A_501 = tpu.memref_slice %arg6[%dma_wait3A_495, %dma_wait3A_500] : memref<8x128xi32, #tpu.memory_space<vmem>> -> memref<1x128xi32, #tpu.memory_space<vmem>>
      %dma_wait3A_502 = tpu.memref_squeeze %dma_wait3A_501 : memref<1x128xi32, #tpu.memory_space<vmem>> -> memref<128xi32, #tpu.memory_space<vmem>>
      %dma_wait3A_503 = arith.constant 0 : i32
      %dma_wait3A_504 = arith.constant 0 : i32
      %dma_wait3A_505 = tpu.memref_slice %arg8[%dma_wait3A_503, %dma_wait3A_504] : memref<10000x128xf32, #tpu.memory_space<vmem_shared>> -> memref<10000x128xf32, #tpu.memory_space<vmem_shared>>
      tpu.wait_indirect_dma semaphore(%arg12 : memref<!tpu.dma_semaphore, #tpu.memory_space<semaphore_mem>>) src(%dma_wait3A_499 : memref<128x128xf32, #tpu.memory_space<vmem>>) dst(%dma_wait3A_505 : memref<10000x128xf32, #tpu.memory_space<vmem_shared>>)
    } else {
    }
    %barrier3A_415 = arith.constant 0 : index
    tpu.barrier barrier_id(%barrier3A_415)
    %mul3A_416 = arith.constant 16 : i32
    %mul3A_417 = arith.muli %arg0, %mul3A_416 : i32
    %add3A_418 = arith.addi %mul3A_417, %arg1 : i32
    "tpu.region"() ({
      %run_scoped3A_419 = tpu.sem_alloc : memref<!tpu.dma_semaphore, #tpu.memory_space<semaphore_mem>>
      %dma_start3A_420 = arith.constant 0 : i32
      %dma_start3A_421 = arith.constant 0 : i32
      %dma_start3A_422 = tpu.memref_slice %arg5[%add3A_418, %dma_start3A_420, %dma_start3A_421] : memref<32x625x128xf32, #tpu.memory_space<hbm>> -> memref<1x625x128xf32, #tpu.memory_space<hbm>>
      %dma_start3A_423 = tpu.memref_squeeze %dma_start3A_422 : memref<1x625x128xf32, #tpu.memory_space<hbm>> -> memref<625x128xf32, #tpu.memory_space<hbm>>
      %dma_start3A_424 = arith.constant 0 : i32
      %dma_start3A_425 = tpu.memref_slice %arg8[%mul3A_0, %dma_start3A_424] : memref<10000x128xf32, #tpu.memory_space<vmem_shared>> -> memref<625x128xf32, #tpu.memory_space<vmem_shared>>
      tpu.enqueue_dma source(%dma_start3A_425 : memref<625x128xf32, #tpu.memory_space<vmem_shared>>) target(%dma_start3A_423 : memref<625x128xf32, #tpu.memory_space<hbm>>) target_semaphore(%run_scoped3A_419 : memref<!tpu.dma_semaphore, #tpu.memory_space<semaphore_mem>>)
      %dma_wait3A_426 = arith.constant 0 : i32
      %dma_wait3A_427 = arith.constant 0 : i32
      %dma_wait3A_428 = tpu.memref_slice %arg5[%add3A_418, %dma_wait3A_426, %dma_wait3A_427] : memref<32x625x128xf32, #tpu.memory_space<hbm>> -> memref<1x625x128xf32, #tpu.memory_space<hbm>>
      %dma_wait3A_429 = tpu.memref_squeeze %dma_wait3A_428 : memref<1x625x128xf32, #tpu.memory_space<hbm>> -> memref<625x128xf32, #tpu.memory_space<hbm>>
      %dma_wait3A_430 = arith.constant 0 : i32
      %dma_wait3A_431 = tpu.memref_slice %arg8[%mul3A_0, %dma_wait3A_430] : memref<10000x128xf32, #tpu.memory_space<vmem_shared>> -> memref<625x128xf32, #tpu.memory_space<vmem_shared>>
      tpu.wait_dma2 semaphore(%run_scoped3A_419 : memref<!tpu.dma_semaphore, #tpu.memory_space<semaphore_mem>>) src(%dma_wait3A_431 : memref<625x128xf32, #tpu.memory_space<vmem_shared>>) dst(%dma_wait3A_429 : memref<625x128xf32, #tpu.memory_space<hbm>>)
      tpu.yield
    }) : () -> ()
    return
  }
}

module attributes {stable_mosaic.version = 14 : i64} {
  func.func @_tc_oh_body(%arg0: i32, %arg1: memref<2000x1xi32, #tpu.memory_space<vmem>>, %arg2: memref<2000x128xf32, #tpu.memory_space<vmem>>) attributes {dimension_semantics = [#tpu.dimension_semantics<arbitrary>], iteration_bounds = array<i64: 5>, scalar_prefetch = 0 : i64, scratch_operands = 0 : i64, tpu.core_type = #tpu.core_type<tc>, window_params = [{transform_indices = @transform_0, window_bounds = array<i64: 2000, 1>}, {transform_indices = @transform_1, window_bounds = array<i64: 2000, 128>}]} {
    %get3A = arith.constant 0 : index
    %get3A_0 = arith.constant 0 : index
    %get3A_1 = vector.load %arg1[%get3A, %get3A_0] : memref<2000x1xi32, #tpu.memory_space<vmem>>, vector<2000x1xi32>
    %iota3A = tpu.iota {dimensions = array<i32: 1>} : vector<2000x128xi32>
    %eq3A = vector.broadcast %get3A_1 : vector<2000x1xi32> to vector<2000x128xi32>
    %eq3A_2 = arith.cmpi eq, %eq3A, %iota3A : vector<2000x128xi32>
    %convert_element_type3A = arith.extui %eq3A_2 : vector<2000x128xi1> to vector<2000x128xi32>
    %convert_element_type3A_3 = arith.sitofp %convert_element_type3A : vector<2000x128xi32> to vector<2000x128xf32>
    %swap3A = arith.constant 0 : index
    %swap3A_4 = arith.constant 0 : index
    %swap3A_5 = vector.load %arg2[%swap3A, %swap3A_4] : memref<2000x128xf32, #tpu.memory_space<vmem>>, vector<2000x128xf32>
    tpu.vector_store %arg2[%swap3A, %swap3A_4], %convert_element_type3A_3 {strides = array<i32>} : memref<2000x128xf32, #tpu.memory_space<vmem>>, vector<2000x128xf32>,
    return
  }
  func.func @transform_0(%arg0: i32) -> (i32, i32) {
    %c0_i32 = arith.constant 0 : i32
    %c0_i32_0 = arith.constant 0 : i32
    return %arg0, %c0_i32 : i32, i32
  }
  func.func @transform_1(%arg0: i32) -> (i32, i32) {
    %c0_i32 = arith.constant 0 : i32
    %c0_i32_0 = arith.constant 0 : i32
    return %arg0, %c0_i32 : i32, i32
  }
}

module attributes {stable_mosaic.version = 14 : i64} {
  func.func @_tc1_body(%arg0: i32, %arg1: memref<2x400x128xf32, #tpu.memory_space<vmem>>, %arg2: memref<400x1xi32, #tpu.memory_space<vmem>>, %arg3: memref<64x128xf32, #tpu.memory_space<vmem>>, %arg4: memref<256x128xf32, #tpu.memory_space<vmem>>, %arg5: memref<1x256xf32, #tpu.memory_space<vmem>>, %arg6: memref<256x128xf32, #tpu.memory_space<vmem>>, %arg7: memref<256x256xf32, #tpu.memory_space<vmem>>, %arg8: memref<256x256xf32, #tpu.memory_space<vmem>>, %arg9: memref<1x256xf32, #tpu.memory_space<vmem>>, %arg10: memref<2x400x128xf32, #tpu.memory_space<vmem>>, %arg11: memref<400x256xf32, #tpu.memory_space<vmem>>, %arg12: memref<400x1xf32, #tpu.memory_space<vmem>>) attributes {dimension_semantics = [#tpu.dimension_semantics<arbitrary>], iteration_bounds = array<i64: 25>, scalar_prefetch = 0 : i64, scratch_operands = 0 : i64, tpu.core_type = #tpu.core_type<tc>, window_params = [{transform_indices = @transform_0, window_bounds = array<i64: 2, 400, 128>}, {transform_indices = @transform_1, window_bounds = array<i64: 400, 1>}, {pipeline_mode = #tpu.pipeline_mode<synchronous>, transform_indices = @transform_2, window_bounds = array<i64: 64, 128>}, {pipeline_mode = #tpu.pipeline_mode<synchronous>, transform_indices = @transform_3, window_bounds = array<i64: 256, 128>}, {pipeline_mode = #tpu.pipeline_mode<synchronous>, transform_indices = @transform_4, window_bounds = array<i64: 1, 256>}, {pipeline_mode = #tpu.pipeline_mode<synchronous>, transform_indices = @transform_5, window_bounds = array<i64: 256, 128>}, {pipeline_mode = #tpu.pipeline_mode<synchronous>, transform_indices = @transform_6, window_bounds = array<i64: 256, 256>}, {pipeline_mode = #tpu.pipeline_mode<synchronous>, transform_indices = @transform_7, window_bounds = array<i64: 256, 256>}, {pipeline_mode = #tpu.pipeline_mode<synchronous>, transform_indices = @transform_8, window_bounds = array<i64: 1, 256>}, {transform_indices = @transform_9, window_bounds = array<i64: 2, 400, 128>}, {transform_indices = @transform_10, window_bounds = array<i64: 400, 256>}, {transform_indices = @transform_11, window_bounds = array<i64: 400, 1>}]} {
    %get3A = arith.constant 0 : index
    %get3A_0 = arith.constant 0 : index
    %get3A_1 = arith.constant 0 : index
    %get3A_2 = vector.load %arg1[%get3A, %get3A_0, %get3A_1] : memref<2x400x128xf32, #tpu.memory_space<vmem>>, vector<1x400x128xf32>
    %get3A_3 = vector.shape_cast %get3A_2 : vector<1x400x128xf32> to vector<400x128xf32>
    %get3A_4 = arith.constant 1 : index
    %get3A_5 = arith.constant 0 : index
    %get3A_6 = arith.constant 0 : index
    %get3A_7 = vector.load %arg1[%get3A_4, %get3A_5, %get3A_6] : memref<2x400x128xf32, #tpu.memory_space<vmem>>, vector<1x400x128xf32>
    %get3A_8 = vector.shape_cast %get3A_7 : vector<1x400x128xf32> to vector<400x128xf32>
    %add3A = arith.addf %get3A_3, %get3A_8 : vector<400x128xf32>
    %slice3A = vector.extract_strided_slice %add3A {offsets = [0, 0], sizes = [400, 64], strides = [1, 1]} : vector<400x128xf32> to vector<400x64xf32>
    %reduce_sum3A = arith.constant dense<0.000000e+00> : vector<400xf32>
    %reduce_sum3A_9 = vector.multi_reduction <add>, %slice3A, %reduce_sum3A [1] : vector<400x64xf32> to vector<400xf32>
    %broadcast_in_dim3A = vector.shape_cast %reduce_sum3A_9 : vector<400xf32> to vector<400x1xf32>
    %max3A = arith.constant 1.000000e+00 : f32
    %max3A_10 = vector.broadcast %max3A : f32 to vector<400x1xf32>
    %max3A_11 = arith.maximumf %broadcast_in_dim3A, %max3A_10 : vector<400x1xf32>
    %div3A = vector.broadcast %max3A_11 : vector<400x1xf32> to vector<400x64xf32>
    %div3A_12 = arith.divf %slice3A, %div3A : vector<400x64xf32>
    %get3A_13 = arith.constant 0 : index
    %get3A_14 = arith.constant 0 : index
    %get3A_15 = vector.load %arg3[%get3A_13, %get3A_14] : memref<64x128xf32, #tpu.memory_space<vmem>>, vector<64x128xf32>
    %get3A_16 = arith.constant 0 : index
    %get3A_17 = arith.constant 0 : index
    %get3A_18 = vector.load %arg4[%get3A_16, %get3A_17] : memref<256x128xf32, #tpu.memory_space<vmem>>, vector<256x128xf32>
    %dot_general3A = arith.constant dense<0.000000e+00> : vector<64x256xf32>
    %dot_general3A_19 = tpu.matmul %get3A_15, %get3A_18, %dot_general3A {dimension_numbers = #tpu.dot_dimension_numbers<[1], [1], [0], [0], [0, 0, 1, 0], [], []>, transpose_lhs_hint = false} : vector<64x128xf32>, vector<256x128xf32>, vector<64x256xf32> -> vector<64x256xf32>
    %get3A_20 = arith.constant 0 : index
    %get3A_21 = arith.constant 0 : index
    %get3A_22 = vector.load %arg3[%get3A_20, %get3A_21] : memref<64x128xf32, #tpu.memory_space<vmem>>, vector<64x128xf32>
    %get3A_23 = arith.constant 0 : index
    %get3A_24 = arith.constant 0 : index
    %get3A_25 = vector.load %arg6[%get3A_23, %get3A_24] : memref<256x128xf32, #tpu.memory_space<vmem>>, vector<256x128xf32>
    %dot_general3A_26 = arith.constant dense<0.000000e+00> : vector<64x256xf32>
    %dot_general3A_27 = tpu.matmul %get3A_22, %get3A_25, %dot_general3A_26 {dimension_numbers = #tpu.dot_dimension_numbers<[1], [1], [0], [0], [0, 0, 1, 0], [], []>, transpose_lhs_hint = false} : vector<64x128xf32>, vector<256x128xf32>, vector<64x256xf32> -> vector<64x256xf32>
    %get3A_28 = arith.constant 0 : index
    %get3A_29 = arith.constant 0 : index
    %get3A_30 = vector.load %arg2[%get3A_28, %get3A_29] : memref<400x1xi32, #tpu.memory_space<vmem>>, vector<400x1xi32>
    %iota3A = tpu.iota {dimensions = array<i32: 1>} : vector<400x64xi32>
    %eq3A = vector.broadcast %get3A_30 : vector<400x1xi32> to vector<400x64xi32>
    %eq3A_31 = arith.cmpi eq, %eq3A, %iota3A : vector<400x64xi32>
    %convert_element_type3A = arith.extui %eq3A_31 : vector<400x64xi1> to vector<400x64xi32>
    %convert_element_type3A_32 = arith.sitofp %convert_element_type3A : vector<400x64xi32> to vector<400x64xf32>
    %dot_general3A_33 = arith.constant dense<0.000000e+00> : vector<400x256xf32>
    %dot_general3A_34 = tpu.matmul %div3A_12, %dot_general3A_19, %dot_general3A_33 {dimension_numbers = #tpu.dot_dimension_numbers<[1], [0], [0], [1], [0, 0, 1, 1], [], []>, transpose_lhs_hint = false} : vector<400x64xf32>, vector<64x256xf32>, vector<400x256xf32> -> vector<400x256xf32>
    %dot_general3A_35 = arith.constant dense<0.000000e+00> : vector<400x256xf32>
    %dot_general3A_36 = tpu.matmul %convert_element_type3A_32, %dot_general3A_27, %dot_general3A_35 {dimension_numbers = #tpu.dot_dimension_numbers<[1], [0], [0], [1], [0, 0, 1, 1], [], []>, transpose_lhs_hint = false} : vector<400x64xf32>, vector<64x256xf32>, vector<400x256xf32> -> vector<400x256xf32>
    %add3A_37 = arith.addf %dot_general3A_34, %dot_general3A_36 : vector<400x256xf32>
    %get3A_38 = arith.constant 0 : index
    %get3A_39 = arith.constant 0 : index
    %get3A_40 = vector.load %arg5[%get3A_38, %get3A_39] : memref<1x256xf32, #tpu.memory_space<vmem>>, vector<1x256xf32>
    %add3A_41 = vector.broadcast %get3A_40 : vector<1x256xf32> to vector<400x256xf32>
    %add3A_42 = arith.addf %add3A_37, %add3A_41 : vector<400x256xf32>
    %max3A_43 = arith.constant 0.000000e+00 : f32
    %max3A_44 = vector.broadcast %max3A_43 : f32 to vector<400x256xf32>
    %max3A_45 = arith.maximumf %add3A_42, %max3A_44 : vector<400x256xf32>
    %get3A_46 = arith.constant 0 : index
    %get3A_47 = arith.constant 0 : index
    %get3A_48 = vector.load %arg7[%get3A_46, %get3A_47] : memref<256x256xf32, #tpu.memory_space<vmem>>, vector<256x256xf32>
    %dot_general3A_49 = arith.constant dense<0.000000e+00> : vector<400x256xf32>
    %dot_general3A_50 = tpu.matmul %max3A_45, %get3A_48, %dot_general3A_49 {dimension_numbers = #tpu.dot_dimension_numbers<[1], [1], [0], [0], [0, 0, 1, 0], [], []>, transpose_lhs_hint = false} : vector<400x256xf32>, vector<256x256xf32>, vector<400x256xf32> -> vector<400x256xf32>
    %get3A_51 = arith.constant 0 : index
    %get3A_52 = arith.constant 0 : index
    %get3A_53 = vector.load %arg8[%get3A_51, %get3A_52] : memref<256x256xf32, #tpu.memory_space<vmem>>, vector<256x256xf32>
    %dot_general3A_54 = arith.constant dense<0.000000e+00> : vector<400x256xf32>
    %dot_general3A_55 = tpu.matmul %max3A_45, %get3A_53, %dot_general3A_54 {dimension_numbers = #tpu.dot_dimension_numbers<[1], [1], [0], [0], [0, 0, 1, 0], [], []>, transpose_lhs_hint = false} : vector<400x256xf32>, vector<256x256xf32>, vector<400x256xf32> -> vector<400x256xf32>
    %get3A_56 = arith.constant 0 : index
    %get3A_57 = arith.constant 0 : index
    %get3A_58 = vector.load %arg9[%get3A_56, %get3A_57] : memref<1x256xf32, #tpu.memory_space<vmem>>, vector<1x256xf32>
    %add3A_59 = vector.broadcast %get3A_58 : vector<1x256xf32> to vector<400x256xf32>
    %add3A_60 = arith.addf %dot_general3A_55, %add3A_59 : vector<400x256xf32>
    %slice3A_61 = vector.extract_strided_slice %dot_general3A_50 {offsets = [0, 0], sizes = [400, 128], strides = [1, 1]} : vector<400x256xf32> to vector<400x128xf32>
    %swap3A = arith.constant 0 : index
    %swap3A_62 = arith.constant 0 : index
    %swap3A_63 = arith.constant 0 : index
    %swap3A_64 = vector.load %arg10[%swap3A, %swap3A_62, %swap3A_63] : memref<2x400x128xf32, #tpu.memory_space<vmem>>, vector<1x400x128xf32>
    %swap3A_65 = vector.shape_cast %swap3A_64 : vector<1x400x128xf32> to vector<400x128xf32>
    %swap3A_66 = vector.shape_cast %slice3A_61 : vector<400x128xf32> to vector<1x400x128xf32>
    tpu.vector_store %arg10[%swap3A, %swap3A_62, %swap3A_63], %swap3A_66 {strides = array<i32>} : memref<2x400x128xf32, #tpu.memory_space<vmem>>, vector<1x400x128xf32>,
    %slice3A_67 = vector.extract_strided_slice %dot_general3A_50 {offsets = [0, 128], sizes = [400, 128], strides = [1, 1]} : vector<400x256xf32> to vector<400x128xf32>
    %swap3A_68 = arith.constant 1 : index
    %swap3A_69 = arith.constant 0 : index
    %swap3A_70 = arith.constant 0 : index
    %swap3A_71 = vector.load %arg10[%swap3A_68, %swap3A_69, %swap3A_70] : memref<2x400x128xf32, #tpu.memory_space<vmem>>, vector<1x400x128xf32>
    %swap3A_72 = vector.shape_cast %swap3A_71 : vector<1x400x128xf32> to vector<400x128xf32>
    %swap3A_73 = vector.shape_cast %slice3A_67 : vector<400x128xf32> to vector<1x400x128xf32>
    tpu.vector_store %arg10[%swap3A_68, %swap3A_69, %swap3A_70], %swap3A_73 {strides = array<i32>} : memref<2x400x128xf32, #tpu.memory_space<vmem>>, vector<1x400x128xf32>,
    %swap3A_74 = arith.constant 0 : index
    %swap3A_75 = arith.constant 0 : index
    %swap3A_76 = vector.load %arg11[%swap3A_74, %swap3A_75] : memref<400x256xf32, #tpu.memory_space<vmem>>, vector<400x256xf32>
    tpu.vector_store %arg11[%swap3A_74, %swap3A_75], %add3A_60 {strides = array<i32>} : memref<400x256xf32, #tpu.memory_space<vmem>>, vector<400x256xf32>,
    %swap3A_77 = arith.constant 0 : index
    %swap3A_78 = arith.constant 0 : index
    %swap3A_79 = vector.load %arg12[%swap3A_77, %swap3A_78] : memref<400x1xf32, #tpu.memory_space<vmem>>, vector<400x1xf32>
    tpu.vector_store %arg12[%swap3A_77, %swap3A_78], %broadcast_in_dim3A {strides = array<i32>} : memref<400x1xf32, #tpu.memory_space<vmem>>, vector<400x1xf32>,
    return
  }
  func.func @transform_0(%arg0: i32) -> (i32, i32, i32) {
    %c0_i32 = arith.constant 0 : i32
    %c0_i32_0 = arith.constant 0 : i32
    %c0_i32_1 = arith.constant 0 : i32
    return %c0_i32, %arg0, %c0_i32_0 : i32, i32, i32
  }
  func.func @transform_1(%arg0: i32) -> (i32, i32) {
    %c0_i32 = arith.constant 0 : i32
    %c0_i32_0 = arith.constant 0 : i32
    return %arg0, %c0_i32 : i32, i32
  }
  func.func @transform_2(%arg0: i32) -> (i32, i32) {
    %c0_i32 = arith.constant 0 : i32
    %c0_i32_0 = arith.constant 0 : i32
    %c0_i32_1 = arith.constant 0 : i32
    return %c0_i32, %c0_i32_0 : i32, i32
  }
  func.func @transform_3(%arg0: i32) -> (i32, i32) {
    %c0_i32 = arith.constant 0 : i32
    %c0_i32_0 = arith.constant 0 : i32
    %c0_i32_1 = arith.constant 0 : i32
    return %c0_i32, %c0_i32_0 : i32, i32
  }
  func.func @transform_4(%arg0: i32) -> (i32, i32) {
    %c0_i32 = arith.constant 0 : i32
    %c0_i32_0 = arith.constant 0 : i32
    %c0_i32_1 = arith.constant 0 : i32
    return %c0_i32, %c0_i32_0 : i32, i32
  }
  func.func @transform_5(%arg0: i32) -> (i32, i32) {
    %c0_i32 = arith.constant 0 : i32
    %c0_i32_0 = arith.constant 0 : i32
    %c0_i32_1 = arith.constant 0 : i32
    return %c0_i32, %c0_i32_0 : i32, i32
  }
  func.func @transform_6(%arg0: i32) -> (i32, i32) {
    %c0_i32 = arith.constant 0 : i32
    %c0_i32_0 = arith.constant 0 : i32
    %c0_i32_1 = arith.constant 0 : i32
    return %c0_i32, %c0_i32_0 : i32, i32
  }
  func.func @transform_7(%arg0: i32) -> (i32, i32) {
    %c0_i32 = arith.constant 0 : i32
    %c0_i32_0 = arith.constant 0 : i32
    %c0_i32_1 = arith.constant 0 : i32
    return %c0_i32, %c0_i32_0 : i32, i32
  }
  func.func @transform_8(%arg0: i32) -> (i32, i32) {
    %c0_i32 = arith.constant 0 : i32
    %c0_i32_0 = arith.constant 0 : i32
    %c0_i32_1 = arith.constant 0 : i32
    return %c0_i32, %c0_i32_0 : i32, i32
  }
  func.func @transform_9(%arg0: i32) -> (i32, i32, i32) {
    %c0_i32 = arith.constant 0 : i32
    %c0_i32_0 = arith.constant 0 : i32
    %c0_i32_1 = arith.constant 0 : i32
    return %c0_i32, %arg0, %c0_i32_0 : i32, i32, i32
  }
  func.func @transform_10(%arg0: i32) -> (i32, i32) {
    %c0_i32 = arith.constant 0 : i32
    %c0_i32_0 = arith.constant 0 : i32
    return %arg0, %c0_i32 : i32, i32
  }
  func.func @transform_11(%arg0: i32) -> (i32, i32) {
    %c0_i32 = arith.constant 0 : i32
    %c0_i32_0 = arith.constant 0 : i32
    return %arg0, %c0_i32 : i32, i32
  }
}

module attributes {stable_mosaic.version = 14 : i64} {
  func.func @_tc2_body(%arg0: i32, %arg1: memref<2x400x128xf32, #tpu.memory_space<vmem>>, %arg2: memref<400x256xf32, #tpu.memory_space<vmem>>, %arg3: memref<400x1xf32, #tpu.memory_space<vmem>>, %arg4: memref<400x1xi32, #tpu.memory_space<vmem>>, %arg5: memref<10x256xf32, #tpu.memory_space<vmem>>, %arg6: memref<1x10xf32, #tpu.memory_space<vmem>>, %arg7: memref<128x10xf32, #tpu.memory_space<vmem>>, %arg8: memref<128x256xf32, #tpu.memory_space<vmem>>, %arg9: memref<128x1xf32, #tpu.memory_space<vmem>>) attributes {dimension_semantics = [#tpu.dimension_semantics<arbitrary>], iteration_bounds = array<i64: 25>, scalar_prefetch = 0 : i64, scratch_operands = 2 : i64, tpu.core_type = #tpu.core_type<tc>, window_params = [{transform_indices = @transform_0, window_bounds = array<i64: 2, 400, 128>}, {transform_indices = @transform_1, window_bounds = array<i64: 400, 256>}, {transform_indices = @transform_2, window_bounds = array<i64: 400, 1>}, {transform_indices = @transform_3, window_bounds = array<i64: 400, 1>}, {pipeline_mode = #tpu.pipeline_mode<synchronous>, transform_indices = @transform_4, window_bounds = array<i64: 10, 256>}, {pipeline_mode = #tpu.pipeline_mode<synchronous>, transform_indices = @transform_5, window_bounds = array<i64: 1, 10>}, {pipeline_mode = #tpu.pipeline_mode<synchronous>, transform_indices = @transform_6, window_bounds = array<i64: 128, 10>}]} {
    %eq3A = arith.constant 0 : i32
    %eq3A_0 = arith.cmpi eq, %arg0, %eq3A : i32
    %convert_element_type3A = arith.extui %eq3A_0 : i1 to i32
    %cond3A = arith.constant 0 : i32
    %cond3A_1 = arith.cmpi ne, %convert_element_type3A, %cond3A : i32
    scf.if %cond3A_1 {
      %broadcast_in_dim3A_50 = arith.constant 0.000000e+00 : f32
      %broadcast_in_dim3A_51 = vector.broadcast %broadcast_in_dim3A_50 : f32 to vector<128x256xf32>
      %swap3A_52 = arith.constant 0 : index
      %swap3A_53 = arith.constant 0 : index
      %swap3A_54 = vector.load %arg8[%swap3A_52, %swap3A_53] : memref<128x256xf32, #tpu.memory_space<vmem>>, vector<128x256xf32>
      tpu.vector_store %arg8[%swap3A_52, %swap3A_53], %broadcast_in_dim3A_51 {strides = array<i32>} : memref<128x256xf32, #tpu.memory_space<vmem>>, vector<128x256xf32>,
      %broadcast_in_dim3A_55 = arith.constant 0.000000e+00 : f32
      %broadcast_in_dim3A_56 = vector.broadcast %broadcast_in_dim3A_55 : f32 to vector<128x1xf32>
      %swap3A_57 = arith.constant 0 : index
      %swap3A_58 = arith.constant 0 : index
      %swap3A_59 = vector.load %arg9[%swap3A_57, %swap3A_58] : memref<128x1xf32, #tpu.memory_space<vmem>>, vector<128x1xf32>
      tpu.vector_store %arg9[%swap3A_57, %swap3A_58], %broadcast_in_dim3A_56 {strides = array<i32>} : memref<128x1xf32, #tpu.memory_space<vmem>>, vector<128x1xf32>,
    } else {
    }
    %get3A = arith.constant 0 : index
    %get3A_2 = arith.constant 0 : index
    %get3A_3 = arith.constant 0 : index
    %get3A_4 = vector.load %arg1[%get3A, %get3A_2, %get3A_3] : memref<2x400x128xf32, #tpu.memory_space<vmem>>, vector<1x400x128xf32>
    %get3A_5 = vector.shape_cast %get3A_4 : vector<1x400x128xf32> to vector<400x128xf32>
    %get3A_6 = arith.constant 1 : index
    %get3A_7 = arith.constant 0 : index
    %get3A_8 = arith.constant 0 : index
    %get3A_9 = vector.load %arg1[%get3A_6, %get3A_7, %get3A_8] : memref<2x400x128xf32, #tpu.memory_space<vmem>>, vector<1x400x128xf32>
    %get3A_10 = vector.shape_cast %get3A_9 : vector<1x400x128xf32> to vector<400x128xf32>
    %concatenate3A = tpu.concatenate %get3A_5, %get3A_10 in 1 : vector<400x128xf32>, vector<400x128xf32> -> vector<400x256xf32>
    %get3A_11 = arith.constant 0 : index
    %get3A_12 = arith.constant 0 : index
    %get3A_13 = vector.load %arg3[%get3A_11, %get3A_12] : memref<400x1xf32, #tpu.memory_space<vmem>>, vector<400x1xf32>
    %max3A = arith.constant 1.000000e+00 : f32
    %max3A_14 = vector.broadcast %max3A : f32 to vector<400x1xf32>
    %max3A_15 = arith.maximumf %get3A_13, %max3A_14 : vector<400x1xf32>
    %div3A = vector.broadcast %max3A_15 : vector<400x1xf32> to vector<400x256xf32>
    %div3A_16 = arith.divf %concatenate3A, %div3A : vector<400x256xf32>
    %get3A_17 = arith.constant 0 : index
    %get3A_18 = arith.constant 0 : index
    %get3A_19 = vector.load %arg2[%get3A_17, %get3A_18] : memref<400x256xf32, #tpu.memory_space<vmem>>, vector<400x256xf32>
    %add3A = arith.addf %div3A_16, %get3A_19 : vector<400x256xf32>
    %max3A_20 = arith.constant 0.000000e+00 : f32
    %max3A_21 = vector.broadcast %max3A_20 : f32 to vector<400x256xf32>
    %max3A_22 = arith.maximumf %add3A, %max3A_21 : vector<400x256xf32>
    %get3A_23 = arith.constant 0 : index
    %get3A_24 = arith.constant 0 : index
    %get3A_25 = vector.load %arg4[%get3A_23, %get3A_24] : memref<400x1xi32, #tpu.memory_space<vmem>>, vector<400x1xi32>
    %reshape3A = vector.shape_cast %get3A_25 : vector<400x1xi32> to vector<1x400xi32>
    %iota3A = tpu.iota {dimensions = array<i32: 0>} : vector<128x400xi32>
    %eq3A_26 = vector.broadcast %reshape3A : vector<1x400xi32> to vector<128x400xi32>
    %eq3A_27 = arith.cmpi eq, %eq3A_26, %iota3A : vector<128x400xi32>
    %convert_element_type3A_28 = arith.extui %eq3A_27 : vector<128x400xi1> to vector<128x400xi32>
    %convert_element_type3A_29 = arith.sitofp %convert_element_type3A_28 : vector<128x400xi32> to vector<128x400xf32>
    %get3A_30 = arith.constant 0 : index
    %get3A_31 = arith.constant 0 : index
    %get3A_32 = vector.load %arg8[%get3A_30, %get3A_31] : memref<128x256xf32, #tpu.memory_space<vmem>>, vector<128x256xf32>
    %dot_general3A = arith.constant dense<0.000000e+00> : vector<128x256xf32>
    %dot_general3A_33 = tpu.matmul %convert_element_type3A_29, %max3A_22, %dot_general3A {dimension_numbers = #tpu.dot_dimension_numbers<[1], [0], [0], [1], [0, 0, 1, 1], [], []>, transpose_lhs_hint = false} : vector<128x400xf32>, vector<400x256xf32>, vector<128x256xf32> -> vector<128x256xf32>
    %add3A_34 = arith.addf %get3A_32, %dot_general3A_33 : vector<128x256xf32>
    %swap3A = arith.constant 0 : index
    %swap3A_35 = arith.constant 0 : index
    %swap3A_36 = vector.load %arg8[%swap3A, %swap3A_35] : memref<128x256xf32, #tpu.memory_space<vmem>>, vector<128x256xf32>
    tpu.vector_store %arg8[%swap3A, %swap3A_35], %add3A_34 {strides = array<i32>} : memref<128x256xf32, #tpu.memory_space<vmem>>, vector<128x256xf32>,
    %get3A_37 = arith.constant 0 : index
    %get3A_38 = arith.constant 0 : index
    %get3A_39 = vector.load %arg9[%get3A_37, %get3A_38] : memref<128x1xf32, #tpu.memory_space<vmem>>, vector<128x1xf32>
    %reduce_sum3A = arith.constant dense<0.000000e+00> : vector<128xf32>
    %reduce_sum3A_40 = vector.multi_reduction <add>, %convert_element_type3A_29, %reduce_sum3A [1] : vector<128x400xf32> to vector<128xf32>
    %broadcast_in_dim3A = vector.shape_cast %reduce_sum3A_40 : vector<128xf32> to vector<128x1xf32>
    %add3A_41 = arith.addf %get3A_39, %broadcast_in_dim3A : vector<128x1xf32>
    %swap3A_42 = arith.constant 0 : index
    %swap3A_43 = arith.constant 0 : index
    %swap3A_44 = vector.load %arg9[%swap3A_42, %swap3A_43] : memref<128x1xf32, #tpu.memory_space<vmem>>, vector<128x1xf32>
    tpu.vector_store %arg9[%swap3A_42, %swap3A_43], %add3A_41 {strides = array<i32>} : memref<128x1xf32, #tpu.memory_space<vmem>>, vector<128x1xf32>,
    %eq3A_45 = arith.constant 24 : i32
    %eq3A_46 = arith.cmpi eq, %arg0, %eq3A_45 : i32
    %convert_element_type3A_47 = arith.extui %eq3A_46 : i1 to i32
    %cond3A_48 = arith.constant 0 : i32
    %cond3A_49 = arith.cmpi ne, %convert_element_type3A_47, %cond3A_48 : i32
    scf.if %cond3A_49 {
      %get3A_50 = arith.constant 0 : index
      %get3A_51 = arith.constant 0 : index
      %get3A_52 = vector.load %arg8[%get3A_50, %get3A_51] : memref<128x256xf32, #tpu.memory_space<vmem>>, vector<128x256xf32>
      %get3A_53 = arith.constant 0 : index
      %get3A_54 = arith.constant 0 : index
      %get3A_55 = vector.load %arg9[%get3A_53, %get3A_54] : memref<128x1xf32, #tpu.memory_space<vmem>>, vector<128x1xf32>
      %max3A_56 = arith.constant 1.000000e+00 : f32
      %max3A_57 = vector.broadcast %max3A_56 : f32 to vector<128x1xf32>
      %max3A_58 = arith.maximumf %get3A_55, %max3A_57 : vector<128x1xf32>
      %div3A_59 = vector.broadcast %max3A_58 : vector<128x1xf32> to vector<128x256xf32>
      %div3A_60 = arith.divf %get3A_52, %div3A_59 : vector<128x256xf32>
      %get3A_61 = arith.constant 0 : index
      %get3A_62 = arith.constant 0 : index
      %get3A_63 = vector.load %arg5[%get3A_61, %get3A_62] : memref<10x256xf32, #tpu.memory_space<vmem>>, vector<10x256xf32>
      %dot_general3A_64 = arith.constant dense<0.000000e+00> : vector<128x10xf32>
      %dot_general3A_65 = tpu.matmul %div3A_60, %get3A_63, %dot_general3A_64 {dimension_numbers = #tpu.dot_dimension_numbers<[1], [1], [0], [0], [0, 0, 1, 0], [], []>, transpose_lhs_hint = false} : vector<128x256xf32>, vector<10x256xf32>, vector<128x10xf32> -> vector<128x10xf32>
      %get3A_66 = arith.constant 0 : index
      %get3A_67 = arith.constant 0 : index
      %get3A_68 = vector.load %arg6[%get3A_66, %get3A_67] : memref<1x10xf32, #tpu.memory_space<vmem>>, vector<1x10xf32>
      %add3A_69 = vector.broadcast %get3A_68 : vector<1x10xf32> to vector<128x10xf32>
      %add3A_70 = arith.addf %dot_general3A_65, %add3A_69 : vector<128x10xf32>
      %swap3A_71 = arith.constant 0 : index
      %swap3A_72 = arith.constant 0 : index
      %swap3A_73 = vector.load %arg7[%swap3A_71, %swap3A_72] : memref<128x10xf32, #tpu.memory_space<vmem>>, vector<128x10xf32>
      tpu.vector_store %arg7[%swap3A_71, %swap3A_72], %add3A_70 {strides = array<i32>} : memref<128x10xf32, #tpu.memory_space<vmem>>, vector<128x10xf32>,
    } else {
    }
    return
  }
  func.func @transform_0(%arg0: i32) -> (i32, i32, i32) {
    %c0_i32 = arith.constant 0 : i32
    %c0_i32_0 = arith.constant 0 : i32
    %c0_i32_1 = arith.constant 0 : i32
    return %c0_i32, %arg0, %c0_i32_0 : i32, i32, i32
  }
  func.func @transform_1(%arg0: i32) -> (i32, i32) {
    %c0_i32 = arith.constant 0 : i32
    %c0_i32_0 = arith.constant 0 : i32
    return %arg0, %c0_i32 : i32, i32
  }
  func.func @transform_2(%arg0: i32) -> (i32, i32) {
    %c0_i32 = arith.constant 0 : i32
    %c0_i32_0 = arith.constant 0 : i32
    return %arg0, %c0_i32 : i32, i32
  }
  func.func @transform_3(%arg0: i32) -> (i32, i32) {
    %c0_i32 = arith.constant 0 : i32
    %c0_i32_0 = arith.constant 0 : i32
    return %arg0, %c0_i32 : i32, i32
  }
  func.func @transform_4(%arg0: i32) -> (i32, i32) {
    %c0_i32 = arith.constant 0 : i32
    %c0_i32_0 = arith.constant 0 : i32
    %c0_i32_1 = arith.constant 0 : i32
    return %c0_i32, %c0_i32_0 : i32, i32
  }
  func.func @transform_5(%arg0: i32) -> (i32, i32) {
    %c0_i32 = arith.constant 0 : i32
    %c0_i32_0 = arith.constant 0 : i32
    %c0_i32_1 = arith.constant 0 : i32
    return %c0_i32, %c0_i32_0 : i32, i32
  }
  func.func @transform_6(%arg0: i32) -> (i32, i32) {
    %c0_i32 = arith.constant 0 : i32
    %c0_i32_0 = arith.constant 0 : i32
    %c0_i32_1 = arith.constant 0 : i32
    return %c0_i32, %c0_i32_0 : i32, i32
  }
}

</mosaic_0001>

<sc_bundles>
// kernel: kernel.10.cloned.1.call-start
scs
__scs_entry_jumppad:
0x0: {  	(pc) =	sbr.rel $0x88, $3  }
0x1: {  	(tag) =	ssettag $0x0;
	lr =	simm.s32 $0x1  }
0x2: {  	[smem:$0x3F95] =	sst lr;
	_ =	strace $0xD0000000  }
0x3: {  	_ = 	snop  }
0x4: {  	_ = 	snop  }
0x5: {  	_ = 	snop  }
0x6: {  	_ = 	snop  }
0x7: {  	_ = 	snop  }
__scs_overlays_trampoline_lowered:
0x8: {  	[smem:$0x3FA4] =	sst s0  }
0x9: {  	[smem:$0x3FA5] =	sst s1  }
0xa: {  	[smem:$0x3FA6] =	sst s2  }
0xb: {  	[smem:$0x3FA7] =	sst s3  }
0xc: {  	[smem:$0x3FA8] =	sst s4  }
0xd: {  	[smem:$0x3FA9] =	sst s5  }
0xe: {  	[smem:$0x3FAA] =	sst s6  }
0xf: {  	[smem:$0x3FAB] =	sst s7  }
0x10: {  	[smem:$0x3FAC] =	sst s8  }
0x11: {  	[smem:$0x3FAD] =	sst s9;
	s0 =	simm.s32 @!p0 $0x0  }
0x12: {  	s1 =	sld [smem:$0x3F93];
	s0 =	simm.s32 @p0 $0x1  }
0x13: {  	[smem:$0x3FAE] =	sst s0;
	s0 =	simm.s32 @!p1 $0x0  }
0x14: {  	s2 =	sld [smem:$0x3F92];
	s0 =	simm.s32 @p1 $0x1  }
0x15: {  	[smem:$0x3FAF] =	sst s0;
	s0 =	simm.s32 @!p2 $0x0  }
0x16: {  	s3 =	sld [smem:$0x3FDB];
	s0 =	simm.s32 @p2 $0x1  }
0x17: {  	s4 =	simm.s32 $0x1BF5;
	[smem:$0x3FB1] =	sst s0  }
0x18: {  	s0 =	sld [smem:$0x3F94];
	_ =	swait.ge [sflag:s4], $0x0  }
0x19: {  	s7 =	sld [smem:$0x3F95]  }
0x1a: {  	s8 =	sadd.s32 $0xFFFFE003, lr  }
0x1b: {  	s9 =	sadd.s32 $0xFFFFFEF7, lr;
	s5 =	simm.s32 $0xFFFFFFFF;
	p2 =	slt.u32 s8, $0xFFFFF086  }
0x1c: {  	p1 =	slt.u32 s9, $0xF7A;
	s5 =	simm.s32 @!p2 $0x0  }
0x1d: {  	s5 =	simm.s32 @p1 $0x1;
	p0 =	seq.s32 s7, s2  }
0x1e: {  	s7 =	smul.u32 @!p0 $0xF7A, s2;
	p2 =	seq.s32 @!p0 s5, $0x0  }
0x1f: {  	s9 =	smul.u32 $0xF7A, s1;
	s8 =	simm.s32 @!p0 $0x1BF5;
	p2 =	por !p2, p0  }
0x20: {  	[sflag:s8] =	ssyncset.s32 @!p0 $0xFFFFF086;
	s6 =	sadd.s32 @!p0 s3, s7;
	s7 =	simm.s32 @!p0 $0x108  }
0x21: {  	s3 =	sadd.s32 s3, s9;
	s6 =	sadd.s32 @!p0 $0x88, s6;
	s7 =	simm.s32 @p2 $0x1082  }
0x22: {  	[simem:s7], [sflag:s8] =	dma.local @!p0 [hbm:s6], $0xF7A  }
0x23: {  	s9 =	sor.u32 $0xD0000000, s2;
	s6 =	simm.s32 $0x108;
	_ =	swait.ge @!p0 [sflag:s8], $0x0  }
0x24: {  	s3 =	sadd.s32 $0x88, s3;
	s6 =	simm.s32 @!p1 $0x1082;
	[sflag:s4] =	ssyncset.s32 $0xFFFFF086  }
0x25: {  	[simem:s6], [sflag:s4] =	dma.local [hbm:s3], $0xF7A  }
0x26: {  	[smem:$0x3F95] =	sst s1;
	(tag) =	ssettag s2;
	_ =	strace s9  }
0x27: {  	s1 =	sld [smem:$0x3FA5]  }
0x28: {  	s2 =	sld [smem:$0x3FA6]  }
0x29: {  	s4 =	sld [smem:$0x3FA8]  }
0x2a: {  	p0 =	seq.s32 s5, $0x0;
	s5 =	sld [smem:$0x3FA9]  }
0x2b: {  	s6 =	sld [smem:$0x3FAA]  }
0x2c: {  	s7 =	sld [smem:$0x3FAB]  }
0x2d: {  	s3 =	simm.s32 $0x108;
	s8 =	sld [smem:$0x3FAC]  }
0x2e: {  	s3 =	simm.s32 @!p0 $0x1082;
	s9 =	sld [smem:$0x3FAD]  }
0x2f: {  	lr =	sadd.s32 s0, s3;
	s0 =	sld [smem:$0x3FA4]  }
0x30: {  	s3 =	sld [smem:$0x3FA7]  }
0x31: {  	[smem:$0x3FB0] =	sst s10  }
0x32: {  	s10 =	sld [smem:$0x3FAE];
	_ =	sdelay $0x3  }
0x33: {  	p0 =	seq.s32 s10, $0x1;
	s10 =	sld [smem:$0x3FB0];
	_ =	sdelay $0x3  }
0x34: {  	[smem:$0x3FB0] =	sst s10  }
0x35: {  	s10 =	sld [smem:$0x3FAF];
	_ =	sdelay $0x3  }
0x36: {  	p1 =	seq.s32 s10, $0x1;
	s10 =	sld [smem:$0x3FB0];
	_ =	sdelay $0x3  }
0x37: {  	[smem:$0x3FB0] =	sst s10  }
0x38: {  	s10 =	sld [smem:$0x3FB1]  }
0x39: {  	_ = 	snop;
	(pc) =	sbr.ind lr, $3  }
0x3a: {  	_ = 	snop  }
0x3b: {  	_ = 	snop  }
0x3c: {  	p2 =	seq.s32 s10, $0x1;
	s10 =	sld [smem:$0x3FB0]  }
0x3d: {  	_ =	shalt  }
0x3e: {  	_ =	shalt  }
0x3f: {  	_ =	shalt  }
0x40: {  	_ =	shalt  }
0x41: {  	_ =	shalt  }
0x42: {  	_ =	shalt  }
0x43: {  	_ =	shalt  }
0x44: {  	_ =	shalt  }
0x45: {  	_ =	shalt  }
0x46: {  	_ =	shalt  }
0x47: {  	_ =	shalt  }
0x48: {  	_ =	shalt  }
0x49: {  	_ =	shalt  }
0x4a: {  	_ =	shalt  }
0x4b: {  	_ =	shalt  }
0x4c: {  	_ =	shalt  }
0x4d: {  	_ =	shalt  }
0x4e: {  	_ =	shalt  }
0x4f: {  	_ =	shalt  }
0x50: {  	_ =	shalt  }
0x51: {  	_ =	shalt  }
0x52: {  	_ =	shalt  }
0x53: {  	_ =	shalt  }
0x54: {  	_ =	shalt  }
0x55: {  	_ =	shalt  }
0x56: {  	_ =	shalt  }
0x57: {  	_ =	shalt  }
0x58: {  	_ =	shalt  }
0x59: {  	_ =	shalt  }
0x5a: {  	_ =	shalt  }
0x5b: {  	_ =	shalt  }
0x5c: {  	_ =	shalt  }
0x5d: {  	_ =	shalt  }
0x5e: {  	_ =	shalt  }
0x5f: {  	_ =	shalt  }
0x60: {  	_ =	shalt  }
0x61: {  	_ =	shalt  }
0x62: {  	_ =	shalt  }
0x63: {  	_ =	shalt  }
0x64: {  	_ =	shalt  }
0x65: {  	_ =	shalt  }
0x66: {  	_ =	shalt  }
0x67: {  	_ =	shalt  }
0x68: {  	_ =	shalt  }
0x69: {  	_ =	shalt  }
0x6a: {  	_ =	shalt  }
0x6b: {  	_ =	shalt  }
0x6c: {  	_ =	shalt  }
0x6d: {  	_ =	shalt  }
0x6e: {  	_ =	shalt  }
0x6f: {  	_ =	shalt  }
0x70: {  	_ =	shalt  }
0x71: {  	_ =	shalt  }
0x72: {  	_ =	shalt  }
0x73: {  	_ =	shalt  }
0x74: {  	_ =	shalt  }
0x75: {  	_ =	shalt  }
0x76: {  	_ =	shalt  }
0x77: {  	_ =	shalt  }
0x78: {  	_ =	shalt  }
0x79: {  	_ =	shalt  }
0x7a: {  	_ =	shalt  }
0x7b: {  	_ =	shalt  }
0x7c: {  	_ =	shalt  }
0x7d: {  	_ =	shalt  }
0x7e: {  	_ =	shalt  }
0x7f: {  	_ =	shalt  }
0x80: {  	_ =	shalt  }
0x81: {  	_ =	shalt  }
0x82: {  	_ =	shalt  }
0x83: {  	_ =	shalt  }
0x84: {  	_ =	shalt  }
0x85: {  	_ =	shalt  }
0x86: {  	_ =	shalt  }
0x87: {  	_ =	shalt  }
.Lfunc_end0:
.L_simem_size_0:
called_computation.1_lowered:
.L_overlay_start_0:
0x88: {  	s2 =	sld [smem:$0x3FD9]  }
0x89: {  	s3 =	sld [smem:$0x3FFE];
	_ =	sdelay $0x1  }
0x8a: {  	s1 =	srdreg.scid  }
0x8b: {  	s0 =	sand.u32 $0x1, s1  }
0x8c: {  	s16 =	sshll.u32 s0, $0xA;
	s2 =	sadd.s32 s3, s2  }
0x8d: {  	s2 =	sadd.s32 s2, s16  }
0x8e: {  	[smem:$0x3FBC] =	sst s2  }
0x8f: {  	_ = 	snop  }
0x90: {  	(tm) =	ssettm $0x1  }
0x91: {  	s17 =	sld [smem:$0x3FFB];
	_ =	sdelay $0x3  }
0x92: {  	_ =	strace s17  }
0x93: {  	s2 =	sld [smem:$0x3FFC];
	_ =	sdelay $0x3  }
0x94: {  	_ =	strace s2  }
0x95: {  	s2 =	sld [smem:$0x3FFD];
	_ =	sdelay $0x3  }
0x96: {  	_ =	strace s2  }
0x97: {  	_ =	strace $0x8FFFFFFF  }
0x98: {  	s18 =	sld [smem:$0x3FDB];
	_ =	sdelay $0x1  }
0x99: {  	s19 =	simm.s32 $_scs_section_size  }
0x9a: {  	s4 =	simm.s32 $_size__tile_overlayer_lowered;
	s5 =	simm.s32 $_tile_overlayer_lowered  }
0x9b: {  	s22 =	simm.s32 $0x1BFF;
	s21 =	sshll.u32 s5, $0x1;
	s2 =	sadd.s32 s19, s18  }
0x9c: {  	s6 =	simm.s32 $0x0;
	s20 =	sshll.u32 s4, $0x1;
	s4 =	sadd.s32 s21, s2  }
0x9d: {  	[timem:s6], [sflag:s22] =	dma.local [hbm:s4], s20  }
0x9e: {  	_ =	swait.ge [sflag:s22], s20  }
0x9f: {  	s3 =	ssub.s32 $0x0, s20;
	[sflag:s22] =	ssyncset.done $0x0  }
0xa0: {  	[sflag:s22] =	ssyncadd.s32 s3;
	_ =	sdelay $0x1  }
0xa1: {  	s23 =	simm.s32 $0x1B8B  }
0xa2: {  	_ =	swait.ge [sflag:s23], $0x1  }
0xa3: {  	[sflag:s23] =	ssyncset.done $0x0  }
0xa4: {  	s25 =	simm.s32 $0x1B8E;
	s24 =	sld [smem:$0x3FFE];
	[sflag:s23] =	ssyncadd.s32 $0xFFFFFFFF  }
0xa5: {  	s26 =	simm.s32 $execute0_lowered;
	[smem:$0x3FD2] =	sst s25  }
0xa6: {  	s4 =	sshll.u32 s26, $0x1;
	_ =	strace $0x80000049;
	[dreg:$0x1] =	wrdreg $0xFFFFFFFF  }
0xa7: {  	s28 =	simm.s32 $_size_execute0_lowered;
	s2 =	sadd.s32 s2, s4;
	[dreg:$0x0] =	wrdreg $0x0  }
0xa8: {  	s4 =	sshll.u32 s28, $0x1;
	[dreg:$0x2] =	wrdreg s2  }
0xa9: {  	[dreg:$0x3] =	wrdreg s4  }
0xaa: {  	[dreg:$0x4] =	wrdreg $0xC0  }
0xab: {  	_ =	task [dreg:s6], $0x5FFFF  }
0xac: {  	[dreg:$0x1] =	wrdreg $0xFFFFFFFF  }
0xad: {  	[dreg:$0x0] =	wrdreg $0x60  }
0xae: {  	[dreg:$0x2] =	wrdreg s24  }
0xaf: {  	[dreg:$0x3] =	wrdreg $0x84000  }
0xb0: {  	[dreg:$0x4] =	wrdreg $0x9  }
0xb1: {  	_ =	task.clear_ibuf [dreg:s6], $0x5FFFF;
	_ =	strace $0x90000049  }
0xb2: {  	s29 =	simm.s32 $0x9;
	_ =	strace $0x8000004B  }
0xb3: {  	_ =	swait.ge [sflag:s29], $0x1  }
0xb4: {  	[sflag:s29] =	ssyncadd.s32 $0xFFFFFFFF  }
0xb5: {  	_ =	strace $0x9000004B  }
0xb6: {  	_ =	sfence  }
0xb7: {  	s30 =	sld [smem:$0x0];
	_ =	sdelay $0x2  }
0xb8: {  	s31 =	sshll.u32 s1, $0xD;
	s1 =	sshrl.u32 s1, $0x2  }
0xb9: {  	s3 =	sand.u32 $0x4000, s31;
	s1 =	sadd.s32 s1, s30  }
0xba: {  	s0 =	sor.u32 s3, s0;
	s1 =	sshll.u32 s1, $0x11  }
0xbb: {  	s0 =	sor.u32 s1, s0  }
0xbc: {  	s0 =	sadd.s32 $0x8F2B, s0  }
0xbd: {  	[sflag:s0] =	ssyncadd.remote.s32 $0x1  }
0xbe: {  	_ =	sfence.sel $0xFFFF  }
0xbf: {  	[dreg:$0x0] =	wrdreg $0xFFFFFFFF;
	(pc) =	sbr.abs _section_cstart, $3  }
0xc0: {  	[dreg:$0x1] =	wrdreg $0xFFFFFFFF  }
0xc1: {  	_ =	task.clear_ibuf [dreg:s6], $0x2FFFF;
	_ =	strace $0x9FFFFFFF  }
0xc2: {  	(tm) =	ssettm $0x7FFFFFFF  }
0xc3: {  	_ =	shalt  }
tec
execute0_lowered:
.L_overlay_start_1:
0x0: {  	(tag) =	ssettag $0x1  }
0x1: {  	s2 =	rddreg [dreg:$0x0]  }
0x2: {  	s1 =	rddreg [dreg:$0x1];
	s0 =	srdreg.scid;
	s3 =	simm.s32 $0x0  }
0x3: {  	s16 =	stileid.u32;
	s28 =	simm.s32 $0x5;
	s29 =	simm.s32 $0x200  }
0x4: {  	s30 =	simm.s32 $0x80;
	s31 =	simm.s32 $0x280;
	s8 =	smul.u32 $0x4E200, s16  }
0x5: {  	s7 =	sand.u32 $0x1, s0;
	[smem:$0x7FF] =	sst s3;
	s10 =	smul.u32 $0x9C, s16  }
0x6: {  	s4 =	sadd.s32 $0x9F600, s2;
	s5 =	sadd.s32 $0x8BC00, s2;
	s14 =	smul.u32 $0x9C0, s16  }
0x7: {  	p0 =	sgt.u32 s16, $0x3;
	s0 =	sshll.u32 s7, $0x4;
	_ =	strace $0x8000004A  }
0x8: {  	s9 =	ssub.s32 $0x2, s7;
	s7 =	smul.u32 $0x4E200, s7;
	s0 =	sor.u32 s16, s0  }
0x9: {  	s11 =	sshrl.u32 s9, $0x1;
	s15 =	sshrl.u32 s8, $0x2;
	s8 =	smin.u32 s16, $0x4  }
0xa: {  	s6 =	smul.u32 $0x2780, s0;
	s0 =	sadd.s32 $0xBC00, s2;
	s10 =	sadd.s32 s8, s10  }
0xb: {  	s9 =	ssub.s32 s9, s11;
	s25 =	sshll.u32 s8, $0x7;
	s8 =	sshll.u32 s8, $0x4  }
0xc: {  	s11 =	sshll.u32 s10, $0x7;
	s10 =	sshll.u32 s10, $0x4;
	s26 =	sadd.s32 s14, s0  }
0xd: {  	s2 =	sadd.s32 s6, s2;
	s6 =	sadd.s32 s15, s1;
	s10 =	sadd.s32 s0, s10  }
0xe: {  	s19 =	sadd.s32 s7, s11;
	s8 =	sadd.s32 s8, s26;
	[dreg:$0xc] =	wrdreg s10  }
0xf: {  	s20 =	sadd.s32 $0x80, s11;
	s17 =	sadd.s32 $0x4000, s6;
	[dreg:$0x3] =	wrdreg s8  }
0x10: {  	s23 =	sadd.s32 $0x4D00, s11;
	s12 =	sadd.s32 $0x8000, s6;
	[dreg:$0x7] =	wrdreg s17  }
0x11: {  	s15 =	smul.u32 $0x4E00, s16;
	s18 =	sadd.s32 $0xC000, s6;
	[dreg:$0x8] =	wrdreg s12  }
0x12: {  	s13 =	sadd.s32 $0x10000, s6;
	s21 =	sadd.s32 s7, s20;
	[dreg:$0x9] =	wrdreg s18  }
0x13: {  	s24 =	sadd.s32 s7, s23;
	s2 =	sadd.s32 $0xED800, s2;
	[dreg:$0xa] =	wrdreg s13  }
0x14: {  	s12 =	sshrl.u32 s19, $0x3;
	s22 =	sshrl.u32 s21, $0x3;
	s13 =	sshrl.u32 s20, $0x3  }
0x15: {  	s19 =	sadd.s32 $0x4D80, s11;
	[dreg:$0x15] =	wrdreg s2;
	s12 =	sadd.s32 s5, s12  }
0x16: {  	s11 =	sadd.s32 $0x4E00, s11;
	s10 =	sadd.s32 s5, s22;
	[dreg:$0xb] =	wrdreg s12  }
0x17: {  	s13 =	sadd.s32 s0, s13;
	s21 =	sshrl.u32 s11, $0x3;
	[dreg:$0xd] =	wrdreg s10  }
0x18: {  	s20 =	sadd.s32 s7, s19;
	[dreg:$0xe] =	wrdreg s13;
	s22 =	sadd.s32 s0, s21  }
0x19: {  	s10 =	sshrl.u32 s24, $0x3;
	s24 =	smax.u32 s9, $0x1;
	[dreg:$0x14] =	wrdreg s22  }
0x1a: {  	s12 =	sshrl.u32 s23, $0x3;
	s10 =	sadd.s32 s5, s10;
	[dreg:$0x16] =	wrdreg s24  }
0x1b: {  	s9 =	simm.s32 $0x1;
	s12 =	sadd.s32 s0, s12;
	[dreg:$0xf] =	wrdreg s10  }
0x1c: {  	s10 =	sadd.s32 s25, s15;
	[dreg:$0x10] =	wrdreg s12;
	s12 =	sshrl.u32 s20, $0x3  }
0x1d: {  	s14 =	sadd.s32 $0x280, s10;
	s15 =	sadd.s32 s7, s10;
	s12 =	sadd.s32 s5, s12  }
0x1e: {  	s7 =	sadd.s32 s7, s11;
	s10 =	sadd.s32 $0x180, s10;
	s11 =	simm.s32 $0x3  }
0x1f: {  	s17 =	sshrl.u32 s14, $0x3;
	s18 =	sadd.s32 $0x280, s15;
	[dreg:$0x11] =	wrdreg s12  }
0x20: {  	s7 =	sshrl.u32 s7, $0x3;
	s23 =	sshrl.u32 s10, $0x3;
	s25 =	sadd.s32 $0x180, s15  }
0x21: {  	s26 =	sadd.s32 $0x100, s15;
	s10 =	simm.s32 $0x4400;
	s12 =	simm.s32 $0x4  }
0x22: {  	s14 =	simm.s32 $0x0;
	s8 =	sadd.s32 s17, s0;
	s13 =	sshrl.u32 s18, $0x3  }
0x23: {  	s7 =	sadd.s32 s5, s7;
	s2 =	sshrl.u32 s26, $0x3;
	[dreg:$0x4] =	wrdreg s8  }
0x24: {  	s13 =	sadd.s32 s13, s5;
	s8 =	sshrl.u32 s19, $0x3;
	[dreg:$0x13] =	wrdreg s7  }
0x25: {  	s26 =	simm.s32 $0x400;
	[dreg:$0x5] =	wrdreg s13;
	s8 =	sadd.s32 s0, s8  }
0x26: {  	s7 =	simm.s32 $0x180;
	s0 =	sadd.s32 s23, s0;
	[dreg:$0x12] =	wrdreg s8  }
0x27: {  	s23 =	sadd.s32 $0x200, s15;
	s13 =	simm.s32 $0x2;
	[dreg:$0x6] =	wrdreg s0  }
0x28: {  	s0 =	sshrl.u32 s25, $0x3;
	s25 =	sadd.s32 s2, s5;
	s2 =	simm.s32 $0x300  }
0x29: {  	v0 =	vimm.f32 $0.0e+00;
	s8 =	simm.s32 $0x380;
	s24 =	sadd.s32 s0, s5;
	s0 =	simm.s32 $0x100  }
.LBB2_1:
0x2a: {  	s15 =	simm.s32 $0x0;
	s16 =	simm.s32 $0x200  }
.LBB2_2:
0x2b: {  	p1 =	sne.s32 s16, $0xFE00;
	[tilespmem:s15+$0x470] =	vst v0  }
0x2c: {  	[tilespmem:s15+$0x400] =	vst v0  }
0x2d: {  	[tilespmem:s15+$0x410] =	vst v0  }
.Ltmp0:
0x2e: {  	[tilespmem:s15+$0x420] =	vst v0;
	(pc) =	sbr.rel @p1 .LBB2_2-.Ltmp0, $4  }
0x2f: {  	[tilespmem:s15+$0x430] =	vst v0  }
0x30: {  	[tilespmem:s15+$0x440] =	vst v0  }
0x31: {  	[tilespmem:s15+$0x450] =	vst v0  }
0x32: {  	[tilespmem:s15+$0x460] =	vst v0;
	s15 =	sshra.s32 s16, $0x2;
	s16 =	sadd.s32 $0x200, s16  }
0x33: {  	[tilespmem:s15+$0x470] =	vst v0  }
0x34: {  	[tilespmem:s15+$0x400] =	vst v0  }
0x35: {  	[tilespmem:s15+$0x410] =	vst v0  }
0x36: {  	[tilespmem:s15+$0x420] =	vst v0  }
0x37: {  	[tilespmem:s15+$0x430] =	vst v0  }
0x38: {  	[tilespmem:s15+$0x440] =	vst v0  }
0x39: {  	[tilespmem:s15+$0x450] =	vst v0  }
0x3a: {  	[tilespmem:s15+$0x460] =	vst v0  }
0x3b: {  	[spmem:s6] =	stream.linear.scatter [tilespmem:s26], [sflag:$0x5], $0x4000, $0x38;
	[tilespmem:$0x1BC80] =	vst v63  }
0x3c: {  	_ =	swait.ge [sflag:s28], $0x4000  }
0x3d: {  	[sflag:s28] =	ssyncset.done $0x0  }
0x3e: {  	s17 =	rddreg [dreg:$0x7];
	[sflag:s28] =	ssyncadd.s32 $0xFFFFC000  }
0x3f: {  	[spmem:s17] =	stream.linear.scatter [tilespmem:s26], [sflag:$0x5], $0x4000, $0x38;
	[tilespmem:$0x1BC80] =	vst v63  }
0x40: {  	_ =	swait.ge [sflag:s28], $0x4000  }
0x41: {  	[sflag:s28] =	ssyncset.done $0x0  }
0x42: {  	s18 =	rddreg [dreg:$0x8];
	[sflag:s28] =	ssyncadd.s32 $0xFFFFC000  }
0x43: {  	[spmem:s18] =	stream.linear.scatter [tilespmem:s26], [sflag:$0x5], $0x4000, $0x38;
	[tilespmem:$0x1BC80] =	vst v63  }
0x44: {  	_ =	swait.ge [sflag:s28], $0x4000  }
0x45: {  	[sflag:s28] =	ssyncset.done $0x0  }
0x46: {  	s19 =	rddreg [dreg:$0x9];
	[sflag:s28] =	ssyncadd.s32 $0xFFFFC000  }
0x47: {  	[spmem:s19] =	stream.linear.scatter [tilespmem:s26], [sflag:$0x5], $0x4000, $0x38;
	[tilespmem:$0x1BC80] =	vst v63  }
0x48: {  	_ =	swait.ge [sflag:s28], $0x4000  }
0x49: {  	[sflag:s28] =	ssyncset.done $0x0  }
0x4a: {  	s20 =	rddreg [dreg:$0xa];
	[sflag:s28] =	ssyncadd.s32 $0xFFFFC000  }
0x4b: {  	[spmem:s20] =	stream.linear.scatter [tilespmem:s26], [sflag:$0x5], $0x3880, $0x38;
	[tilespmem:$0x1BC80] =	vst v63  }
0x4c: {  	_ =	swait.ge [sflag:s28], $0x3880  }
0x4d: {  	[sflag:s28] =	ssyncset.done $0x0  }
0x4e: {  	[sflag:s28] =	ssyncadd.s32 $0xFFFFC780  }
0x4f: {  	[bflag:$0x0] =	sbarrier.arrive $0xFFFF  }
0x50: {  	s16 =	rddreg [dreg:$0xb]  }
0x51: {  	s21 =	simm.s32 $0x0;
	s22 =	rddreg [dreg:$0xc]  }
0x52: {  	[tilespmem:s21], [sflag:$0x1] =	stream.linear.gather [hbm4b:s16+s21], $0x80, $0x38;
	[tilespmem:$0x1BC80] =	vst v63  }
0x53: {  	s17 =	rddreg [dreg:$0xd]  }
0x54: {  	[tilespmem:s29], [sflag:$0x1] =	stream.linear.gather [hbm4b:s22+s21], $0x80, $0x38;
	[tilespmem:$0x1BC80] =	vst v63  }
0x55: {  	s18 =	rddreg [dreg:$0xe]  }
0x56: {  	[tilespmem:s30], [sflag:$0x1] =	stream.linear.gather [hbm4b:s17+s21], $0x80, $0x38;
	[tilespmem:$0x1BC80] =	vst v63  }
0x57: {  	s19 =	rddreg [dreg:$0x3]  }
0x58: {  	[tilespmem:s31], [sflag:$0x1] =	stream.linear.gather [hbm4b:s18+s21], $0x80, $0x38;
	[tilespmem:$0x1BC80] =	vst v63  }
0x59: {  	s20 =	sadd.s32 $0x0, s25;
	s15 =	sadd.s32 $0x0, s19  }
0x5a: {  	[tilespmem:s0], [sflag:$0x2] =	stream.linear.gather [hbm4b:s20+s3], $0x80, $0x38;
	[tilespmem:$0x1BC80] =	vst v63  }
0x5b: {  	s21 =	sadd.s32 $0x20, s15  }
0x5c: {  	[tilespmem:s2], [sflag:$0x2] =	stream.linear.gather [hbm4b:s21+s3], $0x80, $0x38;
	[tilespmem:$0x1BC80] =	vst v63  }
0x5d: {  	s22 =	sadd.s32 $0x0, s24;
	s17 =	rddreg [dreg:$0x6]  }
0x5e: {  	[tilespmem:s7], [sflag:$0x2] =	stream.linear.gather [hbm4b:s22+s3], $0x80, $0x38;
	[tilespmem:$0x1BC80] =	vst v63  }
0x5f: {  	s17 =	sadd.s32 $0x0, s17  }
0x60: {  	[tilespmem:s8], [sflag:$0x2] =	stream.linear.gather [hbm4b:s17+s3], $0x80, $0x38;
	[tilespmem:$0x1BC80] =	vst v63  }
0x61: {  	_ =	swait.ge [sflag:s9], $0x80  }
0x62: {  	[sflag:s9] =	ssyncset.done $0x0  }
0x63: {  	[sflag:s9] =	ssyncadd.s32 $0xFFFFFF80  }
0x64: {  	_ =	swait.ge [sflag:s9], $0x80  }
0x65: {  	[sflag:s9] =	ssyncset.done $0x0  }
0x66: {  	[sflag:s9] =	ssyncadd.s32 $0xFFFFFF80  }
0x67: {  	_ =	swait.ge [sflag:s9], $0x80  }
0x68: {  	[sflag:s9] =	ssyncset.done $0x0  }
0x69: {  	[sflag:s9] =	ssyncadd.s32 $0xFFFFFF80  }
0x6a: {  	_ =	swait.ge [sflag:s9], $0x80  }
0x6b: {  	[sflag:s9] =	ssyncset.done $0x0  }
0x6c: {  	[sflag:s9] =	ssyncadd.s32 $0xFFFFFF80  }
0x6d: {  	[tilespmem:s26], [sflag:$0x3] =	stream.indirect.gather [hbm4b:s4+s30], $0x80, s3, s30, $0xb8;
	[tilespmem:$0x1BC80] =	vst v63  }
0x6e: {  	_ = 	snop  }
0x6f: {  	[tilespmem:s10], [sflag:$0x3] =	stream.indirect.gather [hbm4b:s4+s30], $0x80, s30, s30, $0xb8;
	[tilespmem:$0x1BC80] =	vst v63  }
0x70: {  	_ =	swait.ge [sflag:s11], $0x4000  }
0x71: {  	[sflag:s11] =	ssyncset.done $0x0  }
0x72: {  	[sflag:s11] =	ssyncadd.s32 $0xFFFFC000  }
0x73: {  	_ =	swait.ge [sflag:s11], $0x4000  }
0x74: {  	[sflag:s11] =	ssyncset.done $0x0  }
0x75: {  	[sflag:s11] =	ssyncadd.s32 $0xFFFFC000  }
0x76: {  	[spmem:s1] =	stream.indirect.scatter.add.f32 [tilespmem:s26], [sflag:$0x4], $0x80, s29, s30, $0xb8;
	[tilespmem:$0x1BC80] =	vst v63  }
0x77: {  	_ = 	snop  }
0x78: {  	[spmem:s1] =	stream.indirect.scatter.add.f32 [tilespmem:s10], [sflag:$0x4], $0x80, s31, s30, $0xb8;
	[tilespmem:$0x1BC80] =	vst v63  }
0x79: {  	_ =	swait.ge [sflag:s12], $0x4000  }
0x7a: {  	[sflag:s12] =	ssyncset.done $0x0  }
0x7b: {  	[sflag:s12] =	ssyncadd.s32 $0xFFFFC000  }
0x7c: {  	_ =	swait.ge [sflag:s12], $0x4000  }
0x7d: {  	s18 =	sshrl.u32 s23, $0x3;
	[sflag:s12] =	ssyncset.done $0x0  }
0x7e: {  	s16 =	sadd.s32 s5, s18;
	[sflag:s12] =	ssyncadd.s32 $0xFFFFC000  }
0x7f: {  	[tilespmem:s3], [sflag:$0x1] =	stream.linear.gather [hbm4b:s16+s3], $0x80, $0x38;
	[tilespmem:$0x1BC80] =	vst v63  }
0x80: {  	s15 =	sadd.s32 $0x40, s15;
	s19 =	rddreg [dreg:$0x5]  }
0x81: {  	[tilespmem:s29], [sflag:$0x1] =	stream.linear.gather [hbm4b:s15+s3], $0x80, $0x38;
	[tilespmem:$0x1BC80] =	vst v63  }
0x82: {  	s20 =	rddreg [dreg:$0x4];
	s21 =	sadd.s32 $0x0, s19  }
0x83: {  	[tilespmem:s30], [sflag:$0x1] =	stream.linear.gather [hbm4b:s21+s3], $0x80, $0x38;
	[tilespmem:$0x1BC80] =	vst v63  }
0x84: {  	s22 =	sadd.s32 $0x0, s20  }
0x85: {  	[tilespmem:s31], [sflag:$0x1] =	stream.linear.gather [hbm4b:s22+s3], $0x80, $0x38;
	[tilespmem:$0x1BC80] =	vst v63  }
0x86: {  	_ =	swait.ge [sflag:s13], $0x80  }
0x87: {  	[sflag:s13] =	ssyncset.done $0x0  }
0x88: {  	[sflag:s13] =	ssyncadd.s32 $0xFFFFFF80  }
0x89: {  	_ =	swait.ge [sflag:s13], $0x80  }
0x8a: {  	[sflag:s13] =	ssyncset.done $0x0  }
0x8b: {  	[sflag:s13] =	ssyncadd.s32 $0xFFFFFF80  }
0x8c: {  	_ =	swait.ge [sflag:s13], $0x80  }
0x8d: {  	[sflag:s13] =	ssyncset.done $0x0  }
0x8e: {  	[sflag:s13] =	ssyncadd.s32 $0xFFFFFF80  }
0x8f: {  	_ =	swait.ge [sflag:s13], $0x80  }
0x90: {  	[sflag:s13] =	ssyncset.done $0x0  }
0x91: {  	[sflag:s13] =	ssyncadd.s32 $0xFFFFFF80  }
0x92: {  	[tilespmem:s26], [sflag:$0x3] =	stream.indirect.gather [hbm4b:s4+s30], $0x80, s0, s30, $0xb8;
	[tilespmem:$0x1BC80] =	vst v63  }
0x93: {  	_ = 	snop  }
0x94: {  	[tilespmem:s10], [sflag:$0x3] =	stream.indirect.gather [hbm4b:s4+s30], $0x80, s7, s30, $0xb8;
	[tilespmem:$0x1BC80] =	vst v63  }
0x95: {  	_ =	swait.ge [sflag:s11], $0x4000  }
0x96: {  	[sflag:s11] =	ssyncset.done $0x0  }
0x97: {  	[sflag:s11] =	ssyncadd.s32 $0xFFFFC000  }
0x98: {  	_ =	swait.ge [sflag:s11], $0x4000  }
0x99: {  	[sflag:s11] =	ssyncset.done $0x0  }
0x9a: {  	[sflag:s11] =	ssyncadd.s32 $0xFFFFC000  }
0x9b: {  	[spmem:s1] =	stream.indirect.scatter.add.f32 [tilespmem:s26], [sflag:$0x4], $0x80, s2, s30, $0xb8;
	[tilespmem:$0x1BC80] =	vst v63  }
0x9c: {  	_ = 	snop  }
0x9d: {  	[spmem:s1] =	stream.indirect.scatter.add.f32 [tilespmem:s10], [sflag:$0x4], $0x80, s8, s30, $0xb8;
	[tilespmem:$0x1BC80] =	vst v63  }
0x9e: {  	_ =	swait.ge [sflag:s12], $0x4000  }
0x9f: {  	[sflag:s12] =	ssyncset.done $0x0  }
0xa0: {  	s18 =	simm.s32 $0x80;
	[sflag:s12] =	ssyncadd.s32 $0xFFFFC000  }
0xa1: {  	s17 =	sadd.s32 $0x40, s25;
	s16 =	sadd.s32 $0x200, s23;
	_ =	swait.ge [sflag:s12], $0x4000  }
0xa2: {  	s15 =	simm.s32 $0x40;
	s20 =	rddreg [dreg:$0x3];
	[sflag:s12] =	ssyncset.done $0x0  }
.LBB2_4:
0xa3: {  	s22 =	sadd.s32 s18, s25  }
0xa4: {  	[sflag:s12] =	ssyncadd.s32 $0xFFFFC000;
	s19 =	smov.u32 s18;
	s20 =	sadd.s32 s15, s20  }
0xa5: {  	[tilespmem:s0], [sflag:$0x2] =	stream.linear.gather [hbm4b:s17+s3], $0x80, $0x38;
	[tilespmem:$0x1BC80] =	vst v63  }
0xa6: {  	s21 =	sadd.s32 $0x40, s18;
	p1 =	sne.s32 s18, $0x940;
	s18 =	sadd.s32 $0x20, s20  }
0xa7: {  	[tilespmem:s2], [sflag:$0x2] =	stream.linear.gather [hbm4b:s18+s3], $0x80, $0x38;
	[tilespmem:$0x1BC80] =	vst v63  }
0xa8: {  	s17 =	smov.u32 s22;
	s22 =	rddreg [dreg:$0x6];
	s18 =	sadd.s32 s15, s24  }
0xa9: {  	[tilespmem:s7], [sflag:$0x2] =	stream.linear.gather [hbm4b:s18+s3], $0x80, $0x38;
	[tilespmem:$0x1BC80] =	vst v63  }
0xaa: {  	s22 =	sadd.s32 s15, s22  }
0xab: {  	[tilespmem:s8], [sflag:$0x2] =	stream.linear.gather [hbm4b:s22+s3], $0x80, $0x38;
	[tilespmem:$0x1BC80] =	vst v63  }
0xac: {  	_ =	swait.ge [sflag:s9], $0x80  }
0xad: {  	[sflag:s9] =	ssyncset.done $0x0  }
0xae: {  	[sflag:s9] =	ssyncadd.s32 $0xFFFFFF80  }
0xaf: {  	_ =	swait.ge [sflag:s9], $0x80  }
0xb0: {  	[sflag:s9] =	ssyncset.done $0x0  }
0xb1: {  	[sflag:s9] =	ssyncadd.s32 $0xFFFFFF80  }
0xb2: {  	_ =	swait.ge [sflag:s9], $0x80  }
0xb3: {  	[sflag:s9] =	ssyncset.done $0x0  }
0xb4: {  	[sflag:s9] =	ssyncadd.s32 $0xFFFFFF80  }
0xb5: {  	_ =	swait.ge [sflag:s9], $0x80  }
0xb6: {  	[sflag:s9] =	ssyncset.done $0x0  }
0xb7: {  	[sflag:s9] =	ssyncadd.s32 $0xFFFFFF80  }
0xb8: {  	[tilespmem:s26], [sflag:$0x3] =	stream.indirect.gather [hbm4b:s4+s30], $0x80, s3, s30, $0xb8;
	[tilespmem:$0x1BC80] =	vst v63  }
0xb9: {  	_ = 	snop  }
0xba: {  	[tilespmem:s10], [sflag:$0x3] =	stream.indirect.gather [hbm4b:s4+s30], $0x80, s30, s30, $0xb8;
	[tilespmem:$0x1BC80] =	vst v63  }
0xbb: {  	_ =	swait.ge [sflag:s11], $0x4000  }
0xbc: {  	[sflag:s11] =	ssyncset.done $0x0  }
0xbd: {  	[sflag:s11] =	ssyncadd.s32 $0xFFFFC000  }
0xbe: {  	_ =	swait.ge [sflag:s11], $0x4000  }
0xbf: {  	[sflag:s11] =	ssyncset.done $0x0  }
0xc0: {  	[sflag:s11] =	ssyncadd.s32 $0xFFFFC000  }
0xc1: {  	[spmem:s1] =	stream.indirect.scatter.add.f32 [tilespmem:s26], [sflag:$0x4], $0x80, s29, s30, $0xb8;
	[tilespmem:$0x1BC80] =	vst v63  }
0xc2: {  	_ = 	snop  }
0xc3: {  	[spmem:s1] =	stream.indirect.scatter.add.f32 [tilespmem:s10], [sflag:$0x4], $0x80, s31, s30, $0xb8;
	[tilespmem:$0x1BC80] =	vst v63  }
0xc4: {  	_ =	swait.ge [sflag:s12], $0x4000  }
0xc5: {  	[sflag:s12] =	ssyncset.done $0x0  }
0xc6: {  	[sflag:s12] =	ssyncadd.s32 $0xFFFFC000  }
0xc7: {  	_ =	swait.ge [sflag:s12], $0x4000  }
0xc8: {  	s22 =	sshrl.u32 s16, $0x3;
	[sflag:s12] =	ssyncset.done $0x0  }
0xc9: {  	s18 =	sadd.s32 s5, s22;
	[sflag:s12] =	ssyncadd.s32 $0xFFFFC000  }
0xca: {  	[tilespmem:s3], [sflag:$0x1] =	stream.linear.gather [hbm4b:s18+s3], $0x80, $0x38;
	[tilespmem:$0x1BC80] =	vst v63  }
0xcb: {  	s22 =	rddreg [dreg:$0x5];
	s18 =	sadd.s32 $0x40, s20  }
0xcc: {  	[tilespmem:s29], [sflag:$0x1] =	stream.linear.gather [hbm4b:s18+s3], $0x80, $0x38;
	[tilespmem:$0x1BC80] =	vst v63  }
0xcd: {  	s22 =	sadd.s32 s15, s22;
	s20 =	rddreg [dreg:$0x4]  }
0xce: {  	[tilespmem:s30], [sflag:$0x1] =	stream.linear.gather [hbm4b:s22+s3], $0x80, $0x38;
	[tilespmem:$0x1BC80] =	vst v63  }
0xcf: {  	s22 =	sadd.s32 s15, s20  }
0xd0: {  	[tilespmem:s31], [sflag:$0x1] =	stream.linear.gather [hbm4b:s22+s3], $0x80, $0x38;
	[tilespmem:$0x1BC80] =	vst v63  }
0xd1: {  	_ =	swait.ge [sflag:s13], $0x80  }
0xd2: {  	[sflag:s13] =	ssyncset.done $0x0  }
0xd3: {  	[sflag:s13] =	ssyncadd.s32 $0xFFFFFF80  }
0xd4: {  	_ =	swait.ge [sflag:s13], $0x80  }
0xd5: {  	[sflag:s13] =	ssyncset.done $0x0  }
0xd6: {  	[sflag:s13] =	ssyncadd.s32 $0xFFFFFF80  }
0xd7: {  	_ =	swait.ge [sflag:s13], $0x80  }
0xd8: {  	[sflag:s13] =	ssyncset.done $0x0  }
0xd9: {  	[sflag:s13] =	ssyncadd.s32 $0xFFFFFF80  }
0xda: {  	_ =	swait.ge [sflag:s13], $0x80  }
0xdb: {  	[sflag:s13] =	ssyncset.done $0x0  }
0xdc: {  	[sflag:s13] =	ssyncadd.s32 $0xFFFFFF80  }
0xdd: {  	[tilespmem:s26], [sflag:$0x3] =	stream.indirect.gather [hbm4b:s4+s30], $0x80, s0, s30, $0xb8;
	[tilespmem:$0x1BC80] =	vst v63  }
0xde: {  	_ = 	snop  }
0xdf: {  	[tilespmem:s10], [sflag:$0x3] =	stream.indirect.gather [hbm4b:s4+s30], $0x80, s7, s30, $0xb8;
	[tilespmem:$0x1BC80] =	vst v63  }
0xe0: {  	_ =	swait.ge [sflag:s11], $0x4000  }
0xe1: {  	[sflag:s11] =	ssyncset.done $0x0  }
0xe2: {  	[sflag:s11] =	ssyncadd.s32 $0xFFFFC000  }
0xe3: {  	_ =	swait.ge [sflag:s11], $0x4000  }
0xe4: {  	[sflag:s11] =	ssyncset.done $0x0  }
0xe5: {  	[sflag:s11] =	ssyncadd.s32 $0xFFFFC000  }
0xe6: {  	[spmem:s1] =	stream.indirect.scatter.add.f32 [tilespmem:s26], [sflag:$0x4], $0x80, s2, s30, $0xb8;
	[tilespmem:$0x1BC80] =	vst v63  }
0xe7: {  	_ = 	snop  }
0xe8: {  	[spmem:s1] =	stream.indirect.scatter.add.f32 [tilespmem:s10], [sflag:$0x4], $0x80, s8, s30, $0xb8;
	[tilespmem:$0x1BC80] =	vst v63  }
.Ltmp1:
0xe9: {  	_ =	swait.ge [sflag:s12], $0x4000;
	(pc) =	sbr.rel @p1 .LBB2_4-.Ltmp1, $4  }
0xea: {  	[sflag:s12] =	ssyncset.done $0x0  }
0xeb: {  	[sflag:s12] =	ssyncadd.s32 $0xFFFFC000  }
0xec: {  	s16 =	sadd.s32 $0x200, s16;
	s18 =	smov.u32 s21;
	_ =	swait.ge [sflag:s12], $0x4000  }
0xed: {  	s15 =	smov.u32 s19;
	s20 =	rddreg [dreg:$0x3];
	[sflag:s12] =	ssyncset.done $0x0  }
0xee: {  	[sflag:s12] =	ssyncadd.s32 $0xFFFFC000  }
0xef: {  	[tilespmem:s0], [sflag:$0x2] =	stream.linear.gather [hbm4b:s17+s3], $0x80, $0x38;
	[tilespmem:$0x1BC80] =	vst v63  }
0xf0: {  	s17 =	sadd.s32 s15, s20  }
0xf1: {  	s18 =	sadd.s32 $0x20, s17  }
0xf2: {  	[tilespmem:s2], [sflag:$0x2] =	stream.linear.gather [hbm4b:s18+s3], $0x80, $0x38;
	[tilespmem:$0x1BC80] =	vst v63  }
0xf3: {  	s19 =	rddreg [dreg:$0x6];
	s20 =	sadd.s32 s15, s24  }
0xf4: {  	[tilespmem:s7], [sflag:$0x2] =	stream.linear.gather [hbm4b:s20+s3], $0x80, $0x38;
	[tilespmem:$0x1BC80] =	vst v63  }
0xf5: {  	s21 =	sadd.s32 s15, s19  }
0xf6: {  	[tilespmem:s8], [sflag:$0x2] =	stream.linear.gather [hbm4b:s21+s3], $0x80, $0x38;
	[tilespmem:$0x1BC80] =	vst v63  }
0xf7: {  	_ =	swait.ge [sflag:s9], $0x80  }
0xf8: {  	[sflag:s9] =	ssyncset.done $0x0  }
0xf9: {  	[sflag:s9] =	ssyncadd.s32 $0xFFFFFF80  }
0xfa: {  	_ =	swait.ge [sflag:s9], $0x80  }
0xfb: {  	[sflag:s9] =	ssyncset.done $0x0  }
0xfc: {  	[sflag:s9] =	ssyncadd.s32 $0xFFFFFF80  }
0xfd: {  	_ =	swait.ge [sflag:s9], $0x80  }
0xfe: {  	[sflag:s9] =	ssyncset.done $0x0  }
0xff: {  	[sflag:s9] =	ssyncadd.s32 $0xFFFFFF80  }
0x100: {  	_ =	swait.ge [sflag:s9], $0x80  }
0x101: {  	[sflag:s9] =	ssyncset.done $0x0  }
0x102: {  	[sflag:s9] =	ssyncadd.s32 $0xFFFFFF80  }
0x103: {  	[tilespmem:s26], [sflag:$0x3] =	stream.indirect.gather [hbm4b:s4+s30], $0x80, s3, s30, $0xb8;
	[tilespmem:$0x1BC80] =	vst v63  }
0x104: {  	_ = 	snop  }
0x105: {  	[tilespmem:s10], [sflag:$0x3] =	stream.indirect.gather [hbm4b:s4+s30], $0x80, s30, s30, $0xb8;
	[tilespmem:$0x1BC80] =	vst v63  }
0x106: {  	_ =	swait.ge [sflag:s11], $0x4000  }
0x107: {  	[sflag:s11] =	ssyncset.done $0x0  }
0x108: {  	[sflag:s11] =	ssyncadd.s32 $0xFFFFC000  }
0x109: {  	_ =	swait.ge [sflag:s11], $0x4000  }
0x10a: {  	[sflag:s11] =	ssyncset.done $0x0  }
0x10b: {  	[sflag:s11] =	ssyncadd.s32 $0xFFFFC000  }
0x10c: {  	[spmem:s1] =	stream.indirect.scatter.add.f32 [tilespmem:s26], [sflag:$0x4], $0x80, s29, s30, $0xb8;
	[tilespmem:$0x1BC80] =	vst v63  }
0x10d: {  	_ = 	snop  }
0x10e: {  	[spmem:s1] =	stream.indirect.scatter.add.f32 [tilespmem:s10], [sflag:$0x4], $0x80, s31, s30, $0xb8;
	[tilespmem:$0x1BC80] =	vst v63  }
0x10f: {  	_ =	swait.ge [sflag:s12], $0x4000  }
0x110: {  	[sflag:s12] =	ssyncset.done $0x0  }
0x111: {  	[sflag:s12] =	ssyncadd.s32 $0xFFFFC000  }
0x112: {  	_ =	swait.ge [sflag:s12], $0x4000  }
0x113: {  	s16 =	sshrl.u32 s16, $0x3;
	[sflag:s12] =	ssyncset.done $0x0  }
0x114: {  	s16 =	sadd.s32 s5, s16;
	[sflag:s12] =	ssyncadd.s32 $0xFFFFC000  }
0x115: {  	[tilespmem:s3], [sflag:$0x1] =	stream.linear.gather [hbm4b:s16+s3], $0x80, $0x38;
	[tilespmem:$0x1BC80] =	vst v63  }
0x116: {  	s17 =	sadd.s32 $0x40, s17;
	s22 =	rddreg [dreg:$0x5]  }
0x117: {  	[tilespmem:s29], [sflag:$0x1] =	stream.linear.gather [hbm4b:s17+s3], $0x80, $0x38;
	[tilespmem:$0x1BC80] =	vst v63  }
0x118: {  	s19 =	rddreg [dreg:$0x4];
	s20 =	sadd.s32 s15, s22  }
0x119: {  	[tilespmem:s30], [sflag:$0x1] =	stream.linear.gather [hbm4b:s20+s3], $0x80, $0x38;
	[tilespmem:$0x1BC80] =	vst v63  }
0x11a: {  	s21 =	sadd.s32 s15, s19  }
0x11b: {  	[tilespmem:s31], [sflag:$0x1] =	stream.linear.gather [hbm4b:s21+s3], $0x80, $0x38;
	[tilespmem:$0x1BC80] =	vst v63  }
0x11c: {  	_ =	swait.ge [sflag:s13], $0x80  }
0x11d: {  	[sflag:s13] =	ssyncset.done $0x0  }
0x11e: {  	[sflag:s13] =	ssyncadd.s32 $0xFFFFFF80  }
0x11f: {  	_ =	swait.ge [sflag:s13], $0x80  }
0x120: {  	[sflag:s13] =	ssyncset.done $0x0  }
0x121: {  	[sflag:s13] =	ssyncadd.s32 $0xFFFFFF80  }
0x122: {  	_ =	swait.ge [sflag:s13], $0x80  }
0x123: {  	[sflag:s13] =	ssyncset.done $0x0  }
0x124: {  	[sflag:s13] =	ssyncadd.s32 $0xFFFFFF80  }
0x125: {  	_ =	swait.ge [sflag:s13], $0x80  }
0x126: {  	[sflag:s13] =	ssyncset.done $0x0  }
0x127: {  	[sflag:s13] =	ssyncadd.s32 $0xFFFFFF80  }
0x128: {  	[tilespmem:s26], [sflag:$0x3] =	stream.indirect.gather [hbm4b:s4+s30], $0x80, s0, s30, $0xb8;
	[tilespmem:$0x1BC80] =	vst v63  }
0x129: {  	_ = 	snop  }
0x12a: {  	[tilespmem:s10], [sflag:$0x3] =	stream.indirect.gather [hbm4b:s4+s30], $0x80, s7, s30, $0xb8;
	[tilespmem:$0x1BC80] =	vst v63  }
0x12b: {  	_ =	swait.ge [sflag:s11], $0x4000  }
0x12c: {  	[sflag:s11] =	ssyncset.done $0x0  }
0x12d: {  	[sflag:s11] =	ssyncadd.s32 $0xFFFFC000  }
0x12e: {  	_ =	swait.ge [sflag:s11], $0x4000  }
0x12f: {  	[sflag:s11] =	ssyncset.done $0x0  }
0x130: {  	[sflag:s11] =	ssyncadd.s32 $0xFFFFC000  }
0x131: {  	[spmem:s1] =	stream.indirect.scatter.add.f32 [tilespmem:s26], [sflag:$0x4], $0x80, s2, s30, $0xb8;
	[tilespmem:$0x1BC80] =	vst v63  }
0x132: {  	_ = 	snop  }
0x133: {  	[spmem:s1] =	stream.indirect.scatter.add.f32 [tilespmem:s10], [sflag:$0x4], $0x80, s8, s30, $0xb8;
	[tilespmem:$0x1BC80] =	vst v63  }
0x134: {  	_ =	swait.ge [sflag:s12], $0x4000  }
0x135: {  	[sflag:s12] =	ssyncset.done $0x0  }
0x136: {  	[sflag:s12] =	ssyncadd.s32 $0xFFFFC000  }
0x137: {  	_ =	swait.ge [sflag:s12], $0x4000  }
0x138: {  	[sflag:s12] =	ssyncset.done $0x0  }
0x139: {  	s22 =	rddreg [dreg:$0xf];
	[sflag:s12] =	ssyncadd.s32 $0xFFFFC000  }
0x13a: {  	[tilespmem:s0], [sflag:$0x2] =	stream.linear.gather [hbm4b:s22+s3], $0x80, $0x38;
	[tilespmem:$0x1BC80] =	vst v63  }
0x13b: {  	s16 =	rddreg [dreg:$0x10]  }
0x13c: {  	[tilespmem:s2], [sflag:$0x2] =	stream.linear.gather [hbm4b:s16+s3], $0x80, $0x38;
	[tilespmem:$0x1BC80] =	vst v63  }
0x13d: {  	s17 =	rddreg [dreg:$0x11]  }
0x13e: {  	[tilespmem:s7], [sflag:$0x2] =	stream.linear.gather [hbm4b:s17+s3], $0x80, $0x38;
	[tilespmem:$0x1BC80] =	vst v63  }
0x13f: {  	s18 =	rddreg [dreg:$0x12]  }
0x140: {  	[tilespmem:s8], [sflag:$0x2] =	stream.linear.gather [hbm4b:s18+s3], $0x80, $0x38;
	[tilespmem:$0x1BC80] =	vst v63  }
0x141: {  	_ =	swait.ge [sflag:s9], $0x80  }
0x142: {  	[sflag:s9] =	ssyncset.done $0x0  }
0x143: {  	[sflag:s9] =	ssyncadd.s32 $0xFFFFFF80  }
0x144: {  	_ =	swait.ge [sflag:s9], $0x80  }
0x145: {  	[sflag:s9] =	ssyncset.done $0x0  }
0x146: {  	[sflag:s9] =	ssyncadd.s32 $0xFFFFFF80  }
0x147: {  	_ =	swait.ge [sflag:s9], $0x80  }
0x148: {  	[sflag:s9] =	ssyncset.done $0x0  }
0x149: {  	[sflag:s9] =	ssyncadd.s32 $0xFFFFFF80  }
0x14a: {  	_ =	swait.ge [sflag:s9], $0x80  }
0x14b: {  	[sflag:s9] =	ssyncset.done $0x0  }
0x14c: {  	[sflag:s9] =	ssyncadd.s32 $0xFFFFFF80  }
0x14d: {  	[tilespmem:s26], [sflag:$0x3] =	stream.indirect.gather [hbm4b:s4+s30], $0x80, s3, s30, $0xb8;
	[tilespmem:$0x1BC80] =	vst v63  }
0x14e: {  	_ = 	snop  }
0x14f: {  	[tilespmem:s10], [sflag:$0x3] =	stream.indirect.gather [hbm4b:s4+s30], $0x80, s30, s30, $0xb8;
	[tilespmem:$0x1BC80] =	vst v63  }
0x150: {  	_ =	swait.ge [sflag:s11], $0x4000  }
0x151: {  	[sflag:s11] =	ssyncset.done $0x0  }
0x152: {  	[sflag:s11] =	ssyncadd.s32 $0xFFFFC000  }
0x153: {  	_ =	swait.ge [sflag:s11], $0x4000  }
0x154: {  	[sflag:s11] =	ssyncset.done $0x0  }
0x155: {  	[sflag:s11] =	ssyncadd.s32 $0xFFFFC000  }
0x156: {  	[spmem:s1] =	stream.indirect.scatter.add.f32 [tilespmem:s26], [sflag:$0x4], $0x80, s29, s30, $0xb8;
	[tilespmem:$0x1BC80] =	vst v63  }
0x157: {  	_ = 	snop  }
0x158: {  	[spmem:s1] =	stream.indirect.scatter.add.f32 [tilespmem:s10], [sflag:$0x4], $0x80, s31, s30, $0xb8;
	[tilespmem:$0x1BC80] =	vst v63  }
0x159: {  	_ =	swait.ge [sflag:s12], $0x4000  }
0x15a: {  	[sflag:s12] =	ssyncset.done $0x0  }
0x15b: {  	[sflag:s12] =	ssyncadd.s32 $0xFFFFC000  }
0x15c: {  	_ =	swait.ge [sflag:s12], $0x4000  }
0x15d: {  	[sflag:s12] =	ssyncset.done $0x0  }
0x15e: {  	[sflag:s12] =	ssyncadd.s32 $0xFFFFC000  }
0x15f: {  	_ =	swait.ge [sflag:s13], $0x80  }
0x160: {  	[sflag:s13] =	ssyncset.done $0x0  }
0x161: {  	[sflag:s13] =	ssyncadd.s32 $0xFFFFFF80  }
0x162: {  	_ =	swait.ge [sflag:s13], $0x80  }
0x163: {  	[sflag:s13] =	ssyncset.done $0x0  }
0x164: {  	[sflag:s13] =	ssyncadd.s32 $0xFFFFFF80  }
0x165: {  	_ =	swait.ge [sflag:s13], $0x80  }
0x166: {  	[sflag:s13] =	ssyncset.done $0x0  }
0x167: {  	[sflag:s13] =	ssyncadd.s32 $0xFFFFFF80  }
0x168: {  	_ =	swait.ge [sflag:s13], $0x80  }
0x169: {  	[sflag:s13] =	ssyncset.done $0x0  }
0x16a: {  	[sflag:s13] =	ssyncadd.s32 $0xFFFFFF80  }
0x16b: {  	[tilespmem:s26], [sflag:$0x3] =	stream.indirect.gather [hbm4b:s4+s30], $0x80, s0, s30, $0xb8;
	[tilespmem:$0x1BC80] =	vst v63  }
0x16c: {  	_ = 	snop  }
0x16d: {  	[tilespmem:s10], [sflag:$0x3] =	stream.indirect.gather [hbm4b:s4+s30], $0x80, s7, s30, $0xb8;
	[tilespmem:$0x1BC80] =	vst v63  }
0x16e: {  	_ =	swait.ge [sflag:s11], $0x4000  }
0x16f: {  	[sflag:s11] =	ssyncset.done $0x0  }
0x170: {  	[sflag:s11] =	ssyncadd.s32 $0xFFFFC000  }
0x171: {  	_ =	swait.ge [sflag:s11], $0x4000  }
0x172: {  	[sflag:s11] =	ssyncset.done $0x0  }
0x173: {  	[sflag:s11] =	ssyncadd.s32 $0xFFFFC000  }
0x174: {  	[spmem:s1] =	stream.indirect.scatter.add.f32 [tilespmem:s26], [sflag:$0x4], $0x80, s2, s30, $0xb8;
	[tilespmem:$0x1BC80] =	vst v63  }
0x175: {  	_ = 	snop  }
0x176: {  	[spmem:s1] =	stream.indirect.scatter.add.f32 [tilespmem:s10], [sflag:$0x4], $0x80, s8, s30, $0xb8;
	[tilespmem:$0x1BC80] =	vst v63  }
0x177: {  	_ =	swait.ge [sflag:s12], $0x4000  }
0x178: {  	[sflag:s12] =	ssyncset.done $0x0  }
0x179: {  	[sflag:s12] =	ssyncadd.s32 $0xFFFFC000  }
0x17a: {  	_ =	swait.ge [sflag:s12], $0x4000  }
0x17b: {  	[sflag:s12] =	ssyncset.done $0x0  }
0x17c: {  	s15 =	simm.s32 @!p0 $0x0;
	s16 =	rddreg [dreg:$0x13];
	[sflag:s12] =	ssyncadd.s32 $0xFFFFC000  }
0x17d: {  	[tilespmem:s15], [sflag:$0x1] =	stream.linear.gather @!p0 [hbm4b:s16+s15], $0x80, $0x38;
	[tilespmem:$0x1BC80] =	vst v63  }
0x17e: {  	s17 =	rddreg [dreg:$0x14];
	s16 =	simm.s32 @!p0 $0x200  }
0x17f: {  	[tilespmem:s16], [sflag:$0x1] =	stream.linear.gather @!p0 [hbm4b:s17+s15], $0x80, $0x38;
	[tilespmem:$0x1BC80] =	vst v63  }
0x180: {  	s17 =	simm.s32 @!p0 $0x1  }
0x181: {  	_ =	swait.ge @!p0 [sflag:s17], $0x80  }
0x182: {  	[sflag:s17] =	ssyncset.done @!p0 $0x0  }
0x183: {  	[sflag:s17] =	ssyncadd.s32 @!p0 $0xFFFFFF80  }
0x184: {  	_ =	swait.ge @!p0 [sflag:s17], $0x80  }
0x185: {  	[sflag:s17] =	ssyncset.done @!p0 $0x0  }
0x186: {  	s18 =	simm.s32 @!p0 $0x400;
	[sflag:s17] =	ssyncadd.s32 @!p0 $0xFFFFFF80;
	s17 =	simm.s32 @!p0 $0x80  }
0x187: {  	[tilespmem:s18], [sflag:$0x3] =	stream.indirect.gather @!p0 [hbm4b:s4+s17], $0x80, s15, s17, $0xb8;
	[tilespmem:$0x1BC80] =	vst v63  }
0x188: {  	s15 =	simm.s32 @!p0 $0x3  }
0x189: {  	_ =	swait.ge @!p0 [sflag:s15], $0x4000  }
0x18a: {  	[sflag:s15] =	ssyncset.done @!p0 $0x0  }
0x18b: {  	[sflag:s15] =	ssyncadd.s32 @!p0 $0xFFFFC000;
	s15 =	simm.s32 @!p0 $0x4  }
0x18c: {  	[spmem:s1] =	stream.indirect.scatter.add.f32 @!p0 [tilespmem:s18], [sflag:$0x4], $0x80, s16, s17, $0xb8;
	[tilespmem:$0x1BC80] =	vst v63  }
0x18d: {  	_ =	swait.ge @!p0 [sflag:s15], $0x4000  }
0x18e: {  	[sflag:s15] =	ssyncset.done @!p0 $0x0  }
0x18f: {  	s19 =	stileid.u32;
	[sflag:s15] =	ssyncadd.s32 @!p0 $0xFFFFC000  }
0x190: {  	s15 =	sshll.u32 s19, $0x6;
	[bflag:$0x0] =	sbarrier.arrive $0xFFFF  }
0x191: {  	s20 =	sshrl.u32 s6, $0x3;
	s15 =	sor.u32 $0x1C05, s15;
	s21 =	rddreg [dreg:$0x15]  }
0x192: {  	[hbm:s21], [sflag:s15] =	dma.local [spmem:s20], $0x2710  }
0x193: {  	_ =	swait.ge [sflag:s28], $0x2710  }
0x194: {  	s14 =	sadd.s32 $0x1, s14;
	s22 =	rddreg [dreg:$0x16]  }
0x195: {  	p1 =	sne.s32 s14, s22  }
.Ltmp2:
0x196: {  	_ = 	snop;
	(pc) =	sbr.rel @p1 .LBB2_1-.Ltmp2, $3  }
0x197: {  	_ =	sdelay $0x1  }
0x198: {  	[sflag:s28] =	ssyncset.done $0x0  }
0x199: {  	[sflag:s28] =	ssyncadd.s32 $0xFFFFD8F0  }
0x19a: {  	_ =	sfence.sel $0x180000  }
0x19b: {  	[bflag:$0x0] =	sbarrier.arrive $0xFFFF  }
0x19c: {  	_ =	strace $0x9000004A  }
0x19d: {  	s0 =	stileid.u32;
	[bflag:$0x2] =	sbarrier.arrive $0xFFFF  }
0x19e: {  	p0 =	sne.s32 s0, $0x0;
	s0 =	rddreg [dreg:$0x2]  }
0x19f: {  	s0 =	sadd.s32 @!p0 $0x100000, s0  }
0x1a0: {  	[sflag:s0] =	ssyncadd.tile.s32 @!p0 $0x1;
	_ =	shalt  }
.Lfunc_end2:
_tile_overlayer_lowered:
.L_overlay_start_2:
0x1a1: {  	(tag) =	ssettag $0x2  }
0x1a2: {  	s0 =	rddreg [dreg:$0x0];
	s2 =	stileid.u32  }
0x1a3: {  	s1 =	rddreg [dreg:$0x1];
	p0 =	sne.s32 s2, $0x0  }
0x1a4: {  	s3 =	rddreg [dreg:$0x2];
	[bflag:$0x3] =	sbarrier.arrive $0xFFFF;
	s2 =	simm.s32 @!p0 $0x1C05  }
0x1a5: {  	[timem:s3], [sflag:s2] =	dma.local @!p0 [hbm:s0], s1  }
0x1a6: {  	s0 =	simm.s32 @!p0 $0x5  }
0x1a7: {  	_ =	swait.ge @!p0 [sflag:s0], s1  }
0x1a8: {  	s1 =	ssub.s32 @!p0 $0x0, s1;
	[sflag:s0] =	ssyncset.done @!p0 $0x0  }
0x1a9: {  	[sflag:s0] =	ssyncadd.s32 @!p0 s1  }
0x1aa: {  	[bflag:$0x3] =	sbarrier.arrive $0xFFFF  }
0x1ab: {  	_ =	shalt  }

// kernel: kernel.7.cloned.1.call-start
scs
__scs_entry_jumppad:
0x0: {  	(pc) =	sbr.rel $0x88, $3  }
0x1: {  	(tag) =	ssettag $0x0;
	lr =	simm.s32 $0x1  }
0x2: {  	[smem:$0x3F95] =	sst lr;
	_ =	strace $0xD0000000  }
0x3: {  	_ = 	snop  }
0x4: {  	_ = 	snop  }
0x5: {  	_ = 	snop  }
0x6: {  	_ = 	snop  }
0x7: {  	_ = 	snop  }
__scs_overlays_trampoline_lowered:
0x8: {  	[smem:$0x3FA4] =	sst s0  }
0x9: {  	[smem:$0x3FA5] =	sst s1  }
0xa: {  	[smem:$0x3FA6] =	sst s2  }
0xb: {  	[smem:$0x3FA7] =	sst s3  }
0xc: {  	[smem:$0x3FA8] =	sst s4  }
0xd: {  	[smem:$0x3FA9] =	sst s5  }
0xe: {  	[smem:$0x3FAA] =	sst s6  }
0xf: {  	[smem:$0x3FAB] =	sst s7  }
0x10: {  	[smem:$0x3FAC] =	sst s8  }
0x11: {  	[smem:$0x3FAD] =	sst s9;
	s0 =	simm.s32 @!p0 $0x0  }
0x12: {  	s1 =	sld [smem:$0x3F93];
	s0 =	simm.s32 @p0 $0x1  }
0x13: {  	[smem:$0x3FAE] =	sst s0;
	s0 =	simm.s32 @!p1 $0x0  }
0x14: {  	s2 =	sld [smem:$0x3F92];
	s0 =	simm.s32 @p1 $0x1  }
0x15: {  	[smem:$0x3FAF] =	sst s0;
	s0 =	simm.s32 @!p2 $0x0  }
0x16: {  	s3 =	sld [smem:$0x3FDB];
	s0 =	simm.s32 @p2 $0x1  }
0x17: {  	s4 =	simm.s32 $0x1BF5;
	[smem:$0x3FB1] =	sst s0  }
0x18: {  	s0 =	sld [smem:$0x3F94];
	_ =	swait.ge [sflag:s4], $0x0  }
0x19: {  	s7 =	sld [smem:$0x3F95]  }
0x1a: {  	s8 =	sadd.s32 $0xFFFFE003, lr  }
0x1b: {  	s9 =	sadd.s32 $0xFFFFFEF7, lr;
	s5 =	simm.s32 $0xFFFFFFFF;
	p2 =	slt.u32 s8, $0xFFFFF086  }
0x1c: {  	p1 =	slt.u32 s9, $0xF7A;
	s5 =	simm.s32 @!p2 $0x0  }
0x1d: {  	s5 =	simm.s32 @p1 $0x1;
	p0 =	seq.s32 s7, s2  }
0x1e: {  	s7 =	smul.u32 @!p0 $0xF7A, s2;
	p2 =	seq.s32 @!p0 s5, $0x0  }
0x1f: {  	s9 =	smul.u32 $0xF7A, s1;
	s8 =	simm.s32 @!p0 $0x1BF5;
	p2 =	por !p2, p0  }
0x20: {  	[sflag:s8] =	ssyncset.s32 @!p0 $0xFFFFF086;
	s6 =	sadd.s32 @!p0 s3, s7;
	s7 =	simm.s32 @!p0 $0x108  }
0x21: {  	s3 =	sadd.s32 s3, s9;
	s6 =	sadd.s32 @!p0 $0x88, s6;
	s7 =	simm.s32 @p2 $0x1082  }
0x22: {  	[simem:s7], [sflag:s8] =	dma.local @!p0 [hbm:s6], $0xF7A  }
0x23: {  	s9 =	sor.u32 $0xD0000000, s2;
	s6 =	simm.s32 $0x108;
	_ =	swait.ge @!p0 [sflag:s8], $0x0  }
0x24: {  	s3 =	sadd.s32 $0x88, s3;
	s6 =	simm.s32 @!p1 $0x1082;
	[sflag:s4] =	ssyncset.s32 $0xFFFFF086  }
0x25: {  	[simem:s6], [sflag:s4] =	dma.local [hbm:s3], $0xF7A  }
0x26: {  	[smem:$0x3F95] =	sst s1;
	(tag) =	ssettag s2;
	_ =	strace s9  }
0x27: {  	s1 =	sld [smem:$0x3FA5]  }
0x28: {  	s2 =	sld [smem:$0x3FA6]  }
0x29: {  	s4 =	sld [smem:$0x3FA8]  }
0x2a: {  	p0 =	seq.s32 s5, $0x0;
	s5 =	sld [smem:$0x3FA9]  }
0x2b: {  	s6 =	sld [smem:$0x3FAA]  }
0x2c: {  	s7 =	sld [smem:$0x3FAB]  }
0x2d: {  	s3 =	simm.s32 $0x108;
	s8 =	sld [smem:$0x3FAC]  }
0x2e: {  	s3 =	simm.s32 @!p0 $0x1082;
	s9 =	sld [smem:$0x3FAD]  }
0x2f: {  	lr =	sadd.s32 s0, s3;
	s0 =	sld [smem:$0x3FA4]  }
0x30: {  	s3 =	sld [smem:$0x3FA7]  }
0x31: {  	[smem:$0x3FB0] =	sst s10  }
0x32: {  	s10 =	sld [smem:$0x3FAE];
	_ =	sdelay $0x3  }
0x33: {  	p0 =	seq.s32 s10, $0x1;
	s10 =	sld [smem:$0x3FB0];
	_ =	sdelay $0x3  }
0x34: {  	[smem:$0x3FB0] =	sst s10  }
0x35: {  	s10 =	sld [smem:$0x3FAF];
	_ =	sdelay $0x3  }
0x36: {  	p1 =	seq.s32 s10, $0x1;
	s10 =	sld [smem:$0x3FB0];
	_ =	sdelay $0x3  }
0x37: {  	[smem:$0x3FB0] =	sst s10  }
0x38: {  	s10 =	sld [smem:$0x3FB1]  }
0x39: {  	_ = 	snop;
	(pc) =	sbr.ind lr, $3  }
0x3a: {  	_ = 	snop  }
0x3b: {  	_ = 	snop  }
0x3c: {  	p2 =	seq.s32 s10, $0x1;
	s10 =	sld [smem:$0x3FB0]  }
0x3d: {  	_ =	shalt  }
0x3e: {  	_ =	shalt  }
0x3f: {  	_ =	shalt  }
0x40: {  	_ =	shalt  }
0x41: {  	_ =	shalt  }
0x42: {  	_ =	shalt  }
0x43: {  	_ =	shalt  }
0x44: {  	_ =	shalt  }
0x45: {  	_ =	shalt  }
0x46: {  	_ =	shalt  }
0x47: {  	_ =	shalt  }
0x48: {  	_ =	shalt  }
0x49: {  	_ =	shalt  }
0x4a: {  	_ =	shalt  }
0x4b: {  	_ =	shalt  }
0x4c: {  	_ =	shalt  }
0x4d: {  	_ =	shalt  }
0x4e: {  	_ =	shalt  }
0x4f: {  	_ =	shalt  }
0x50: {  	_ =	shalt  }
0x51: {  	_ =	shalt  }
0x52: {  	_ =	shalt  }
0x53: {  	_ =	shalt  }
0x54: {  	_ =	shalt  }
0x55: {  	_ =	shalt  }
0x56: {  	_ =	shalt  }
0x57: {  	_ =	shalt  }
0x58: {  	_ =	shalt  }
0x59: {  	_ =	shalt  }
0x5a: {  	_ =	shalt  }
0x5b: {  	_ =	shalt  }
0x5c: {  	_ =	shalt  }
0x5d: {  	_ =	shalt  }
0x5e: {  	_ =	shalt  }
0x5f: {  	_ =	shalt  }
0x60: {  	_ =	shalt  }
0x61: {  	_ =	shalt  }
0x62: {  	_ =	shalt  }
0x63: {  	_ =	shalt  }
0x64: {  	_ =	shalt  }
0x65: {  	_ =	shalt  }
0x66: {  	_ =	shalt  }
0x67: {  	_ =	shalt  }
0x68: {  	_ =	shalt  }
0x69: {  	_ =	shalt  }
0x6a: {  	_ =	shalt  }
0x6b: {  	_ =	shalt  }
0x6c: {  	_ =	shalt  }
0x6d: {  	_ =	shalt  }
0x6e: {  	_ =	shalt  }
0x6f: {  	_ =	shalt  }
0x70: {  	_ =	shalt  }
0x71: {  	_ =	shalt  }
0x72: {  	_ =	shalt  }
0x73: {  	_ =	shalt  }
0x74: {  	_ =	shalt  }
0x75: {  	_ =	shalt  }
0x76: {  	_ =	shalt  }
0x77: {  	_ =	shalt  }
0x78: {  	_ =	shalt  }
0x79: {  	_ =	shalt  }
0x7a: {  	_ =	shalt  }
0x7b: {  	_ =	shalt  }
0x7c: {  	_ =	shalt  }
0x7d: {  	_ =	shalt  }
0x7e: {  	_ =	shalt  }
0x7f: {  	_ =	shalt  }
0x80: {  	_ =	shalt  }
0x81: {  	_ =	shalt  }
0x82: {  	_ =	shalt  }
0x83: {  	_ =	shalt  }
0x84: {  	_ =	shalt  }
0x85: {  	_ =	shalt  }
0x86: {  	_ =	shalt  }
0x87: {  	_ =	shalt  }
.Lfunc_end0:
.L_simem_size_0:
called_computation_lowered:
.L_overlay_start_0:
0x88: {  	s2 =	sld [smem:$0x3FD9]  }
0x89: {  	s3 =	sld [smem:$0x3FFE];
	_ =	sdelay $0x1  }
0x8a: {  	s1 =	srdreg.scid  }
0x8b: {  	s0 =	sand.u32 $0x1, s1  }
0x8c: {  	s16 =	sshll.u32 s0, $0xA;
	s2 =	sadd.s32 s3, s2  }
0x8d: {  	s2 =	sadd.s32 s2, s16  }
0x8e: {  	[smem:$0x3FBC] =	sst s2  }
0x8f: {  	_ = 	snop  }
0x90: {  	(tm) =	ssettm $0x1  }
0x91: {  	s17 =	sld [smem:$0x3FFB];
	_ =	sdelay $0x3  }
0x92: {  	_ =	strace s17  }
0x93: {  	s2 =	sld [smem:$0x3FFC];
	_ =	sdelay $0x3  }
0x94: {  	_ =	strace s2  }
0x95: {  	s2 =	sld [smem:$0x3FFD];
	_ =	sdelay $0x3  }
0x96: {  	_ =	strace s2  }
0x97: {  	_ =	strace $0x8FFFFFFF  }
0x98: {  	s18 =	sld [smem:$0x3FDB];
	_ =	sdelay $0x1  }
0x99: {  	s19 =	simm.s32 $_scs_section_size  }
0x9a: {  	s4 =	simm.s32 $_size__tile_overlayer_lowered;
	s5 =	simm.s32 $_tile_overlayer_lowered  }
0x9b: {  	s22 =	simm.s32 $0x1BFF;
	s21 =	sshll.u32 s5, $0x1;
	s2 =	sadd.s32 s19, s18  }
0x9c: {  	s6 =	simm.s32 $0x0;
	s20 =	sshll.u32 s4, $0x1;
	s4 =	sadd.s32 s21, s2  }
0x9d: {  	[timem:s6], [sflag:s22] =	dma.local [hbm:s4], s20  }
0x9e: {  	_ =	swait.ge [sflag:s22], s20  }
0x9f: {  	s3 =	ssub.s32 $0x0, s20;
	[sflag:s22] =	ssyncset.done $0x0  }
0xa0: {  	[sflag:s22] =	ssyncadd.s32 s3;
	_ =	sdelay $0x1  }
0xa1: {  	s23 =	simm.s32 $0x1B8B  }
0xa2: {  	_ =	swait.ge [sflag:s23], $0x1  }
0xa3: {  	[sflag:s23] =	ssyncset.done $0x0  }
0xa4: {  	s25 =	simm.s32 $0x1B8E;
	s24 =	sld [smem:$0x3FFE];
	[sflag:s23] =	ssyncadd.s32 $0xFFFFFFFF  }
0xa5: {  	s26 =	simm.s32 $execute0_lowered;
	[smem:$0x3FD2] =	sst s25  }
0xa6: {  	s4 =	sshll.u32 s26, $0x1;
	_ =	strace $0x80000046;
	[dreg:$0x1] =	wrdreg $0xFFFFFFFF  }
0xa7: {  	s28 =	simm.s32 $_size_execute0_lowered;
	s2 =	sadd.s32 s2, s4;
	[dreg:$0x0] =	wrdreg $0x0  }
0xa8: {  	s4 =	sshll.u32 s28, $0x1;
	[dreg:$0x2] =	wrdreg s2  }
0xa9: {  	[dreg:$0x3] =	wrdreg s4  }
0xaa: {  	[dreg:$0x4] =	wrdreg $0xC0  }
0xab: {  	_ =	task [dreg:s6], $0x5FFFF  }
0xac: {  	[dreg:$0x1] =	wrdreg $0xFFFFFFFF  }
0xad: {  	[dreg:$0x0] =	wrdreg $0x60  }
0xae: {  	[dreg:$0x2] =	wrdreg s24  }
0xaf: {  	[dreg:$0x3] =	wrdreg $0x84000  }
0xb0: {  	[dreg:$0x4] =	wrdreg $0x9  }
0xb1: {  	_ =	task.clear_ibuf [dreg:s6], $0x5FFFF;
	_ =	strace $0x90000046  }
0xb2: {  	s29 =	simm.s32 $0x9;
	_ =	strace $0x80000048  }
0xb3: {  	_ =	swait.ge [sflag:s29], $0x1  }
0xb4: {  	[sflag:s29] =	ssyncadd.s32 $0xFFFFFFFF  }
0xb5: {  	_ =	strace $0x90000048  }
0xb6: {  	_ =	sfence  }
0xb7: {  	s30 =	sld [smem:$0x0];
	_ =	sdelay $0x2  }
0xb8: {  	s31 =	sshll.u32 s1, $0xD;
	s1 =	sshrl.u32 s1, $0x2  }
0xb9: {  	s3 =	sand.u32 $0x4000, s31;
	s1 =	sadd.s32 s1, s30  }
0xba: {  	s0 =	sor.u32 s3, s0;
	s1 =	sshll.u32 s1, $0x11  }
0xbb: {  	s0 =	sor.u32 s1, s0  }
0xbc: {  	s0 =	sadd.s32 $0x8F2B, s0  }
0xbd: {  	[sflag:s0] =	ssyncadd.remote.s32 $0x1  }
0xbe: {  	_ =	sfence.sel $0xFFFF  }
0xbf: {  	[dreg:$0x0] =	wrdreg $0xFFFFFFFF;
	(pc) =	sbr.abs _section_cstart, $3  }
0xc0: {  	[dreg:$0x1] =	wrdreg $0xFFFFFFFF  }
0xc1: {  	_ =	task.clear_ibuf [dreg:s6], $0x2FFFF;
	_ =	strace $0x9FFFFFFF  }
0xc2: {  	(tm) =	ssettm $0x7FFFFFFF  }
0xc3: {  	_ =	shalt  }
tec
execute0_lowered:
.L_overlay_start_1:
0x0: {  	(tag) =	ssettag $0x1  }
0x1: {  	s1 =	rddreg [dreg:$0x0]  }
0x2: {  	s0 =	srdreg.scid;
	s2 =	rddreg [dreg:$0x1]  }
0x3: {  	s14 =	stileid.u32;
	s3 =	simm.s32 $0x0;
	s28 =	simm.s32 $0x280  }
0x4: {  	s29 =	simm.s32 $0x100;
	s30 =	simm.s32 $0x300;
	s31 =	simm.s32 $0x180  }
0x5: {  	s0 =	sand.u32 $0x1, s0;
	[smem:$0x7FF] =	sst s3;
	s6 =	smul.u32 $0x4E200, s14  }
0x6: {  	s7 =	sadd.s32 $0x1E00, s1;
	s9 =	sadd.s32 $0xBC00, s1;
	s11 =	smul.u32 $0x4E, s14  }
0x7: {  	s26 =	smin.u32 s14, $0x2;
	s23 =	smul.u32 $0x4E0, s14;
	p0 =	sgt.u32 s14, $0x1  }
0x8: {  	s4 =	sshll.u32 s0, $0x4;
	_ =	strace $0x80000047;
	s8 =	smul.u32 $0x4E2, s0  }
0x9: {  	s10 =	ssub.s32 $0x2, s0;
	s0 =	smul.u32 $0x4E20, s0;
	s4 =	sor.u32 s14, s4  }
0xa: {  	s12 =	sshrl.u32 s10, $0x1;
	s24 =	sshrl.u32 s6, $0x2;
	s5 =	smul.u32 $0x2780, s4  }
0xb: {  	s4 =	sadd.s32 $0x15A00, s1;
	s25 =	sadd.s32 s11, s8;
	s10 =	ssub.s32 s10, s12  }
0xc: {  	s8 =	sshll.u32 s26, $0x4;
	s6 =	sadd.s32 s26, s25;
	s10 =	smax.u32 s10, $0x1  }
0xd: {  	s1 =	sadd.s32 s5, s1;
	s5 =	sadd.s32 s24, s2;
	s6 =	sshll.u32 s6, $0x4  }
0xe: {  	s24 =	sadd.s32 s0, s7;
	s0 =	sadd.s32 s0, s9;
	[dreg:$0xe] =	wrdreg s10  }
0xf: {  	s16 =	sadd.s32 $0x4000, s5;
	s17 =	sadd.s32 $0x8000, s5;
	s18 =	sadd.s32 $0xC000, s5  }
0x10: {  	s19 =	sadd.s32 $0x10000, s5;
	s20 =	sadd.s32 s7, s6;
	s21 =	sadd.s32 $0x10, s6  }
0x11: {  	s15 =	sadd.s32 s9, s6;
	s22 =	sadd.s32 $0x4E0, s6;
	[dreg:$0x4] =	wrdreg s16  }
0x12: {  	s1 =	sadd.s32 $0x3CC00, s1;
	s0 =	sadd.s32 s23, s0;
	[dreg:$0x5] =	wrdreg s17  }
0x13: {  	s26 =	sadd.s32 $0x20, s6;
	s6 =	simm.s32 $0x4400;
	[dreg:$0x6] =	wrdreg s18  }
0x14: {  	[dreg:$0x7] =	wrdreg s19;
	s13 =	sadd.s32 s7, s21;
	s12 =	sadd.s32 s9, s21  }
0x15: {  	s16 =	sadd.s32 s7, s22;
	[dreg:$0xd] =	wrdreg s1;
	s18 =	sadd.s32 s8, s0  }
0x16: {  	[dreg:$0x8] =	wrdreg s20;
	s19 =	sadd.s32 $0x40, s20;
	s17 =	smov.u32 s15  }
0x17: {  	s20 =	sadd.s32 $0x40, s15;
	s21 =	sadd.s32 s26, s7;
	[dreg:$0x9] =	wrdreg s13  }
0x18: {  	s0 =	simm.s32 $0x380;
	s1 =	simm.s32 $0x1;
	[dreg:$0xa] =	wrdreg s12  }
0x19: {  	s7 =	simm.s32 $0x3;
	[dreg:$0xb] =	wrdreg s16;
	s12 =	sadd.s32 s9, s22  }
0x1a: {  	s22 =	sadd.s32 s26, s9;
	s26 =	simm.s32 $0x80;
	s9 =	simm.s32 $0x2  }
0x1b: {  	[dreg:$0xc] =	wrdreg s12;
	s12 =	sadd.s32 s23, s24;
	s23 =	simm.s32 $0x400  }
0x1c: {  	s24 =	simm.s32 $0x5;
	s25 =	sadd.s32 s8, s12;
	s8 =	simm.s32 $0x4  }
0x1d: {  	v0 =	vimm.f32 $0.0e+00;
	s12 =	simm.s32 $0x0;
	[dreg:$0x3] =	wrdreg s25;
	s25 =	simm.s32 $0x200  }
.LBB2_1:
0x1e: {  	s10 =	simm.s32 $0x0;
	s13 =	simm.s32 $0x200  }
.LBB2_2:
0x1f: {  	p1 =	sne.s32 s13, $0xFE00;
	[tilespmem:s10+$0x470] =	vst v0  }
0x20: {  	[tilespmem:s10+$0x400] =	vst v0  }
0x21: {  	[tilespmem:s10+$0x410] =	vst v0  }
.Ltmp0:
0x22: {  	[tilespmem:s10+$0x420] =	vst v0;
	(pc) =	sbr.rel @p1 .LBB2_2-.Ltmp0, $4  }
0x23: {  	[tilespmem:s10+$0x430] =	vst v0  }
0x24: {  	[tilespmem:s10+$0x440] =	vst v0  }
0x25: {  	[tilespmem:s10+$0x450] =	vst v0  }
0x26: {  	[tilespmem:s10+$0x460] =	vst v0;
	s10 =	sshra.s32 s13, $0x2;
	s13 =	sadd.s32 $0x200, s13  }
0x27: {  	[tilespmem:s10+$0x470] =	vst v0  }
0x28: {  	[tilespmem:s10+$0x400] =	vst v0  }
0x29: {  	[tilespmem:s10+$0x410] =	vst v0  }
0x2a: {  	[tilespmem:s10+$0x420] =	vst v0  }
0x2b: {  	[tilespmem:s10+$0x430] =	vst v0  }
0x2c: {  	[tilespmem:s10+$0x440] =	vst v0  }
0x2d: {  	[tilespmem:s10+$0x450] =	vst v0  }
0x2e: {  	[tilespmem:s10+$0x460] =	vst v0  }
0x2f: {  	[spmem:s5] =	stream.linear.scatter [tilespmem:s23], [sflag:$0x5], $0x4000, $0x38;
	[tilespmem:$0x1BC80] =	vst v63  }
0x30: {  	_ =	swait.ge [sflag:s24], $0x4000  }
0x31: {  	[sflag:s24] =	ssyncset.done $0x0  }
0x32: {  	s15 =	rddreg [dreg:$0x4];
	[sflag:s24] =	ssyncadd.s32 $0xFFFFC000  }
0x33: {  	[spmem:s15] =	stream.linear.scatter [tilespmem:s23], [sflag:$0x5], $0x4000, $0x38;
	[tilespmem:$0x1BC80] =	vst v63  }
0x34: {  	_ =	swait.ge [sflag:s24], $0x4000  }
0x35: {  	[sflag:s24] =	ssyncset.done $0x0  }
0x36: {  	s16 =	rddreg [dreg:$0x5];
	[sflag:s24] =	ssyncadd.s32 $0xFFFFC000  }
0x37: {  	[spmem:s16] =	stream.linear.scatter [tilespmem:s23], [sflag:$0x5], $0x4000, $0x38;
	[tilespmem:$0x1BC80] =	vst v63  }
0x38: {  	_ =	swait.ge [sflag:s24], $0x4000  }
0x39: {  	[sflag:s24] =	ssyncset.done $0x0  }
0x3a: {  	s11 =	rddreg [dreg:$0x6];
	[sflag:s24] =	ssyncadd.s32 $0xFFFFC000  }
0x3b: {  	[spmem:s11] =	stream.linear.scatter [tilespmem:s23], [sflag:$0x5], $0x4000, $0x38;
	[tilespmem:$0x1BC80] =	vst v63  }
0x3c: {  	_ =	swait.ge [sflag:s24], $0x4000  }
0x3d: {  	[sflag:s24] =	ssyncset.done $0x0  }
0x3e: {  	s13 =	rddreg [dreg:$0x7];
	[sflag:s24] =	ssyncadd.s32 $0xFFFFC000  }
0x3f: {  	[spmem:s13] =	stream.linear.scatter [tilespmem:s23], [sflag:$0x5], $0x3880, $0x38;
	[tilespmem:$0x1BC80] =	vst v63  }
0x40: {  	_ =	swait.ge [sflag:s24], $0x3880  }
0x41: {  	[sflag:s24] =	ssyncset.done $0x0  }
0x42: {  	[sflag:s24] =	ssyncadd.s32 $0xFFFFC780  }
0x43: {  	[bflag:$0x0] =	sbarrier.arrive $0xFFFF  }
0x44: {  	s14 =	simm.s32 $0x0;
	s11 =	rddreg [dreg:$0x8]  }
0x45: {  	[tilespmem:s14], [sflag:$0x1] =	stream.linear.gather [hbm4b:s11+s14], $0x80, $0x38;
	[tilespmem:$0x1BC80] =	vst v63  }
0x46: {  	_ = 	snop  }
0x47: {  	[tilespmem:s25], [sflag:$0x1] =	stream.linear.gather [hbm4b:s17+s14], $0x80, $0x38;
	[tilespmem:$0x1BC80] =	vst v63  }
0x48: {  	s15 =	rddreg [dreg:$0x9]  }
0x49: {  	[tilespmem:s26], [sflag:$0x1] =	stream.linear.gather [hbm4b:s15+s14], $0x80, $0x38;
	[tilespmem:$0x1BC80] =	vst v63  }
0x4a: {  	s16 =	rddreg [dreg:$0xa]  }
0x4b: {  	[tilespmem:s28], [sflag:$0x1] =	stream.linear.gather [hbm4b:s16+s14], $0x80, $0x38;
	[tilespmem:$0x1BC80] =	vst v63  }
0x4c: {  	s13 =	sadd.s32 $0x0, s21;
	s11 =	rddreg [dreg:$0x3]  }
0x4d: {  	[tilespmem:s29], [sflag:$0x2] =	stream.linear.gather [hbm4b:s13+s3], $0x80, $0x38;
	[tilespmem:$0x1BC80] =	vst v63  }
0x4e: {  	s10 =	sadd.s32 $0x0, s11;
	s14 =	sadd.s32 $0x0, s22  }
0x4f: {  	[tilespmem:s30], [sflag:$0x2] =	stream.linear.gather [hbm4b:s14+s3], $0x80, $0x38;
	[tilespmem:$0x1BC80] =	vst v63  }
0x50: {  	s15 =	sadd.s32 $0x30, s10;
	s14 =	sadd.s32 $0x0, s18  }
0x51: {  	[tilespmem:s31], [sflag:$0x2] =	stream.linear.gather [hbm4b:s15+s3], $0x80, $0x38;
	[tilespmem:$0x1BC80] =	vst v63  }
0x52: {  	s16 =	sadd.s32 $0x30, s14  }
0x53: {  	[tilespmem:s0], [sflag:$0x2] =	stream.linear.gather [hbm4b:s16+s3], $0x80, $0x38;
	[tilespmem:$0x1BC80] =	vst v63  }
0x54: {  	_ =	swait.ge [sflag:s1], $0x80  }
0x55: {  	[sflag:s1] =	ssyncset.done $0x0  }
0x56: {  	[sflag:s1] =	ssyncadd.s32 $0xFFFFFF80  }
0x57: {  	_ =	swait.ge [sflag:s1], $0x80  }
0x58: {  	[sflag:s1] =	ssyncset.done $0x0  }
0x59: {  	[sflag:s1] =	ssyncadd.s32 $0xFFFFFF80  }
0x5a: {  	_ =	swait.ge [sflag:s1], $0x80  }
0x5b: {  	[sflag:s1] =	ssyncset.done $0x0  }
0x5c: {  	[sflag:s1] =	ssyncadd.s32 $0xFFFFFF80  }
0x5d: {  	_ =	swait.ge [sflag:s1], $0x80  }
0x5e: {  	[sflag:s1] =	ssyncset.done $0x0  }
0x5f: {  	[sflag:s1] =	ssyncadd.s32 $0xFFFFFF80  }
0x60: {  	[tilespmem:s23], [sflag:$0x3] =	stream.indirect.gather [hbm4b:s4+s26], $0x80, s3, s26, $0xb8;
	[tilespmem:$0x1BC80] =	vst v63  }
0x61: {  	_ = 	snop  }
0x62: {  	[tilespmem:s6], [sflag:$0x3] =	stream.indirect.gather [hbm4b:s4+s26], $0x80, s26, s26, $0xb8;
	[tilespmem:$0x1BC80] =	vst v63  }
0x63: {  	_ =	swait.ge [sflag:s7], $0x4000  }
0x64: {  	[sflag:s7] =	ssyncset.done $0x0  }
0x65: {  	[sflag:s7] =	ssyncadd.s32 $0xFFFFC000  }
0x66: {  	_ =	swait.ge [sflag:s7], $0x4000  }
0x67: {  	[sflag:s7] =	ssyncset.done $0x0  }
0x68: {  	[sflag:s7] =	ssyncadd.s32 $0xFFFFC000  }
0x69: {  	[spmem:s2] =	stream.indirect.scatter.add.f32 [tilespmem:s23], [sflag:$0x4], $0x80, s25, s26, $0xb8;
	[tilespmem:$0x1BC80] =	vst v63  }
0x6a: {  	_ = 	snop  }
0x6b: {  	[spmem:s2] =	stream.indirect.scatter.add.f32 [tilespmem:s6], [sflag:$0x4], $0x80, s28, s26, $0xb8;
	[tilespmem:$0x1BC80] =	vst v63  }
0x6c: {  	_ =	swait.ge [sflag:s8], $0x4000  }
0x6d: {  	[sflag:s8] =	ssyncset.done $0x0  }
0x6e: {  	[sflag:s8] =	ssyncadd.s32 $0xFFFFC000  }
0x6f: {  	_ =	swait.ge [sflag:s8], $0x4000  }
0x70: {  	[sflag:s8] =	ssyncset.done $0x0  }
0x71: {  	s11 =	sadd.s32 $0x0, s19;
	[sflag:s8] =	ssyncadd.s32 $0xFFFFC000  }
0x72: {  	[tilespmem:s3], [sflag:$0x1] =	stream.linear.gather [hbm4b:s11+s3], $0x80, $0x38;
	[tilespmem:$0x1BC80] =	vst v63  }
0x73: {  	s15 =	sadd.s32 $0x0, s20  }
0x74: {  	[tilespmem:s25], [sflag:$0x1] =	stream.linear.gather [hbm4b:s15+s3], $0x80, $0x38;
	[tilespmem:$0x1BC80] =	vst v63  }
0x75: {  	s10 =	sadd.s32 $0x50, s10  }
0x76: {  	[tilespmem:s26], [sflag:$0x1] =	stream.linear.gather [hbm4b:s10+s3], $0x80, $0x38;
	[tilespmem:$0x1BC80] =	vst v63  }
0x77: {  	s16 =	sadd.s32 $0x50, s14  }
0x78: {  	[tilespmem:s28], [sflag:$0x1] =	stream.linear.gather [hbm4b:s16+s3], $0x80, $0x38;
	[tilespmem:$0x1BC80] =	vst v63  }
0x79: {  	_ =	swait.ge [sflag:s9], $0x80  }
0x7a: {  	[sflag:s9] =	ssyncset.done $0x0  }
0x7b: {  	[sflag:s9] =	ssyncadd.s32 $0xFFFFFF80  }
0x7c: {  	_ =	swait.ge [sflag:s9], $0x80  }
0x7d: {  	[sflag:s9] =	ssyncset.done $0x0  }
0x7e: {  	[sflag:s9] =	ssyncadd.s32 $0xFFFFFF80  }
0x7f: {  	_ =	swait.ge [sflag:s9], $0x80  }
0x80: {  	[sflag:s9] =	ssyncset.done $0x0  }
0x81: {  	[sflag:s9] =	ssyncadd.s32 $0xFFFFFF80  }
0x82: {  	_ =	swait.ge [sflag:s9], $0x80  }
0x83: {  	[sflag:s9] =	ssyncset.done $0x0  }
0x84: {  	[sflag:s9] =	ssyncadd.s32 $0xFFFFFF80  }
0x85: {  	[tilespmem:s23], [sflag:$0x3] =	stream.indirect.gather [hbm4b:s4+s26], $0x80, s29, s26, $0xb8;
	[tilespmem:$0x1BC80] =	vst v63  }
0x86: {  	_ = 	snop  }
0x87: {  	[tilespmem:s6], [sflag:$0x3] =	stream.indirect.gather [hbm4b:s4+s26], $0x80, s31, s26, $0xb8;
	[tilespmem:$0x1BC80] =	vst v63  }
0x88: {  	_ =	swait.ge [sflag:s7], $0x4000  }
0x89: {  	[sflag:s7] =	ssyncset.done $0x0  }
0x8a: {  	[sflag:s7] =	ssyncadd.s32 $0xFFFFC000  }
0x8b: {  	_ =	swait.ge [sflag:s7], $0x4000  }
0x8c: {  	[sflag:s7] =	ssyncset.done $0x0  }
0x8d: {  	[sflag:s7] =	ssyncadd.s32 $0xFFFFC000  }
0x8e: {  	[spmem:s2] =	stream.indirect.scatter.add.f32 [tilespmem:s23], [sflag:$0x4], $0x80, s30, s26, $0xb8;
	[tilespmem:$0x1BC80] =	vst v63  }
0x8f: {  	_ = 	snop  }
0x90: {  	[spmem:s2] =	stream.indirect.scatter.add.f32 [tilespmem:s6], [sflag:$0x4], $0x80, s0, s26, $0xb8;
	[tilespmem:$0x1BC80] =	vst v63  }
0x91: {  	_ =	swait.ge [sflag:s8], $0x4000  }
0x92: {  	[sflag:s8] =	ssyncset.done $0x0  }
0x93: {  	s13 =	simm.s32 $0x40;
	[sflag:s8] =	ssyncadd.s32 $0xFFFFC000  }
.LBB2_4:
0x94: {  	_ =	swait.ge [sflag:s8], $0x4000  }
0x95: {  	s14 =	smov.u32 s13;
	[sflag:s8] =	ssyncset.done $0x0  }
0x96: {  	s10 =	sadd.s32 s14, s21;
	s15 =	rddreg [dreg:$0x3];
	[sflag:s8] =	ssyncadd.s32 $0xFFFFC000  }
0x97: {  	[tilespmem:s29], [sflag:$0x2] =	stream.linear.gather [hbm4b:s10+s3], $0x80, $0x38;
	[tilespmem:$0x1BC80] =	vst v63  }
0x98: {  	s16 =	sadd.s32 s14, s22;
	s10 =	sadd.s32 s14, s15  }
0x99: {  	[tilespmem:s30], [sflag:$0x2] =	stream.linear.gather [hbm4b:s16+s3], $0x80, $0x38;
	[tilespmem:$0x1BC80] =	vst v63  }
0x9a: {  	s15 =	sadd.s32 s14, s18;
	s11 =	sadd.s32 $0x30, s10  }
0x9b: {  	[tilespmem:s31], [sflag:$0x2] =	stream.linear.gather [hbm4b:s11+s3], $0x80, $0x38;
	[tilespmem:$0x1BC80] =	vst v63  }
0x9c: {  	s16 =	sadd.s32 $0x30, s15  }
0x9d: {  	[tilespmem:s0], [sflag:$0x2] =	stream.linear.gather [hbm4b:s16+s3], $0x80, $0x38;
	[tilespmem:$0x1BC80] =	vst v63  }
0x9e: {  	_ =	swait.ge [sflag:s1], $0x80  }
0x9f: {  	[sflag:s1] =	ssyncset.done $0x0  }
0xa0: {  	[sflag:s1] =	ssyncadd.s32 $0xFFFFFF80  }
0xa1: {  	_ =	swait.ge [sflag:s1], $0x80  }
0xa2: {  	[sflag:s1] =	ssyncset.done $0x0  }
0xa3: {  	[sflag:s1] =	ssyncadd.s32 $0xFFFFFF80  }
0xa4: {  	_ =	swait.ge [sflag:s1], $0x80  }
0xa5: {  	[sflag:s1] =	ssyncset.done $0x0  }
0xa6: {  	[sflag:s1] =	ssyncadd.s32 $0xFFFFFF80  }
0xa7: {  	_ =	swait.ge [sflag:s1], $0x80  }
0xa8: {  	[sflag:s1] =	ssyncset.done $0x0  }
0xa9: {  	[sflag:s1] =	ssyncadd.s32 $0xFFFFFF80  }
0xaa: {  	[tilespmem:s23], [sflag:$0x3] =	stream.indirect.gather [hbm4b:s4+s26], $0x80, s3, s26, $0xb8;
	[tilespmem:$0x1BC80] =	vst v63  }
0xab: {  	_ = 	snop  }
0xac: {  	[tilespmem:s6], [sflag:$0x3] =	stream.indirect.gather [hbm4b:s4+s26], $0x80, s26, s26, $0xb8;
	[tilespmem:$0x1BC80] =	vst v63  }
0xad: {  	_ =	swait.ge [sflag:s7], $0x4000  }
0xae: {  	[sflag:s7] =	ssyncset.done $0x0  }
0xaf: {  	[sflag:s7] =	ssyncadd.s32 $0xFFFFC000  }
0xb0: {  	_ =	swait.ge [sflag:s7], $0x4000  }
0xb1: {  	[sflag:s7] =	ssyncset.done $0x0  }
0xb2: {  	[sflag:s7] =	ssyncadd.s32 $0xFFFFC000  }
0xb3: {  	[spmem:s2] =	stream.indirect.scatter.add.f32 [tilespmem:s23], [sflag:$0x4], $0x80, s25, s26, $0xb8;
	[tilespmem:$0x1BC80] =	vst v63  }
0xb4: {  	_ = 	snop  }
0xb5: {  	[spmem:s2] =	stream.indirect.scatter.add.f32 [tilespmem:s6], [sflag:$0x4], $0x80, s28, s26, $0xb8;
	[tilespmem:$0x1BC80] =	vst v63  }
0xb6: {  	_ =	swait.ge [sflag:s8], $0x4000  }
0xb7: {  	[sflag:s8] =	ssyncset.done $0x0  }
0xb8: {  	[sflag:s8] =	ssyncadd.s32 $0xFFFFC000  }
0xb9: {  	_ =	swait.ge [sflag:s8], $0x4000  }
0xba: {  	[sflag:s8] =	ssyncset.done $0x0  }
0xbb: {  	s16 =	sadd.s32 s14, s19;
	[sflag:s8] =	ssyncadd.s32 $0xFFFFC000  }
0xbc: {  	[tilespmem:s3], [sflag:$0x1] =	stream.linear.gather [hbm4b:s16+s3], $0x80, $0x38;
	[tilespmem:$0x1BC80] =	vst v63  }
0xbd: {  	s14 =	sadd.s32 s14, s20  }
0xbe: {  	[tilespmem:s25], [sflag:$0x1] =	stream.linear.gather [hbm4b:s14+s3], $0x80, $0x38;
	[tilespmem:$0x1BC80] =	vst v63  }
0xbf: {  	s10 =	sadd.s32 $0x50, s10  }
0xc0: {  	[tilespmem:s26], [sflag:$0x1] =	stream.linear.gather [hbm4b:s10+s3], $0x80, $0x38;
	[tilespmem:$0x1BC80] =	vst v63  }
0xc1: {  	s16 =	sadd.s32 $0x50, s15  }
0xc2: {  	[tilespmem:s28], [sflag:$0x1] =	stream.linear.gather [hbm4b:s16+s3], $0x80, $0x38;
	[tilespmem:$0x1BC80] =	vst v63  }
0xc3: {  	_ =	swait.ge [sflag:s9], $0x80  }
0xc4: {  	[sflag:s9] =	ssyncset.done $0x0  }
0xc5: {  	[sflag:s9] =	ssyncadd.s32 $0xFFFFFF80  }
0xc6: {  	_ =	swait.ge [sflag:s9], $0x80  }
0xc7: {  	[sflag:s9] =	ssyncset.done $0x0  }
0xc8: {  	[sflag:s9] =	ssyncadd.s32 $0xFFFFFF80  }
0xc9: {  	_ =	swait.ge [sflag:s9], $0x80  }
0xca: {  	[sflag:s9] =	ssyncset.done $0x0  }
0xcb: {  	[sflag:s9] =	ssyncadd.s32 $0xFFFFFF80  }
0xcc: {  	_ =	swait.ge [sflag:s9], $0x80  }
0xcd: {  	[sflag:s9] =	ssyncset.done $0x0  }
0xce: {  	[sflag:s9] =	ssyncadd.s32 $0xFFFFFF80  }
0xcf: {  	[tilespmem:s23], [sflag:$0x3] =	stream.indirect.gather [hbm4b:s4+s26], $0x80, s29, s26, $0xb8;
	[tilespmem:$0x1BC80] =	vst v63  }
0xd0: {  	_ = 	snop  }
0xd1: {  	[tilespmem:s6], [sflag:$0x3] =	stream.indirect.gather [hbm4b:s4+s26], $0x80, s31, s26, $0xb8;
	[tilespmem:$0x1BC80] =	vst v63  }
0xd2: {  	_ =	swait.ge [sflag:s7], $0x4000  }
0xd3: {  	[sflag:s7] =	ssyncset.done $0x0  }
0xd4: {  	[sflag:s7] =	ssyncadd.s32 $0xFFFFC000  }
0xd5: {  	_ =	swait.ge [sflag:s7], $0x4000  }
0xd6: {  	[sflag:s7] =	ssyncset.done $0x0  }
0xd7: {  	p1 =	sne.s32 s13, $0x480;
	[sflag:s7] =	ssyncadd.s32 $0xFFFFC000  }
0xd8: {  	[spmem:s2] =	stream.indirect.scatter.add.f32 [tilespmem:s23], [sflag:$0x4], $0x80, s30, s26, $0xb8;
	[tilespmem:$0x1BC80] =	vst v63  }
.Ltmp1:
0xd9: {  	_ = 	snop;
	(pc) =	sbr.rel @p1 .LBB2_4-.Ltmp1, $4  }
0xda: {  	[spmem:s2] =	stream.indirect.scatter.add.f32 [tilespmem:s6], [sflag:$0x4], $0x80, s0, s26, $0xb8;
	[tilespmem:$0x1BC80] =	vst v63  }
0xdb: {  	_ =	swait.ge [sflag:s8], $0x4000  }
0xdc: {  	[sflag:s8] =	ssyncset.done $0x0  }
0xdd: {  	s13 =	sadd.s32 $0x40, s13;
	[sflag:s8] =	ssyncadd.s32 $0xFFFFC000  }
0xde: {  	_ =	swait.ge [sflag:s8], $0x4000  }
0xdf: {  	[sflag:s8] =	ssyncset.done $0x0  }
0xe0: {  	[sflag:s8] =	ssyncadd.s32 $0xFFFFC000  }
0xe1: {  	_ =	swait.ge [sflag:s1], $0x80  }
0xe2: {  	[sflag:s1] =	ssyncset.done $0x0  }
0xe3: {  	[sflag:s1] =	ssyncadd.s32 $0xFFFFFF80  }
0xe4: {  	_ =	swait.ge [sflag:s1], $0x80  }
0xe5: {  	[sflag:s1] =	ssyncset.done $0x0  }
0xe6: {  	[sflag:s1] =	ssyncadd.s32 $0xFFFFFF80  }
0xe7: {  	_ =	swait.ge [sflag:s1], $0x80  }
0xe8: {  	[sflag:s1] =	ssyncset.done $0x0  }
0xe9: {  	[sflag:s1] =	ssyncadd.s32 $0xFFFFFF80  }
0xea: {  	_ =	swait.ge [sflag:s1], $0x80  }
0xeb: {  	[sflag:s1] =	ssyncset.done $0x0  }
0xec: {  	[sflag:s1] =	ssyncadd.s32 $0xFFFFFF80  }
0xed: {  	[tilespmem:s23], [sflag:$0x3] =	stream.indirect.gather [hbm4b:s4+s26], $0x80, s3, s26, $0xb8;
	[tilespmem:$0x1BC80] =	vst v63  }
0xee: {  	_ = 	snop  }
0xef: {  	[tilespmem:s6], [sflag:$0x3] =	stream.indirect.gather [hbm4b:s4+s26], $0x80, s26, s26, $0xb8;
	[tilespmem:$0x1BC80] =	vst v63  }
0xf0: {  	_ =	swait.ge [sflag:s7], $0x4000  }
0xf1: {  	[sflag:s7] =	ssyncset.done $0x0  }
0xf2: {  	[sflag:s7] =	ssyncadd.s32 $0xFFFFC000  }
0xf3: {  	_ =	swait.ge [sflag:s7], $0x4000  }
0xf4: {  	[sflag:s7] =	ssyncset.done $0x0  }
0xf5: {  	[sflag:s7] =	ssyncadd.s32 $0xFFFFC000  }
0xf6: {  	[spmem:s2] =	stream.indirect.scatter.add.f32 [tilespmem:s23], [sflag:$0x4], $0x80, s25, s26, $0xb8;
	[tilespmem:$0x1BC80] =	vst v63  }
0xf7: {  	_ = 	snop  }
0xf8: {  	[spmem:s2] =	stream.indirect.scatter.add.f32 [tilespmem:s6], [sflag:$0x4], $0x80, s28, s26, $0xb8;
	[tilespmem:$0x1BC80] =	vst v63  }
0xf9: {  	_ =	swait.ge [sflag:s8], $0x4000  }
0xfa: {  	[sflag:s8] =	ssyncset.done $0x0  }
0xfb: {  	[sflag:s8] =	ssyncadd.s32 $0xFFFFC000  }
0xfc: {  	_ =	swait.ge [sflag:s8], $0x4000  }
0xfd: {  	[sflag:s8] =	ssyncset.done $0x0  }
0xfe: {  	s10 =	simm.s32 @!p0 $0x0;
	s11 =	rddreg [dreg:$0xb];
	[sflag:s8] =	ssyncadd.s32 $0xFFFFC000  }
0xff: {  	[tilespmem:s10], [sflag:$0x1] =	stream.linear.gather @!p0 [hbm4b:s11+s10], $0x80, $0x38;
	[tilespmem:$0x1BC80] =	vst v63  }
0x100: {  	s13 =	rddreg [dreg:$0xc];
	s11 =	simm.s32 @!p0 $0x200  }
0x101: {  	[tilespmem:s11], [sflag:$0x1] =	stream.linear.gather @!p0 [hbm4b:s13+s10], $0x80, $0x38;
	[tilespmem:$0x1BC80] =	vst v63  }
0x102: {  	s13 =	simm.s32 @!p0 $0x1  }
0x103: {  	_ =	swait.ge @!p0 [sflag:s13], $0x80  }
0x104: {  	[sflag:s13] =	ssyncset.done @!p0 $0x0  }
0x105: {  	[sflag:s13] =	ssyncadd.s32 @!p0 $0xFFFFFF80  }
0x106: {  	_ =	swait.ge @!p0 [sflag:s13], $0x80  }
0x107: {  	[sflag:s13] =	ssyncset.done @!p0 $0x0  }
0x108: {  	s14 =	simm.s32 @!p0 $0x400;
	[sflag:s13] =	ssyncadd.s32 @!p0 $0xFFFFFF80;
	s13 =	simm.s32 @!p0 $0x80  }
0x109: {  	[tilespmem:s14], [sflag:$0x3] =	stream.indirect.gather @!p0 [hbm4b:s4+s13], $0x80, s10, s13, $0xb8;
	[tilespmem:$0x1BC80] =	vst v63  }
0x10a: {  	s10 =	simm.s32 @!p0 $0x3  }
0x10b: {  	_ =	swait.ge @!p0 [sflag:s10], $0x4000  }
0x10c: {  	[sflag:s10] =	ssyncset.done @!p0 $0x0  }
0x10d: {  	[sflag:s10] =	ssyncadd.s32 @!p0 $0xFFFFC000;
	s10 =	simm.s32 @!p0 $0x4  }
0x10e: {  	[spmem:s2] =	stream.indirect.scatter.add.f32 @!p0 [tilespmem:s14], [sflag:$0x4], $0x80, s11, s13, $0xb8;
	[tilespmem:$0x1BC80] =	vst v63  }
0x10f: {  	_ =	swait.ge @!p0 [sflag:s10], $0x4000  }
0x110: {  	[sflag:s10] =	ssyncset.done @!p0 $0x0  }
0x111: {  	s13 =	stileid.u32;
	[sflag:s10] =	ssyncadd.s32 @!p0 $0xFFFFC000  }
0x112: {  	s10 =	sshll.u32 s13, $0x6;
	[bflag:$0x0] =	sbarrier.arrive $0xFFFF  }
0x113: {  	s14 =	sshrl.u32 s5, $0x3;
	s10 =	sor.u32 $0x1C05, s10;
	s15 =	rddreg [dreg:$0xd]  }
0x114: {  	[hbm:s15], [sflag:s10] =	dma.local [spmem:s14], $0x2710  }
0x115: {  	_ =	swait.ge [sflag:s24], $0x2710  }
0x116: {  	s12 =	sadd.s32 $0x1, s12;
	s16 =	rddreg [dreg:$0xe]  }
0x117: {  	p1 =	sne.s32 s12, s16  }
.Ltmp2:
0x118: {  	_ = 	snop;
	(pc) =	sbr.rel @p1 .LBB2_1-.Ltmp2, $3  }
0x119: {  	_ =	sdelay $0x1  }
0x11a: {  	[sflag:s24] =	ssyncset.done $0x0  }
0x11b: {  	[sflag:s24] =	ssyncadd.s32 $0xFFFFD8F0  }
0x11c: {  	_ =	sfence.sel $0x180000  }
0x11d: {  	[bflag:$0x0] =	sbarrier.arrive $0xFFFF  }
0x11e: {  	_ =	strace $0x90000047  }
0x11f: {  	s0 =	stileid.u32;
	[bflag:$0x2] =	sbarrier.arrive $0xFFFF  }
0x120: {  	p0 =	sne.s32 s0, $0x0;
	s0 =	rddreg [dreg:$0x2]  }
0x121: {  	s0 =	sadd.s32 @!p0 $0x100000, s0  }
0x122: {  	[sflag:s0] =	ssyncadd.tile.s32 @!p0 $0x1;
	_ =	shalt  }
.Lfunc_end2:
_tile_overlayer_lowered:
.L_overlay_start_2:
0x123: {  	(tag) =	ssettag $0x2  }
0x124: {  	s0 =	rddreg [dreg:$0x0];
	s2 =	stileid.u32  }
0x125: {  	s1 =	rddreg [dreg:$0x1];
	p0 =	sne.s32 s2, $0x0  }
0x126: {  	s3 =	rddreg [dreg:$0x2];
	[bflag:$0x3] =	sbarrier.arrive $0xFFFF;
	s2 =	simm.s32 @!p0 $0x1C05  }
0x127: {  	[timem:s3], [sflag:s2] =	dma.local @!p0 [hbm:s0], s1  }
0x128: {  	s0 =	simm.s32 @!p0 $0x5  }
0x129: {  	_ =	swait.ge @!p0 [sflag:s0], s1  }
0x12a: {  	s1 =	ssub.s32 @!p0 $0x0, s1;
	[sflag:s0] =	ssyncset.done @!p0 $0x0  }
0x12b: {  	[sflag:s0] =	ssyncadd.s32 @!p0 s1  }
0x12c: {  	[bflag:$0x3] =	sbarrier.arrive $0xFFFF  }
0x12d: {  	_ =	shalt  }

</sc_bundles>
